<compile_context>
chip_gen: v7x
topology: tpu7x:2x2x1
jax: 0.10.2.dev20260603
libtpu: 0.0.44.dev20260713+nightly
codegen_flags: <defaults>
</compile_context>

<pallas_src>
import functools

import jax
import jax.numpy as jnp
import numpy as np
from jax import lax
from jax.experimental import pallas as pl
from jax.experimental.pallas import tpu as pltpu
from jax.experimental.pallas import tpu_sc as plsc

N = 10000
E = 320000
D = 128
H = 128
C = 16
L = 4

NC = 2
NS = 16
NW = NC * NS
CPT = H // NW
CHK = 2048
NCH = 158
EP = NCH * CHK
NB = 10240
GRP = CHK // 16

_MESH = plsc.VectorSubcoreMesh(core_axis_name="c", subcore_axis_name="s")
_SC_PARAMS = pltpu.CompilerParams(needs_layout_passes=False)


def _agg_body(h_hbm, pk_hbm, h_sl, acc, deg, ebuf, sem0, sem1, with_deg):
    c = lax.axis_index("c")
    s = lax.axis_index("s")
    wid = c * jnp.int32(NS) + s
    row0 = wid * jnp.int32(CPT)
    pltpu.sync_copy(h_hbm.at[pl.ds(row0, CPT)], h_sl)

    zero16 = jnp.zeros((16,), jnp.float32)

    @plsc.parallel_loop(jnp.int32(0), jnp.int32(NB // 16),
                        jnp.int32(1), unroll=4)
    def _(j):
        o = j * jnp.int32(16)
        for cc in range(CPT):
            acc[np.int32(cc), pl.ds(o, 16)] = zero16
        if with_deg:
            deg[pl.ds(o, 16)] = zero16

    sems = (sem0, sem1)
    ones16 = jnp.ones((16,), jnp.float32)
    last = jnp.int32(NCH - 1)

    pltpu.async_copy(pk_hbm.at[jnp.int32(0)], ebuf.at[np.int32(0)], sem0)

    ccv = [jnp.full((16,), cc, jnp.int32) for cc in range(CPT)]

    def grp16(b, base):
        srcv = ebuf[np.int32(b), np.int32(0), pl.ds(base, 16)]
        dstv = ebuf[np.int32(b), np.int32(1), pl.ds(base, 16)]
        for cc in range(CPT):
            vals = plsc.load_gather(h_sl, [ccv[cc], srcv])
            plsc.addupdate_scatter(acc, [ccv[cc], dstv], vals)
        if with_deg:
            plsc.addupdate_scatter(deg, [dstv], ones16)

    def pair(g, carry):
        for b in range(2):
            i = g * jnp.int32(2) + jnp.int32(b)
            nxt = jnp.minimum(i + jnp.int32(1), last)
            pltpu.async_copy(pk_hbm.at[nxt], ebuf.at[np.int32(1 - b)],
                             sems[1 - b])
            pltpu.make_async_copy(pk_hbm.at[i], ebuf.at[np.int32(b)],
                                  sems[b]).wait()

            @plsc.parallel_loop(jnp.int32(0), jnp.int32(GRP),
                                jnp.int32(1), unroll=8)
            def _(j):
                grp16(b, j * jnp.int32(16))
        return carry

    lax.fori_loop(jnp.int32(0), jnp.int32(NCH // 2), pair, jnp.int32(0))
    pltpu.make_async_copy(pk_hbm.at[last], ebuf.at[np.int32(0)], sem0).wait()
    return row0, wid


@functools.partial(
    pl.kernel,
    out_type=jax.ShapeDtypeStruct((NW * CPT, NB), jnp.float32),
    mesh=_MESH,
    compiler_params=_SC_PARAMS,
    scratch_types=[
        pltpu.VMEM((CPT, NB), jnp.float32),
        pltpu.VMEM((CPT, NB), jnp.float32),
        pltpu.VMEM((2, 2, CHK), jnp.int32),
        pltpu.SemaphoreType.DMA,
        pltpu.SemaphoreType.DMA,
    ],
)
def _sc_agg(h_hbm, pk_hbm, out_hbm, h_sl, acc, ebuf, sem0, sem1):
    row0, _ = _agg_body(h_hbm, pk_hbm, h_sl, acc, None, ebuf, sem0, sem1,
                        False)
    pltpu.sync_copy(acc, out_hbm.at[pl.ds(row0, CPT)])


@functools.partial(
    pl.kernel,
    out_type=(jax.ShapeDtypeStruct((NW * CPT, NB), jnp.float32),
              jax.ShapeDtypeStruct((NB,), jnp.float32)),
    mesh=_MESH,
    compiler_params=_SC_PARAMS,
    scratch_types=[
        pltpu.VMEM((CPT, NB), jnp.float32),
        pltpu.VMEM((CPT, NB), jnp.float32),
        pltpu.VMEM((NB,), jnp.float32),
        pltpu.VMEM((2, 2, CHK), jnp.int32),
        pltpu.SemaphoreType.DMA,
        pltpu.SemaphoreType.DMA,
    ],
)
def _sc_agg_deg(h_hbm, pk_hbm, out_hbm, deg_hbm, h_sl, acc, deg, ebuf,
                sem0, sem1):
    row0, wid = _agg_body(h_hbm, pk_hbm, h_sl, acc, deg, ebuf, sem0, sem1,
                          True)
    pltpu.sync_copy(acc, out_hbm.at[pl.ds(row0, CPT)])

    @pl.when(wid == jnp.int32(0))
    def _():
        pltpu.sync_copy(deg, deg_hbm)


_Z = np.int32(0)
R = 2048
G = NB // R


def _dot(a, b):
    return jnp.dot(a, b, preferred_element_type=jnp.float32,
                   precision=lax.Precision.HIGHEST)


def _tc_encode(h_ref, w_ref, b_ref, out_ref):
    out_ref[...] = lax.dot_general(
        w_ref[...], h_ref[...], (((1,), (1,)), ((), ())),
        preferred_element_type=jnp.float32,
        precision=lax.Precision.HIGHEST) + b_ref[...]


def _tc_mm1(h_ref, agg_ref, deg_ref, wt_ref, wb_ref, b_ref,
            hl_ref, degs_ref, sum_ref, sq_ref):
    degs = jnp.maximum(deg_ref[...], 1.0)
    degs_ref[...] = degs
    aggn = agg_ref[...] * (1.0 / degs)
    hl = _dot(wt_ref[...], h_ref[...]) + _dot(wb_ref[...], aggn) + b_ref[...]
    hl_ref[...] = hl

    @pl.when(pl.program_id(0) == 0)
    def _():
        sum_ref[...] = jnp.zeros_like(sum_ref)
        sq_ref[...] = jnp.zeros_like(sq_ref)

    col0 = pl.program_id(0) * R
    lane = lax.broadcasted_iota(jnp.int32, (1, R), 1) + col0
    hv = hl * (lane < N).astype(jnp.float32)
    sum_ref[...] += jnp.sum(hv, axis=1, keepdims=True)
    sq_ref[...] += jnp.sum(hv * hv, axis=1, keepdims=True)


def _tc_mm(h_ref, agg_ref, degs_ref, wt_ref, wb_ref, b_ref,
           hl_ref, sum_ref, sq_ref):
    aggn = agg_ref[...] * (1.0 / degs_ref[...])
    hl = _dot(wt_ref[...], h_ref[...]) + _dot(wb_ref[...], aggn) + b_ref[...]
    hl_ref[...] = hl

    @pl.when(pl.program_id(0) == 0)
    def _():
        sum_ref[...] = jnp.zeros_like(sum_ref)
        sq_ref[...] = jnp.zeros_like(sq_ref)

    col0 = pl.program_id(0) * R
    lane = lax.broadcasted_iota(jnp.int32, (1, R), 1) + col0
    hv = hl * (lane < N).astype(jnp.float32)
    sum_ref[...] += jnp.sum(hv, axis=1, keepdims=True)
    sq_ref[...] += jnp.sum(hv * hv, axis=1, keepdims=True)


def _bn(hl, sm, sq, g, be):
    mu = sm * (1.0 / N)
    var = sq * (1.0 / N) - mu * mu
    return (hl - mu) * lax.rsqrt(var + 1e-5) * g + be


def _tc_norm(hl_ref, sum_ref, sq_ref, degs_ref, g_ref, be_ref, out_ref):
    hn = _bn(hl_ref[...], sum_ref[...], sq_ref[...], g_ref[...], be_ref[...])
    out_ref[...] = jnp.maximum(hn, 0.0) * lax.rsqrt(degs_ref[...])


def _tc_norm_out(hl_ref, sum_ref, sq_ref, degs_ref, g_ref, be_ref,
                 wo_ref, bo_ref, out_ref):
    hn = _bn(hl_ref[...], sum_ref[...], sq_ref[...], g_ref[...], be_ref[...])
    hr = jnp.maximum(hn, 0.0) * lax.rsqrt(degs_ref[...])
    out_ref[...] = _dot(wo_ref[...], hr) + bo_ref[...]


def kernel(h, edge_index, e, W_enc, b_enc, W_layers, b_layers, gamma, beta,
           W_out, b_out):
    f32 = jnp.float32
    src = edge_index[0].astype(jnp.int32)
    dst = edge_index[1].astype(jnp.int32)
    srcp = jnp.pad(src, (0, EP - E)).reshape(NCH, CHK)
    dstp = jnp.pad(dst, (0, EP - E),
                   constant_values=NB - 1).reshape(NCH, CHK)
    packed = jnp.stack([srcp, dstp], axis=1)

    colsT = pl.BlockSpec((H, R), lambda i: (_Z, i))
    rows1T = pl.BlockSpec((1, R), lambda i: (_Z, i))
    const = pl.BlockSpec((H, H), lambda i: (_Z, _Z))
    ccol = pl.BlockSpec((H, 1), lambda i: (_Z, _Z))
    hrows = pl.BlockSpec((R, D), lambda i: (i, _Z))
    cwenc = pl.BlockSpec((H, D), lambda i: (_Z, _Z))
    cwo = pl.BlockSpec((C, H), lambda i: (_Z, _Z))
    cbo = pl.BlockSpec((C, 1), lambda i: (_Z, _Z))

    h = h.astype(f32)
    hT = pl.pallas_call(
        _tc_encode,
        grid=(G,),
        in_specs=[hrows, cwenc, ccol],
        out_specs=colsT,
        out_shape=jax.ShapeDtypeStruct((H, NB), f32),
    )(h, W_enc.astype(f32).T, b_enc.astype(f32).reshape(H, 1))

    wts = [(W_layers[i, :H, :].astype(f32).T, W_layers[i, H:, :].astype(f32).T,
            b_layers[i].astype(f32).reshape(H, 1),
            gamma[i].astype(f32).reshape(H, 1),
            beta[i].astype(f32).reshape(H, 1)) for i in range(L)]

    aggT, degTf = _sc_agg_deg(hT, packed)
    degT = degTf.reshape(1, NB)
    wt, wb, b, g, be = wts[0]
    hl, degs, sm, sq = pl.pallas_call(
        _tc_mm1,
        grid=(G,),
        in_specs=[colsT, colsT, rows1T, const, const, ccol],
        out_specs=(colsT, rows1T, ccol, ccol),
        out_shape=(jax.ShapeDtypeStruct((H, NB), f32),
                   jax.ShapeDtypeStruct((1, NB), f32),
                   jax.ShapeDtypeStruct((H, 1), f32),
                   jax.ShapeDtypeStruct((H, 1), f32)),
    )(hT, aggT, degT, wt, wb, b)
    hcur = pl.pallas_call(
        _tc_norm,
        grid=(G,),
        in_specs=[colsT, ccol, ccol, rows1T, ccol, ccol],
        out_specs=colsT,
        out_shape=jax.ShapeDtypeStruct((H, NB), f32),
    )(hl, sm, sq, degs, g, be)

    for i in range(1, L):
        aggT = _sc_agg(hcur, packed)
        wt, wb, b, g, be = wts[i]
        hl, sm, sq = pl.pallas_call(
            _tc_mm,
            grid=(G,),
            in_specs=[colsT, colsT, rows1T, const, const, ccol],
            out_specs=(colsT, ccol, ccol),
            out_shape=(jax.ShapeDtypeStruct((H, NB), f32),
                       jax.ShapeDtypeStruct((H, 1), f32),
                       jax.ShapeDtypeStruct((H, 1), f32)),
        )(hcur, aggT, degs, wt, wb, b)
        if i < L - 1:
            hcur = pl.pallas_call(
                _tc_norm,
                grid=(G,),
                in_specs=[colsT, ccol, ccol, rows1T, ccol, ccol],
                out_specs=colsT,
                out_shape=jax.ShapeDtypeStruct((H, NB), f32),
            )(hl, sm, sq, degs, g, be)
        else:
            outT = pl.pallas_call(
                _tc_norm_out,
                grid=(G,),
                in_specs=[colsT, ccol, ccol, rows1T, ccol, ccol, cwo, cbo],
                out_specs=pl.BlockSpec((C, R), lambda i: (_Z, i)),
                out_shape=jax.ShapeDtypeStruct((C, NB), f32),
            )(hl, sm, sq, degs, g, be,
              W_out.astype(f32).T, b_out.astype(f32).reshape(C, 1))
    return outT[:, :N].T.astype(jnp.float64)

# --- scband reference (transcript-rebuilt; emitter-appended) ---
"""Pipeline reference for scband-activation-graph-sage-net-84902913507694 (READ-ONLY COPY).

The authoritative reference and input builder live on the scoring server;
editing this copy changes nothing except your own understanding.
"""

import jax, jax.numpy as jnp
import numpy as np
jax.config.update("jax_enable_x64", True)

N = 10000
E = 320000
D = 128
H = 128
C = 16
L = 4

def setup_inputs(seed: int = 0) -> dict:
    key = jax.random.key(seed)
    ks = jax.random.split(key, 12)
    inp = {}
    inp["h"] = jax.random.normal(ks[0], (N, D), dtype=jnp.float32)
    inp["edge_index"] = jax.random.randint(ks[1], (2, E), 0, N, dtype=jnp.int64)
    inp["e"] = jax.random.normal(ks[2], (E, 4), dtype=jnp.float32)
    inp["W_enc"] = jax.random.normal(ks[3], (D, H), dtype=jnp.float32) * (1.0 / np.sqrt(D))
    inp["b_enc"] = jnp.zeros((H,), dtype=jnp.float32)
    inp["W_layers"] = jax.random.normal(ks[4], (L, 2 * H, H), dtype=jnp.float32) * (1.0 / np.sqrt(2 * H))
    inp["b_layers"] = jnp.zeros((L, H), dtype=jnp.float32)
    inp["gamma"] = jnp.ones((L, H), dtype=jnp.float32)
    inp["beta"] = jnp.zeros((L, H), dtype=jnp.float32)
    inp["W_out"] = jax.random.normal(ks[5], (H, C), dtype=jnp.float32) * (1.0 / np.sqrt(H))
    inp["b_out"] = jnp.zeros((C,), dtype=jnp.float32)
    return inp

def reference(h, edge_index, e, W_enc, b_enc, W_layers, b_layers, gamma, beta, W_out, b_out):
    n = h.shape[0]
    src = edge_index[0]
    dst = edge_index[1]
    # node encoder (LinearLayer, linear_type='linear')
    h = h @ W_enc + b_enc
    # in-degree norm: degs.clamp(min=1) ** -0.5
    deg = jax.ops.segment_sum(jnp.ones((src.shape[0],), dtype=jnp.float32), dst, num_segments=n)
    degs = jnp.maximum(deg, 1.0)
    norm = (degs ** -0.5)[:, None]
    # ActivationGraphSageLayer stack: mean neighbor aggregation, concat, linear, BN, activation, norm
    for i in range(W_layers.shape[0]):
        m = jnp.take(h, src, axis=0)
        agg = jax.ops.segment_sum(m, dst, num_segments=n) / degs[:, None]
        hc = jnp.concatenate([h, agg], axis=-1)
        hl = hc @ W_layers[i] + b_layers[i]
        mu = hl.mean(axis=0)
        var = hl.var(axis=0)
        hl = (hl - mu) / jnp.sqrt(var + 1e-5) * gamma[i] + beta[i]
        h = jax.nn.relu(hl) * norm
    # readout to n_classes
    return h @ W_out + b_out

if __name__ == "__main__":
    import jax
    _d = setup_inputs()
    print(jax.jit(kernel)(*tuple(_d.values())))

</pallas_src>

<mosaic_0001>
#map = affine_map<(d0, d1) -> (0, 0)>
#map1 = affine_map<(d0, d1) -> (0, 0, 0)>
#map2 = affine_map<(d0, d1) -> (0)>
module attributes {stable_mosaic.version = 14 : i64} {
  func.func @_sc_agg_deg(%arg0: i32, %arg1: i32, %arg2: memref<128x10240xf32, #tpu.memory_space<hbm>>, %arg3: memref<158x2x2048xi32, #tpu.memory_space<hbm>>, %arg4: memref<128x10240xf32, #tpu.memory_space<hbm>>, %arg5: memref<10240xf32, #tpu.memory_space<hbm>>, %arg6: memref<4x10240xf32, #tpu.memory_space<vmem>>, %arg7: memref<4x10240xf32, #tpu.memory_space<vmem>>, %arg8: memref<10240xf32, #tpu.memory_space<vmem>>, %arg9: memref<2x2x2048xi32, #tpu.memory_space<vmem>>, %arg10: memref<!tpu.dma_semaphore, #tpu.memory_space<semaphore_mem>>, %arg11: memref<!tpu.dma_semaphore, #tpu.memory_space<semaphore_mem>>) attributes {dimension_semantics = [#tpu.dimension_semantics<core_parallel>, #tpu.dimension_semantics<subcore_parallel>], iteration_bounds = array<i64: 2, 16>, scalar_prefetch = 0 : i64, scratch_operands = 6 : i64, tpu.core_type = #tpu.core_type<sc_vector_subcore>, window_params = [{transform_indices = #map}, {transform_indices = #map1}, {transform_indices = #map}, {transform_indices = #map2}]} {
    %mul3A = arith.constant 16 : i32
    %mul3A_0 = arith.muli %arg0, %mul3A : i32
    %add3A = arith.addi %mul3A_0, %arg1 : i32
    %mul3A_1 = arith.constant 4 : i32
    %mul3A_2 = arith.muli %add3A, %mul3A_1 : i32
    "tpu.region"() ({
      %run_scoped3A = tpu.sem_alloc : memref<!tpu.dma_semaphore, #tpu.memory_space<semaphore_mem>>
      %dma_start3A_63 = arith.constant 0 : i32
      %dma_start3A_64 = tpu.memref_slice %arg2[%mul3A_2, %dma_start3A_63] : memref<128x10240xf32, #tpu.memory_space<hbm>> -> memref<4x10240xf32, #tpu.memory_space<hbm>>
      %dma_start3A_65 = arith.constant 0 : i32
      %dma_start3A_66 = tpu.memref_slice %arg2[%mul3A_2, %dma_start3A_65] : memref<128x10240xf32, #tpu.memory_space<hbm>> -> memref<4x10240xf32, #tpu.memory_space<hbm>>
      tpu.enqueue_dma source(%dma_start3A_66 : memref<4x10240xf32, #tpu.memory_space<hbm>>) target(%arg6 : memref<4x10240xf32, #tpu.memory_space<vmem>>) target_semaphore(%run_scoped3A : memref<!tpu.dma_semaphore, #tpu.memory_space<semaphore_mem>>)
      %dma_wait3A_67 = arith.constant 0 : i32
      %dma_wait3A_68 = tpu.memref_slice %arg2[%mul3A_2, %dma_wait3A_67] : memref<128x10240xf32, #tpu.memory_space<hbm>> -> memref<4x10240xf32, #tpu.memory_space<hbm>>
      %dma_wait3A_69 = arith.constant 0 : i32
      %dma_wait3A_70 = tpu.memref_slice %arg2[%mul3A_2, %dma_wait3A_69] : memref<128x10240xf32, #tpu.memory_space<hbm>> -> memref<4x10240xf32, #tpu.memory_space<hbm>>
      tpu.wait_dma2 semaphore(%run_scoped3A : memref<!tpu.dma_semaphore, #tpu.memory_space<semaphore_mem>>) src(%dma_wait3A_70 : memref<4x10240xf32, #tpu.memory_space<hbm>>) dst(%arg6 : memref<4x10240xf32, #tpu.memory_space<vmem>>)
      tpu.yield
    }) : () -> ()
    %broadcast_in_dim3A = arith.constant 0.000000e+00 : f32
    %broadcast_in_dim3A_3 = vector.broadcast %broadcast_in_dim3A : f32 to vector<16xf32>
    %parallel_loop3A = arith.constant 0 : i32
    %parallel_loop3A_4 = arith.constant 640 : i32
    %parallel_loop3A_5 = arith.constant 1 : i32
    scf.for %parallel_loop3A_63 = %parallel_loop3A to %parallel_loop3A_4 step %parallel_loop3A_5  : i32 {
      %parallel_loop3A_64 = arith.constant 16 : i32
      %parallel_loop3A_65 = arith.muli %parallel_loop3A_63, %parallel_loop3A_64 : i32
      %parallel_loop3A_66 = arith.constant 0 : i32
      %parallel_loop3A_67 = arith.index_cast %parallel_loop3A_66 : i32 to index
      %parallel_loop3A_68 = arith.index_cast %parallel_loop3A_65 : i32 to index
      %parallel_loop3A_69 = tpu.vector_load %arg7[%parallel_loop3A_67, %parallel_loop3A_68] {strides = array<i32>} : memref<4x10240xf32, #tpu.memory_space<vmem>>, vector<16xf32>,
      tpu.vector_store %arg7[%parallel_loop3A_67, %parallel_loop3A_68], %broadcast_in_dim3A_3 {strides = array<i32>} : memref<4x10240xf32, #tpu.memory_space<vmem>>, vector<16xf32>,
      %parallel_loop3A_70 = arith.constant 1 : i32
      %parallel_loop3A_71 = arith.index_cast %parallel_loop3A_70 : i32 to index
      %parallel_loop3A_72 = arith.index_cast %parallel_loop3A_65 : i32 to index
      %parallel_loop3A_73 = tpu.vector_load %arg7[%parallel_loop3A_71, %parallel_loop3A_72] {strides = array<i32>} : memref<4x10240xf32, #tpu.memory_space<vmem>>, vector<16xf32>,
      tpu.vector_store %arg7[%parallel_loop3A_71, %parallel_loop3A_72], %broadcast_in_dim3A_3 {strides = array<i32>} : memref<4x10240xf32, #tpu.memory_space<vmem>>, vector<16xf32>,
      %parallel_loop3A_74 = arith.constant 2 : i32
      %parallel_loop3A_75 = arith.index_cast %parallel_loop3A_74 : i32 to index
      %parallel_loop3A_76 = arith.index_cast %parallel_loop3A_65 : i32 to index
      %parallel_loop3A_77 = tpu.vector_load %arg7[%parallel_loop3A_75, %parallel_loop3A_76] {strides = array<i32>} : memref<4x10240xf32, #tpu.memory_space<vmem>>, vector<16xf32>,
      tpu.vector_store %arg7[%parallel_loop3A_75, %parallel_loop3A_76], %broadcast_in_dim3A_3 {strides = array<i32>} : memref<4x10240xf32, #tpu.memory_space<vmem>>, vector<16xf32>,
      %parallel_loop3A_78 = arith.constant 3 : i32
      %parallel_loop3A_79 = arith.index_cast %parallel_loop3A_78 : i32 to index
      %parallel_loop3A_80 = arith.index_cast %parallel_loop3A_65 : i32 to index
      %parallel_loop3A_81 = tpu.vector_load %arg7[%parallel_loop3A_79, %parallel_loop3A_80] {strides = array<i32>} : memref<4x10240xf32, #tpu.memory_space<vmem>>, vector<16xf32>,
      tpu.vector_store %arg7[%parallel_loop3A_79, %parallel_loop3A_80], %broadcast_in_dim3A_3 {strides = array<i32>} : memref<4x10240xf32, #tpu.memory_space<vmem>>, vector<16xf32>,
      %parallel_loop3A_82 = arith.index_cast %parallel_loop3A_65 : i32 to index
      %parallel_loop3A_83 = tpu.vector_load %arg8[%parallel_loop3A_82] {strides = array<i32>} : memref<10240xf32, #tpu.memory_space<vmem>>, vector<16xf32>,
      tpu.vector_store %arg8[%parallel_loop3A_82], %broadcast_in_dim3A_3 {strides = array<i32>} : memref<10240xf32, #tpu.memory_space<vmem>>, vector<16xf32>,
    } {sc.loop_unroll_factor = 4 : i64, sc.parallel_access}
    %broadcast_in_dim3A_6 = arith.constant 1.000000e+00 : f32
    %broadcast_in_dim3A_7 = vector.broadcast %broadcast_in_dim3A_6 : f32 to vector<16xf32>
    %dma_start3A = arith.constant 0 : i32
    %dma_start3A_8 = arith.constant 0 : i32
    %dma_start3A_9 = arith.constant 0 : i32
    %dma_start3A_10 = arith.constant 0 : i32
    %dma_start3A_11 = tpu.memref_slice %arg9[%dma_start3A_8, %dma_start3A_9, %dma_start3A_10] : memref<2x2x2048xi32, #tpu.memory_space<vmem>> -> memref<1x2x2048xi32, #tpu.memory_space<vmem>>
    %dma_start3A_12 = tpu.memref_squeeze %dma_start3A_11 : memref<1x2x2048xi32, #tpu.memory_space<vmem>> -> memref<2x2048xi32, #tpu.memory_space<vmem>>
    %dma_start3A_13 = arith.constant 0 : i32
    %dma_start3A_14 = arith.constant 0 : i32
    %dma_start3A_15 = tpu.memref_slice %arg3[%dma_start3A, %dma_start3A_13, %dma_start3A_14] : memref<158x2x2048xi32, #tpu.memory_space<hbm>> -> memref<1x2x2048xi32, #tpu.memory_space<hbm>>
    %dma_start3A_16 = tpu.memref_squeeze %dma_start3A_15 : memref<1x2x2048xi32, #tpu.memory_space<hbm>> -> memref<2x2048xi32, #tpu.memory_space<hbm>>
    %dma_start3A_17 = arith.constant 0 : i32
    %dma_start3A_18 = arith.constant 0 : i32
    %dma_start3A_19 = tpu.memref_slice %arg9[%dma_start3A_8, %dma_start3A_17, %dma_start3A_18] : memref<2x2x2048xi32, #tpu.memory_space<vmem>> -> memref<1x2x2048xi32, #tpu.memory_space<vmem>>
    %dma_start3A_20 = tpu.memref_squeeze %dma_start3A_19 : memref<1x2x2048xi32, #tpu.memory_space<vmem>> -> memref<2x2048xi32, #tpu.memory_space<vmem>>
    %dma_start3A_21 = arith.constant 0 : i32
    %dma_start3A_22 = arith.constant 0 : i32
    %dma_start3A_23 = tpu.memref_slice %arg3[%dma_start3A, %dma_start3A_21, %dma_start3A_22] : memref<158x2x2048xi32, #tpu.memory_space<hbm>> -> memref<1x2x2048xi32, #tpu.memory_space<hbm>>
    %dma_start3A_24 = tpu.memref_squeeze %dma_start3A_23 : memref<1x2x2048xi32, #tpu.memory_space<hbm>> -> memref<2x2048xi32, #tpu.memory_space<hbm>>
    tpu.enqueue_dma source(%dma_start3A_24 : memref<2x2048xi32, #tpu.memory_space<hbm>>) target(%dma_start3A_20 : memref<2x2048xi32, #tpu.memory_space<vmem>>) target_semaphore(%arg10 : memref<!tpu.dma_semaphore, #tpu.memory_space<semaphore_mem>>)
    %broadcast_in_dim3A_25 = arith.constant 0 : i32
    %broadcast_in_dim3A_26 = vector.broadcast %broadcast_in_dim3A_25 : i32 to vector<16xi32>
    %broadcast_in_dim3A_27 = arith.constant 1 : i32
    %broadcast_in_dim3A_28 = vector.broadcast %broadcast_in_dim3A_27 : i32 to vector<16xi32>
    %broadcast_in_dim3A_29 = arith.constant 2 : i32
    %broadcast_in_dim3A_30 = vector.broadcast %broadcast_in_dim3A_29 : i32 to vector<16xi32>
    %broadcast_in_dim3A_31 = arith.constant 3 : i32
    %broadcast_in_dim3A_32 = vector.broadcast %broadcast_in_dim3A_31 : i32 to vector<16xi32>
    %while3A = arith.constant 0 : i32
    %while3A_33 = arith.constant 157 : i32
    %while3A_34 = arith.constant 0 : i32
    %while3A_35 = arith.constant 79 : i32
    %while3A_36 = arith.subi %while3A_35, %while3A_34 : i32
    %while3A_37 = arith.addi %while3A_34, %while3A_36 : i32
    %while3A_38 = arith.constant 1 : i32
    %while3A_39 = arith.divsi %while3A_36, %while3A_38 : i32
    %while3A_40 = arith.muli %while3A_39, %while3A_38 : i32
    %while3A_41 = arith.addi %while3A_34, %while3A_40 : i32
    %while3A_42 = arith.constant 1 : i32
    scf.for %while3A_63 = %while3A_34 to %while3A_41 step %while3A_42  : i32 {
      %mul3A_64 = arith.constant 2 : i32
      %mul3A_65 = arith.muli %while3A_63, %mul3A_64 : i32
      %add3A_66 = arith.constant 0 : i32
      %add3A_67 = arith.addi %mul3A_65, %add3A_66 : i32
      %add3A_68 = arith.constant 1 : i32
      %add3A_69 = arith.addi %add3A_67, %add3A_68 : i32
      %min3A = arith.minsi %add3A_69, %while3A_33 : i32
      %dma_start3A_70 = arith.constant 1 : i32
      %dma_start3A_71 = arith.constant 0 : i32
      %dma_start3A_72 = arith.constant 0 : i32
      %dma_start3A_73 = tpu.memref_slice %arg9[%dma_start3A_70, %dma_start3A_71, %dma_start3A_72] : memref<2x2x2048xi32, #tpu.memory_space<vmem>> -> memref<1x2x2048xi32, #tpu.memory_space<vmem>>
      %dma_start3A_74 = tpu.memref_squeeze %dma_start3A_73 : memref<1x2x2048xi32, #tpu.memory_space<vmem>> -> memref<2x2048xi32, #tpu.memory_space<vmem>>
      %dma_start3A_75 = arith.constant 0 : i32
      %dma_start3A_76 = arith.constant 0 : i32
      %dma_start3A_77 = tpu.memref_slice %arg3[%min3A, %dma_start3A_75, %dma_start3A_76] : memref<158x2x2048xi32, #tpu.memory_space<hbm>> -> memref<1x2x2048xi32, #tpu.memory_space<hbm>>
      %dma_start3A_78 = tpu.memref_squeeze %dma_start3A_77 : memref<1x2x2048xi32, #tpu.memory_space<hbm>> -> memref<2x2048xi32, #tpu.memory_space<hbm>>
      %dma_start3A_79 = arith.constant 0 : i32
      %dma_start3A_80 = arith.constant 0 : i32
      %dma_start3A_81 = tpu.memref_slice %arg9[%dma_start3A_70, %dma_start3A_79, %dma_start3A_80] : memref<2x2x2048xi32, #tpu.memory_space<vmem>> -> memref<1x2x2048xi32, #tpu.memory_space<vmem>>
      %dma_start3A_82 = tpu.memref_squeeze %dma_start3A_81 : memref<1x2x2048xi32, #tpu.memory_space<vmem>> -> memref<2x2048xi32, #tpu.memory_space<vmem>>
      %dma_start3A_83 = arith.constant 0 : i32
      %dma_start3A_84 = arith.constant 0 : i32
      %dma_start3A_85 = tpu.memref_slice %arg3[%min3A, %dma_start3A_83, %dma_start3A_84] : memref<158x2x2048xi32, #tpu.memory_space<hbm>> -> memref<1x2x2048xi32, #tpu.memory_space<hbm>>
      %dma_start3A_86 = tpu.memref_squeeze %dma_start3A_85 : memref<1x2x2048xi32, #tpu.memory_space<hbm>> -> memref<2x2048xi32, #tpu.memory_space<hbm>>
      tpu.enqueue_dma source(%dma_start3A_86 : memref<2x2048xi32, #tpu.memory_space<hbm>>) target(%dma_start3A_82 : memref<2x2048xi32, #tpu.memory_space<vmem>>) target_semaphore(%arg11 : memref<!tpu.dma_semaphore, #tpu.memory_space<semaphore_mem>>)
      %dma_wait3A_87 = arith.constant 0 : i32
      %dma_wait3A_88 = arith.constant 0 : i32
      %dma_wait3A_89 = arith.constant 0 : i32
      %dma_wait3A_90 = tpu.memref_slice %arg9[%dma_wait3A_87, %dma_wait3A_88, %dma_wait3A_89] : memref<2x2x2048xi32, #tpu.memory_space<vmem>> -> memref<1x2x2048xi32, #tpu.memory_space<vmem>>
      %dma_wait3A_91 = tpu.memref_squeeze %dma_wait3A_90 : memref<1x2x2048xi32, #tpu.memory_space<vmem>> -> memref<2x2048xi32, #tpu.memory_space<vmem>>
      %dma_wait3A_92 = arith.constant 0 : i32
      %dma_wait3A_93 = arith.constant 0 : i32
      %dma_wait3A_94 = tpu.memref_slice %arg3[%add3A_67, %dma_wait3A_92, %dma_wait3A_93] : memref<158x2x2048xi32, #tpu.memory_space<hbm>> -> memref<1x2x2048xi32, #tpu.memory_space<hbm>>
      %dma_wait3A_95 = tpu.memref_squeeze %dma_wait3A_94 : memref<1x2x2048xi32, #tpu.memory_space<hbm>> -> memref<2x2048xi32, #tpu.memory_space<hbm>>
      %dma_wait3A_96 = arith.constant 0 : i32
      %dma_wait3A_97 = arith.constant 0 : i32
      %dma_wait3A_98 = tpu.memref_slice %arg9[%dma_wait3A_87, %dma_wait3A_96, %dma_wait3A_97] : memref<2x2x2048xi32, #tpu.memory_space<vmem>> -> memref<1x2x2048xi32, #tpu.memory_space<vmem>>
      %dma_wait3A_99 = tpu.memref_squeeze %dma_wait3A_98 : memref<1x2x2048xi32, #tpu.memory_space<vmem>> -> memref<2x2048xi32, #tpu.memory_space<vmem>>
      %dma_wait3A_100 = arith.constant 0 : i32
      %dma_wait3A_101 = arith.constant 0 : i32
      %dma_wait3A_102 = tpu.memref_slice %arg3[%add3A_67, %dma_wait3A_100, %dma_wait3A_101] : memref<158x2x2048xi32, #tpu.memory_space<hbm>> -> memref<1x2x2048xi32, #tpu.memory_space<hbm>>
      %dma_wait3A_103 = tpu.memref_squeeze %dma_wait3A_102 : memref<1x2x2048xi32, #tpu.memory_space<hbm>> -> memref<2x2048xi32, #tpu.memory_space<hbm>>
      tpu.wait_dma2 semaphore(%arg10 : memref<!tpu.dma_semaphore, #tpu.memory_space<semaphore_mem>>) src(%dma_wait3A_103 : memref<2x2048xi32, #tpu.memory_space<hbm>>) dst(%dma_wait3A_99 : memref<2x2048xi32, #tpu.memory_space<vmem>>)
      %parallel_loop3A_104 = arith.constant 0 : i32
      %parallel_loop3A_105 = arith.constant 128 : i32
      %parallel_loop3A_106 = arith.constant 1 : i32
      scf.for %parallel_loop3A_151 = %parallel_loop3A_104 to %parallel_loop3A_105 step %parallel_loop3A_106  : i32 {
        %parallel_loop3A_152 = arith.constant 16 : i32
        %parallel_loop3A_153 = arith.muli %parallel_loop3A_151, %parallel_loop3A_152 : i32
        %parallel_loop3A_154 = arith.constant 0 : i32
        %parallel_loop3A_155 = arith.constant 0 : i32
        %parallel_loop3A_156 = arith.index_cast %parallel_loop3A_154 : i32 to index
        %parallel_loop3A_157 = arith.index_cast %parallel_loop3A_155 : i32 to index
        %parallel_loop3A_158 = arith.index_cast %parallel_loop3A_153 : i32 to index
        %parallel_loop3A_159 = tpu.vector_load %arg9[%parallel_loop3A_156, %parallel_loop3A_157, %parallel_loop3A_158] {strides = array<i32>} : memref<2x2x2048xi32, #tpu.memory_space<vmem>>, vector<16xi32>,
        %parallel_loop3A_160 = arith.constant 0 : i32
        %parallel_loop3A_161 = arith.constant 1 : i32
        %parallel_loop3A_162 = arith.index_cast %parallel_loop3A_160 : i32 to index
        %parallel_loop3A_163 = arith.index_cast %parallel_loop3A_161 : i32 to index
        %parallel_loop3A_164 = arith.index_cast %parallel_loop3A_153 : i32 to index
        %parallel_loop3A_165 = tpu.vector_load %arg9[%parallel_loop3A_162, %parallel_loop3A_163, %parallel_loop3A_164] {strides = array<i32>} : memref<2x2x2048xi32, #tpu.memory_space<vmem>>, vector<16xi32>,
        %parallel_loop3A_166 = tpu.vector_load_idx %arg6[%broadcast_in_dim3A_26, %parallel_loop3A_159] : memref<4x10240xf32, #tpu.memory_space<vmem>>[vector<16xi32>, vector<16xi32>], vector<16xf32>,
        tpu.vector_store_idx %arg7[%broadcast_in_dim3A_26, %parallel_loop3A_165], %parallel_loop3A_166 {add = true} : memref<4x10240xf32, #tpu.memory_space<vmem>>[vector<16xi32>, vector<16xi32>], vector<16xf32>,
        %parallel_loop3A_167 = tpu.vector_load_idx %arg6[%broadcast_in_dim3A_28, %parallel_loop3A_159] : memref<4x10240xf32, #tpu.memory_space<vmem>>[vector<16xi32>, vector<16xi32>], vector<16xf32>,
        tpu.vector_store_idx %arg7[%broadcast_in_dim3A_28, %parallel_loop3A_165], %parallel_loop3A_167 {add = true} : memref<4x10240xf32, #tpu.memory_space<vmem>>[vector<16xi32>, vector<16xi32>], vector<16xf32>,
        %parallel_loop3A_168 = tpu.vector_load_idx %arg6[%broadcast_in_dim3A_30, %parallel_loop3A_159] : memref<4x10240xf32, #tpu.memory_space<vmem>>[vector<16xi32>, vector<16xi32>], vector<16xf32>,
        tpu.vector_store_idx %arg7[%broadcast_in_dim3A_30, %parallel_loop3A_165], %parallel_loop3A_168 {add = true} : memref<4x10240xf32, #tpu.memory_space<vmem>>[vector<16xi32>, vector<16xi32>], vector<16xf32>,
        %parallel_loop3A_169 = tpu.vector_load_idx %arg6[%broadcast_in_dim3A_32, %parallel_loop3A_159] : memref<4x10240xf32, #tpu.memory_space<vmem>>[vector<16xi32>, vector<16xi32>], vector<16xf32>,
        tpu.vector_store_idx %arg7[%broadcast_in_dim3A_32, %parallel_loop3A_165], %parallel_loop3A_169 {add = true} : memref<4x10240xf32, #tpu.memory_space<vmem>>[vector<16xi32>, vector<16xi32>], vector<16xf32>,
        tpu.vector_store_idx %arg8[%parallel_loop3A_165], %broadcast_in_dim3A_7 {add = true} : memref<10240xf32, #tpu.memory_space<vmem>>[vector<16xi32>], vector<16xf32>,
      } {sc.loop_unroll_factor = 8 : i64, sc.parallel_access}
      %mul3A_107 = arith.constant 2 : i32
      %mul3A_108 = arith.muli %while3A_63, %mul3A_107 : i32
      %add3A_109 = arith.constant 1 : i32
      %add3A_110 = arith.addi %mul3A_108, %add3A_109 : i32
      %add3A_111 = arith.constant 1 : i32
      %add3A_112 = arith.addi %add3A_110, %add3A_111 : i32
      %min3A_113 = arith.minsi %add3A_112, %while3A_33 : i32
      %dma_start3A_114 = arith.constant 0 : i32
      %dma_start3A_115 = arith.constant 0 : i32
      %dma_start3A_116 = arith.constant 0 : i32
      %dma_start3A_117 = tpu.memref_slice %arg9[%dma_start3A_114, %dma_start3A_115, %dma_start3A_116] : memref<2x2x2048xi32, #tpu.memory_space<vmem>> -> memref<1x2x2048xi32, #tpu.memory_space<vmem>>
      %dma_start3A_118 = tpu.memref_squeeze %dma_start3A_117 : memref<1x2x2048xi32, #tpu.memory_space<vmem>> -> memref<2x2048xi32, #tpu.memory_space<vmem>>
      %dma_start3A_119 = arith.constant 0 : i32
      %dma_start3A_120 = arith.constant 0 : i32
      %dma_start3A_121 = tpu.memref_slice %arg3[%min3A_113, %dma_start3A_119, %dma_start3A_120] : memref<158x2x2048xi32, #tpu.memory_space<hbm>> -> memref<1x2x2048xi32, #tpu.memory_space<hbm>>
      %dma_start3A_122 = tpu.memref_squeeze %dma_start3A_121 : memref<1x2x2048xi32, #tpu.memory_space<hbm>> -> memref<2x2048xi32, #tpu.memory_space<hbm>>
      %dma_start3A_123 = arith.constant 0 : i32
      %dma_start3A_124 = arith.constant 0 : i32
      %dma_start3A_125 = tpu.memref_slice %arg9[%dma_start3A_114, %dma_start3A_123, %dma_start3A_124] : memref<2x2x2048xi32, #tpu.memory_space<vmem>> -> memref<1x2x2048xi32, #tpu.memory_space<vmem>>
      %dma_start3A_126 = tpu.memref_squeeze %dma_start3A_125 : memref<1x2x2048xi32, #tpu.memory_space<vmem>> -> memref<2x2048xi32, #tpu.memory_space<vmem>>
      %dma_start3A_127 = arith.constant 0 : i32
      %dma_start3A_128 = arith.constant 0 : i32
      %dma_start3A_129 = tpu.memref_slice %arg3[%min3A_113, %dma_start3A_127, %dma_start3A_128] : memref<158x2x2048xi32, #tpu.memory_space<hbm>> -> memref<1x2x2048xi32, #tpu.memory_space<hbm>>
      %dma_start3A_130 = tpu.memref_squeeze %dma_start3A_129 : memref<1x2x2048xi32, #tpu.memory_space<hbm>> -> memref<2x2048xi32, #tpu.memory_space<hbm>>
      tpu.enqueue_dma source(%dma_start3A_130 : memref<2x2048xi32, #tpu.memory_space<hbm>>) target(%dma_start3A_126 : memref<2x2048xi32, #tpu.memory_space<vmem>>) target_semaphore(%arg10 : memref<!tpu.dma_semaphore, #tpu.memory_space<semaphore_mem>>)
      %dma_wait3A_131 = arith.constant 1 : i32
      %dma_wait3A_132 = arith.constant 0 : i32
      %dma_wait3A_133 = arith.constant 0 : i32
      %dma_wait3A_134 = tpu.memref_slice %arg9[%dma_wait3A_131, %dma_wait3A_132, %dma_wait3A_133] : memref<2x2x2048xi32, #tpu.memory_space<vmem>> -> memref<1x2x2048xi32, #tpu.memory_space<vmem>>
      %dma_wait3A_135 = tpu.memref_squeeze %dma_wait3A_134 : memref<1x2x2048xi32, #tpu.memory_space<vmem>> -> memref<2x2048xi32, #tpu.memory_space<vmem>>
      %dma_wait3A_136 = arith.constant 0 : i32
      %dma_wait3A_137 = arith.constant 0 : i32
      %dma_wait3A_138 = tpu.memref_slice %arg3[%add3A_110, %dma_wait3A_136, %dma_wait3A_137] : memref<158x2x2048xi32, #tpu.memory_space<hbm>> -> memref<1x2x2048xi32, #tpu.memory_space<hbm>>
      %dma_wait3A_139 = tpu.memref_squeeze %dma_wait3A_138 : memref<1x2x2048xi32, #tpu.memory_space<hbm>> -> memref<2x2048xi32, #tpu.memory_space<hbm>>
      %dma_wait3A_140 = arith.constant 0 : i32
      %dma_wait3A_141 = arith.constant 0 : i32
      %dma_wait3A_142 = tpu.memref_slice %arg9[%dma_wait3A_131, %dma_wait3A_140, %dma_wait3A_141] : memref<2x2x2048xi32, #tpu.memory_space<vmem>> -> memref<1x2x2048xi32, #tpu.memory_space<vmem>>
      %dma_wait3A_143 = tpu.memref_squeeze %dma_wait3A_142 : memref<1x2x2048xi32, #tpu.memory_space<vmem>> -> memref<2x2048xi32, #tpu.memory_space<vmem>>
      %dma_wait3A_144 = arith.constant 0 : i32
      %dma_wait3A_145 = arith.constant 0 : i32
      %dma_wait3A_146 = tpu.memref_slice %arg3[%add3A_110, %dma_wait3A_144, %dma_wait3A_145] : memref<158x2x2048xi32, #tpu.memory_space<hbm>> -> memref<1x2x2048xi32, #tpu.memory_space<hbm>>
      %dma_wait3A_147 = tpu.memref_squeeze %dma_wait3A_146 : memref<1x2x2048xi32, #tpu.memory_space<hbm>> -> memref<2x2048xi32, #tpu.memory_space<hbm>>
      tpu.wait_dma2 semaphore(%arg11 : memref<!tpu.dma_semaphore, #tpu.memory_space<semaphore_mem>>) src(%dma_wait3A_147 : memref<2x2048xi32, #tpu.memory_space<hbm>>) dst(%dma_wait3A_143 : memref<2x2048xi32, #tpu.memory_space<vmem>>)
      %parallel_loop3A_148 = arith.constant 0 : i32
      %parallel_loop3A_149 = arith.constant 128 : i32
      %parallel_loop3A_150 = arith.constant 1 : i32
      scf.for %parallel_loop3A_151 = %parallel_loop3A_148 to %parallel_loop3A_149 step %parallel_loop3A_150  : i32 {
        %parallel_loop3A_152 = arith.constant 16 : i32
        %parallel_loop3A_153 = arith.muli %parallel_loop3A_151, %parallel_loop3A_152 : i32
        %parallel_loop3A_154 = arith.constant 1 : i32
        %parallel_loop3A_155 = arith.constant 0 : i32
        %parallel_loop3A_156 = arith.index_cast %parallel_loop3A_154 : i32 to index
        %parallel_loop3A_157 = arith.index_cast %parallel_loop3A_155 : i32 to index
        %parallel_loop3A_158 = arith.index_cast %parallel_loop3A_153 : i32 to index
        %parallel_loop3A_159 = tpu.vector_load %arg9[%parallel_loop3A_156, %parallel_loop3A_157, %parallel_loop3A_158] {strides = array<i32>} : memref<2x2x2048xi32, #tpu.memory_space<vmem>>, vector<16xi32>,
        %parallel_loop3A_160 = arith.constant 1 : i32
        %parallel_loop3A_161 = arith.constant 1 : i32
        %parallel_loop3A_162 = arith.index_cast %parallel_loop3A_160 : i32 to index
        %parallel_loop3A_163 = arith.index_cast %parallel_loop3A_161 : i32 to index
        %parallel_loop3A_164 = arith.index_cast %parallel_loop3A_153 : i32 to index
        %parallel_loop3A_165 = tpu.vector_load %arg9[%parallel_loop3A_162, %parallel_loop3A_163, %parallel_loop3A_164] {strides = array<i32>} : memref<2x2x2048xi32, #tpu.memory_space<vmem>>, vector<16xi32>,
        %parallel_loop3A_166 = tpu.vector_load_idx %arg6[%broadcast_in_dim3A_26, %parallel_loop3A_159] : memref<4x10240xf32, #tpu.memory_space<vmem>>[vector<16xi32>, vector<16xi32>], vector<16xf32>,
        tpu.vector_store_idx %arg7[%broadcast_in_dim3A_26, %parallel_loop3A_165], %parallel_loop3A_166 {add = true} : memref<4x10240xf32, #tpu.memory_space<vmem>>[vector<16xi32>, vector<16xi32>], vector<16xf32>,
        %parallel_loop3A_167 = tpu.vector_load_idx %arg6[%broadcast_in_dim3A_28, %parallel_loop3A_159] : memref<4x10240xf32, #tpu.memory_space<vmem>>[vector<16xi32>, vector<16xi32>], vector<16xf32>,
        tpu.vector_store_idx %arg7[%broadcast_in_dim3A_28, %parallel_loop3A_165], %parallel_loop3A_167 {add = true} : memref<4x10240xf32, #tpu.memory_space<vmem>>[vector<16xi32>, vector<16xi32>], vector<16xf32>,
        %parallel_loop3A_168 = tpu.vector_load_idx %arg6[%broadcast_in_dim3A_30, %parallel_loop3A_159] : memref<4x10240xf32, #tpu.memory_space<vmem>>[vector<16xi32>, vector<16xi32>], vector<16xf32>,
        tpu.vector_store_idx %arg7[%broadcast_in_dim3A_30, %parallel_loop3A_165], %parallel_loop3A_168 {add = true} : memref<4x10240xf32, #tpu.memory_space<vmem>>[vector<16xi32>, vector<16xi32>], vector<16xf32>,
        %parallel_loop3A_169 = tpu.vector_load_idx %arg6[%broadcast_in_dim3A_32, %parallel_loop3A_159] : memref<4x10240xf32, #tpu.memory_space<vmem>>[vector<16xi32>, vector<16xi32>], vector<16xf32>,
        tpu.vector_store_idx %arg7[%broadcast_in_dim3A_32, %parallel_loop3A_165], %parallel_loop3A_169 {add = true} : memref<4x10240xf32, #tpu.memory_space<vmem>>[vector<16xi32>, vector<16xi32>], vector<16xf32>,
        tpu.vector_store_idx %arg8[%parallel_loop3A_165], %broadcast_in_dim3A_7 {add = true} : memref<10240xf32, #tpu.memory_space<vmem>>[vector<16xi32>], vector<16xf32>,
      } {sc.loop_unroll_factor = 8 : i64, sc.parallel_access}
    }
    %while3A_43 = arith.constant 1 : i32
    scf.for %while3A_63 = %while3A_41 to %while3A_37 step %while3A_43  : i32 {
      %mul3A_64 = arith.constant 2 : i32
      %mul3A_65 = arith.muli %while3A_63, %mul3A_64 : i32
      %add3A_66 = arith.constant 0 : i32
      %add3A_67 = arith.addi %mul3A_65, %add3A_66 : i32
      %add3A_68 = arith.constant 1 : i32
      %add3A_69 = arith.addi %add3A_67, %add3A_68 : i32
      %min3A = arith.minsi %add3A_69, %while3A_33 : i32
      %dma_start3A_70 = arith.constant 1 : i32
      %dma_start3A_71 = arith.constant 0 : i32
      %dma_start3A_72 = arith.constant 0 : i32
      %dma_start3A_73 = tpu.memref_slice %arg9[%dma_start3A_70, %dma_start3A_71, %dma_start3A_72] : memref<2x2x2048xi32, #tpu.memory_space<vmem>> -> memref<1x2x2048xi32, #tpu.memory_space<vmem>>
      %dma_start3A_74 = tpu.memref_squeeze %dma_start3A_73 : memref<1x2x2048xi32, #tpu.memory_space<vmem>> -> memref<2x2048xi32, #tpu.memory_space<vmem>>
      %dma_start3A_75 = arith.constant 0 : i32
      %dma_start3A_76 = arith.constant 0 : i32
      %dma_start3A_77 = tpu.memref_slice %arg3[%min3A, %dma_start3A_75, %dma_start3A_76] : memref<158x2x2048xi32, #tpu.memory_space<hbm>> -> memref<1x2x2048xi32, #tpu.memory_space<hbm>>
      %dma_start3A_78 = tpu.memref_squeeze %dma_start3A_77 : memref<1x2x2048xi32, #tpu.memory_space<hbm>> -> memref<2x2048xi32, #tpu.memory_space<hbm>>
      %dma_start3A_79 = arith.constant 0 : i32
      %dma_start3A_80 = arith.constant 0 : i32
      %dma_start3A_81 = tpu.memref_slice %arg9[%dma_start3A_70, %dma_start3A_79, %dma_start3A_80] : memref<2x2x2048xi32, #tpu.memory_space<vmem>> -> memref<1x2x2048xi32, #tpu.memory_space<vmem>>
      %dma_start3A_82 = tpu.memref_squeeze %dma_start3A_81 : memref<1x2x2048xi32, #tpu.memory_space<vmem>> -> memref<2x2048xi32, #tpu.memory_space<vmem>>
      %dma_start3A_83 = arith.constant 0 : i32
      %dma_start3A_84 = arith.constant 0 : i32
      %dma_start3A_85 = tpu.memref_slice %arg3[%min3A, %dma_start3A_83, %dma_start3A_84] : memref<158x2x2048xi32, #tpu.memory_space<hbm>> -> memref<1x2x2048xi32, #tpu.memory_space<hbm>>
      %dma_start3A_86 = tpu.memref_squeeze %dma_start3A_85 : memref<1x2x2048xi32, #tpu.memory_space<hbm>> -> memref<2x2048xi32, #tpu.memory_space<hbm>>
      tpu.enqueue_dma source(%dma_start3A_86 : memref<2x2048xi32, #tpu.memory_space<hbm>>) target(%dma_start3A_82 : memref<2x2048xi32, #tpu.memory_space<vmem>>) target_semaphore(%arg11 : memref<!tpu.dma_semaphore, #tpu.memory_space<semaphore_mem>>)
      %dma_wait3A_87 = arith.constant 0 : i32
      %dma_wait3A_88 = arith.constant 0 : i32
      %dma_wait3A_89 = arith.constant 0 : i32
      %dma_wait3A_90 = tpu.memref_slice %arg9[%dma_wait3A_87, %dma_wait3A_88, %dma_wait3A_89] : memref<2x2x2048xi32, #tpu.memory_space<vmem>> -> memref<1x2x2048xi32, #tpu.memory_space<vmem>>
      %dma_wait3A_91 = tpu.memref_squeeze %dma_wait3A_90 : memref<1x2x2048xi32, #tpu.memory_space<vmem>> -> memref<2x2048xi32, #tpu.memory_space<vmem>>
      %dma_wait3A_92 = arith.constant 0 : i32
      %dma_wait3A_93 = arith.constant 0 : i32
      %dma_wait3A_94 = tpu.memref_slice %arg3[%add3A_67, %dma_wait3A_92, %dma_wait3A_93] : memref<158x2x2048xi32, #tpu.memory_space<hbm>> -> memref<1x2x2048xi32, #tpu.memory_space<hbm>>
      %dma_wait3A_95 = tpu.memref_squeeze %dma_wait3A_94 : memref<1x2x2048xi32, #tpu.memory_space<hbm>> -> memref<2x2048xi32, #tpu.memory_space<hbm>>
      %dma_wait3A_96 = arith.constant 0 : i32
      %dma_wait3A_97 = arith.constant 0 : i32
      %dma_wait3A_98 = tpu.memref_slice %arg9[%dma_wait3A_87, %dma_wait3A_96, %dma_wait3A_97] : memref<2x2x2048xi32, #tpu.memory_space<vmem>> -> memref<1x2x2048xi32, #tpu.memory_space<vmem>>
      %dma_wait3A_99 = tpu.memref_squeeze %dma_wait3A_98 : memref<1x2x2048xi32, #tpu.memory_space<vmem>> -> memref<2x2048xi32, #tpu.memory_space<vmem>>
      %dma_wait3A_100 = arith.constant 0 : i32
      %dma_wait3A_101 = arith.constant 0 : i32
      %dma_wait3A_102 = tpu.memref_slice %arg3[%add3A_67, %dma_wait3A_100, %dma_wait3A_101] : memref<158x2x2048xi32, #tpu.memory_space<hbm>> -> memref<1x2x2048xi32, #tpu.memory_space<hbm>>
      %dma_wait3A_103 = tpu.memref_squeeze %dma_wait3A_102 : memref<1x2x2048xi32, #tpu.memory_space<hbm>> -> memref<2x2048xi32, #tpu.memory_space<hbm>>
      tpu.wait_dma2 semaphore(%arg10 : memref<!tpu.dma_semaphore, #tpu.memory_space<semaphore_mem>>) src(%dma_wait3A_103 : memref<2x2048xi32, #tpu.memory_space<hbm>>) dst(%dma_wait3A_99 : memref<2x2048xi32, #tpu.memory_space<vmem>>)
      %parallel_loop3A_104 = arith.constant 0 : i32
      %parallel_loop3A_105 = arith.constant 128 : i32
      %parallel_loop3A_106 = arith.constant 1 : i32
      scf.for %parallel_loop3A_151 = %parallel_loop3A_104 to %parallel_loop3A_105 step %parallel_loop3A_106  : i32 {
        %parallel_loop3A_152 = arith.constant 16 : i32
        %parallel_loop3A_153 = arith.muli %parallel_loop3A_151, %parallel_loop3A_152 : i32
        %parallel_loop3A_154 = arith.constant 0 : i32
        %parallel_loop3A_155 = arith.constant 0 : i32
        %parallel_loop3A_156 = arith.index_cast %parallel_loop3A_154 : i32 to index
        %parallel_loop3A_157 = arith.index_cast %parallel_loop3A_155 : i32 to index
        %parallel_loop3A_158 = arith.index_cast %parallel_loop3A_153 : i32 to index
        %parallel_loop3A_159 = tpu.vector_load %arg9[%parallel_loop3A_156, %parallel_loop3A_157, %parallel_loop3A_158] {strides = array<i32>} : memref<2x2x2048xi32, #tpu.memory_space<vmem>>, vector<16xi32>,
        %parallel_loop3A_160 = arith.constant 0 : i32
        %parallel_loop3A_161 = arith.constant 1 : i32
        %parallel_loop3A_162 = arith.index_cast %parallel_loop3A_160 : i32 to index
        %parallel_loop3A_163 = arith.index_cast %parallel_loop3A_161 : i32 to index
        %parallel_loop3A_164 = arith.index_cast %parallel_loop3A_153 : i32 to index
        %parallel_loop3A_165 = tpu.vector_load %arg9[%parallel_loop3A_162, %parallel_loop3A_163, %parallel_loop3A_164] {strides = array<i32>} : memref<2x2x2048xi32, #tpu.memory_space<vmem>>, vector<16xi32>,
        %parallel_loop3A_166 = tpu.vector_load_idx %arg6[%broadcast_in_dim3A_26, %parallel_loop3A_159] : memref<4x10240xf32, #tpu.memory_space<vmem>>[vector<16xi32>, vector<16xi32>], vector<16xf32>,
        tpu.vector_store_idx %arg7[%broadcast_in_dim3A_26, %parallel_loop3A_165], %parallel_loop3A_166 {add = true} : memref<4x10240xf32, #tpu.memory_space<vmem>>[vector<16xi32>, vector<16xi32>], vector<16xf32>,
        %parallel_loop3A_167 = tpu.vector_load_idx %arg6[%broadcast_in_dim3A_28, %parallel_loop3A_159] : memref<4x10240xf32, #tpu.memory_space<vmem>>[vector<16xi32>, vector<16xi32>], vector<16xf32>,
        tpu.vector_store_idx %arg7[%broadcast_in_dim3A_28, %parallel_loop3A_165], %parallel_loop3A_167 {add = true} : memref<4x10240xf32, #tpu.memory_space<vmem>>[vector<16xi32>, vector<16xi32>], vector<16xf32>,
        %parallel_loop3A_168 = tpu.vector_load_idx %arg6[%broadcast_in_dim3A_30, %parallel_loop3A_159] : memref<4x10240xf32, #tpu.memory_space<vmem>>[vector<16xi32>, vector<16xi32>], vector<16xf32>,
        tpu.vector_store_idx %arg7[%broadcast_in_dim3A_30, %parallel_loop3A_165], %parallel_loop3A_168 {add = true} : memref<4x10240xf32, #tpu.memory_space<vmem>>[vector<16xi32>, vector<16xi32>], vector<16xf32>,
        %parallel_loop3A_169 = tpu.vector_load_idx %arg6[%broadcast_in_dim3A_32, %parallel_loop3A_159] : memref<4x10240xf32, #tpu.memory_space<vmem>>[vector<16xi32>, vector<16xi32>], vector<16xf32>,
        tpu.vector_store_idx %arg7[%broadcast_in_dim3A_32, %parallel_loop3A_165], %parallel_loop3A_169 {add = true} : memref<4x10240xf32, #tpu.memory_space<vmem>>[vector<16xi32>, vector<16xi32>], vector<16xf32>,
        tpu.vector_store_idx %arg8[%parallel_loop3A_165], %broadcast_in_dim3A_7 {add = true} : memref<10240xf32, #tpu.memory_space<vmem>>[vector<16xi32>], vector<16xf32>,
      } {sc.loop_unroll_factor = 8 : i64, sc.parallel_access}
      %mul3A_107 = arith.constant 2 : i32
      %mul3A_108 = arith.muli %while3A_63, %mul3A_107 : i32
      %add3A_109 = arith.constant 1 : i32
      %add3A_110 = arith.addi %mul3A_108, %add3A_109 : i32
      %add3A_111 = arith.constant 1 : i32
      %add3A_112 = arith.addi %add3A_110, %add3A_111 : i32
      %min3A_113 = arith.minsi %add3A_112, %while3A_33 : i32
      %dma_start3A_114 = arith.constant 0 : i32
      %dma_start3A_115 = arith.constant 0 : i32
      %dma_start3A_116 = arith.constant 0 : i32
      %dma_start3A_117 = tpu.memref_slice %arg9[%dma_start3A_114, %dma_start3A_115, %dma_start3A_116] : memref<2x2x2048xi32, #tpu.memory_space<vmem>> -> memref<1x2x2048xi32, #tpu.memory_space<vmem>>
      %dma_start3A_118 = tpu.memref_squeeze %dma_start3A_117 : memref<1x2x2048xi32, #tpu.memory_space<vmem>> -> memref<2x2048xi32, #tpu.memory_space<vmem>>
      %dma_start3A_119 = arith.constant 0 : i32
      %dma_start3A_120 = arith.constant 0 : i32
      %dma_start3A_121 = tpu.memref_slice %arg3[%min3A_113, %dma_start3A_119, %dma_start3A_120] : memref<158x2x2048xi32, #tpu.memory_space<hbm>> -> memref<1x2x2048xi32, #tpu.memory_space<hbm>>
      %dma_start3A_122 = tpu.memref_squeeze %dma_start3A_121 : memref<1x2x2048xi32, #tpu.memory_space<hbm>> -> memref<2x2048xi32, #tpu.memory_space<hbm>>
      %dma_start3A_123 = arith.constant 0 : i32
      %dma_start3A_124 = arith.constant 0 : i32
      %dma_start3A_125 = tpu.memref_slice %arg9[%dma_start3A_114, %dma_start3A_123, %dma_start3A_124] : memref<2x2x2048xi32, #tpu.memory_space<vmem>> -> memref<1x2x2048xi32, #tpu.memory_space<vmem>>
      %dma_start3A_126 = tpu.memref_squeeze %dma_start3A_125 : memref<1x2x2048xi32, #tpu.memory_space<vmem>> -> memref<2x2048xi32, #tpu.memory_space<vmem>>
      %dma_start3A_127 = arith.constant 0 : i32
      %dma_start3A_128 = arith.constant 0 : i32
      %dma_start3A_129 = tpu.memref_slice %arg3[%min3A_113, %dma_start3A_127, %dma_start3A_128] : memref<158x2x2048xi32, #tpu.memory_space<hbm>> -> memref<1x2x2048xi32, #tpu.memory_space<hbm>>
      %dma_start3A_130 = tpu.memref_squeeze %dma_start3A_129 : memref<1x2x2048xi32, #tpu.memory_space<hbm>> -> memref<2x2048xi32, #tpu.memory_space<hbm>>
      tpu.enqueue_dma source(%dma_start3A_130 : memref<2x2048xi32, #tpu.memory_space<hbm>>) target(%dma_start3A_126 : memref<2x2048xi32, #tpu.memory_space<vmem>>) target_semaphore(%arg10 : memref<!tpu.dma_semaphore, #tpu.memory_space<semaphore_mem>>)
      %dma_wait3A_131 = arith.constant 1 : i32
      %dma_wait3A_132 = arith.constant 0 : i32
      %dma_wait3A_133 = arith.constant 0 : i32
      %dma_wait3A_134 = tpu.memref_slice %arg9[%dma_wait3A_131, %dma_wait3A_132, %dma_wait3A_133] : memref<2x2x2048xi32, #tpu.memory_space<vmem>> -> memref<1x2x2048xi32, #tpu.memory_space<vmem>>
      %dma_wait3A_135 = tpu.memref_squeeze %dma_wait3A_134 : memref<1x2x2048xi32, #tpu.memory_space<vmem>> -> memref<2x2048xi32, #tpu.memory_space<vmem>>
      %dma_wait3A_136 = arith.constant 0 : i32
      %dma_wait3A_137 = arith.constant 0 : i32
      %dma_wait3A_138 = tpu.memref_slice %arg3[%add3A_110, %dma_wait3A_136, %dma_wait3A_137] : memref<158x2x2048xi32, #tpu.memory_space<hbm>> -> memref<1x2x2048xi32, #tpu.memory_space<hbm>>
      %dma_wait3A_139 = tpu.memref_squeeze %dma_wait3A_138 : memref<1x2x2048xi32, #tpu.memory_space<hbm>> -> memref<2x2048xi32, #tpu.memory_space<hbm>>
      %dma_wait3A_140 = arith.constant 0 : i32
      %dma_wait3A_141 = arith.constant 0 : i32
      %dma_wait3A_142 = tpu.memref_slice %arg9[%dma_wait3A_131, %dma_wait3A_140, %dma_wait3A_141] : memref<2x2x2048xi32, #tpu.memory_space<vmem>> -> memref<1x2x2048xi32, #tpu.memory_space<vmem>>
      %dma_wait3A_143 = tpu.memref_squeeze %dma_wait3A_142 : memref<1x2x2048xi32, #tpu.memory_space<vmem>> -> memref<2x2048xi32, #tpu.memory_space<vmem>>
      %dma_wait3A_144 = arith.constant 0 : i32
      %dma_wait3A_145 = arith.constant 0 : i32
      %dma_wait3A_146 = tpu.memref_slice %arg3[%add3A_110, %dma_wait3A_144, %dma_wait3A_145] : memref<158x2x2048xi32, #tpu.memory_space<hbm>> -> memref<1x2x2048xi32, #tpu.memory_space<hbm>>
      %dma_wait3A_147 = tpu.memref_squeeze %dma_wait3A_146 : memref<1x2x2048xi32, #tpu.memory_space<hbm>> -> memref<2x2048xi32, #tpu.memory_space<hbm>>
      tpu.wait_dma2 semaphore(%arg11 : memref<!tpu.dma_semaphore, #tpu.memory_space<semaphore_mem>>) src(%dma_wait3A_147 : memref<2x2048xi32, #tpu.memory_space<hbm>>) dst(%dma_wait3A_143 : memref<2x2048xi32, #tpu.memory_space<vmem>>)
      %parallel_loop3A_148 = arith.constant 0 : i32
      %parallel_loop3A_149 = arith.constant 128 : i32
      %parallel_loop3A_150 = arith.constant 1 : i32
      scf.for %parallel_loop3A_151 = %parallel_loop3A_148 to %parallel_loop3A_149 step %parallel_loop3A_150  : i32 {
        %parallel_loop3A_152 = arith.constant 16 : i32
        %parallel_loop3A_153 = arith.muli %parallel_loop3A_151, %parallel_loop3A_152 : i32
        %parallel_loop3A_154 = arith.constant 1 : i32
        %parallel_loop3A_155 = arith.constant 0 : i32
        %parallel_loop3A_156 = arith.index_cast %parallel_loop3A_154 : i32 to index
        %parallel_loop3A_157 = arith.index_cast %parallel_loop3A_155 : i32 to index
        %parallel_loop3A_158 = arith.index_cast %parallel_loop3A_153 : i32 to index
        %parallel_loop3A_159 = tpu.vector_load %arg9[%parallel_loop3A_156, %parallel_loop3A_157, %parallel_loop3A_158] {strides = array<i32>} : memref<2x2x2048xi32, #tpu.memory_space<vmem>>, vector<16xi32>,
        %parallel_loop3A_160 = arith.constant 1 : i32
        %parallel_loop3A_161 = arith.constant 1 : i32
        %parallel_loop3A_162 = arith.index_cast %parallel_loop3A_160 : i32 to index
        %parallel_loop3A_163 = arith.index_cast %parallel_loop3A_161 : i32 to index
        %parallel_loop3A_164 = arith.index_cast %parallel_loop3A_153 : i32 to index
        %parallel_loop3A_165 = tpu.vector_load %arg9[%parallel_loop3A_162, %parallel_loop3A_163, %parallel_loop3A_164] {strides = array<i32>} : memref<2x2x2048xi32, #tpu.memory_space<vmem>>, vector<16xi32>,
        %parallel_loop3A_166 = tpu.vector_load_idx %arg6[%broadcast_in_dim3A_26, %parallel_loop3A_159] : memref<4x10240xf32, #tpu.memory_space<vmem>>[vector<16xi32>, vector<16xi32>], vector<16xf32>,
        tpu.vector_store_idx %arg7[%broadcast_in_dim3A_26, %parallel_loop3A_165], %parallel_loop3A_166 {add = true} : memref<4x10240xf32, #tpu.memory_space<vmem>>[vector<16xi32>, vector<16xi32>], vector<16xf32>,
        %parallel_loop3A_167 = tpu.vector_load_idx %arg6[%broadcast_in_dim3A_28, %parallel_loop3A_159] : memref<4x10240xf32, #tpu.memory_space<vmem>>[vector<16xi32>, vector<16xi32>], vector<16xf32>,
        tpu.vector_store_idx %arg7[%broadcast_in_dim3A_28, %parallel_loop3A_165], %parallel_loop3A_167 {add = true} : memref<4x10240xf32, #tpu.memory_space<vmem>>[vector<16xi32>, vector<16xi32>], vector<16xf32>,
        %parallel_loop3A_168 = tpu.vector_load_idx %arg6[%broadcast_in_dim3A_30, %parallel_loop3A_159] : memref<4x10240xf32, #tpu.memory_space<vmem>>[vector<16xi32>, vector<16xi32>], vector<16xf32>,
        tpu.vector_store_idx %arg7[%broadcast_in_dim3A_30, %parallel_loop3A_165], %parallel_loop3A_168 {add = true} : memref<4x10240xf32, #tpu.memory_space<vmem>>[vector<16xi32>, vector<16xi32>], vector<16xf32>,
        %parallel_loop3A_169 = tpu.vector_load_idx %arg6[%broadcast_in_dim3A_32, %parallel_loop3A_159] : memref<4x10240xf32, #tpu.memory_space<vmem>>[vector<16xi32>, vector<16xi32>], vector<16xf32>,
        tpu.vector_store_idx %arg7[%broadcast_in_dim3A_32, %parallel_loop3A_165], %parallel_loop3A_169 {add = true} : memref<4x10240xf32, #tpu.memory_space<vmem>>[vector<16xi32>, vector<16xi32>], vector<16xf32>,
        tpu.vector_store_idx %arg8[%parallel_loop3A_165], %broadcast_in_dim3A_7 {add = true} : memref<10240xf32, #tpu.memory_space<vmem>>[vector<16xi32>], vector<16xf32>,
      } {sc.loop_unroll_factor = 8 : i64, sc.parallel_access}
    }
    %dma_wait3A = arith.constant 157 : i32
    %dma_wait3A_44 = arith.constant 0 : i32
    %dma_wait3A_45 = arith.constant 0 : i32
    %dma_wait3A_46 = arith.constant 0 : i32
    %dma_wait3A_47 = tpu.memref_slice %arg9[%dma_wait3A_44, %dma_wait3A_45, %dma_wait3A_46] : memref<2x2x2048xi32, #tpu.memory_space<vmem>> -> memref<1x2x2048xi32, #tpu.memory_space<vmem>>
    %dma_wait3A_48 = tpu.memref_squeeze %dma_wait3A_47 : memref<1x2x2048xi32, #tpu.memory_space<vmem>> -> memref<2x2048xi32, #tpu.memory_space<vmem>>
    %dma_wait3A_49 = arith.constant 0 : i32
    %dma_wait3A_50 = arith.constant 0 : i32
    %dma_wait3A_51 = tpu.memref_slice %arg3[%dma_wait3A, %dma_wait3A_49, %dma_wait3A_50] : memref<158x2x2048xi32, #tpu.memory_space<hbm>> -> memref<1x2x2048xi32, #tpu.memory_space<hbm>>
    %dma_wait3A_52 = tpu.memref_squeeze %dma_wait3A_51 : memref<1x2x2048xi32, #tpu.memory_space<hbm>> -> memref<2x2048xi32, #tpu.memory_space<hbm>>
    %dma_wait3A_53 = arith.constant 0 : i32
    %dma_wait3A_54 = arith.constant 0 : i32
    %dma_wait3A_55 = tpu.memref_slice %arg9[%dma_wait3A_44, %dma_wait3A_53, %dma_wait3A_54] : memref<2x2x2048xi32, #tpu.memory_space<vmem>> -> memref<1x2x2048xi32, #tpu.memory_space<vmem>>
    %dma_wait3A_56 = tpu.memref_squeeze %dma_wait3A_55 : memref<1x2x2048xi32, #tpu.memory_space<vmem>> -> memref<2x2048xi32, #tpu.memory_space<vmem>>
    %dma_wait3A_57 = arith.constant 0 : i32
    %dma_wait3A_58 = arith.constant 0 : i32
    %dma_wait3A_59 = tpu.memref_slice %arg3[%dma_wait3A, %dma_wait3A_57, %dma_wait3A_58] : memref<158x2x2048xi32, #tpu.memory_space<hbm>> -> memref<1x2x2048xi32, #tpu.memory_space<hbm>>
    %dma_wait3A_60 = tpu.memref_squeeze %dma_wait3A_59 : memref<1x2x2048xi32, #tpu.memory_space<hbm>> -> memref<2x2048xi32, #tpu.memory_space<hbm>>
    tpu.wait_dma2 semaphore(%arg10 : memref<!tpu.dma_semaphore, #tpu.memory_space<semaphore_mem>>) src(%dma_wait3A_60 : memref<2x2048xi32, #tpu.memory_space<hbm>>) dst(%dma_wait3A_56 : memref<2x2048xi32, #tpu.memory_space<vmem>>)
    "tpu.region"() ({
      %run_scoped3A = tpu.sem_alloc : memref<!tpu.dma_semaphore, #tpu.memory_space<semaphore_mem>>
      %dma_start3A_63 = arith.constant 0 : i32
      %dma_start3A_64 = tpu.memref_slice %arg4[%mul3A_2, %dma_start3A_63] : memref<128x10240xf32, #tpu.memory_space<hbm>> -> memref<4x10240xf32, #tpu.memory_space<hbm>>
      %dma_start3A_65 = arith.constant 0 : i32
      %dma_start3A_66 = tpu.memref_slice %arg4[%mul3A_2, %dma_start3A_65] : memref<128x10240xf32, #tpu.memory_space<hbm>> -> memref<4x10240xf32, #tpu.memory_space<hbm>>
      tpu.enqueue_dma source(%arg7 : memref<4x10240xf32, #tpu.memory_space<vmem>>) target(%dma_start3A_66 : memref<4x10240xf32, #tpu.memory_space<hbm>>) target_semaphore(%run_scoped3A : memref<!tpu.dma_semaphore, #tpu.memory_space<semaphore_mem>>)
      %dma_wait3A_67 = arith.constant 0 : i32
      %dma_wait3A_68 = tpu.memref_slice %arg4[%mul3A_2, %dma_wait3A_67] : memref<128x10240xf32, #tpu.memory_space<hbm>> -> memref<4x10240xf32, #tpu.memory_space<hbm>>
      %dma_wait3A_69 = arith.constant 0 : i32
      %dma_wait3A_70 = tpu.memref_slice %arg4[%mul3A_2, %dma_wait3A_69] : memref<128x10240xf32, #tpu.memory_space<hbm>> -> memref<4x10240xf32, #tpu.memory_space<hbm>>
      tpu.wait_dma2 semaphore(%run_scoped3A : memref<!tpu.dma_semaphore, #tpu.memory_space<semaphore_mem>>) src(%arg7 : memref<4x10240xf32, #tpu.memory_space<vmem>>) dst(%dma_wait3A_70 : memref<4x10240xf32, #tpu.memory_space<hbm>>)
      tpu.yield
    }) : () -> ()
    %eq3A = arith.constant 0 : i32
    %eq3A_61 = arith.cmpi eq, %add3A, %eq3A : i32
    %convert_element_type3A = arith.extui %eq3A_61 : i1 to i32
    %cond3A = arith.constant 0 : i32
    %cond3A_62 = arith.cmpi ne, %convert_element_type3A, %cond3A : i32
    scf.if %cond3A_62 {
      "tpu.region"() ({
        %run_scoped3A = tpu.sem_alloc : memref<!tpu.dma_semaphore, #tpu.memory_space<semaphore_mem>>
        tpu.enqueue_dma source(%arg8 : memref<10240xf32, #tpu.memory_space<vmem>>) target(%arg5 : memref<10240xf32, #tpu.memory_space<hbm>>) target_semaphore(%run_scoped3A : memref<!tpu.dma_semaphore, #tpu.memory_space<semaphore_mem>>)
        tpu.wait_dma2 semaphore(%run_scoped3A : memref<!tpu.dma_semaphore, #tpu.memory_space<semaphore_mem>>) src(%arg8 : memref<10240xf32, #tpu.memory_space<vmem>>) dst(%arg5 : memref<10240xf32, #tpu.memory_space<hbm>>)
        tpu.yield
      }) : () -> ()
    } else {
    }
    return
  }
}

#map = affine_map<(d0, d1) -> (0, 0)>
#map1 = affine_map<(d0, d1) -> (0, 0, 0)>
module attributes {stable_mosaic.version = 14 : i64} {
  func.func @_sc_agg(%arg0: i32, %arg1: i32, %arg2: memref<128x10240xf32, #tpu.memory_space<hbm>>, %arg3: memref<158x2x2048xi32, #tpu.memory_space<hbm>>, %arg4: memref<128x10240xf32, #tpu.memory_space<hbm>>, %arg5: memref<4x10240xf32, #tpu.memory_space<vmem>>, %arg6: memref<4x10240xf32, #tpu.memory_space<vmem>>, %arg7: memref<2x2x2048xi32, #tpu.memory_space<vmem>>, %arg8: memref<!tpu.dma_semaphore, #tpu.memory_space<semaphore_mem>>, %arg9: memref<!tpu.dma_semaphore, #tpu.memory_space<semaphore_mem>>) attributes {dimension_semantics = [#tpu.dimension_semantics<core_parallel>, #tpu.dimension_semantics<subcore_parallel>], iteration_bounds = array<i64: 2, 16>, scalar_prefetch = 0 : i64, scratch_operands = 5 : i64, tpu.core_type = #tpu.core_type<sc_vector_subcore>, window_params = [{transform_indices = #map}, {transform_indices = #map1}, {transform_indices = #map}]} {
    %mul3A = arith.constant 16 : i32
    %mul3A_0 = arith.muli %arg0, %mul3A : i32
    %add3A = arith.addi %mul3A_0, %arg1 : i32
    %mul3A_1 = arith.constant 4 : i32
    %mul3A_2 = arith.muli %add3A, %mul3A_1 : i32
    "tpu.region"() ({
      %run_scoped3A = tpu.sem_alloc : memref<!tpu.dma_semaphore, #tpu.memory_space<semaphore_mem>>
      %dma_start3A_61 = arith.constant 0 : i32
      %dma_start3A_62 = tpu.memref_slice %arg2[%mul3A_2, %dma_start3A_61] : memref<128x10240xf32, #tpu.memory_space<hbm>> -> memref<4x10240xf32, #tpu.memory_space<hbm>>
      %dma_start3A_63 = arith.constant 0 : i32
      %dma_start3A_64 = tpu.memref_slice %arg2[%mul3A_2, %dma_start3A_63] : memref<128x10240xf32, #tpu.memory_space<hbm>> -> memref<4x10240xf32, #tpu.memory_space<hbm>>
      tpu.enqueue_dma source(%dma_start3A_64 : memref<4x10240xf32, #tpu.memory_space<hbm>>) target(%arg5 : memref<4x10240xf32, #tpu.memory_space<vmem>>) target_semaphore(%run_scoped3A : memref<!tpu.dma_semaphore, #tpu.memory_space<semaphore_mem>>)
      %dma_wait3A_65 = arith.constant 0 : i32
      %dma_wait3A_66 = tpu.memref_slice %arg2[%mul3A_2, %dma_wait3A_65] : memref<128x10240xf32, #tpu.memory_space<hbm>> -> memref<4x10240xf32, #tpu.memory_space<hbm>>
      %dma_wait3A_67 = arith.constant 0 : i32
      %dma_wait3A_68 = tpu.memref_slice %arg2[%mul3A_2, %dma_wait3A_67] : memref<128x10240xf32, #tpu.memory_space<hbm>> -> memref<4x10240xf32, #tpu.memory_space<hbm>>
      tpu.wait_dma2 semaphore(%run_scoped3A : memref<!tpu.dma_semaphore, #tpu.memory_space<semaphore_mem>>) src(%dma_wait3A_68 : memref<4x10240xf32, #tpu.memory_space<hbm>>) dst(%arg5 : memref<4x10240xf32, #tpu.memory_space<vmem>>)
      tpu.yield
    }) : () -> ()
    %broadcast_in_dim3A = arith.constant 0.000000e+00 : f32
    %broadcast_in_dim3A_3 = vector.broadcast %broadcast_in_dim3A : f32 to vector<16xf32>
    %parallel_loop3A = arith.constant 0 : i32
    %parallel_loop3A_4 = arith.constant 640 : i32
    %parallel_loop3A_5 = arith.constant 1 : i32
    scf.for %parallel_loop3A_61 = %parallel_loop3A to %parallel_loop3A_4 step %parallel_loop3A_5  : i32 {
      %parallel_loop3A_62 = arith.constant 16 : i32
      %parallel_loop3A_63 = arith.muli %parallel_loop3A_61, %parallel_loop3A_62 : i32
      %parallel_loop3A_64 = arith.constant 0 : i32
      %parallel_loop3A_65 = arith.index_cast %parallel_loop3A_64 : i32 to index
      %parallel_loop3A_66 = arith.index_cast %parallel_loop3A_63 : i32 to index
      %parallel_loop3A_67 = tpu.vector_load %arg6[%parallel_loop3A_65, %parallel_loop3A_66] {strides = array<i32>} : memref<4x10240xf32, #tpu.memory_space<vmem>>, vector<16xf32>,
      tpu.vector_store %arg6[%parallel_loop3A_65, %parallel_loop3A_66], %broadcast_in_dim3A_3 {strides = array<i32>} : memref<4x10240xf32, #tpu.memory_space<vmem>>, vector<16xf32>,
      %parallel_loop3A_68 = arith.constant 1 : i32
      %parallel_loop3A_69 = arith.index_cast %parallel_loop3A_68 : i32 to index
      %parallel_loop3A_70 = arith.index_cast %parallel_loop3A_63 : i32 to index
      %parallel_loop3A_71 = tpu.vector_load %arg6[%parallel_loop3A_69, %parallel_loop3A_70] {strides = array<i32>} : memref<4x10240xf32, #tpu.memory_space<vmem>>, vector<16xf32>,
      tpu.vector_store %arg6[%parallel_loop3A_69, %parallel_loop3A_70], %broadcast_in_dim3A_3 {strides = array<i32>} : memref<4x10240xf32, #tpu.memory_space<vmem>>, vector<16xf32>,
      %parallel_loop3A_72 = arith.constant 2 : i32
      %parallel_loop3A_73 = arith.index_cast %parallel_loop3A_72 : i32 to index
      %parallel_loop3A_74 = arith.index_cast %parallel_loop3A_63 : i32 to index
      %parallel_loop3A_75 = tpu.vector_load %arg6[%parallel_loop3A_73, %parallel_loop3A_74] {strides = array<i32>} : memref<4x10240xf32, #tpu.memory_space<vmem>>, vector<16xf32>,
      tpu.vector_store %arg6[%parallel_loop3A_73, %parallel_loop3A_74], %broadcast_in_dim3A_3 {strides = array<i32>} : memref<4x10240xf32, #tpu.memory_space<vmem>>, vector<16xf32>,
      %parallel_loop3A_76 = arith.constant 3 : i32
      %parallel_loop3A_77 = arith.index_cast %parallel_loop3A_76 : i32 to index
      %parallel_loop3A_78 = arith.index_cast %parallel_loop3A_63 : i32 to index
      %parallel_loop3A_79 = tpu.vector_load %arg6[%parallel_loop3A_77, %parallel_loop3A_78] {strides = array<i32>} : memref<4x10240xf32, #tpu.memory_space<vmem>>, vector<16xf32>,
      tpu.vector_store %arg6[%parallel_loop3A_77, %parallel_loop3A_78], %broadcast_in_dim3A_3 {strides = array<i32>} : memref<4x10240xf32, #tpu.memory_space<vmem>>, vector<16xf32>,
    } {sc.loop_unroll_factor = 4 : i64, sc.parallel_access}
    %broadcast_in_dim3A_6 = arith.constant 1.000000e+00 : f32
    %broadcast_in_dim3A_7 = vector.broadcast %broadcast_in_dim3A_6 : f32 to vector<16xf32>
    %dma_start3A = arith.constant 0 : i32
    %dma_start3A_8 = arith.constant 0 : i32
    %dma_start3A_9 = arith.constant 0 : i32
    %dma_start3A_10 = arith.constant 0 : i32
    %dma_start3A_11 = tpu.memref_slice %arg7[%dma_start3A_8, %dma_start3A_9, %dma_start3A_10] : memref<2x2x2048xi32, #tpu.memory_space<vmem>> -> memref<1x2x2048xi32, #tpu.memory_space<vmem>>
    %dma_start3A_12 = tpu.memref_squeeze %dma_start3A_11 : memref<1x2x2048xi32, #tpu.memory_space<vmem>> -> memref<2x2048xi32, #tpu.memory_space<vmem>>
    %dma_start3A_13 = arith.constant 0 : i32
    %dma_start3A_14 = arith.constant 0 : i32
    %dma_start3A_15 = tpu.memref_slice %arg3[%dma_start3A, %dma_start3A_13, %dma_start3A_14] : memref<158x2x2048xi32, #tpu.memory_space<hbm>> -> memref<1x2x2048xi32, #tpu.memory_space<hbm>>
    %dma_start3A_16 = tpu.memref_squeeze %dma_start3A_15 : memref<1x2x2048xi32, #tpu.memory_space<hbm>> -> memref<2x2048xi32, #tpu.memory_space<hbm>>
    %dma_start3A_17 = arith.constant 0 : i32
    %dma_start3A_18 = arith.constant 0 : i32
    %dma_start3A_19 = tpu.memref_slice %arg7[%dma_start3A_8, %dma_start3A_17, %dma_start3A_18] : memref<2x2x2048xi32, #tpu.memory_space<vmem>> -> memref<1x2x2048xi32, #tpu.memory_space<vmem>>
    %dma_start3A_20 = tpu.memref_squeeze %dma_start3A_19 : memref<1x2x2048xi32, #tpu.memory_space<vmem>> -> memref<2x2048xi32, #tpu.memory_space<vmem>>
    %dma_start3A_21 = arith.constant 0 : i32
    %dma_start3A_22 = arith.constant 0 : i32
    %dma_start3A_23 = tpu.memref_slice %arg3[%dma_start3A, %dma_start3A_21, %dma_start3A_22] : memref<158x2x2048xi32, #tpu.memory_space<hbm>> -> memref<1x2x2048xi32, #tpu.memory_space<hbm>>
    %dma_start3A_24 = tpu.memref_squeeze %dma_start3A_23 : memref<1x2x2048xi32, #tpu.memory_space<hbm>> -> memref<2x2048xi32, #tpu.memory_space<hbm>>
    tpu.enqueue_dma source(%dma_start3A_24 : memref<2x2048xi32, #tpu.memory_space<hbm>>) target(%dma_start3A_20 : memref<2x2048xi32, #tpu.memory_space<vmem>>) target_semaphore(%arg8 : memref<!tpu.dma_semaphore, #tpu.memory_space<semaphore_mem>>)
    %broadcast_in_dim3A_25 = arith.constant 0 : i32
    %broadcast_in_dim3A_26 = vector.broadcast %broadcast_in_dim3A_25 : i32 to vector<16xi32>
    %broadcast_in_dim3A_27 = arith.constant 1 : i32
    %broadcast_in_dim3A_28 = vector.broadcast %broadcast_in_dim3A_27 : i32 to vector<16xi32>
    %broadcast_in_dim3A_29 = arith.constant 2 : i32
    %broadcast_in_dim3A_30 = vector.broadcast %broadcast_in_dim3A_29 : i32 to vector<16xi32>
    %broadcast_in_dim3A_31 = arith.constant 3 : i32
    %broadcast_in_dim3A_32 = vector.broadcast %broadcast_in_dim3A_31 : i32 to vector<16xi32>
    %while3A = arith.constant 0 : i32
    %while3A_33 = arith.constant 157 : i32
    %while3A_34 = arith.constant 0 : i32
    %while3A_35 = arith.constant 79 : i32
    %while3A_36 = arith.subi %while3A_35, %while3A_34 : i32
    %while3A_37 = arith.addi %while3A_34, %while3A_36 : i32
    %while3A_38 = arith.constant 1 : i32
    %while3A_39 = arith.divsi %while3A_36, %while3A_38 : i32
    %while3A_40 = arith.muli %while3A_39, %while3A_38 : i32
    %while3A_41 = arith.addi %while3A_34, %while3A_40 : i32
    %while3A_42 = arith.constant 1 : i32
    scf.for %while3A_61 = %while3A_34 to %while3A_41 step %while3A_42  : i32 {
      %mul3A_62 = arith.constant 2 : i32
      %mul3A_63 = arith.muli %while3A_61, %mul3A_62 : i32
      %add3A_64 = arith.constant 0 : i32
      %add3A_65 = arith.addi %mul3A_63, %add3A_64 : i32
      %add3A_66 = arith.constant 1 : i32
      %add3A_67 = arith.addi %add3A_65, %add3A_66 : i32
      %min3A = arith.minsi %add3A_67, %while3A_33 : i32
      %dma_start3A_68 = arith.constant 1 : i32
      %dma_start3A_69 = arith.constant 0 : i32
      %dma_start3A_70 = arith.constant 0 : i32
      %dma_start3A_71 = tpu.memref_slice %arg7[%dma_start3A_68, %dma_start3A_69, %dma_start3A_70] : memref<2x2x2048xi32, #tpu.memory_space<vmem>> -> memref<1x2x2048xi32, #tpu.memory_space<vmem>>
      %dma_start3A_72 = tpu.memref_squeeze %dma_start3A_71 : memref<1x2x2048xi32, #tpu.memory_space<vmem>> -> memref<2x2048xi32, #tpu.memory_space<vmem>>
      %dma_start3A_73 = arith.constant 0 : i32
      %dma_start3A_74 = arith.constant 0 : i32
      %dma_start3A_75 = tpu.memref_slice %arg3[%min3A, %dma_start3A_73, %dma_start3A_74] : memref<158x2x2048xi32, #tpu.memory_space<hbm>> -> memref<1x2x2048xi32, #tpu.memory_space<hbm>>
      %dma_start3A_76 = tpu.memref_squeeze %dma_start3A_75 : memref<1x2x2048xi32, #tpu.memory_space<hbm>> -> memref<2x2048xi32, #tpu.memory_space<hbm>>
      %dma_start3A_77 = arith.constant 0 : i32
      %dma_start3A_78 = arith.constant 0 : i32
      %dma_start3A_79 = tpu.memref_slice %arg7[%dma_start3A_68, %dma_start3A_77, %dma_start3A_78] : memref<2x2x2048xi32, #tpu.memory_space<vmem>> -> memref<1x2x2048xi32, #tpu.memory_space<vmem>>
      %dma_start3A_80 = tpu.memref_squeeze %dma_start3A_79 : memref<1x2x2048xi32, #tpu.memory_space<vmem>> -> memref<2x2048xi32, #tpu.memory_space<vmem>>
      %dma_start3A_81 = arith.constant 0 : i32
      %dma_start3A_82 = arith.constant 0 : i32
      %dma_start3A_83 = tpu.memref_slice %arg3[%min3A, %dma_start3A_81, %dma_start3A_82] : memref<158x2x2048xi32, #tpu.memory_space<hbm>> -> memref<1x2x2048xi32, #tpu.memory_space<hbm>>
      %dma_start3A_84 = tpu.memref_squeeze %dma_start3A_83 : memref<1x2x2048xi32, #tpu.memory_space<hbm>> -> memref<2x2048xi32, #tpu.memory_space<hbm>>
      tpu.enqueue_dma source(%dma_start3A_84 : memref<2x2048xi32, #tpu.memory_space<hbm>>) target(%dma_start3A_80 : memref<2x2048xi32, #tpu.memory_space<vmem>>) target_semaphore(%arg9 : memref<!tpu.dma_semaphore, #tpu.memory_space<semaphore_mem>>)
      %dma_wait3A_85 = arith.constant 0 : i32
      %dma_wait3A_86 = arith.constant 0 : i32
      %dma_wait3A_87 = arith.constant 0 : i32
      %dma_wait3A_88 = tpu.memref_slice %arg7[%dma_wait3A_85, %dma_wait3A_86, %dma_wait3A_87] : memref<2x2x2048xi32, #tpu.memory_space<vmem>> -> memref<1x2x2048xi32, #tpu.memory_space<vmem>>
      %dma_wait3A_89 = tpu.memref_squeeze %dma_wait3A_88 : memref<1x2x2048xi32, #tpu.memory_space<vmem>> -> memref<2x2048xi32, #tpu.memory_space<vmem>>
      %dma_wait3A_90 = arith.constant 0 : i32
      %dma_wait3A_91 = arith.constant 0 : i32
      %dma_wait3A_92 = tpu.memref_slice %arg3[%add3A_65, %dma_wait3A_90, %dma_wait3A_91] : memref<158x2x2048xi32, #tpu.memory_space<hbm>> -> memref<1x2x2048xi32, #tpu.memory_space<hbm>>
      %dma_wait3A_93 = tpu.memref_squeeze %dma_wait3A_92 : memref<1x2x2048xi32, #tpu.memory_space<hbm>> -> memref<2x2048xi32, #tpu.memory_space<hbm>>
      %dma_wait3A_94 = arith.constant 0 : i32
      %dma_wait3A_95 = arith.constant 0 : i32
      %dma_wait3A_96 = tpu.memref_slice %arg7[%dma_wait3A_85, %dma_wait3A_94, %dma_wait3A_95] : memref<2x2x2048xi32, #tpu.memory_space<vmem>> -> memref<1x2x2048xi32, #tpu.memory_space<vmem>>
      %dma_wait3A_97 = tpu.memref_squeeze %dma_wait3A_96 : memref<1x2x2048xi32, #tpu.memory_space<vmem>> -> memref<2x2048xi32, #tpu.memory_space<vmem>>
      %dma_wait3A_98 = arith.constant 0 : i32
      %dma_wait3A_99 = arith.constant 0 : i32
      %dma_wait3A_100 = tpu.memref_slice %arg3[%add3A_65, %dma_wait3A_98, %dma_wait3A_99] : memref<158x2x2048xi32, #tpu.memory_space<hbm>> -> memref<1x2x2048xi32, #tpu.memory_space<hbm>>
      %dma_wait3A_101 = tpu.memref_squeeze %dma_wait3A_100 : memref<1x2x2048xi32, #tpu.memory_space<hbm>> -> memref<2x2048xi32, #tpu.memory_space<hbm>>
      tpu.wait_dma2 semaphore(%arg8 : memref<!tpu.dma_semaphore, #tpu.memory_space<semaphore_mem>>) src(%dma_wait3A_101 : memref<2x2048xi32, #tpu.memory_space<hbm>>) dst(%dma_wait3A_97 : memref<2x2048xi32, #tpu.memory_space<vmem>>)
      %parallel_loop3A_102 = arith.constant 0 : i32
      %parallel_loop3A_103 = arith.constant 128 : i32
      %parallel_loop3A_104 = arith.constant 1 : i32
      scf.for %parallel_loop3A_149 = %parallel_loop3A_102 to %parallel_loop3A_103 step %parallel_loop3A_104  : i32 {
        %parallel_loop3A_150 = arith.constant 16 : i32
        %parallel_loop3A_151 = arith.muli %parallel_loop3A_149, %parallel_loop3A_150 : i32
        %parallel_loop3A_152 = arith.constant 0 : i32
        %parallel_loop3A_153 = arith.constant 0 : i32
        %parallel_loop3A_154 = arith.index_cast %parallel_loop3A_152 : i32 to index
        %parallel_loop3A_155 = arith.index_cast %parallel_loop3A_153 : i32 to index
        %parallel_loop3A_156 = arith.index_cast %parallel_loop3A_151 : i32 to index
        %parallel_loop3A_157 = tpu.vector_load %arg7[%parallel_loop3A_154, %parallel_loop3A_155, %parallel_loop3A_156] {strides = array<i32>} : memref<2x2x2048xi32, #tpu.memory_space<vmem>>, vector<16xi32>,
        %parallel_loop3A_158 = arith.constant 0 : i32
        %parallel_loop3A_159 = arith.constant 1 : i32
        %parallel_loop3A_160 = arith.index_cast %parallel_loop3A_158 : i32 to index
        %parallel_loop3A_161 = arith.index_cast %parallel_loop3A_159 : i32 to index
        %parallel_loop3A_162 = arith.index_cast %parallel_loop3A_151 : i32 to index
        %parallel_loop3A_163 = tpu.vector_load %arg7[%parallel_loop3A_160, %parallel_loop3A_161, %parallel_loop3A_162] {strides = array<i32>} : memref<2x2x2048xi32, #tpu.memory_space<vmem>>, vector<16xi32>,
        %parallel_loop3A_164 = tpu.vector_load_idx %arg5[%broadcast_in_dim3A_26, %parallel_loop3A_157] : memref<4x10240xf32, #tpu.memory_space<vmem>>[vector<16xi32>, vector<16xi32>], vector<16xf32>,
        tpu.vector_store_idx %arg6[%broadcast_in_dim3A_26, %parallel_loop3A_163], %parallel_loop3A_164 {add = true} : memref<4x10240xf32, #tpu.memory_space<vmem>>[vector<16xi32>, vector<16xi32>], vector<16xf32>,
        %parallel_loop3A_165 = tpu.vector_load_idx %arg5[%broadcast_in_dim3A_28, %parallel_loop3A_157] : memref<4x10240xf32, #tpu.memory_space<vmem>>[vector<16xi32>, vector<16xi32>], vector<16xf32>,
        tpu.vector_store_idx %arg6[%broadcast_in_dim3A_28, %parallel_loop3A_163], %parallel_loop3A_165 {add = true} : memref<4x10240xf32, #tpu.memory_space<vmem>>[vector<16xi32>, vector<16xi32>], vector<16xf32>,
        %parallel_loop3A_166 = tpu.vector_load_idx %arg5[%broadcast_in_dim3A_30, %parallel_loop3A_157] : memref<4x10240xf32, #tpu.memory_space<vmem>>[vector<16xi32>, vector<16xi32>], vector<16xf32>,
        tpu.vector_store_idx %arg6[%broadcast_in_dim3A_30, %parallel_loop3A_163], %parallel_loop3A_166 {add = true} : memref<4x10240xf32, #tpu.memory_space<vmem>>[vector<16xi32>, vector<16xi32>], vector<16xf32>,
        %parallel_loop3A_167 = tpu.vector_load_idx %arg5[%broadcast_in_dim3A_32, %parallel_loop3A_157] : memref<4x10240xf32, #tpu.memory_space<vmem>>[vector<16xi32>, vector<16xi32>], vector<16xf32>,
        tpu.vector_store_idx %arg6[%broadcast_in_dim3A_32, %parallel_loop3A_163], %parallel_loop3A_167 {add = true} : memref<4x10240xf32, #tpu.memory_space<vmem>>[vector<16xi32>, vector<16xi32>], vector<16xf32>,
      } {sc.loop_unroll_factor = 8 : i64, sc.parallel_access}
      %mul3A_105 = arith.constant 2 : i32
      %mul3A_106 = arith.muli %while3A_61, %mul3A_105 : i32
      %add3A_107 = arith.constant 1 : i32
      %add3A_108 = arith.addi %mul3A_106, %add3A_107 : i32
      %add3A_109 = arith.constant 1 : i32
      %add3A_110 = arith.addi %add3A_108, %add3A_109 : i32
      %min3A_111 = arith.minsi %add3A_110, %while3A_33 : i32
      %dma_start3A_112 = arith.constant 0 : i32
      %dma_start3A_113 = arith.constant 0 : i32
      %dma_start3A_114 = arith.constant 0 : i32
      %dma_start3A_115 = tpu.memref_slice %arg7[%dma_start3A_112, %dma_start3A_113, %dma_start3A_114] : memref<2x2x2048xi32, #tpu.memory_space<vmem>> -> memref<1x2x2048xi32, #tpu.memory_space<vmem>>
      %dma_start3A_116 = tpu.memref_squeeze %dma_start3A_115 : memref<1x2x2048xi32, #tpu.memory_space<vmem>> -> memref<2x2048xi32, #tpu.memory_space<vmem>>
      %dma_start3A_117 = arith.constant 0 : i32
      %dma_start3A_118 = arith.constant 0 : i32
      %dma_start3A_119 = tpu.memref_slice %arg3[%min3A_111, %dma_start3A_117, %dma_start3A_118] : memref<158x2x2048xi32, #tpu.memory_space<hbm>> -> memref<1x2x2048xi32, #tpu.memory_space<hbm>>
      %dma_start3A_120 = tpu.memref_squeeze %dma_start3A_119 : memref<1x2x2048xi32, #tpu.memory_space<hbm>> -> memref<2x2048xi32, #tpu.memory_space<hbm>>
      %dma_start3A_121 = arith.constant 0 : i32
      %dma_start3A_122 = arith.constant 0 : i32
      %dma_start3A_123 = tpu.memref_slice %arg7[%dma_start3A_112, %dma_start3A_121, %dma_start3A_122] : memref<2x2x2048xi32, #tpu.memory_space<vmem>> -> memref<1x2x2048xi32, #tpu.memory_space<vmem>>
      %dma_start3A_124 = tpu.memref_squeeze %dma_start3A_123 : memref<1x2x2048xi32, #tpu.memory_space<vmem>> -> memref<2x2048xi32, #tpu.memory_space<vmem>>
      %dma_start3A_125 = arith.constant 0 : i32
      %dma_start3A_126 = arith.constant 0 : i32
      %dma_start3A_127 = tpu.memref_slice %arg3[%min3A_111, %dma_start3A_125, %dma_start3A_126] : memref<158x2x2048xi32, #tpu.memory_space<hbm>> -> memref<1x2x2048xi32, #tpu.memory_space<hbm>>
      %dma_start3A_128 = tpu.memref_squeeze %dma_start3A_127 : memref<1x2x2048xi32, #tpu.memory_space<hbm>> -> memref<2x2048xi32, #tpu.memory_space<hbm>>
      tpu.enqueue_dma source(%dma_start3A_128 : memref<2x2048xi32, #tpu.memory_space<hbm>>) target(%dma_start3A_124 : memref<2x2048xi32, #tpu.memory_space<vmem>>) target_semaphore(%arg8 : memref<!tpu.dma_semaphore, #tpu.memory_space<semaphore_mem>>)
      %dma_wait3A_129 = arith.constant 1 : i32
      %dma_wait3A_130 = arith.constant 0 : i32
      %dma_wait3A_131 = arith.constant 0 : i32
      %dma_wait3A_132 = tpu.memref_slice %arg7[%dma_wait3A_129, %dma_wait3A_130, %dma_wait3A_131] : memref<2x2x2048xi32, #tpu.memory_space<vmem>> -> memref<1x2x2048xi32, #tpu.memory_space<vmem>>
      %dma_wait3A_133 = tpu.memref_squeeze %dma_wait3A_132 : memref<1x2x2048xi32, #tpu.memory_space<vmem>> -> memref<2x2048xi32, #tpu.memory_space<vmem>>
      %dma_wait3A_134 = arith.constant 0 : i32
      %dma_wait3A_135 = arith.constant 0 : i32
      %dma_wait3A_136 = tpu.memref_slice %arg3[%add3A_108, %dma_wait3A_134, %dma_wait3A_135] : memref<158x2x2048xi32, #tpu.memory_space<hbm>> -> memref<1x2x2048xi32, #tpu.memory_space<hbm>>
      %dma_wait3A_137 = tpu.memref_squeeze %dma_wait3A_136 : memref<1x2x2048xi32, #tpu.memory_space<hbm>> -> memref<2x2048xi32, #tpu.memory_space<hbm>>
      %dma_wait3A_138 = arith.constant 0 : i32
      %dma_wait3A_139 = arith.constant 0 : i32
      %dma_wait3A_140 = tpu.memref_slice %arg7[%dma_wait3A_129, %dma_wait3A_138, %dma_wait3A_139] : memref<2x2x2048xi32, #tpu.memory_space<vmem>> -> memref<1x2x2048xi32, #tpu.memory_space<vmem>>
      %dma_wait3A_141 = tpu.memref_squeeze %dma_wait3A_140 : memref<1x2x2048xi32, #tpu.memory_space<vmem>> -> memref<2x2048xi32, #tpu.memory_space<vmem>>
      %dma_wait3A_142 = arith.constant 0 : i32
      %dma_wait3A_143 = arith.constant 0 : i32
      %dma_wait3A_144 = tpu.memref_slice %arg3[%add3A_108, %dma_wait3A_142, %dma_wait3A_143] : memref<158x2x2048xi32, #tpu.memory_space<hbm>> -> memref<1x2x2048xi32, #tpu.memory_space<hbm>>
      %dma_wait3A_145 = tpu.memref_squeeze %dma_wait3A_144 : memref<1x2x2048xi32, #tpu.memory_space<hbm>> -> memref<2x2048xi32, #tpu.memory_space<hbm>>
      tpu.wait_dma2 semaphore(%arg9 : memref<!tpu.dma_semaphore, #tpu.memory_space<semaphore_mem>>) src(%dma_wait3A_145 : memref<2x2048xi32, #tpu.memory_space<hbm>>) dst(%dma_wait3A_141 : memref<2x2048xi32, #tpu.memory_space<vmem>>)
      %parallel_loop3A_146 = arith.constant 0 : i32
      %parallel_loop3A_147 = arith.constant 128 : i32
      %parallel_loop3A_148 = arith.constant 1 : i32
      scf.for %parallel_loop3A_149 = %parallel_loop3A_146 to %parallel_loop3A_147 step %parallel_loop3A_148  : i32 {
        %parallel_loop3A_150 = arith.constant 16 : i32
        %parallel_loop3A_151 = arith.muli %parallel_loop3A_149, %parallel_loop3A_150 : i32
        %parallel_loop3A_152 = arith.constant 1 : i32
        %parallel_loop3A_153 = arith.constant 0 : i32
        %parallel_loop3A_154 = arith.index_cast %parallel_loop3A_152 : i32 to index
        %parallel_loop3A_155 = arith.index_cast %parallel_loop3A_153 : i32 to index
        %parallel_loop3A_156 = arith.index_cast %parallel_loop3A_151 : i32 to index
        %parallel_loop3A_157 = tpu.vector_load %arg7[%parallel_loop3A_154, %parallel_loop3A_155, %parallel_loop3A_156] {strides = array<i32>} : memref<2x2x2048xi32, #tpu.memory_space<vmem>>, vector<16xi32>,
        %parallel_loop3A_158 = arith.constant 1 : i32
        %parallel_loop3A_159 = arith.constant 1 : i32
        %parallel_loop3A_160 = arith.index_cast %parallel_loop3A_158 : i32 to index
        %parallel_loop3A_161 = arith.index_cast %parallel_loop3A_159 : i32 to index
        %parallel_loop3A_162 = arith.index_cast %parallel_loop3A_151 : i32 to index
        %parallel_loop3A_163 = tpu.vector_load %arg7[%parallel_loop3A_160, %parallel_loop3A_161, %parallel_loop3A_162] {strides = array<i32>} : memref<2x2x2048xi32, #tpu.memory_space<vmem>>, vector<16xi32>,
        %parallel_loop3A_164 = tpu.vector_load_idx %arg5[%broadcast_in_dim3A_26, %parallel_loop3A_157] : memref<4x10240xf32, #tpu.memory_space<vmem>>[vector<16xi32>, vector<16xi32>], vector<16xf32>,
        tpu.vector_store_idx %arg6[%broadcast_in_dim3A_26, %parallel_loop3A_163], %parallel_loop3A_164 {add = true} : memref<4x10240xf32, #tpu.memory_space<vmem>>[vector<16xi32>, vector<16xi32>], vector<16xf32>,
        %parallel_loop3A_165 = tpu.vector_load_idx %arg5[%broadcast_in_dim3A_28, %parallel_loop3A_157] : memref<4x10240xf32, #tpu.memory_space<vmem>>[vector<16xi32>, vector<16xi32>], vector<16xf32>,
        tpu.vector_store_idx %arg6[%broadcast_in_dim3A_28, %parallel_loop3A_163], %parallel_loop3A_165 {add = true} : memref<4x10240xf32, #tpu.memory_space<vmem>>[vector<16xi32>, vector<16xi32>], vector<16xf32>,
        %parallel_loop3A_166 = tpu.vector_load_idx %arg5[%broadcast_in_dim3A_30, %parallel_loop3A_157] : memref<4x10240xf32, #tpu.memory_space<vmem>>[vector<16xi32>, vector<16xi32>], vector<16xf32>,
        tpu.vector_store_idx %arg6[%broadcast_in_dim3A_30, %parallel_loop3A_163], %parallel_loop3A_166 {add = true} : memref<4x10240xf32, #tpu.memory_space<vmem>>[vector<16xi32>, vector<16xi32>], vector<16xf32>,
        %parallel_loop3A_167 = tpu.vector_load_idx %arg5[%broadcast_in_dim3A_32, %parallel_loop3A_157] : memref<4x10240xf32, #tpu.memory_space<vmem>>[vector<16xi32>, vector<16xi32>], vector<16xf32>,
        tpu.vector_store_idx %arg6[%broadcast_in_dim3A_32, %parallel_loop3A_163], %parallel_loop3A_167 {add = true} : memref<4x10240xf32, #tpu.memory_space<vmem>>[vector<16xi32>, vector<16xi32>], vector<16xf32>,
      } {sc.loop_unroll_factor = 8 : i64, sc.parallel_access}
    }
    %while3A_43 = arith.constant 1 : i32
    scf.for %while3A_61 = %while3A_41 to %while3A_37 step %while3A_43  : i32 {
      %mul3A_62 = arith.constant 2 : i32
      %mul3A_63 = arith.muli %while3A_61, %mul3A_62 : i32
      %add3A_64 = arith.constant 0 : i32
      %add3A_65 = arith.addi %mul3A_63, %add3A_64 : i32
      %add3A_66 = arith.constant 1 : i32
      %add3A_67 = arith.addi %add3A_65, %add3A_66 : i32
      %min3A = arith.minsi %add3A_67, %while3A_33 : i32
      %dma_start3A_68 = arith.constant 1 : i32
      %dma_start3A_69 = arith.constant 0 : i32
      %dma_start3A_70 = arith.constant 0 : i32
      %dma_start3A_71 = tpu.memref_slice %arg7[%dma_start3A_68, %dma_start3A_69, %dma_start3A_70] : memref<2x2x2048xi32, #tpu.memory_space<vmem>> -> memref<1x2x2048xi32, #tpu.memory_space<vmem>>
      %dma_start3A_72 = tpu.memref_squeeze %dma_start3A_71 : memref<1x2x2048xi32, #tpu.memory_space<vmem>> -> memref<2x2048xi32, #tpu.memory_space<vmem>>
      %dma_start3A_73 = arith.constant 0 : i32
      %dma_start3A_74 = arith.constant 0 : i32
      %dma_start3A_75 = tpu.memref_slice %arg3[%min3A, %dma_start3A_73, %dma_start3A_74] : memref<158x2x2048xi32, #tpu.memory_space<hbm>> -> memref<1x2x2048xi32, #tpu.memory_space<hbm>>
      %dma_start3A_76 = tpu.memref_squeeze %dma_start3A_75 : memref<1x2x2048xi32, #tpu.memory_space<hbm>> -> memref<2x2048xi32, #tpu.memory_space<hbm>>
      %dma_start3A_77 = arith.constant 0 : i32
      %dma_start3A_78 = arith.constant 0 : i32
      %dma_start3A_79 = tpu.memref_slice %arg7[%dma_start3A_68, %dma_start3A_77, %dma_start3A_78] : memref<2x2x2048xi32, #tpu.memory_space<vmem>> -> memref<1x2x2048xi32, #tpu.memory_space<vmem>>
      %dma_start3A_80 = tpu.memref_squeeze %dma_start3A_79 : memref<1x2x2048xi32, #tpu.memory_space<vmem>> -> memref<2x2048xi32, #tpu.memory_space<vmem>>
      %dma_start3A_81 = arith.constant 0 : i32
      %dma_start3A_82 = arith.constant 0 : i32
      %dma_start3A_83 = tpu.memref_slice %arg3[%min3A, %dma_start3A_81, %dma_start3A_82] : memref<158x2x2048xi32, #tpu.memory_space<hbm>> -> memref<1x2x2048xi32, #tpu.memory_space<hbm>>
      %dma_start3A_84 = tpu.memref_squeeze %dma_start3A_83 : memref<1x2x2048xi32, #tpu.memory_space<hbm>> -> memref<2x2048xi32, #tpu.memory_space<hbm>>
      tpu.enqueue_dma source(%dma_start3A_84 : memref<2x2048xi32, #tpu.memory_space<hbm>>) target(%dma_start3A_80 : memref<2x2048xi32, #tpu.memory_space<vmem>>) target_semaphore(%arg9 : memref<!tpu.dma_semaphore, #tpu.memory_space<semaphore_mem>>)
      %dma_wait3A_85 = arith.constant 0 : i32
      %dma_wait3A_86 = arith.constant 0 : i32
      %dma_wait3A_87 = arith.constant 0 : i32
      %dma_wait3A_88 = tpu.memref_slice %arg7[%dma_wait3A_85, %dma_wait3A_86, %dma_wait3A_87] : memref<2x2x2048xi32, #tpu.memory_space<vmem>> -> memref<1x2x2048xi32, #tpu.memory_space<vmem>>
      %dma_wait3A_89 = tpu.memref_squeeze %dma_wait3A_88 : memref<1x2x2048xi32, #tpu.memory_space<vmem>> -> memref<2x2048xi32, #tpu.memory_space<vmem>>
      %dma_wait3A_90 = arith.constant 0 : i32
      %dma_wait3A_91 = arith.constant 0 : i32
      %dma_wait3A_92 = tpu.memref_slice %arg3[%add3A_65, %dma_wait3A_90, %dma_wait3A_91] : memref<158x2x2048xi32, #tpu.memory_space<hbm>> -> memref<1x2x2048xi32, #tpu.memory_space<hbm>>
      %dma_wait3A_93 = tpu.memref_squeeze %dma_wait3A_92 : memref<1x2x2048xi32, #tpu.memory_space<hbm>> -> memref<2x2048xi32, #tpu.memory_space<hbm>>
      %dma_wait3A_94 = arith.constant 0 : i32
      %dma_wait3A_95 = arith.constant 0 : i32
      %dma_wait3A_96 = tpu.memref_slice %arg7[%dma_wait3A_85, %dma_wait3A_94, %dma_wait3A_95] : memref<2x2x2048xi32, #tpu.memory_space<vmem>> -> memref<1x2x2048xi32, #tpu.memory_space<vmem>>
      %dma_wait3A_97 = tpu.memref_squeeze %dma_wait3A_96 : memref<1x2x2048xi32, #tpu.memory_space<vmem>> -> memref<2x2048xi32, #tpu.memory_space<vmem>>
      %dma_wait3A_98 = arith.constant 0 : i32
      %dma_wait3A_99 = arith.constant 0 : i32
      %dma_wait3A_100 = tpu.memref_slice %arg3[%add3A_65, %dma_wait3A_98, %dma_wait3A_99] : memref<158x2x2048xi32, #tpu.memory_space<hbm>> -> memref<1x2x2048xi32, #tpu.memory_space<hbm>>
      %dma_wait3A_101 = tpu.memref_squeeze %dma_wait3A_100 : memref<1x2x2048xi32, #tpu.memory_space<hbm>> -> memref<2x2048xi32, #tpu.memory_space<hbm>>
      tpu.wait_dma2 semaphore(%arg8 : memref<!tpu.dma_semaphore, #tpu.memory_space<semaphore_mem>>) src(%dma_wait3A_101 : memref<2x2048xi32, #tpu.memory_space<hbm>>) dst(%dma_wait3A_97 : memref<2x2048xi32, #tpu.memory_space<vmem>>)
      %parallel_loop3A_102 = arith.constant 0 : i32
      %parallel_loop3A_103 = arith.constant 128 : i32
      %parallel_loop3A_104 = arith.constant 1 : i32
      scf.for %parallel_loop3A_149 = %parallel_loop3A_102 to %parallel_loop3A_103 step %parallel_loop3A_104  : i32 {
        %parallel_loop3A_150 = arith.constant 16 : i32
        %parallel_loop3A_151 = arith.muli %parallel_loop3A_149, %parallel_loop3A_150 : i32
        %parallel_loop3A_152 = arith.constant 0 : i32
        %parallel_loop3A_153 = arith.constant 0 : i32
        %parallel_loop3A_154 = arith.index_cast %parallel_loop3A_152 : i32 to index
        %parallel_loop3A_155 = arith.index_cast %parallel_loop3A_153 : i32 to index
        %parallel_loop3A_156 = arith.index_cast %parallel_loop3A_151 : i32 to index
        %parallel_loop3A_157 = tpu.vector_load %arg7[%parallel_loop3A_154, %parallel_loop3A_155, %parallel_loop3A_156] {strides = array<i32>} : memref<2x2x2048xi32, #tpu.memory_space<vmem>>, vector<16xi32>,
        %parallel_loop3A_158 = arith.constant 0 : i32
        %parallel_loop3A_159 = arith.constant 1 : i32
        %parallel_loop3A_160 = arith.index_cast %parallel_loop3A_158 : i32 to index
        %parallel_loop3A_161 = arith.index_cast %parallel_loop3A_159 : i32 to index
        %parallel_loop3A_162 = arith.index_cast %parallel_loop3A_151 : i32 to index
        %parallel_loop3A_163 = tpu.vector_load %arg7[%parallel_loop3A_160, %parallel_loop3A_161, %parallel_loop3A_162] {strides = array<i32>} : memref<2x2x2048xi32, #tpu.memory_space<vmem>>, vector<16xi32>,
        %parallel_loop3A_164 = tpu.vector_load_idx %arg5[%broadcast_in_dim3A_26, %parallel_loop3A_157] : memref<4x10240xf32, #tpu.memory_space<vmem>>[vector<16xi32>, vector<16xi32>], vector<16xf32>,
        tpu.vector_store_idx %arg6[%broadcast_in_dim3A_26, %parallel_loop3A_163], %parallel_loop3A_164 {add = true} : memref<4x10240xf32, #tpu.memory_space<vmem>>[vector<16xi32>, vector<16xi32>], vector<16xf32>,
        %parallel_loop3A_165 = tpu.vector_load_idx %arg5[%broadcast_in_dim3A_28, %parallel_loop3A_157] : memref<4x10240xf32, #tpu.memory_space<vmem>>[vector<16xi32>, vector<16xi32>], vector<16xf32>,
        tpu.vector_store_idx %arg6[%broadcast_in_dim3A_28, %parallel_loop3A_163], %parallel_loop3A_165 {add = true} : memref<4x10240xf32, #tpu.memory_space<vmem>>[vector<16xi32>, vector<16xi32>], vector<16xf32>,
        %parallel_loop3A_166 = tpu.vector_load_idx %arg5[%broadcast_in_dim3A_30, %parallel_loop3A_157] : memref<4x10240xf32, #tpu.memory_space<vmem>>[vector<16xi32>, vector<16xi32>], vector<16xf32>,
        tpu.vector_store_idx %arg6[%broadcast_in_dim3A_30, %parallel_loop3A_163], %parallel_loop3A_166 {add = true} : memref<4x10240xf32, #tpu.memory_space<vmem>>[vector<16xi32>, vector<16xi32>], vector<16xf32>,
        %parallel_loop3A_167 = tpu.vector_load_idx %arg5[%broadcast_in_dim3A_32, %parallel_loop3A_157] : memref<4x10240xf32, #tpu.memory_space<vmem>>[vector<16xi32>, vector<16xi32>], vector<16xf32>,
        tpu.vector_store_idx %arg6[%broadcast_in_dim3A_32, %parallel_loop3A_163], %parallel_loop3A_167 {add = true} : memref<4x10240xf32, #tpu.memory_space<vmem>>[vector<16xi32>, vector<16xi32>], vector<16xf32>,
      } {sc.loop_unroll_factor = 8 : i64, sc.parallel_access}
      %mul3A_105 = arith.constant 2 : i32
      %mul3A_106 = arith.muli %while3A_61, %mul3A_105 : i32
      %add3A_107 = arith.constant 1 : i32
      %add3A_108 = arith.addi %mul3A_106, %add3A_107 : i32
      %add3A_109 = arith.constant 1 : i32
      %add3A_110 = arith.addi %add3A_108, %add3A_109 : i32
      %min3A_111 = arith.minsi %add3A_110, %while3A_33 : i32
      %dma_start3A_112 = arith.constant 0 : i32
      %dma_start3A_113 = arith.constant 0 : i32
      %dma_start3A_114 = arith.constant 0 : i32
      %dma_start3A_115 = tpu.memref_slice %arg7[%dma_start3A_112, %dma_start3A_113, %dma_start3A_114] : memref<2x2x2048xi32, #tpu.memory_space<vmem>> -> memref<1x2x2048xi32, #tpu.memory_space<vmem>>
      %dma_start3A_116 = tpu.memref_squeeze %dma_start3A_115 : memref<1x2x2048xi32, #tpu.memory_space<vmem>> -> memref<2x2048xi32, #tpu.memory_space<vmem>>
      %dma_start3A_117 = arith.constant 0 : i32
      %dma_start3A_118 = arith.constant 0 : i32
      %dma_start3A_119 = tpu.memref_slice %arg3[%min3A_111, %dma_start3A_117, %dma_start3A_118] : memref<158x2x2048xi32, #tpu.memory_space<hbm>> -> memref<1x2x2048xi32, #tpu.memory_space<hbm>>
      %dma_start3A_120 = tpu.memref_squeeze %dma_start3A_119 : memref<1x2x2048xi32, #tpu.memory_space<hbm>> -> memref<2x2048xi32, #tpu.memory_space<hbm>>
      %dma_start3A_121 = arith.constant 0 : i32
      %dma_start3A_122 = arith.constant 0 : i32
      %dma_start3A_123 = tpu.memref_slice %arg7[%dma_start3A_112, %dma_start3A_121, %dma_start3A_122] : memref<2x2x2048xi32, #tpu.memory_space<vmem>> -> memref<1x2x2048xi32, #tpu.memory_space<vmem>>
      %dma_start3A_124 = tpu.memref_squeeze %dma_start3A_123 : memref<1x2x2048xi32, #tpu.memory_space<vmem>> -> memref<2x2048xi32, #tpu.memory_space<vmem>>
      %dma_start3A_125 = arith.constant 0 : i32
      %dma_start3A_126 = arith.constant 0 : i32
      %dma_start3A_127 = tpu.memref_slice %arg3[%min3A_111, %dma_start3A_125, %dma_start3A_126] : memref<158x2x2048xi32, #tpu.memory_space<hbm>> -> memref<1x2x2048xi32, #tpu.memory_space<hbm>>
      %dma_start3A_128 = tpu.memref_squeeze %dma_start3A_127 : memref<1x2x2048xi32, #tpu.memory_space<hbm>> -> memref<2x2048xi32, #tpu.memory_space<hbm>>
      tpu.enqueue_dma source(%dma_start3A_128 : memref<2x2048xi32, #tpu.memory_space<hbm>>) target(%dma_start3A_124 : memref<2x2048xi32, #tpu.memory_space<vmem>>) target_semaphore(%arg8 : memref<!tpu.dma_semaphore, #tpu.memory_space<semaphore_mem>>)
      %dma_wait3A_129 = arith.constant 1 : i32
      %dma_wait3A_130 = arith.constant 0 : i32
      %dma_wait3A_131 = arith.constant 0 : i32
      %dma_wait3A_132 = tpu.memref_slice %arg7[%dma_wait3A_129, %dma_wait3A_130, %dma_wait3A_131] : memref<2x2x2048xi32, #tpu.memory_space<vmem>> -> memref<1x2x2048xi32, #tpu.memory_space<vmem>>
      %dma_wait3A_133 = tpu.memref_squeeze %dma_wait3A_132 : memref<1x2x2048xi32, #tpu.memory_space<vmem>> -> memref<2x2048xi32, #tpu.memory_space<vmem>>
      %dma_wait3A_134 = arith.constant 0 : i32
      %dma_wait3A_135 = arith.constant 0 : i32
      %dma_wait3A_136 = tpu.memref_slice %arg3[%add3A_108, %dma_wait3A_134, %dma_wait3A_135] : memref<158x2x2048xi32, #tpu.memory_space<hbm>> -> memref<1x2x2048xi32, #tpu.memory_space<hbm>>
      %dma_wait3A_137 = tpu.memref_squeeze %dma_wait3A_136 : memref<1x2x2048xi32, #tpu.memory_space<hbm>> -> memref<2x2048xi32, #tpu.memory_space<hbm>>
      %dma_wait3A_138 = arith.constant 0 : i32
      %dma_wait3A_139 = arith.constant 0 : i32
      %dma_wait3A_140 = tpu.memref_slice %arg7[%dma_wait3A_129, %dma_wait3A_138, %dma_wait3A_139] : memref<2x2x2048xi32, #tpu.memory_space<vmem>> -> memref<1x2x2048xi32, #tpu.memory_space<vmem>>
      %dma_wait3A_141 = tpu.memref_squeeze %dma_wait3A_140 : memref<1x2x2048xi32, #tpu.memory_space<vmem>> -> memref<2x2048xi32, #tpu.memory_space<vmem>>
      %dma_wait3A_142 = arith.constant 0 : i32
      %dma_wait3A_143 = arith.constant 0 : i32
      %dma_wait3A_144 = tpu.memref_slice %arg3[%add3A_108, %dma_wait3A_142, %dma_wait3A_143] : memref<158x2x2048xi32, #tpu.memory_space<hbm>> -> memref<1x2x2048xi32, #tpu.memory_space<hbm>>
      %dma_wait3A_145 = tpu.memref_squeeze %dma_wait3A_144 : memref<1x2x2048xi32, #tpu.memory_space<hbm>> -> memref<2x2048xi32, #tpu.memory_space<hbm>>
      tpu.wait_dma2 semaphore(%arg9 : memref<!tpu.dma_semaphore, #tpu.memory_space<semaphore_mem>>) src(%dma_wait3A_145 : memref<2x2048xi32, #tpu.memory_space<hbm>>) dst(%dma_wait3A_141 : memref<2x2048xi32, #tpu.memory_space<vmem>>)
      %parallel_loop3A_146 = arith.constant 0 : i32
      %parallel_loop3A_147 = arith.constant 128 : i32
      %parallel_loop3A_148 = arith.constant 1 : i32
      scf.for %parallel_loop3A_149 = %parallel_loop3A_146 to %parallel_loop3A_147 step %parallel_loop3A_148  : i32 {
        %parallel_loop3A_150 = arith.constant 16 : i32
        %parallel_loop3A_151 = arith.muli %parallel_loop3A_149, %parallel_loop3A_150 : i32
        %parallel_loop3A_152 = arith.constant 1 : i32
        %parallel_loop3A_153 = arith.constant 0 : i32
        %parallel_loop3A_154 = arith.index_cast %parallel_loop3A_152 : i32 to index
        %parallel_loop3A_155 = arith.index_cast %parallel_loop3A_153 : i32 to index
        %parallel_loop3A_156 = arith.index_cast %parallel_loop3A_151 : i32 to index
        %parallel_loop3A_157 = tpu.vector_load %arg7[%parallel_loop3A_154, %parallel_loop3A_155, %parallel_loop3A_156] {strides = array<i32>} : memref<2x2x2048xi32, #tpu.memory_space<vmem>>, vector<16xi32>,
        %parallel_loop3A_158 = arith.constant 1 : i32
        %parallel_loop3A_159 = arith.constant 1 : i32
        %parallel_loop3A_160 = arith.index_cast %parallel_loop3A_158 : i32 to index
        %parallel_loop3A_161 = arith.index_cast %parallel_loop3A_159 : i32 to index
        %parallel_loop3A_162 = arith.index_cast %parallel_loop3A_151 : i32 to index
        %parallel_loop3A_163 = tpu.vector_load %arg7[%parallel_loop3A_160, %parallel_loop3A_161, %parallel_loop3A_162] {strides = array<i32>} : memref<2x2x2048xi32, #tpu.memory_space<vmem>>, vector<16xi32>,
        %parallel_loop3A_164 = tpu.vector_load_idx %arg5[%broadcast_in_dim3A_26, %parallel_loop3A_157] : memref<4x10240xf32, #tpu.memory_space<vmem>>[vector<16xi32>, vector<16xi32>], vector<16xf32>,
        tpu.vector_store_idx %arg6[%broadcast_in_dim3A_26, %parallel_loop3A_163], %parallel_loop3A_164 {add = true} : memref<4x10240xf32, #tpu.memory_space<vmem>>[vector<16xi32>, vector<16xi32>], vector<16xf32>,
        %parallel_loop3A_165 = tpu.vector_load_idx %arg5[%broadcast_in_dim3A_28, %parallel_loop3A_157] : memref<4x10240xf32, #tpu.memory_space<vmem>>[vector<16xi32>, vector<16xi32>], vector<16xf32>,
        tpu.vector_store_idx %arg6[%broadcast_in_dim3A_28, %parallel_loop3A_163], %parallel_loop3A_165 {add = true} : memref<4x10240xf32, #tpu.memory_space<vmem>>[vector<16xi32>, vector<16xi32>], vector<16xf32>,
        %parallel_loop3A_166 = tpu.vector_load_idx %arg5[%broadcast_in_dim3A_30, %parallel_loop3A_157] : memref<4x10240xf32, #tpu.memory_space<vmem>>[vector<16xi32>, vector<16xi32>], vector<16xf32>,
        tpu.vector_store_idx %arg6[%broadcast_in_dim3A_30, %parallel_loop3A_163], %parallel_loop3A_166 {add = true} : memref<4x10240xf32, #tpu.memory_space<vmem>>[vector<16xi32>, vector<16xi32>], vector<16xf32>,
        %parallel_loop3A_167 = tpu.vector_load_idx %arg5[%broadcast_in_dim3A_32, %parallel_loop3A_157] : memref<4x10240xf32, #tpu.memory_space<vmem>>[vector<16xi32>, vector<16xi32>], vector<16xf32>,
        tpu.vector_store_idx %arg6[%broadcast_in_dim3A_32, %parallel_loop3A_163], %parallel_loop3A_167 {add = true} : memref<4x10240xf32, #tpu.memory_space<vmem>>[vector<16xi32>, vector<16xi32>], vector<16xf32>,
      } {sc.loop_unroll_factor = 8 : i64, sc.parallel_access}
    }
    %dma_wait3A = arith.constant 157 : i32
    %dma_wait3A_44 = arith.constant 0 : i32
    %dma_wait3A_45 = arith.constant 0 : i32
    %dma_wait3A_46 = arith.constant 0 : i32
    %dma_wait3A_47 = tpu.memref_slice %arg7[%dma_wait3A_44, %dma_wait3A_45, %dma_wait3A_46] : memref<2x2x2048xi32, #tpu.memory_space<vmem>> -> memref<1x2x2048xi32, #tpu.memory_space<vmem>>
    %dma_wait3A_48 = tpu.memref_squeeze %dma_wait3A_47 : memref<1x2x2048xi32, #tpu.memory_space<vmem>> -> memref<2x2048xi32, #tpu.memory_space<vmem>>
    %dma_wait3A_49 = arith.constant 0 : i32
    %dma_wait3A_50 = arith.constant 0 : i32
    %dma_wait3A_51 = tpu.memref_slice %arg3[%dma_wait3A, %dma_wait3A_49, %dma_wait3A_50] : memref<158x2x2048xi32, #tpu.memory_space<hbm>> -> memref<1x2x2048xi32, #tpu.memory_space<hbm>>
    %dma_wait3A_52 = tpu.memref_squeeze %dma_wait3A_51 : memref<1x2x2048xi32, #tpu.memory_space<hbm>> -> memref<2x2048xi32, #tpu.memory_space<hbm>>
    %dma_wait3A_53 = arith.constant 0 : i32
    %dma_wait3A_54 = arith.constant 0 : i32
    %dma_wait3A_55 = tpu.memref_slice %arg7[%dma_wait3A_44, %dma_wait3A_53, %dma_wait3A_54] : memref<2x2x2048xi32, #tpu.memory_space<vmem>> -> memref<1x2x2048xi32, #tpu.memory_space<vmem>>
    %dma_wait3A_56 = tpu.memref_squeeze %dma_wait3A_55 : memref<1x2x2048xi32, #tpu.memory_space<vmem>> -> memref<2x2048xi32, #tpu.memory_space<vmem>>
    %dma_wait3A_57 = arith.constant 0 : i32
    %dma_wait3A_58 = arith.constant 0 : i32
    %dma_wait3A_59 = tpu.memref_slice %arg3[%dma_wait3A, %dma_wait3A_57, %dma_wait3A_58] : memref<158x2x2048xi32, #tpu.memory_space<hbm>> -> memref<1x2x2048xi32, #tpu.memory_space<hbm>>
    %dma_wait3A_60 = tpu.memref_squeeze %dma_wait3A_59 : memref<1x2x2048xi32, #tpu.memory_space<hbm>> -> memref<2x2048xi32, #tpu.memory_space<hbm>>
    tpu.wait_dma2 semaphore(%arg8 : memref<!tpu.dma_semaphore, #tpu.memory_space<semaphore_mem>>) src(%dma_wait3A_60 : memref<2x2048xi32, #tpu.memory_space<hbm>>) dst(%dma_wait3A_56 : memref<2x2048xi32, #tpu.memory_space<vmem>>)
    "tpu.region"() ({
      %run_scoped3A = tpu.sem_alloc : memref<!tpu.dma_semaphore, #tpu.memory_space<semaphore_mem>>
      %dma_start3A_61 = arith.constant 0 : i32
      %dma_start3A_62 = tpu.memref_slice %arg4[%mul3A_2, %dma_start3A_61] : memref<128x10240xf32, #tpu.memory_space<hbm>> -> memref<4x10240xf32, #tpu.memory_space<hbm>>
      %dma_start3A_63 = arith.constant 0 : i32
      %dma_start3A_64 = tpu.memref_slice %arg4[%mul3A_2, %dma_start3A_63] : memref<128x10240xf32, #tpu.memory_space<hbm>> -> memref<4x10240xf32, #tpu.memory_space<hbm>>
      tpu.enqueue_dma source(%arg6 : memref<4x10240xf32, #tpu.memory_space<vmem>>) target(%dma_start3A_64 : memref<4x10240xf32, #tpu.memory_space<hbm>>) target_semaphore(%run_scoped3A : memref<!tpu.dma_semaphore, #tpu.memory_space<semaphore_mem>>)
      %dma_wait3A_65 = arith.constant 0 : i32
      %dma_wait3A_66 = tpu.memref_slice %arg4[%mul3A_2, %dma_wait3A_65] : memref<128x10240xf32, #tpu.memory_space<hbm>> -> memref<4x10240xf32, #tpu.memory_space<hbm>>
      %dma_wait3A_67 = arith.constant 0 : i32
      %dma_wait3A_68 = tpu.memref_slice %arg4[%mul3A_2, %dma_wait3A_67] : memref<128x10240xf32, #tpu.memory_space<hbm>> -> memref<4x10240xf32, #tpu.memory_space<hbm>>
      tpu.wait_dma2 semaphore(%run_scoped3A : memref<!tpu.dma_semaphore, #tpu.memory_space<semaphore_mem>>) src(%arg6 : memref<4x10240xf32, #tpu.memory_space<vmem>>) dst(%dma_wait3A_68 : memref<4x10240xf32, #tpu.memory_space<hbm>>)
      tpu.yield
    }) : () -> ()
    return
  }
}

#map = affine_map<(d0, d1) -> (0, 0)>
#map1 = affine_map<(d0, d1) -> (0, 0, 0)>
module attributes {stable_mosaic.version = 14 : i64} {
  func.func @_sc_agg(%arg0: i32, %arg1: i32, %arg2: memref<128x10240xf32, #tpu.memory_space<hbm>>, %arg3: memref<158x2x2048xi32, #tpu.memory_space<hbm>>, %arg4: memref<128x10240xf32, #tpu.memory_space<hbm>>, %arg5: memref<4x10240xf32, #tpu.memory_space<vmem>>, %arg6: memref<4x10240xf32, #tpu.memory_space<vmem>>, %arg7: memref<2x2x2048xi32, #tpu.memory_space<vmem>>, %arg8: memref<!tpu.dma_semaphore, #tpu.memory_space<semaphore_mem>>, %arg9: memref<!tpu.dma_semaphore, #tpu.memory_space<semaphore_mem>>) attributes {dimension_semantics = [#tpu.dimension_semantics<core_parallel>, #tpu.dimension_semantics<subcore_parallel>], iteration_bounds = array<i64: 2, 16>, scalar_prefetch = 0 : i64, scratch_operands = 5 : i64, tpu.core_type = #tpu.core_type<sc_vector_subcore>, window_params = [{transform_indices = #map}, {transform_indices = #map1}, {transform_indices = #map}]} {
    %mul3A = arith.constant 16 : i32
    %mul3A_0 = arith.muli %arg0, %mul3A : i32
    %add3A = arith.addi %mul3A_0, %arg1 : i32
    %mul3A_1 = arith.constant 4 : i32
    %mul3A_2 = arith.muli %add3A, %mul3A_1 : i32
    "tpu.region"() ({
      %run_scoped3A = tpu.sem_alloc : memref<!tpu.dma_semaphore, #tpu.memory_space<semaphore_mem>>
      %dma_start3A_61 = arith.constant 0 : i32
      %dma_start3A_62 = tpu.memref_slice %arg2[%mul3A_2, %dma_start3A_61] : memref<128x10240xf32, #tpu.memory_space<hbm>> -> memref<4x10240xf32, #tpu.memory_space<hbm>>
      %dma_start3A_63 = arith.constant 0 : i32
      %dma_start3A_64 = tpu.memref_slice %arg2[%mul3A_2, %dma_start3A_63] : memref<128x10240xf32, #tpu.memory_space<hbm>> -> memref<4x10240xf32, #tpu.memory_space<hbm>>
      tpu.enqueue_dma source(%dma_start3A_64 : memref<4x10240xf32, #tpu.memory_space<hbm>>) target(%arg5 : memref<4x10240xf32, #tpu.memory_space<vmem>>) target_semaphore(%run_scoped3A : memref<!tpu.dma_semaphore, #tpu.memory_space<semaphore_mem>>)
      %dma_wait3A_65 = arith.constant 0 : i32
      %dma_wait3A_66 = tpu.memref_slice %arg2[%mul3A_2, %dma_wait3A_65] : memref<128x10240xf32, #tpu.memory_space<hbm>> -> memref<4x10240xf32, #tpu.memory_space<hbm>>
      %dma_wait3A_67 = arith.constant 0 : i32
      %dma_wait3A_68 = tpu.memref_slice %arg2[%mul3A_2, %dma_wait3A_67] : memref<128x10240xf32, #tpu.memory_space<hbm>> -> memref<4x10240xf32, #tpu.memory_space<hbm>>
      tpu.wait_dma2 semaphore(%run_scoped3A : memref<!tpu.dma_semaphore, #tpu.memory_space<semaphore_mem>>) src(%dma_wait3A_68 : memref<4x10240xf32, #tpu.memory_space<hbm>>) dst(%arg5 : memref<4x10240xf32, #tpu.memory_space<vmem>>)
      tpu.yield
    }) : () -> ()
    %broadcast_in_dim3A = arith.constant 0.000000e+00 : f32
    %broadcast_in_dim3A_3 = vector.broadcast %broadcast_in_dim3A : f32 to vector<16xf32>
    %parallel_loop3A = arith.constant 0 : i32
    %parallel_loop3A_4 = arith.constant 640 : i32
    %parallel_loop3A_5 = arith.constant 1 : i32
    scf.for %parallel_loop3A_61 = %parallel_loop3A to %parallel_loop3A_4 step %parallel_loop3A_5  : i32 {
      %parallel_loop3A_62 = arith.constant 16 : i32
      %parallel_loop3A_63 = arith.muli %parallel_loop3A_61, %parallel_loop3A_62 : i32
      %parallel_loop3A_64 = arith.constant 0 : i32
      %parallel_loop3A_65 = arith.index_cast %parallel_loop3A_64 : i32 to index
      %parallel_loop3A_66 = arith.index_cast %parallel_loop3A_63 : i32 to index
      %parallel_loop3A_67 = tpu.vector_load %arg6[%parallel_loop3A_65, %parallel_loop3A_66] {strides = array<i32>} : memref<4x10240xf32, #tpu.memory_space<vmem>>, vector<16xf32>,
      tpu.vector_store %arg6[%parallel_loop3A_65, %parallel_loop3A_66], %broadcast_in_dim3A_3 {strides = array<i32>} : memref<4x10240xf32, #tpu.memory_space<vmem>>, vector<16xf32>,
      %parallel_loop3A_68 = arith.constant 1 : i32
      %parallel_loop3A_69 = arith.index_cast %parallel_loop3A_68 : i32 to index
      %parallel_loop3A_70 = arith.index_cast %parallel_loop3A_63 : i32 to index
      %parallel_loop3A_71 = tpu.vector_load %arg6[%parallel_loop3A_69, %parallel_loop3A_70] {strides = array<i32>} : memref<4x10240xf32, #tpu.memory_space<vmem>>, vector<16xf32>,
      tpu.vector_store %arg6[%parallel_loop3A_69, %parallel_loop3A_70], %broadcast_in_dim3A_3 {strides = array<i32>} : memref<4x10240xf32, #tpu.memory_space<vmem>>, vector<16xf32>,
      %parallel_loop3A_72 = arith.constant 2 : i32
      %parallel_loop3A_73 = arith.index_cast %parallel_loop3A_72 : i32 to index
      %parallel_loop3A_74 = arith.index_cast %parallel_loop3A_63 : i32 to index
      %parallel_loop3A_75 = tpu.vector_load %arg6[%parallel_loop3A_73, %parallel_loop3A_74] {strides = array<i32>} : memref<4x10240xf32, #tpu.memory_space<vmem>>, vector<16xf32>,
      tpu.vector_store %arg6[%parallel_loop3A_73, %parallel_loop3A_74], %broadcast_in_dim3A_3 {strides = array<i32>} : memref<4x10240xf32, #tpu.memory_space<vmem>>, vector<16xf32>,
      %parallel_loop3A_76 = arith.constant 3 : i32
      %parallel_loop3A_77 = arith.index_cast %parallel_loop3A_76 : i32 to index
      %parallel_loop3A_78 = arith.index_cast %parallel_loop3A_63 : i32 to index
      %parallel_loop3A_79 = tpu.vector_load %arg6[%parallel_loop3A_77, %parallel_loop3A_78] {strides = array<i32>} : memref<4x10240xf32, #tpu.memory_space<vmem>>, vector<16xf32>,
      tpu.vector_store %arg6[%parallel_loop3A_77, %parallel_loop3A_78], %broadcast_in_dim3A_3 {strides = array<i32>} : memref<4x10240xf32, #tpu.memory_space<vmem>>, vector<16xf32>,
    } {sc.loop_unroll_factor = 4 : i64, sc.parallel_access}
    %broadcast_in_dim3A_6 = arith.constant 1.000000e+00 : f32
    %broadcast_in_dim3A_7 = vector.broadcast %broadcast_in_dim3A_6 : f32 to vector<16xf32>
    %dma_start3A = arith.constant 0 : i32
    %dma_start3A_8 = arith.constant 0 : i32
    %dma_start3A_9 = arith.constant 0 : i32
    %dma_start3A_10 = arith.constant 0 : i32
    %dma_start3A_11 = tpu.memref_slice %arg7[%dma_start3A_8, %dma_start3A_9, %dma_start3A_10] : memref<2x2x2048xi32, #tpu.memory_space<vmem>> -> memref<1x2x2048xi32, #tpu.memory_space<vmem>>
    %dma_start3A_12 = tpu.memref_squeeze %dma_start3A_11 : memref<1x2x2048xi32, #tpu.memory_space<vmem>> -> memref<2x2048xi32, #tpu.memory_space<vmem>>
    %dma_start3A_13 = arith.constant 0 : i32
    %dma_start3A_14 = arith.constant 0 : i32
    %dma_start3A_15 = tpu.memref_slice %arg3[%dma_start3A, %dma_start3A_13, %dma_start3A_14] : memref<158x2x2048xi32, #tpu.memory_space<hbm>> -> memref<1x2x2048xi32, #tpu.memory_space<hbm>>
    %dma_start3A_16 = tpu.memref_squeeze %dma_start3A_15 : memref<1x2x2048xi32, #tpu.memory_space<hbm>> -> memref<2x2048xi32, #tpu.memory_space<hbm>>
    %dma_start3A_17 = arith.constant 0 : i32
    %dma_start3A_18 = arith.constant 0 : i32
    %dma_start3A_19 = tpu.memref_slice %arg7[%dma_start3A_8, %dma_start3A_17, %dma_start3A_18] : memref<2x2x2048xi32, #tpu.memory_space<vmem>> -> memref<1x2x2048xi32, #tpu.memory_space<vmem>>
    %dma_start3A_20 = tpu.memref_squeeze %dma_start3A_19 : memref<1x2x2048xi32, #tpu.memory_space<vmem>> -> memref<2x2048xi32, #tpu.memory_space<vmem>>
    %dma_start3A_21 = arith.constant 0 : i32
    %dma_start3A_22 = arith.constant 0 : i32
    %dma_start3A_23 = tpu.memref_slice %arg3[%dma_start3A, %dma_start3A_21, %dma_start3A_22] : memref<158x2x2048xi32, #tpu.memory_space<hbm>> -> memref<1x2x2048xi32, #tpu.memory_space<hbm>>
    %dma_start3A_24 = tpu.memref_squeeze %dma_start3A_23 : memref<1x2x2048xi32, #tpu.memory_space<hbm>> -> memref<2x2048xi32, #tpu.memory_space<hbm>>
    tpu.enqueue_dma source(%dma_start3A_24 : memref<2x2048xi32, #tpu.memory_space<hbm>>) target(%dma_start3A_20 : memref<2x2048xi32, #tpu.memory_space<vmem>>) target_semaphore(%arg8 : memref<!tpu.dma_semaphore, #tpu.memory_space<semaphore_mem>>)
    %broadcast_in_dim3A_25 = arith.constant 0 : i32
    %broadcast_in_dim3A_26 = vector.broadcast %broadcast_in_dim3A_25 : i32 to vector<16xi32>
    %broadcast_in_dim3A_27 = arith.constant 1 : i32
    %broadcast_in_dim3A_28 = vector.broadcast %broadcast_in_dim3A_27 : i32 to vector<16xi32>
    %broadcast_in_dim3A_29 = arith.constant 2 : i32
    %broadcast_in_dim3A_30 = vector.broadcast %broadcast_in_dim3A_29 : i32 to vector<16xi32>
    %broadcast_in_dim3A_31 = arith.constant 3 : i32
    %broadcast_in_dim3A_32 = vector.broadcast %broadcast_in_dim3A_31 : i32 to vector<16xi32>
    %while3A = arith.constant 0 : i32
    %while3A_33 = arith.constant 157 : i32
    %while3A_34 = arith.constant 0 : i32
    %while3A_35 = arith.constant 79 : i32
    %while3A_36 = arith.subi %while3A_35, %while3A_34 : i32
    %while3A_37 = arith.addi %while3A_34, %while3A_36 : i32
    %while3A_38 = arith.constant 1 : i32
    %while3A_39 = arith.divsi %while3A_36, %while3A_38 : i32
    %while3A_40 = arith.muli %while3A_39, %while3A_38 : i32
    %while3A_41 = arith.addi %while3A_34, %while3A_40 : i32
    %while3A_42 = arith.constant 1 : i32
    scf.for %while3A_61 = %while3A_34 to %while3A_41 step %while3A_42  : i32 {
      %mul3A_62 = arith.constant 2 : i32
      %mul3A_63 = arith.muli %while3A_61, %mul3A_62 : i32
      %add3A_64 = arith.constant 0 : i32
      %add3A_65 = arith.addi %mul3A_63, %add3A_64 : i32
      %add3A_66 = arith.constant 1 : i32
      %add3A_67 = arith.addi %add3A_65, %add3A_66 : i32
      %min3A = arith.minsi %add3A_67, %while3A_33 : i32
      %dma_start3A_68 = arith.constant 1 : i32
      %dma_start3A_69 = arith.constant 0 : i32
      %dma_start3A_70 = arith.constant 0 : i32
      %dma_start3A_71 = tpu.memref_slice %arg7[%dma_start3A_68, %dma_start3A_69, %dma_start3A_70] : memref<2x2x2048xi32, #tpu.memory_space<vmem>> -> memref<1x2x2048xi32, #tpu.memory_space<vmem>>
      %dma_start3A_72 = tpu.memref_squeeze %dma_start3A_71 : memref<1x2x2048xi32, #tpu.memory_space<vmem>> -> memref<2x2048xi32, #tpu.memory_space<vmem>>
      %dma_start3A_73 = arith.constant 0 : i32
      %dma_start3A_74 = arith.constant 0 : i32
      %dma_start3A_75 = tpu.memref_slice %arg3[%min3A, %dma_start3A_73, %dma_start3A_74] : memref<158x2x2048xi32, #tpu.memory_space<hbm>> -> memref<1x2x2048xi32, #tpu.memory_space<hbm>>
      %dma_start3A_76 = tpu.memref_squeeze %dma_start3A_75 : memref<1x2x2048xi32, #tpu.memory_space<hbm>> -> memref<2x2048xi32, #tpu.memory_space<hbm>>
      %dma_start3A_77 = arith.constant 0 : i32
      %dma_start3A_78 = arith.constant 0 : i32
      %dma_start3A_79 = tpu.memref_slice %arg7[%dma_start3A_68, %dma_start3A_77, %dma_start3A_78] : memref<2x2x2048xi32, #tpu.memory_space<vmem>> -> memref<1x2x2048xi32, #tpu.memory_space<vmem>>
      %dma_start3A_80 = tpu.memref_squeeze %dma_start3A_79 : memref<1x2x2048xi32, #tpu.memory_space<vmem>> -> memref<2x2048xi32, #tpu.memory_space<vmem>>
      %dma_start3A_81 = arith.constant 0 : i32
      %dma_start3A_82 = arith.constant 0 : i32
      %dma_start3A_83 = tpu.memref_slice %arg3[%min3A, %dma_start3A_81, %dma_start3A_82] : memref<158x2x2048xi32, #tpu.memory_space<hbm>> -> memref<1x2x2048xi32, #tpu.memory_space<hbm>>
      %dma_start3A_84 = tpu.memref_squeeze %dma_start3A_83 : memref<1x2x2048xi32, #tpu.memory_space<hbm>> -> memref<2x2048xi32, #tpu.memory_space<hbm>>
      tpu.enqueue_dma source(%dma_start3A_84 : memref<2x2048xi32, #tpu.memory_space<hbm>>) target(%dma_start3A_80 : memref<2x2048xi32, #tpu.memory_space<vmem>>) target_semaphore(%arg9 : memref<!tpu.dma_semaphore, #tpu.memory_space<semaphore_mem>>)
      %dma_wait3A_85 = arith.constant 0 : i32
      %dma_wait3A_86 = arith.constant 0 : i32
      %dma_wait3A_87 = arith.constant 0 : i32
      %dma_wait3A_88 = tpu.memref_slice %arg7[%dma_wait3A_85, %dma_wait3A_86, %dma_wait3A_87] : memref<2x2x2048xi32, #tpu.memory_space<vmem>> -> memref<1x2x2048xi32, #tpu.memory_space<vmem>>
      %dma_wait3A_89 = tpu.memref_squeeze %dma_wait3A_88 : memref<1x2x2048xi32, #tpu.memory_space<vmem>> -> memref<2x2048xi32, #tpu.memory_space<vmem>>
      %dma_wait3A_90 = arith.constant 0 : i32
      %dma_wait3A_91 = arith.constant 0 : i32
      %dma_wait3A_92 = tpu.memref_slice %arg3[%add3A_65, %dma_wait3A_90, %dma_wait3A_91] : memref<158x2x2048xi32, #tpu.memory_space<hbm>> -> memref<1x2x2048xi32, #tpu.memory_space<hbm>>
      %dma_wait3A_93 = tpu.memref_squeeze %dma_wait3A_92 : memref<1x2x2048xi32, #tpu.memory_space<hbm>> -> memref<2x2048xi32, #tpu.memory_space<hbm>>
      %dma_wait3A_94 = arith.constant 0 : i32
      %dma_wait3A_95 = arith.constant 0 : i32
      %dma_wait3A_96 = tpu.memref_slice %arg7[%dma_wait3A_85, %dma_wait3A_94, %dma_wait3A_95] : memref<2x2x2048xi32, #tpu.memory_space<vmem>> -> memref<1x2x2048xi32, #tpu.memory_space<vmem>>
      %dma_wait3A_97 = tpu.memref_squeeze %dma_wait3A_96 : memref<1x2x2048xi32, #tpu.memory_space<vmem>> -> memref<2x2048xi32, #tpu.memory_space<vmem>>
      %dma_wait3A_98 = arith.constant 0 : i32
      %dma_wait3A_99 = arith.constant 0 : i32
      %dma_wait3A_100 = tpu.memref_slice %arg3[%add3A_65, %dma_wait3A_98, %dma_wait3A_99] : memref<158x2x2048xi32, #tpu.memory_space<hbm>> -> memref<1x2x2048xi32, #tpu.memory_space<hbm>>
      %dma_wait3A_101 = tpu.memref_squeeze %dma_wait3A_100 : memref<1x2x2048xi32, #tpu.memory_space<hbm>> -> memref<2x2048xi32, #tpu.memory_space<hbm>>
      tpu.wait_dma2 semaphore(%arg8 : memref<!tpu.dma_semaphore, #tpu.memory_space<semaphore_mem>>) src(%dma_wait3A_101 : memref<2x2048xi32, #tpu.memory_space<hbm>>) dst(%dma_wait3A_97 : memref<2x2048xi32, #tpu.memory_space<vmem>>)
      %parallel_loop3A_102 = arith.constant 0 : i32
      %parallel_loop3A_103 = arith.constant 128 : i32
      %parallel_loop3A_104 = arith.constant 1 : i32
      scf.for %parallel_loop3A_149 = %parallel_loop3A_102 to %parallel_loop3A_103 step %parallel_loop3A_104  : i32 {
        %parallel_loop3A_150 = arith.constant 16 : i32
        %parallel_loop3A_151 = arith.muli %parallel_loop3A_149, %parallel_loop3A_150 : i32
        %parallel_loop3A_152 = arith.constant 0 : i32
        %parallel_loop3A_153 = arith.constant 0 : i32
        %parallel_loop3A_154 = arith.index_cast %parallel_loop3A_152 : i32 to index
        %parallel_loop3A_155 = arith.index_cast %parallel_loop3A_153 : i32 to index
        %parallel_loop3A_156 = arith.index_cast %parallel_loop3A_151 : i32 to index
        %parallel_loop3A_157 = tpu.vector_load %arg7[%parallel_loop3A_154, %parallel_loop3A_155, %parallel_loop3A_156] {strides = array<i32>} : memref<2x2x2048xi32, #tpu.memory_space<vmem>>, vector<16xi32>,
        %parallel_loop3A_158 = arith.constant 0 : i32
        %parallel_loop3A_159 = arith.constant 1 : i32
        %parallel_loop3A_160 = arith.index_cast %parallel_loop3A_158 : i32 to index
        %parallel_loop3A_161 = arith.index_cast %parallel_loop3A_159 : i32 to index
        %parallel_loop3A_162 = arith.index_cast %parallel_loop3A_151 : i32 to index
        %parallel_loop3A_163 = tpu.vector_load %arg7[%parallel_loop3A_160, %parallel_loop3A_161, %parallel_loop3A_162] {strides = array<i32>} : memref<2x2x2048xi32, #tpu.memory_space<vmem>>, vector<16xi32>,
        %parallel_loop3A_164 = tpu.vector_load_idx %arg5[%broadcast_in_dim3A_26, %parallel_loop3A_157] : memref<4x10240xf32, #tpu.memory_space<vmem>>[vector<16xi32>, vector<16xi32>], vector<16xf32>,
        tpu.vector_store_idx %arg6[%broadcast_in_dim3A_26, %parallel_loop3A_163], %parallel_loop3A_164 {add = true} : memref<4x10240xf32, #tpu.memory_space<vmem>>[vector<16xi32>, vector<16xi32>], vector<16xf32>,
        %parallel_loop3A_165 = tpu.vector_load_idx %arg5[%broadcast_in_dim3A_28, %parallel_loop3A_157] : memref<4x10240xf32, #tpu.memory_space<vmem>>[vector<16xi32>, vector<16xi32>], vector<16xf32>,
        tpu.vector_store_idx %arg6[%broadcast_in_dim3A_28, %parallel_loop3A_163], %parallel_loop3A_165 {add = true} : memref<4x10240xf32, #tpu.memory_space<vmem>>[vector<16xi32>, vector<16xi32>], vector<16xf32>,
        %parallel_loop3A_166 = tpu.vector_load_idx %arg5[%broadcast_in_dim3A_30, %parallel_loop3A_157] : memref<4x10240xf32, #tpu.memory_space<vmem>>[vector<16xi32>, vector<16xi32>], vector<16xf32>,
        tpu.vector_store_idx %arg6[%broadcast_in_dim3A_30, %parallel_loop3A_163], %parallel_loop3A_166 {add = true} : memref<4x10240xf32, #tpu.memory_space<vmem>>[vector<16xi32>, vector<16xi32>], vector<16xf32>,
        %parallel_loop3A_167 = tpu.vector_load_idx %arg5[%broadcast_in_dim3A_32, %parallel_loop3A_157] : memref<4x10240xf32, #tpu.memory_space<vmem>>[vector<16xi32>, vector<16xi32>], vector<16xf32>,
        tpu.vector_store_idx %arg6[%broadcast_in_dim3A_32, %parallel_loop3A_163], %parallel_loop3A_167 {add = true} : memref<4x10240xf32, #tpu.memory_space<vmem>>[vector<16xi32>, vector<16xi32>], vector<16xf32>,
      } {sc.loop_unroll_factor = 8 : i64, sc.parallel_access}
      %mul3A_105 = arith.constant 2 : i32
      %mul3A_106 = arith.muli %while3A_61, %mul3A_105 : i32
      %add3A_107 = arith.constant 1 : i32
      %add3A_108 = arith.addi %mul3A_106, %add3A_107 : i32
      %add3A_109 = arith.constant 1 : i32
      %add3A_110 = arith.addi %add3A_108, %add3A_109 : i32
      %min3A_111 = arith.minsi %add3A_110, %while3A_33 : i32
      %dma_start3A_112 = arith.constant 0 : i32
      %dma_start3A_113 = arith.constant 0 : i32
      %dma_start3A_114 = arith.constant 0 : i32
      %dma_start3A_115 = tpu.memref_slice %arg7[%dma_start3A_112, %dma_start3A_113, %dma_start3A_114] : memref<2x2x2048xi32, #tpu.memory_space<vmem>> -> memref<1x2x2048xi32, #tpu.memory_space<vmem>>
      %dma_start3A_116 = tpu.memref_squeeze %dma_start3A_115 : memref<1x2x2048xi32, #tpu.memory_space<vmem>> -> memref<2x2048xi32, #tpu.memory_space<vmem>>
      %dma_start3A_117 = arith.constant 0 : i32
      %dma_start3A_118 = arith.constant 0 : i32
      %dma_start3A_119 = tpu.memref_slice %arg3[%min3A_111, %dma_start3A_117, %dma_start3A_118] : memref<158x2x2048xi32, #tpu.memory_space<hbm>> -> memref<1x2x2048xi32, #tpu.memory_space<hbm>>
      %dma_start3A_120 = tpu.memref_squeeze %dma_start3A_119 : memref<1x2x2048xi32, #tpu.memory_space<hbm>> -> memref<2x2048xi32, #tpu.memory_space<hbm>>
      %dma_start3A_121 = arith.constant 0 : i32
      %dma_start3A_122 = arith.constant 0 : i32
      %dma_start3A_123 = tpu.memref_slice %arg7[%dma_start3A_112, %dma_start3A_121, %dma_start3A_122] : memref<2x2x2048xi32, #tpu.memory_space<vmem>> -> memref<1x2x2048xi32, #tpu.memory_space<vmem>>
      %dma_start3A_124 = tpu.memref_squeeze %dma_start3A_123 : memref<1x2x2048xi32, #tpu.memory_space<vmem>> -> memref<2x2048xi32, #tpu.memory_space<vmem>>
      %dma_start3A_125 = arith.constant 0 : i32
      %dma_start3A_126 = arith.constant 0 : i32
      %dma_start3A_127 = tpu.memref_slice %arg3[%min3A_111, %dma_start3A_125, %dma_start3A_126] : memref<158x2x2048xi32, #tpu.memory_space<hbm>> -> memref<1x2x2048xi32, #tpu.memory_space<hbm>>
      %dma_start3A_128 = tpu.memref_squeeze %dma_start3A_127 : memref<1x2x2048xi32, #tpu.memory_space<hbm>> -> memref<2x2048xi32, #tpu.memory_space<hbm>>
      tpu.enqueue_dma source(%dma_start3A_128 : memref<2x2048xi32, #tpu.memory_space<hbm>>) target(%dma_start3A_124 : memref<2x2048xi32, #tpu.memory_space<vmem>>) target_semaphore(%arg8 : memref<!tpu.dma_semaphore, #tpu.memory_space<semaphore_mem>>)
      %dma_wait3A_129 = arith.constant 1 : i32
      %dma_wait3A_130 = arith.constant 0 : i32
      %dma_wait3A_131 = arith.constant 0 : i32
      %dma_wait3A_132 = tpu.memref_slice %arg7[%dma_wait3A_129, %dma_wait3A_130, %dma_wait3A_131] : memref<2x2x2048xi32, #tpu.memory_space<vmem>> -> memref<1x2x2048xi32, #tpu.memory_space<vmem>>
      %dma_wait3A_133 = tpu.memref_squeeze %dma_wait3A_132 : memref<1x2x2048xi32, #tpu.memory_space<vmem>> -> memref<2x2048xi32, #tpu.memory_space<vmem>>
      %dma_wait3A_134 = arith.constant 0 : i32
      %dma_wait3A_135 = arith.constant 0 : i32
      %dma_wait3A_136 = tpu.memref_slice %arg3[%add3A_108, %dma_wait3A_134, %dma_wait3A_135] : memref<158x2x2048xi32, #tpu.memory_space<hbm>> -> memref<1x2x2048xi32, #tpu.memory_space<hbm>>
      %dma_wait3A_137 = tpu.memref_squeeze %dma_wait3A_136 : memref<1x2x2048xi32, #tpu.memory_space<hbm>> -> memref<2x2048xi32, #tpu.memory_space<hbm>>
      %dma_wait3A_138 = arith.constant 0 : i32
      %dma_wait3A_139 = arith.constant 0 : i32
      %dma_wait3A_140 = tpu.memref_slice %arg7[%dma_wait3A_129, %dma_wait3A_138, %dma_wait3A_139] : memref<2x2x2048xi32, #tpu.memory_space<vmem>> -> memref<1x2x2048xi32, #tpu.memory_space<vmem>>
      %dma_wait3A_141 = tpu.memref_squeeze %dma_wait3A_140 : memref<1x2x2048xi32, #tpu.memory_space<vmem>> -> memref<2x2048xi32, #tpu.memory_space<vmem>>
      %dma_wait3A_142 = arith.constant 0 : i32
      %dma_wait3A_143 = arith.constant 0 : i32
      %dma_wait3A_144 = tpu.memref_slice %arg3[%add3A_108, %dma_wait3A_142, %dma_wait3A_143] : memref<158x2x2048xi32, #tpu.memory_space<hbm>> -> memref<1x2x2048xi32, #tpu.memory_space<hbm>>
      %dma_wait3A_145 = tpu.memref_squeeze %dma_wait3A_144 : memref<1x2x2048xi32, #tpu.memory_space<hbm>> -> memref<2x2048xi32, #tpu.memory_space<hbm>>
      tpu.wait_dma2 semaphore(%arg9 : memref<!tpu.dma_semaphore, #tpu.memory_space<semaphore_mem>>) src(%dma_wait3A_145 : memref<2x2048xi32, #tpu.memory_space<hbm>>) dst(%dma_wait3A_141 : memref<2x2048xi32, #tpu.memory_space<vmem>>)
      %parallel_loop3A_146 = arith.constant 0 : i32
      %parallel_loop3A_147 = arith.constant 128 : i32
      %parallel_loop3A_148 = arith.constant 1 : i32
      scf.for %parallel_loop3A_149 = %parallel_loop3A_146 to %parallel_loop3A_147 step %parallel_loop3A_148  : i32 {
        %parallel_loop3A_150 = arith.constant 16 : i32
        %parallel_loop3A_151 = arith.muli %parallel_loop3A_149, %parallel_loop3A_150 : i32
        %parallel_loop3A_152 = arith.constant 1 : i32
        %parallel_loop3A_153 = arith.constant 0 : i32
        %parallel_loop3A_154 = arith.index_cast %parallel_loop3A_152 : i32 to index
        %parallel_loop3A_155 = arith.index_cast %parallel_loop3A_153 : i32 to index
        %parallel_loop3A_156 = arith.index_cast %parallel_loop3A_151 : i32 to index
        %parallel_loop3A_157 = tpu.vector_load %arg7[%parallel_loop3A_154, %parallel_loop3A_155, %parallel_loop3A_156] {strides = array<i32>} : memref<2x2x2048xi32, #tpu.memory_space<vmem>>, vector<16xi32>,
        %parallel_loop3A_158 = arith.constant 1 : i32
        %parallel_loop3A_159 = arith.constant 1 : i32
        %parallel_loop3A_160 = arith.index_cast %parallel_loop3A_158 : i32 to index
        %parallel_loop3A_161 = arith.index_cast %parallel_loop3A_159 : i32 to index
        %parallel_loop3A_162 = arith.index_cast %parallel_loop3A_151 : i32 to index
        %parallel_loop3A_163 = tpu.vector_load %arg7[%parallel_loop3A_160, %parallel_loop3A_161, %parallel_loop3A_162] {strides = array<i32>} : memref<2x2x2048xi32, #tpu.memory_space<vmem>>, vector<16xi32>,
        %parallel_loop3A_164 = tpu.vector_load_idx %arg5[%broadcast_in_dim3A_26, %parallel_loop3A_157] : memref<4x10240xf32, #tpu.memory_space<vmem>>[vector<16xi32>, vector<16xi32>], vector<16xf32>,
        tpu.vector_store_idx %arg6[%broadcast_in_dim3A_26, %parallel_loop3A_163], %parallel_loop3A_164 {add = true} : memref<4x10240xf32, #tpu.memory_space<vmem>>[vector<16xi32>, vector<16xi32>], vector<16xf32>,
        %parallel_loop3A_165 = tpu.vector_load_idx %arg5[%broadcast_in_dim3A_28, %parallel_loop3A_157] : memref<4x10240xf32, #tpu.memory_space<vmem>>[vector<16xi32>, vector<16xi32>], vector<16xf32>,
        tpu.vector_store_idx %arg6[%broadcast_in_dim3A_28, %parallel_loop3A_163], %parallel_loop3A_165 {add = true} : memref<4x10240xf32, #tpu.memory_space<vmem>>[vector<16xi32>, vector<16xi32>], vector<16xf32>,
        %parallel_loop3A_166 = tpu.vector_load_idx %arg5[%broadcast_in_dim3A_30, %parallel_loop3A_157] : memref<4x10240xf32, #tpu.memory_space<vmem>>[vector<16xi32>, vector<16xi32>], vector<16xf32>,
        tpu.vector_store_idx %arg6[%broadcast_in_dim3A_30, %parallel_loop3A_163], %parallel_loop3A_166 {add = true} : memref<4x10240xf32, #tpu.memory_space<vmem>>[vector<16xi32>, vector<16xi32>], vector<16xf32>,
        %parallel_loop3A_167 = tpu.vector_load_idx %arg5[%broadcast_in_dim3A_32, %parallel_loop3A_157] : memref<4x10240xf32, #tpu.memory_space<vmem>>[vector<16xi32>, vector<16xi32>], vector<16xf32>,
        tpu.vector_store_idx %arg6[%broadcast_in_dim3A_32, %parallel_loop3A_163], %parallel_loop3A_167 {add = true} : memref<4x10240xf32, #tpu.memory_space<vmem>>[vector<16xi32>, vector<16xi32>], vector<16xf32>,
      } {sc.loop_unroll_factor = 8 : i64, sc.parallel_access}
    }
    %while3A_43 = arith.constant 1 : i32
    scf.for %while3A_61 = %while3A_41 to %while3A_37 step %while3A_43  : i32 {
      %mul3A_62 = arith.constant 2 : i32
      %mul3A_63 = arith.muli %while3A_61, %mul3A_62 : i32
      %add3A_64 = arith.constant 0 : i32
      %add3A_65 = arith.addi %mul3A_63, %add3A_64 : i32
      %add3A_66 = arith.constant 1 : i32
      %add3A_67 = arith.addi %add3A_65, %add3A_66 : i32
      %min3A = arith.minsi %add3A_67, %while3A_33 : i32
      %dma_start3A_68 = arith.constant 1 : i32
      %dma_start3A_69 = arith.constant 0 : i32
      %dma_start3A_70 = arith.constant 0 : i32
      %dma_start3A_71 = tpu.memref_slice %arg7[%dma_start3A_68, %dma_start3A_69, %dma_start3A_70] : memref<2x2x2048xi32, #tpu.memory_space<vmem>> -> memref<1x2x2048xi32, #tpu.memory_space<vmem>>
      %dma_start3A_72 = tpu.memref_squeeze %dma_start3A_71 : memref<1x2x2048xi32, #tpu.memory_space<vmem>> -> memref<2x2048xi32, #tpu.memory_space<vmem>>
      %dma_start3A_73 = arith.constant 0 : i32
      %dma_start3A_74 = arith.constant 0 : i32
      %dma_start3A_75 = tpu.memref_slice %arg3[%min3A, %dma_start3A_73, %dma_start3A_74] : memref<158x2x2048xi32, #tpu.memory_space<hbm>> -> memref<1x2x2048xi32, #tpu.memory_space<hbm>>
      %dma_start3A_76 = tpu.memref_squeeze %dma_start3A_75 : memref<1x2x2048xi32, #tpu.memory_space<hbm>> -> memref<2x2048xi32, #tpu.memory_space<hbm>>
      %dma_start3A_77 = arith.constant 0 : i32
      %dma_start3A_78 = arith.constant 0 : i32
      %dma_start3A_79 = tpu.memref_slice %arg7[%dma_start3A_68, %dma_start3A_77, %dma_start3A_78] : memref<2x2x2048xi32, #tpu.memory_space<vmem>> -> memref<1x2x2048xi32, #tpu.memory_space<vmem>>
      %dma_start3A_80 = tpu.memref_squeeze %dma_start3A_79 : memref<1x2x2048xi32, #tpu.memory_space<vmem>> -> memref<2x2048xi32, #tpu.memory_space<vmem>>
      %dma_start3A_81 = arith.constant 0 : i32
      %dma_start3A_82 = arith.constant 0 : i32
      %dma_start3A_83 = tpu.memref_slice %arg3[%min3A, %dma_start3A_81, %dma_start3A_82] : memref<158x2x2048xi32, #tpu.memory_space<hbm>> -> memref<1x2x2048xi32, #tpu.memory_space<hbm>>
      %dma_start3A_84 = tpu.memref_squeeze %dma_start3A_83 : memref<1x2x2048xi32, #tpu.memory_space<hbm>> -> memref<2x2048xi32, #tpu.memory_space<hbm>>
      tpu.enqueue_dma source(%dma_start3A_84 : memref<2x2048xi32, #tpu.memory_space<hbm>>) target(%dma_start3A_80 : memref<2x2048xi32, #tpu.memory_space<vmem>>) target_semaphore(%arg9 : memref<!tpu.dma_semaphore, #tpu.memory_space<semaphore_mem>>)
      %dma_wait3A_85 = arith.constant 0 : i32
      %dma_wait3A_86 = arith.constant 0 : i32
      %dma_wait3A_87 = arith.constant 0 : i32
      %dma_wait3A_88 = tpu.memref_slice %arg7[%dma_wait3A_85, %dma_wait3A_86, %dma_wait3A_87] : memref<2x2x2048xi32, #tpu.memory_space<vmem>> -> memref<1x2x2048xi32, #tpu.memory_space<vmem>>
      %dma_wait3A_89 = tpu.memref_squeeze %dma_wait3A_88 : memref<1x2x2048xi32, #tpu.memory_space<vmem>> -> memref<2x2048xi32, #tpu.memory_space<vmem>>
      %dma_wait3A_90 = arith.constant 0 : i32
      %dma_wait3A_91 = arith.constant 0 : i32
      %dma_wait3A_92 = tpu.memref_slice %arg3[%add3A_65, %dma_wait3A_90, %dma_wait3A_91] : memref<158x2x2048xi32, #tpu.memory_space<hbm>> -> memref<1x2x2048xi32, #tpu.memory_space<hbm>>
      %dma_wait3A_93 = tpu.memref_squeeze %dma_wait3A_92 : memref<1x2x2048xi32, #tpu.memory_space<hbm>> -> memref<2x2048xi32, #tpu.memory_space<hbm>>
      %dma_wait3A_94 = arith.constant 0 : i32
      %dma_wait3A_95 = arith.constant 0 : i32
      %dma_wait3A_96 = tpu.memref_slice %arg7[%dma_wait3A_85, %dma_wait3A_94, %dma_wait3A_95] : memref<2x2x2048xi32, #tpu.memory_space<vmem>> -> memref<1x2x2048xi32, #tpu.memory_space<vmem>>
      %dma_wait3A_97 = tpu.memref_squeeze %dma_wait3A_96 : memref<1x2x2048xi32, #tpu.memory_space<vmem>> -> memref<2x2048xi32, #tpu.memory_space<vmem>>
      %dma_wait3A_98 = arith.constant 0 : i32
      %dma_wait3A_99 = arith.constant 0 : i32
      %dma_wait3A_100 = tpu.memref_slice %arg3[%add3A_65, %dma_wait3A_98, %dma_wait3A_99] : memref<158x2x2048xi32, #tpu.memory_space<hbm>> -> memref<1x2x2048xi32, #tpu.memory_space<hbm>>
      %dma_wait3A_101 = tpu.memref_squeeze %dma_wait3A_100 : memref<1x2x2048xi32, #tpu.memory_space<hbm>> -> memref<2x2048xi32, #tpu.memory_space<hbm>>
      tpu.wait_dma2 semaphore(%arg8 : memref<!tpu.dma_semaphore, #tpu.memory_space<semaphore_mem>>) src(%dma_wait3A_101 : memref<2x2048xi32, #tpu.memory_space<hbm>>) dst(%dma_wait3A_97 : memref<2x2048xi32, #tpu.memory_space<vmem>>)
      %parallel_loop3A_102 = arith.constant 0 : i32
      %parallel_loop3A_103 = arith.constant 128 : i32
      %parallel_loop3A_104 = arith.constant 1 : i32
      scf.for %parallel_loop3A_149 = %parallel_loop3A_102 to %parallel_loop3A_103 step %parallel_loop3A_104  : i32 {
        %parallel_loop3A_150 = arith.constant 16 : i32
        %parallel_loop3A_151 = arith.muli %parallel_loop3A_149, %parallel_loop3A_150 : i32
        %parallel_loop3A_152 = arith.constant 0 : i32
        %parallel_loop3A_153 = arith.constant 0 : i32
        %parallel_loop3A_154 = arith.index_cast %parallel_loop3A_152 : i32 to index
        %parallel_loop3A_155 = arith.index_cast %parallel_loop3A_153 : i32 to index
        %parallel_loop3A_156 = arith.index_cast %parallel_loop3A_151 : i32 to index
        %parallel_loop3A_157 = tpu.vector_load %arg7[%parallel_loop3A_154, %parallel_loop3A_155, %parallel_loop3A_156] {strides = array<i32>} : memref<2x2x2048xi32, #tpu.memory_space<vmem>>, vector<16xi32>,
        %parallel_loop3A_158 = arith.constant 0 : i32
        %parallel_loop3A_159 = arith.constant 1 : i32
        %parallel_loop3A_160 = arith.index_cast %parallel_loop3A_158 : i32 to index
        %parallel_loop3A_161 = arith.index_cast %parallel_loop3A_159 : i32 to index
        %parallel_loop3A_162 = arith.index_cast %parallel_loop3A_151 : i32 to index
        %parallel_loop3A_163 = tpu.vector_load %arg7[%parallel_loop3A_160, %parallel_loop3A_161, %parallel_loop3A_162] {strides = array<i32>} : memref<2x2x2048xi32, #tpu.memory_space<vmem>>, vector<16xi32>,
        %parallel_loop3A_164 = tpu.vector_load_idx %arg5[%broadcast_in_dim3A_26, %parallel_loop3A_157] : memref<4x10240xf32, #tpu.memory_space<vmem>>[vector<16xi32>, vector<16xi32>], vector<16xf32>,
        tpu.vector_store_idx %arg6[%broadcast_in_dim3A_26, %parallel_loop3A_163], %parallel_loop3A_164 {add = true} : memref<4x10240xf32, #tpu.memory_space<vmem>>[vector<16xi32>, vector<16xi32>], vector<16xf32>,
        %parallel_loop3A_165 = tpu.vector_load_idx %arg5[%broadcast_in_dim3A_28, %parallel_loop3A_157] : memref<4x10240xf32, #tpu.memory_space<vmem>>[vector<16xi32>, vector<16xi32>], vector<16xf32>,
        tpu.vector_store_idx %arg6[%broadcast_in_dim3A_28, %parallel_loop3A_163], %parallel_loop3A_165 {add = true} : memref<4x10240xf32, #tpu.memory_space<vmem>>[vector<16xi32>, vector<16xi32>], vector<16xf32>,
        %parallel_loop3A_166 = tpu.vector_load_idx %arg5[%broadcast_in_dim3A_30, %parallel_loop3A_157] : memref<4x10240xf32, #tpu.memory_space<vmem>>[vector<16xi32>, vector<16xi32>], vector<16xf32>,
        tpu.vector_store_idx %arg6[%broadcast_in_dim3A_30, %parallel_loop3A_163], %parallel_loop3A_166 {add = true} : memref<4x10240xf32, #tpu.memory_space<vmem>>[vector<16xi32>, vector<16xi32>], vector<16xf32>,
        %parallel_loop3A_167 = tpu.vector_load_idx %arg5[%broadcast_in_dim3A_32, %parallel_loop3A_157] : memref<4x10240xf32, #tpu.memory_space<vmem>>[vector<16xi32>, vector<16xi32>], vector<16xf32>,
        tpu.vector_store_idx %arg6[%broadcast_in_dim3A_32, %parallel_loop3A_163], %parallel_loop3A_167 {add = true} : memref<4x10240xf32, #tpu.memory_space<vmem>>[vector<16xi32>, vector<16xi32>], vector<16xf32>,
      } {sc.loop_unroll_factor = 8 : i64, sc.parallel_access}
      %mul3A_105 = arith.constant 2 : i32
      %mul3A_106 = arith.muli %while3A_61, %mul3A_105 : i32
      %add3A_107 = arith.constant 1 : i32
      %add3A_108 = arith.addi %mul3A_106, %add3A_107 : i32
      %add3A_109 = arith.constant 1 : i32
      %add3A_110 = arith.addi %add3A_108, %add3A_109 : i32
      %min3A_111 = arith.minsi %add3A_110, %while3A_33 : i32
      %dma_start3A_112 = arith.constant 0 : i32
      %dma_start3A_113 = arith.constant 0 : i32
      %dma_start3A_114 = arith.constant 0 : i32
      %dma_start3A_115 = tpu.memref_slice %arg7[%dma_start3A_112, %dma_start3A_113, %dma_start3A_114] : memref<2x2x2048xi32, #tpu.memory_space<vmem>> -> memref<1x2x2048xi32, #tpu.memory_space<vmem>>
      %dma_start3A_116 = tpu.memref_squeeze %dma_start3A_115 : memref<1x2x2048xi32, #tpu.memory_space<vmem>> -> memref<2x2048xi32, #tpu.memory_space<vmem>>
      %dma_start3A_117 = arith.constant 0 : i32
      %dma_start3A_118 = arith.constant 0 : i32
      %dma_start3A_119 = tpu.memref_slice %arg3[%min3A_111, %dma_start3A_117, %dma_start3A_118] : memref<158x2x2048xi32, #tpu.memory_space<hbm>> -> memref<1x2x2048xi32, #tpu.memory_space<hbm>>
      %dma_start3A_120 = tpu.memref_squeeze %dma_start3A_119 : memref<1x2x2048xi32, #tpu.memory_space<hbm>> -> memref<2x2048xi32, #tpu.memory_space<hbm>>
      %dma_start3A_121 = arith.constant 0 : i32
      %dma_start3A_122 = arith.constant 0 : i32
      %dma_start3A_123 = tpu.memref_slice %arg7[%dma_start3A_112, %dma_start3A_121, %dma_start3A_122] : memref<2x2x2048xi32, #tpu.memory_space<vmem>> -> memref<1x2x2048xi32, #tpu.memory_space<vmem>>
      %dma_start3A_124 = tpu.memref_squeeze %dma_start3A_123 : memref<1x2x2048xi32, #tpu.memory_space<vmem>> -> memref<2x2048xi32, #tpu.memory_space<vmem>>
      %dma_start3A_125 = arith.constant 0 : i32
      %dma_start3A_126 = arith.constant 0 : i32
      %dma_start3A_127 = tpu.memref_slice %arg3[%min3A_111, %dma_start3A_125, %dma_start3A_126] : memref<158x2x2048xi32, #tpu.memory_space<hbm>> -> memref<1x2x2048xi32, #tpu.memory_space<hbm>>
      %dma_start3A_128 = tpu.memref_squeeze %dma_start3A_127 : memref<1x2x2048xi32, #tpu.memory_space<hbm>> -> memref<2x2048xi32, #tpu.memory_space<hbm>>
      tpu.enqueue_dma source(%dma_start3A_128 : memref<2x2048xi32, #tpu.memory_space<hbm>>) target(%dma_start3A_124 : memref<2x2048xi32, #tpu.memory_space<vmem>>) target_semaphore(%arg8 : memref<!tpu.dma_semaphore, #tpu.memory_space<semaphore_mem>>)
      %dma_wait3A_129 = arith.constant 1 : i32
      %dma_wait3A_130 = arith.constant 0 : i32
      %dma_wait3A_131 = arith.constant 0 : i32
      %dma_wait3A_132 = tpu.memref_slice %arg7[%dma_wait3A_129, %dma_wait3A_130, %dma_wait3A_131] : memref<2x2x2048xi32, #tpu.memory_space<vmem>> -> memref<1x2x2048xi32, #tpu.memory_space<vmem>>
      %dma_wait3A_133 = tpu.memref_squeeze %dma_wait3A_132 : memref<1x2x2048xi32, #tpu.memory_space<vmem>> -> memref<2x2048xi32, #tpu.memory_space<vmem>>
      %dma_wait3A_134 = arith.constant 0 : i32
      %dma_wait3A_135 = arith.constant 0 : i32
      %dma_wait3A_136 = tpu.memref_slice %arg3[%add3A_108, %dma_wait3A_134, %dma_wait3A_135] : memref<158x2x2048xi32, #tpu.memory_space<hbm>> -> memref<1x2x2048xi32, #tpu.memory_space<hbm>>
      %dma_wait3A_137 = tpu.memref_squeeze %dma_wait3A_136 : memref<1x2x2048xi32, #tpu.memory_space<hbm>> -> memref<2x2048xi32, #tpu.memory_space<hbm>>
      %dma_wait3A_138 = arith.constant 0 : i32
      %dma_wait3A_139 = arith.constant 0 : i32
      %dma_wait3A_140 = tpu.memref_slice %arg7[%dma_wait3A_129, %dma_wait3A_138, %dma_wait3A_139] : memref<2x2x2048xi32, #tpu.memory_space<vmem>> -> memref<1x2x2048xi32, #tpu.memory_space<vmem>>
      %dma_wait3A_141 = tpu.memref_squeeze %dma_wait3A_140 : memref<1x2x2048xi32, #tpu.memory_space<vmem>> -> memref<2x2048xi32, #tpu.memory_space<vmem>>
      %dma_wait3A_142 = arith.constant 0 : i32
      %dma_wait3A_143 = arith.constant 0 : i32
      %dma_wait3A_144 = tpu.memref_slice %arg3[%add3A_108, %dma_wait3A_142, %dma_wait3A_143] : memref<158x2x2048xi32, #tpu.memory_space<hbm>> -> memref<1x2x2048xi32, #tpu.memory_space<hbm>>
      %dma_wait3A_145 = tpu.memref_squeeze %dma_wait3A_144 : memref<1x2x2048xi32, #tpu.memory_space<hbm>> -> memref<2x2048xi32, #tpu.memory_space<hbm>>
      tpu.wait_dma2 semaphore(%arg9 : memref<!tpu.dma_semaphore, #tpu.memory_space<semaphore_mem>>) src(%dma_wait3A_145 : memref<2x2048xi32, #tpu.memory_space<hbm>>) dst(%dma_wait3A_141 : memref<2x2048xi32, #tpu.memory_space<vmem>>)
      %parallel_loop3A_146 = arith.constant 0 : i32
      %parallel_loop3A_147 = arith.constant 128 : i32
      %parallel_loop3A_148 = arith.constant 1 : i32
      scf.for %parallel_loop3A_149 = %parallel_loop3A_146 to %parallel_loop3A_147 step %parallel_loop3A_148  : i32 {
        %parallel_loop3A_150 = arith.constant 16 : i32
        %parallel_loop3A_151 = arith.muli %parallel_loop3A_149, %parallel_loop3A_150 : i32
        %parallel_loop3A_152 = arith.constant 1 : i32
        %parallel_loop3A_153 = arith.constant 0 : i32
        %parallel_loop3A_154 = arith.index_cast %parallel_loop3A_152 : i32 to index
        %parallel_loop3A_155 = arith.index_cast %parallel_loop3A_153 : i32 to index
        %parallel_loop3A_156 = arith.index_cast %parallel_loop3A_151 : i32 to index
        %parallel_loop3A_157 = tpu.vector_load %arg7[%parallel_loop3A_154, %parallel_loop3A_155, %parallel_loop3A_156] {strides = array<i32>} : memref<2x2x2048xi32, #tpu.memory_space<vmem>>, vector<16xi32>,
        %parallel_loop3A_158 = arith.constant 1 : i32
        %parallel_loop3A_159 = arith.constant 1 : i32
        %parallel_loop3A_160 = arith.index_cast %parallel_loop3A_158 : i32 to index
        %parallel_loop3A_161 = arith.index_cast %parallel_loop3A_159 : i32 to index
        %parallel_loop3A_162 = arith.index_cast %parallel_loop3A_151 : i32 to index
        %parallel_loop3A_163 = tpu.vector_load %arg7[%parallel_loop3A_160, %parallel_loop3A_161, %parallel_loop3A_162] {strides = array<i32>} : memref<2x2x2048xi32, #tpu.memory_space<vmem>>, vector<16xi32>,
        %parallel_loop3A_164 = tpu.vector_load_idx %arg5[%broadcast_in_dim3A_26, %parallel_loop3A_157] : memref<4x10240xf32, #tpu.memory_space<vmem>>[vector<16xi32>, vector<16xi32>], vector<16xf32>,
        tpu.vector_store_idx %arg6[%broadcast_in_dim3A_26, %parallel_loop3A_163], %parallel_loop3A_164 {add = true} : memref<4x10240xf32, #tpu.memory_space<vmem>>[vector<16xi32>, vector<16xi32>], vector<16xf32>,
        %parallel_loop3A_165 = tpu.vector_load_idx %arg5[%broadcast_in_dim3A_28, %parallel_loop3A_157] : memref<4x10240xf32, #tpu.memory_space<vmem>>[vector<16xi32>, vector<16xi32>], vector<16xf32>,
        tpu.vector_store_idx %arg6[%broadcast_in_dim3A_28, %parallel_loop3A_163], %parallel_loop3A_165 {add = true} : memref<4x10240xf32, #tpu.memory_space<vmem>>[vector<16xi32>, vector<16xi32>], vector<16xf32>,
        %parallel_loop3A_166 = tpu.vector_load_idx %arg5[%broadcast_in_dim3A_30, %parallel_loop3A_157] : memref<4x10240xf32, #tpu.memory_space<vmem>>[vector<16xi32>, vector<16xi32>], vector<16xf32>,
        tpu.vector_store_idx %arg6[%broadcast_in_dim3A_30, %parallel_loop3A_163], %parallel_loop3A_166 {add = true} : memref<4x10240xf32, #tpu.memory_space<vmem>>[vector<16xi32>, vector<16xi32>], vector<16xf32>,
        %parallel_loop3A_167 = tpu.vector_load_idx %arg5[%broadcast_in_dim3A_32, %parallel_loop3A_157] : memref<4x10240xf32, #tpu.memory_space<vmem>>[vector<16xi32>, vector<16xi32>], vector<16xf32>,
        tpu.vector_store_idx %arg6[%broadcast_in_dim3A_32, %parallel_loop3A_163], %parallel_loop3A_167 {add = true} : memref<4x10240xf32, #tpu.memory_space<vmem>>[vector<16xi32>, vector<16xi32>], vector<16xf32>,
      } {sc.loop_unroll_factor = 8 : i64, sc.parallel_access}
    }
    %dma_wait3A = arith.constant 157 : i32
    %dma_wait3A_44 = arith.constant 0 : i32
    %dma_wait3A_45 = arith.constant 0 : i32
    %dma_wait3A_46 = arith.constant 0 : i32
    %dma_wait3A_47 = tpu.memref_slice %arg7[%dma_wait3A_44, %dma_wait3A_45, %dma_wait3A_46] : memref<2x2x2048xi32, #tpu.memory_space<vmem>> -> memref<1x2x2048xi32, #tpu.memory_space<vmem>>
    %dma_wait3A_48 = tpu.memref_squeeze %dma_wait3A_47 : memref<1x2x2048xi32, #tpu.memory_space<vmem>> -> memref<2x2048xi32, #tpu.memory_space<vmem>>
    %dma_wait3A_49 = arith.constant 0 : i32
    %dma_wait3A_50 = arith.constant 0 : i32
    %dma_wait3A_51 = tpu.memref_slice %arg3[%dma_wait3A, %dma_wait3A_49, %dma_wait3A_50] : memref<158x2x2048xi32, #tpu.memory_space<hbm>> -> memref<1x2x2048xi32, #tpu.memory_space<hbm>>
    %dma_wait3A_52 = tpu.memref_squeeze %dma_wait3A_51 : memref<1x2x2048xi32, #tpu.memory_space<hbm>> -> memref<2x2048xi32, #tpu.memory_space<hbm>>
    %dma_wait3A_53 = arith.constant 0 : i32
    %dma_wait3A_54 = arith.constant 0 : i32
    %dma_wait3A_55 = tpu.memref_slice %arg7[%dma_wait3A_44, %dma_wait3A_53, %dma_wait3A_54] : memref<2x2x2048xi32, #tpu.memory_space<vmem>> -> memref<1x2x2048xi32, #tpu.memory_space<vmem>>
    %dma_wait3A_56 = tpu.memref_squeeze %dma_wait3A_55 : memref<1x2x2048xi32, #tpu.memory_space<vmem>> -> memref<2x2048xi32, #tpu.memory_space<vmem>>
    %dma_wait3A_57 = arith.constant 0 : i32
    %dma_wait3A_58 = arith.constant 0 : i32
    %dma_wait3A_59 = tpu.memref_slice %arg3[%dma_wait3A, %dma_wait3A_57, %dma_wait3A_58] : memref<158x2x2048xi32, #tpu.memory_space<hbm>> -> memref<1x2x2048xi32, #tpu.memory_space<hbm>>
    %dma_wait3A_60 = tpu.memref_squeeze %dma_wait3A_59 : memref<1x2x2048xi32, #tpu.memory_space<hbm>> -> memref<2x2048xi32, #tpu.memory_space<hbm>>
    tpu.wait_dma2 semaphore(%arg8 : memref<!tpu.dma_semaphore, #tpu.memory_space<semaphore_mem>>) src(%dma_wait3A_60 : memref<2x2048xi32, #tpu.memory_space<hbm>>) dst(%dma_wait3A_56 : memref<2x2048xi32, #tpu.memory_space<vmem>>)
    "tpu.region"() ({
      %run_scoped3A = tpu.sem_alloc : memref<!tpu.dma_semaphore, #tpu.memory_space<semaphore_mem>>
      %dma_start3A_61 = arith.constant 0 : i32
      %dma_start3A_62 = tpu.memref_slice %arg4[%mul3A_2, %dma_start3A_61] : memref<128x10240xf32, #tpu.memory_space<hbm>> -> memref<4x10240xf32, #tpu.memory_space<hbm>>
      %dma_start3A_63 = arith.constant 0 : i32
      %dma_start3A_64 = tpu.memref_slice %arg4[%mul3A_2, %dma_start3A_63] : memref<128x10240xf32, #tpu.memory_space<hbm>> -> memref<4x10240xf32, #tpu.memory_space<hbm>>
      tpu.enqueue_dma source(%arg6 : memref<4x10240xf32, #tpu.memory_space<vmem>>) target(%dma_start3A_64 : memref<4x10240xf32, #tpu.memory_space<hbm>>) target_semaphore(%run_scoped3A : memref<!tpu.dma_semaphore, #tpu.memory_space<semaphore_mem>>)
      %dma_wait3A_65 = arith.constant 0 : i32
      %dma_wait3A_66 = tpu.memref_slice %arg4[%mul3A_2, %dma_wait3A_65] : memref<128x10240xf32, #tpu.memory_space<hbm>> -> memref<4x10240xf32, #tpu.memory_space<hbm>>
      %dma_wait3A_67 = arith.constant 0 : i32
      %dma_wait3A_68 = tpu.memref_slice %arg4[%mul3A_2, %dma_wait3A_67] : memref<128x10240xf32, #tpu.memory_space<hbm>> -> memref<4x10240xf32, #tpu.memory_space<hbm>>
      tpu.wait_dma2 semaphore(%run_scoped3A : memref<!tpu.dma_semaphore, #tpu.memory_space<semaphore_mem>>) src(%arg6 : memref<4x10240xf32, #tpu.memory_space<vmem>>) dst(%dma_wait3A_68 : memref<4x10240xf32, #tpu.memory_space<hbm>>)
      tpu.yield
    }) : () -> ()
    return
  }
}

#map = affine_map<(d0, d1) -> (0, 0)>
#map1 = affine_map<(d0, d1) -> (0, 0, 0)>
module attributes {stable_mosaic.version = 14 : i64} {
  func.func @_sc_agg(%arg0: i32, %arg1: i32, %arg2: memref<128x10240xf32, #tpu.memory_space<hbm>>, %arg3: memref<158x2x2048xi32, #tpu.memory_space<hbm>>, %arg4: memref<128x10240xf32, #tpu.memory_space<hbm>>, %arg5: memref<4x10240xf32, #tpu.memory_space<vmem>>, %arg6: memref<4x10240xf32, #tpu.memory_space<vmem>>, %arg7: memref<2x2x2048xi32, #tpu.memory_space<vmem>>, %arg8: memref<!tpu.dma_semaphore, #tpu.memory_space<semaphore_mem>>, %arg9: memref<!tpu.dma_semaphore, #tpu.memory_space<semaphore_mem>>) attributes {dimension_semantics = [#tpu.dimension_semantics<core_parallel>, #tpu.dimension_semantics<subcore_parallel>], iteration_bounds = array<i64: 2, 16>, scalar_prefetch = 0 : i64, scratch_operands = 5 : i64, tpu.core_type = #tpu.core_type<sc_vector_subcore>, window_params = [{transform_indices = #map}, {transform_indices = #map1}, {transform_indices = #map}]} {
    %mul3A = arith.constant 16 : i32
    %mul3A_0 = arith.muli %arg0, %mul3A : i32
    %add3A = arith.addi %mul3A_0, %arg1 : i32
    %mul3A_1 = arith.constant 4 : i32
    %mul3A_2 = arith.muli %add3A, %mul3A_1 : i32
    "tpu.region"() ({
      %run_scoped3A = tpu.sem_alloc : memref<!tpu.dma_semaphore, #tpu.memory_space<semaphore_mem>>
      %dma_start3A_61 = arith.constant 0 : i32
      %dma_start3A_62 = tpu.memref_slice %arg2[%mul3A_2, %dma_start3A_61] : memref<128x10240xf32, #tpu.memory_space<hbm>> -> memref<4x10240xf32, #tpu.memory_space<hbm>>
      %dma_start3A_63 = arith.constant 0 : i32
      %dma_start3A_64 = tpu.memref_slice %arg2[%mul3A_2, %dma_start3A_63] : memref<128x10240xf32, #tpu.memory_space<hbm>> -> memref<4x10240xf32, #tpu.memory_space<hbm>>
      tpu.enqueue_dma source(%dma_start3A_64 : memref<4x10240xf32, #tpu.memory_space<hbm>>) target(%arg5 : memref<4x10240xf32, #tpu.memory_space<vmem>>) target_semaphore(%run_scoped3A : memref<!tpu.dma_semaphore, #tpu.memory_space<semaphore_mem>>)
      %dma_wait3A_65 = arith.constant 0 : i32
      %dma_wait3A_66 = tpu.memref_slice %arg2[%mul3A_2, %dma_wait3A_65] : memref<128x10240xf32, #tpu.memory_space<hbm>> -> memref<4x10240xf32, #tpu.memory_space<hbm>>
      %dma_wait3A_67 = arith.constant 0 : i32
      %dma_wait3A_68 = tpu.memref_slice %arg2[%mul3A_2, %dma_wait3A_67] : memref<128x10240xf32, #tpu.memory_space<hbm>> -> memref<4x10240xf32, #tpu.memory_space<hbm>>
      tpu.wait_dma2 semaphore(%run_scoped3A : memref<!tpu.dma_semaphore, #tpu.memory_space<semaphore_mem>>) src(%dma_wait3A_68 : memref<4x10240xf32, #tpu.memory_space<hbm>>) dst(%arg5 : memref<4x10240xf32, #tpu.memory_space<vmem>>)
      tpu.yield
    }) : () -> ()
    %broadcast_in_dim3A = arith.constant 0.000000e+00 : f32
    %broadcast_in_dim3A_3 = vector.broadcast %broadcast_in_dim3A : f32 to vector<16xf32>
    %parallel_loop3A = arith.constant 0 : i32
    %parallel_loop3A_4 = arith.constant 640 : i32
    %parallel_loop3A_5 = arith.constant 1 : i32
    scf.for %parallel_loop3A_61 = %parallel_loop3A to %parallel_loop3A_4 step %parallel_loop3A_5  : i32 {
      %parallel_loop3A_62 = arith.constant 16 : i32
      %parallel_loop3A_63 = arith.muli %parallel_loop3A_61, %parallel_loop3A_62 : i32
      %parallel_loop3A_64 = arith.constant 0 : i32
      %parallel_loop3A_65 = arith.index_cast %parallel_loop3A_64 : i32 to index
      %parallel_loop3A_66 = arith.index_cast %parallel_loop3A_63 : i32 to index
      %parallel_loop3A_67 = tpu.vector_load %arg6[%parallel_loop3A_65, %parallel_loop3A_66] {strides = array<i32>} : memref<4x10240xf32, #tpu.memory_space<vmem>>, vector<16xf32>,
      tpu.vector_store %arg6[%parallel_loop3A_65, %parallel_loop3A_66], %broadcast_in_dim3A_3 {strides = array<i32>} : memref<4x10240xf32, #tpu.memory_space<vmem>>, vector<16xf32>,
      %parallel_loop3A_68 = arith.constant 1 : i32
      %parallel_loop3A_69 = arith.index_cast %parallel_loop3A_68 : i32 to index
      %parallel_loop3A_70 = arith.index_cast %parallel_loop3A_63 : i32 to index
      %parallel_loop3A_71 = tpu.vector_load %arg6[%parallel_loop3A_69, %parallel_loop3A_70] {strides = array<i32>} : memref<4x10240xf32, #tpu.memory_space<vmem>>, vector<16xf32>,
      tpu.vector_store %arg6[%parallel_loop3A_69, %parallel_loop3A_70], %broadcast_in_dim3A_3 {strides = array<i32>} : memref<4x10240xf32, #tpu.memory_space<vmem>>, vector<16xf32>,
      %parallel_loop3A_72 = arith.constant 2 : i32
      %parallel_loop3A_73 = arith.index_cast %parallel_loop3A_72 : i32 to index
      %parallel_loop3A_74 = arith.index_cast %parallel_loop3A_63 : i32 to index
      %parallel_loop3A_75 = tpu.vector_load %arg6[%parallel_loop3A_73, %parallel_loop3A_74] {strides = array<i32>} : memref<4x10240xf32, #tpu.memory_space<vmem>>, vector<16xf32>,
      tpu.vector_store %arg6[%parallel_loop3A_73, %parallel_loop3A_74], %broadcast_in_dim3A_3 {strides = array<i32>} : memref<4x10240xf32, #tpu.memory_space<vmem>>, vector<16xf32>,
      %parallel_loop3A_76 = arith.constant 3 : i32
      %parallel_loop3A_77 = arith.index_cast %parallel_loop3A_76 : i32 to index
      %parallel_loop3A_78 = arith.index_cast %parallel_loop3A_63 : i32 to index
      %parallel_loop3A_79 = tpu.vector_load %arg6[%parallel_loop3A_77, %parallel_loop3A_78] {strides = array<i32>} : memref<4x10240xf32, #tpu.memory_space<vmem>>, vector<16xf32>,
      tpu.vector_store %arg6[%parallel_loop3A_77, %parallel_loop3A_78], %broadcast_in_dim3A_3 {strides = array<i32>} : memref<4x10240xf32, #tpu.memory_space<vmem>>, vector<16xf32>,
    } {sc.loop_unroll_factor = 4 : i64, sc.parallel_access}
    %broadcast_in_dim3A_6 = arith.constant 1.000000e+00 : f32
    %broadcast_in_dim3A_7 = vector.broadcast %broadcast_in_dim3A_6 : f32 to vector<16xf32>
    %dma_start3A = arith.constant 0 : i32
    %dma_start3A_8 = arith.constant 0 : i32
    %dma_start3A_9 = arith.constant 0 : i32
    %dma_start3A_10 = arith.constant 0 : i32
    %dma_start3A_11 = tpu.memref_slice %arg7[%dma_start3A_8, %dma_start3A_9, %dma_start3A_10] : memref<2x2x2048xi32, #tpu.memory_space<vmem>> -> memref<1x2x2048xi32, #tpu.memory_space<vmem>>
    %dma_start3A_12 = tpu.memref_squeeze %dma_start3A_11 : memref<1x2x2048xi32, #tpu.memory_space<vmem>> -> memref<2x2048xi32, #tpu.memory_space<vmem>>
    %dma_start3A_13 = arith.constant 0 : i32
    %dma_start3A_14 = arith.constant 0 : i32
    %dma_start3A_15 = tpu.memref_slice %arg3[%dma_start3A, %dma_start3A_13, %dma_start3A_14] : memref<158x2x2048xi32, #tpu.memory_space<hbm>> -> memref<1x2x2048xi32, #tpu.memory_space<hbm>>
    %dma_start3A_16 = tpu.memref_squeeze %dma_start3A_15 : memref<1x2x2048xi32, #tpu.memory_space<hbm>> -> memref<2x2048xi32, #tpu.memory_space<hbm>>
    %dma_start3A_17 = arith.constant 0 : i32
    %dma_start3A_18 = arith.constant 0 : i32
    %dma_start3A_19 = tpu.memref_slice %arg7[%dma_start3A_8, %dma_start3A_17, %dma_start3A_18] : memref<2x2x2048xi32, #tpu.memory_space<vmem>> -> memref<1x2x2048xi32, #tpu.memory_space<vmem>>
    %dma_start3A_20 = tpu.memref_squeeze %dma_start3A_19 : memref<1x2x2048xi32, #tpu.memory_space<vmem>> -> memref<2x2048xi32, #tpu.memory_space<vmem>>
    %dma_start3A_21 = arith.constant 0 : i32
    %dma_start3A_22 = arith.constant 0 : i32
    %dma_start3A_23 = tpu.memref_slice %arg3[%dma_start3A, %dma_start3A_21, %dma_start3A_22] : memref<158x2x2048xi32, #tpu.memory_space<hbm>> -> memref<1x2x2048xi32, #tpu.memory_space<hbm>>
    %dma_start3A_24 = tpu.memref_squeeze %dma_start3A_23 : memref<1x2x2048xi32, #tpu.memory_space<hbm>> -> memref<2x2048xi32, #tpu.memory_space<hbm>>
    tpu.enqueue_dma source(%dma_start3A_24 : memref<2x2048xi32, #tpu.memory_space<hbm>>) target(%dma_start3A_20 : memref<2x2048xi32, #tpu.memory_space<vmem>>) target_semaphore(%arg8 : memref<!tpu.dma_semaphore, #tpu.memory_space<semaphore_mem>>)
    %broadcast_in_dim3A_25 = arith.constant 0 : i32
    %broadcast_in_dim3A_26 = vector.broadcast %broadcast_in_dim3A_25 : i32 to vector<16xi32>
    %broadcast_in_dim3A_27 = arith.constant 1 : i32
    %broadcast_in_dim3A_28 = vector.broadcast %broadcast_in_dim3A_27 : i32 to vector<16xi32>
    %broadcast_in_dim3A_29 = arith.constant 2 : i32
    %broadcast_in_dim3A_30 = vector.broadcast %broadcast_in_dim3A_29 : i32 to vector<16xi32>
    %broadcast_in_dim3A_31 = arith.constant 3 : i32
    %broadcast_in_dim3A_32 = vector.broadcast %broadcast_in_dim3A_31 : i32 to vector<16xi32>
    %while3A = arith.constant 0 : i32
    %while3A_33 = arith.constant 157 : i32
    %while3A_34 = arith.constant 0 : i32
    %while3A_35 = arith.constant 79 : i32
    %while3A_36 = arith.subi %while3A_35, %while3A_34 : i32
    %while3A_37 = arith.addi %while3A_34, %while3A_36 : i32
    %while3A_38 = arith.constant 1 : i32
    %while3A_39 = arith.divsi %while3A_36, %while3A_38 : i32
    %while3A_40 = arith.muli %while3A_39, %while3A_38 : i32
    %while3A_41 = arith.addi %while3A_34, %while3A_40 : i32
    %while3A_42 = arith.constant 1 : i32
    scf.for %while3A_61 = %while3A_34 to %while3A_41 step %while3A_42  : i32 {
      %mul3A_62 = arith.constant 2 : i32
      %mul3A_63 = arith.muli %while3A_61, %mul3A_62 : i32
      %add3A_64 = arith.constant 0 : i32
      %add3A_65 = arith.addi %mul3A_63, %add3A_64 : i32
      %add3A_66 = arith.constant 1 : i32
      %add3A_67 = arith.addi %add3A_65, %add3A_66 : i32
      %min3A = arith.minsi %add3A_67, %while3A_33 : i32
      %dma_start3A_68 = arith.constant 1 : i32
      %dma_start3A_69 = arith.constant 0 : i32
      %dma_start3A_70 = arith.constant 0 : i32
      %dma_start3A_71 = tpu.memref_slice %arg7[%dma_start3A_68, %dma_start3A_69, %dma_start3A_70] : memref<2x2x2048xi32, #tpu.memory_space<vmem>> -> memref<1x2x2048xi32, #tpu.memory_space<vmem>>
      %dma_start3A_72 = tpu.memref_squeeze %dma_start3A_71 : memref<1x2x2048xi32, #tpu.memory_space<vmem>> -> memref<2x2048xi32, #tpu.memory_space<vmem>>
      %dma_start3A_73 = arith.constant 0 : i32
      %dma_start3A_74 = arith.constant 0 : i32
      %dma_start3A_75 = tpu.memref_slice %arg3[%min3A, %dma_start3A_73, %dma_start3A_74] : memref<158x2x2048xi32, #tpu.memory_space<hbm>> -> memref<1x2x2048xi32, #tpu.memory_space<hbm>>
      %dma_start3A_76 = tpu.memref_squeeze %dma_start3A_75 : memref<1x2x2048xi32, #tpu.memory_space<hbm>> -> memref<2x2048xi32, #tpu.memory_space<hbm>>
      %dma_start3A_77 = arith.constant 0 : i32
      %dma_start3A_78 = arith.constant 0 : i32
      %dma_start3A_79 = tpu.memref_slice %arg7[%dma_start3A_68, %dma_start3A_77, %dma_start3A_78] : memref<2x2x2048xi32, #tpu.memory_space<vmem>> -> memref<1x2x2048xi32, #tpu.memory_space<vmem>>
      %dma_start3A_80 = tpu.memref_squeeze %dma_start3A_79 : memref<1x2x2048xi32, #tpu.memory_space<vmem>> -> memref<2x2048xi32, #tpu.memory_space<vmem>>
      %dma_start3A_81 = arith.constant 0 : i32
      %dma_start3A_82 = arith.constant 0 : i32
      %dma_start3A_83 = tpu.memref_slice %arg3[%min3A, %dma_start3A_81, %dma_start3A_82] : memref<158x2x2048xi32, #tpu.memory_space<hbm>> -> memref<1x2x2048xi32, #tpu.memory_space<hbm>>
      %dma_start3A_84 = tpu.memref_squeeze %dma_start3A_83 : memref<1x2x2048xi32, #tpu.memory_space<hbm>> -> memref<2x2048xi32, #tpu.memory_space<hbm>>
      tpu.enqueue_dma source(%dma_start3A_84 : memref<2x2048xi32, #tpu.memory_space<hbm>>) target(%dma_start3A_80 : memref<2x2048xi32, #tpu.memory_space<vmem>>) target_semaphore(%arg9 : memref<!tpu.dma_semaphore, #tpu.memory_space<semaphore_mem>>)
      %dma_wait3A_85 = arith.constant 0 : i32
      %dma_wait3A_86 = arith.constant 0 : i32
      %dma_wait3A_87 = arith.constant 0 : i32
      %dma_wait3A_88 = tpu.memref_slice %arg7[%dma_wait3A_85, %dma_wait3A_86, %dma_wait3A_87] : memref<2x2x2048xi32, #tpu.memory_space<vmem>> -> memref<1x2x2048xi32, #tpu.memory_space<vmem>>
      %dma_wait3A_89 = tpu.memref_squeeze %dma_wait3A_88 : memref<1x2x2048xi32, #tpu.memory_space<vmem>> -> memref<2x2048xi32, #tpu.memory_space<vmem>>
      %dma_wait3A_90 = arith.constant 0 : i32
      %dma_wait3A_91 = arith.constant 0 : i32
      %dma_wait3A_92 = tpu.memref_slice %arg3[%add3A_65, %dma_wait3A_90, %dma_wait3A_91] : memref<158x2x2048xi32, #tpu.memory_space<hbm>> -> memref<1x2x2048xi32, #tpu.memory_space<hbm>>
      %dma_wait3A_93 = tpu.memref_squeeze %dma_wait3A_92 : memref<1x2x2048xi32, #tpu.memory_space<hbm>> -> memref<2x2048xi32, #tpu.memory_space<hbm>>
      %dma_wait3A_94 = arith.constant 0 : i32
      %dma_wait3A_95 = arith.constant 0 : i32
      %dma_wait3A_96 = tpu.memref_slice %arg7[%dma_wait3A_85, %dma_wait3A_94, %dma_wait3A_95] : memref<2x2x2048xi32, #tpu.memory_space<vmem>> -> memref<1x2x2048xi32, #tpu.memory_space<vmem>>
      %dma_wait3A_97 = tpu.memref_squeeze %dma_wait3A_96 : memref<1x2x2048xi32, #tpu.memory_space<vmem>> -> memref<2x2048xi32, #tpu.memory_space<vmem>>
      %dma_wait3A_98 = arith.constant 0 : i32
      %dma_wait3A_99 = arith.constant 0 : i32
      %dma_wait3A_100 = tpu.memref_slice %arg3[%add3A_65, %dma_wait3A_98, %dma_wait3A_99] : memref<158x2x2048xi32, #tpu.memory_space<hbm>> -> memref<1x2x2048xi32, #tpu.memory_space<hbm>>
      %dma_wait3A_101 = tpu.memref_squeeze %dma_wait3A_100 : memref<1x2x2048xi32, #tpu.memory_space<hbm>> -> memref<2x2048xi32, #tpu.memory_space<hbm>>
      tpu.wait_dma2 semaphore(%arg8 : memref<!tpu.dma_semaphore, #tpu.memory_space<semaphore_mem>>) src(%dma_wait3A_101 : memref<2x2048xi32, #tpu.memory_space<hbm>>) dst(%dma_wait3A_97 : memref<2x2048xi32, #tpu.memory_space<vmem>>)
      %parallel_loop3A_102 = arith.constant 0 : i32
      %parallel_loop3A_103 = arith.constant 128 : i32
      %parallel_loop3A_104 = arith.constant 1 : i32
      scf.for %parallel_loop3A_149 = %parallel_loop3A_102 to %parallel_loop3A_103 step %parallel_loop3A_104  : i32 {
        %parallel_loop3A_150 = arith.constant 16 : i32
        %parallel_loop3A_151 = arith.muli %parallel_loop3A_149, %parallel_loop3A_150 : i32
        %parallel_loop3A_152 = arith.constant 0 : i32
        %parallel_loop3A_153 = arith.constant 0 : i32
        %parallel_loop3A_154 = arith.index_cast %parallel_loop3A_152 : i32 to index
        %parallel_loop3A_155 = arith.index_cast %parallel_loop3A_153 : i32 to index
        %parallel_loop3A_156 = arith.index_cast %parallel_loop3A_151 : i32 to index
        %parallel_loop3A_157 = tpu.vector_load %arg7[%parallel_loop3A_154, %parallel_loop3A_155, %parallel_loop3A_156] {strides = array<i32>} : memref<2x2x2048xi32, #tpu.memory_space<vmem>>, vector<16xi32>,
        %parallel_loop3A_158 = arith.constant 0 : i32
        %parallel_loop3A_159 = arith.constant 1 : i32
        %parallel_loop3A_160 = arith.index_cast %parallel_loop3A_158 : i32 to index
        %parallel_loop3A_161 = arith.index_cast %parallel_loop3A_159 : i32 to index
        %parallel_loop3A_162 = arith.index_cast %parallel_loop3A_151 : i32 to index
        %parallel_loop3A_163 = tpu.vector_load %arg7[%parallel_loop3A_160, %parallel_loop3A_161, %parallel_loop3A_162] {strides = array<i32>} : memref<2x2x2048xi32, #tpu.memory_space<vmem>>, vector<16xi32>,
        %parallel_loop3A_164 = tpu.vector_load_idx %arg5[%broadcast_in_dim3A_26, %parallel_loop3A_157] : memref<4x10240xf32, #tpu.memory_space<vmem>>[vector<16xi32>, vector<16xi32>], vector<16xf32>,
        tpu.vector_store_idx %arg6[%broadcast_in_dim3A_26, %parallel_loop3A_163], %parallel_loop3A_164 {add = true} : memref<4x10240xf32, #tpu.memory_space<vmem>>[vector<16xi32>, vector<16xi32>], vector<16xf32>,
        %parallel_loop3A_165 = tpu.vector_load_idx %arg5[%broadcast_in_dim3A_28, %parallel_loop3A_157] : memref<4x10240xf32, #tpu.memory_space<vmem>>[vector<16xi32>, vector<16xi32>], vector<16xf32>,
        tpu.vector_store_idx %arg6[%broadcast_in_dim3A_28, %parallel_loop3A_163], %parallel_loop3A_165 {add = true} : memref<4x10240xf32, #tpu.memory_space<vmem>>[vector<16xi32>, vector<16xi32>], vector<16xf32>,
        %parallel_loop3A_166 = tpu.vector_load_idx %arg5[%broadcast_in_dim3A_30, %parallel_loop3A_157] : memref<4x10240xf32, #tpu.memory_space<vmem>>[vector<16xi32>, vector<16xi32>], vector<16xf32>,
        tpu.vector_store_idx %arg6[%broadcast_in_dim3A_30, %parallel_loop3A_163], %parallel_loop3A_166 {add = true} : memref<4x10240xf32, #tpu.memory_space<vmem>>[vector<16xi32>, vector<16xi32>], vector<16xf32>,
        %parallel_loop3A_167 = tpu.vector_load_idx %arg5[%broadcast_in_dim3A_32, %parallel_loop3A_157] : memref<4x10240xf32, #tpu.memory_space<vmem>>[vector<16xi32>, vector<16xi32>], vector<16xf32>,
        tpu.vector_store_idx %arg6[%broadcast_in_dim3A_32, %parallel_loop3A_163], %parallel_loop3A_167 {add = true} : memref<4x10240xf32, #tpu.memory_space<vmem>>[vector<16xi32>, vector<16xi32>], vector<16xf32>,
      } {sc.loop_unroll_factor = 8 : i64, sc.parallel_access}
      %mul3A_105 = arith.constant 2 : i32
      %mul3A_106 = arith.muli %while3A_61, %mul3A_105 : i32
      %add3A_107 = arith.constant 1 : i32
      %add3A_108 = arith.addi %mul3A_106, %add3A_107 : i32
      %add3A_109 = arith.constant 1 : i32
      %add3A_110 = arith.addi %add3A_108, %add3A_109 : i32
      %min3A_111 = arith.minsi %add3A_110, %while3A_33 : i32
      %dma_start3A_112 = arith.constant 0 : i32
      %dma_start3A_113 = arith.constant 0 : i32
      %dma_start3A_114 = arith.constant 0 : i32
      %dma_start3A_115 = tpu.memref_slice %arg7[%dma_start3A_112, %dma_start3A_113, %dma_start3A_114] : memref<2x2x2048xi32, #tpu.memory_space<vmem>> -> memref<1x2x2048xi32, #tpu.memory_space<vmem>>
      %dma_start3A_116 = tpu.memref_squeeze %dma_start3A_115 : memref<1x2x2048xi32, #tpu.memory_space<vmem>> -> memref<2x2048xi32, #tpu.memory_space<vmem>>
      %dma_start3A_117 = arith.constant 0 : i32
      %dma_start3A_118 = arith.constant 0 : i32
      %dma_start3A_119 = tpu.memref_slice %arg3[%min3A_111, %dma_start3A_117, %dma_start3A_118] : memref<158x2x2048xi32, #tpu.memory_space<hbm>> -> memref<1x2x2048xi32, #tpu.memory_space<hbm>>
      %dma_start3A_120 = tpu.memref_squeeze %dma_start3A_119 : memref<1x2x2048xi32, #tpu.memory_space<hbm>> -> memref<2x2048xi32, #tpu.memory_space<hbm>>
      %dma_start3A_121 = arith.constant 0 : i32
      %dma_start3A_122 = arith.constant 0 : i32
      %dma_start3A_123 = tpu.memref_slice %arg7[%dma_start3A_112, %dma_start3A_121, %dma_start3A_122] : memref<2x2x2048xi32, #tpu.memory_space<vmem>> -> memref<1x2x2048xi32, #tpu.memory_space<vmem>>
      %dma_start3A_124 = tpu.memref_squeeze %dma_start3A_123 : memref<1x2x2048xi32, #tpu.memory_space<vmem>> -> memref<2x2048xi32, #tpu.memory_space<vmem>>
      %dma_start3A_125 = arith.constant 0 : i32
      %dma_start3A_126 = arith.constant 0 : i32
      %dma_start3A_127 = tpu.memref_slice %arg3[%min3A_111, %dma_start3A_125, %dma_start3A_126] : memref<158x2x2048xi32, #tpu.memory_space<hbm>> -> memref<1x2x2048xi32, #tpu.memory_space<hbm>>
      %dma_start3A_128 = tpu.memref_squeeze %dma_start3A_127 : memref<1x2x2048xi32, #tpu.memory_space<hbm>> -> memref<2x2048xi32, #tpu.memory_space<hbm>>
      tpu.enqueue_dma source(%dma_start3A_128 : memref<2x2048xi32, #tpu.memory_space<hbm>>) target(%dma_start3A_124 : memref<2x2048xi32, #tpu.memory_space<vmem>>) target_semaphore(%arg8 : memref<!tpu.dma_semaphore, #tpu.memory_space<semaphore_mem>>)
      %dma_wait3A_129 = arith.constant 1 : i32
      %dma_wait3A_130 = arith.constant 0 : i32
      %dma_wait3A_131 = arith.constant 0 : i32
      %dma_wait3A_132 = tpu.memref_slice %arg7[%dma_wait3A_129, %dma_wait3A_130, %dma_wait3A_131] : memref<2x2x2048xi32, #tpu.memory_space<vmem>> -> memref<1x2x2048xi32, #tpu.memory_space<vmem>>
      %dma_wait3A_133 = tpu.memref_squeeze %dma_wait3A_132 : memref<1x2x2048xi32, #tpu.memory_space<vmem>> -> memref<2x2048xi32, #tpu.memory_space<vmem>>
      %dma_wait3A_134 = arith.constant 0 : i32
      %dma_wait3A_135 = arith.constant 0 : i32
      %dma_wait3A_136 = tpu.memref_slice %arg3[%add3A_108, %dma_wait3A_134, %dma_wait3A_135] : memref<158x2x2048xi32, #tpu.memory_space<hbm>> -> memref<1x2x2048xi32, #tpu.memory_space<hbm>>
      %dma_wait3A_137 = tpu.memref_squeeze %dma_wait3A_136 : memref<1x2x2048xi32, #tpu.memory_space<hbm>> -> memref<2x2048xi32, #tpu.memory_space<hbm>>
      %dma_wait3A_138 = arith.constant 0 : i32
      %dma_wait3A_139 = arith.constant 0 : i32
      %dma_wait3A_140 = tpu.memref_slice %arg7[%dma_wait3A_129, %dma_wait3A_138, %dma_wait3A_139] : memref<2x2x2048xi32, #tpu.memory_space<vmem>> -> memref<1x2x2048xi32, #tpu.memory_space<vmem>>
      %dma_wait3A_141 = tpu.memref_squeeze %dma_wait3A_140 : memref<1x2x2048xi32, #tpu.memory_space<vmem>> -> memref<2x2048xi32, #tpu.memory_space<vmem>>
      %dma_wait3A_142 = arith.constant 0 : i32
      %dma_wait3A_143 = arith.constant 0 : i32
      %dma_wait3A_144 = tpu.memref_slice %arg3[%add3A_108, %dma_wait3A_142, %dma_wait3A_143] : memref<158x2x2048xi32, #tpu.memory_space<hbm>> -> memref<1x2x2048xi32, #tpu.memory_space<hbm>>
      %dma_wait3A_145 = tpu.memref_squeeze %dma_wait3A_144 : memref<1x2x2048xi32, #tpu.memory_space<hbm>> -> memref<2x2048xi32, #tpu.memory_space<hbm>>
      tpu.wait_dma2 semaphore(%arg9 : memref<!tpu.dma_semaphore, #tpu.memory_space<semaphore_mem>>) src(%dma_wait3A_145 : memref<2x2048xi32, #tpu.memory_space<hbm>>) dst(%dma_wait3A_141 : memref<2x2048xi32, #tpu.memory_space<vmem>>)
      %parallel_loop3A_146 = arith.constant 0 : i32
      %parallel_loop3A_147 = arith.constant 128 : i32
      %parallel_loop3A_148 = arith.constant 1 : i32
      scf.for %parallel_loop3A_149 = %parallel_loop3A_146 to %parallel_loop3A_147 step %parallel_loop3A_148  : i32 {
        %parallel_loop3A_150 = arith.constant 16 : i32
        %parallel_loop3A_151 = arith.muli %parallel_loop3A_149, %parallel_loop3A_150 : i32
        %parallel_loop3A_152 = arith.constant 1 : i32
        %parallel_loop3A_153 = arith.constant 0 : i32
        %parallel_loop3A_154 = arith.index_cast %parallel_loop3A_152 : i32 to index
        %parallel_loop3A_155 = arith.index_cast %parallel_loop3A_153 : i32 to index
        %parallel_loop3A_156 = arith.index_cast %parallel_loop3A_151 : i32 to index
        %parallel_loop3A_157 = tpu.vector_load %arg7[%parallel_loop3A_154, %parallel_loop3A_155, %parallel_loop3A_156] {strides = array<i32>} : memref<2x2x2048xi32, #tpu.memory_space<vmem>>, vector<16xi32>,
        %parallel_loop3A_158 = arith.constant 1 : i32
        %parallel_loop3A_159 = arith.constant 1 : i32
        %parallel_loop3A_160 = arith.index_cast %parallel_loop3A_158 : i32 to index
        %parallel_loop3A_161 = arith.index_cast %parallel_loop3A_159 : i32 to index
        %parallel_loop3A_162 = arith.index_cast %parallel_loop3A_151 : i32 to index
        %parallel_loop3A_163 = tpu.vector_load %arg7[%parallel_loop3A_160, %parallel_loop3A_161, %parallel_loop3A_162] {strides = array<i32>} : memref<2x2x2048xi32, #tpu.memory_space<vmem>>, vector<16xi32>,
        %parallel_loop3A_164 = tpu.vector_load_idx %arg5[%broadcast_in_dim3A_26, %parallel_loop3A_157] : memref<4x10240xf32, #tpu.memory_space<vmem>>[vector<16xi32>, vector<16xi32>], vector<16xf32>,
        tpu.vector_store_idx %arg6[%broadcast_in_dim3A_26, %parallel_loop3A_163], %parallel_loop3A_164 {add = true} : memref<4x10240xf32, #tpu.memory_space<vmem>>[vector<16xi32>, vector<16xi32>], vector<16xf32>,
        %parallel_loop3A_165 = tpu.vector_load_idx %arg5[%broadcast_in_dim3A_28, %parallel_loop3A_157] : memref<4x10240xf32, #tpu.memory_space<vmem>>[vector<16xi32>, vector<16xi32>], vector<16xf32>,
        tpu.vector_store_idx %arg6[%broadcast_in_dim3A_28, %parallel_loop3A_163], %parallel_loop3A_165 {add = true} : memref<4x10240xf32, #tpu.memory_space<vmem>>[vector<16xi32>, vector<16xi32>], vector<16xf32>,
        %parallel_loop3A_166 = tpu.vector_load_idx %arg5[%broadcast_in_dim3A_30, %parallel_loop3A_157] : memref<4x10240xf32, #tpu.memory_space<vmem>>[vector<16xi32>, vector<16xi32>], vector<16xf32>,
        tpu.vector_store_idx %arg6[%broadcast_in_dim3A_30, %parallel_loop3A_163], %parallel_loop3A_166 {add = true} : memref<4x10240xf32, #tpu.memory_space<vmem>>[vector<16xi32>, vector<16xi32>], vector<16xf32>,
        %parallel_loop3A_167 = tpu.vector_load_idx %arg5[%broadcast_in_dim3A_32, %parallel_loop3A_157] : memref<4x10240xf32, #tpu.memory_space<vmem>>[vector<16xi32>, vector<16xi32>], vector<16xf32>,
        tpu.vector_store_idx %arg6[%broadcast_in_dim3A_32, %parallel_loop3A_163], %parallel_loop3A_167 {add = true} : memref<4x10240xf32, #tpu.memory_space<vmem>>[vector<16xi32>, vector<16xi32>], vector<16xf32>,
      } {sc.loop_unroll_factor = 8 : i64, sc.parallel_access}
    }
    %while3A_43 = arith.constant 1 : i32
    scf.for %while3A_61 = %while3A_41 to %while3A_37 step %while3A_43  : i32 {
      %mul3A_62 = arith.constant 2 : i32
      %mul3A_63 = arith.muli %while3A_61, %mul3A_62 : i32
      %add3A_64 = arith.constant 0 : i32
      %add3A_65 = arith.addi %mul3A_63, %add3A_64 : i32
      %add3A_66 = arith.constant 1 : i32
      %add3A_67 = arith.addi %add3A_65, %add3A_66 : i32
      %min3A = arith.minsi %add3A_67, %while3A_33 : i32
      %dma_start3A_68 = arith.constant 1 : i32
      %dma_start3A_69 = arith.constant 0 : i32
      %dma_start3A_70 = arith.constant 0 : i32
      %dma_start3A_71 = tpu.memref_slice %arg7[%dma_start3A_68, %dma_start3A_69, %dma_start3A_70] : memref<2x2x2048xi32, #tpu.memory_space<vmem>> -> memref<1x2x2048xi32, #tpu.memory_space<vmem>>
      %dma_start3A_72 = tpu.memref_squeeze %dma_start3A_71 : memref<1x2x2048xi32, #tpu.memory_space<vmem>> -> memref<2x2048xi32, #tpu.memory_space<vmem>>
      %dma_start3A_73 = arith.constant 0 : i32
      %dma_start3A_74 = arith.constant 0 : i32
      %dma_start3A_75 = tpu.memref_slice %arg3[%min3A, %dma_start3A_73, %dma_start3A_74] : memref<158x2x2048xi32, #tpu.memory_space<hbm>> -> memref<1x2x2048xi32, #tpu.memory_space<hbm>>
      %dma_start3A_76 = tpu.memref_squeeze %dma_start3A_75 : memref<1x2x2048xi32, #tpu.memory_space<hbm>> -> memref<2x2048xi32, #tpu.memory_space<hbm>>
      %dma_start3A_77 = arith.constant 0 : i32
      %dma_start3A_78 = arith.constant 0 : i32
      %dma_start3A_79 = tpu.memref_slice %arg7[%dma_start3A_68, %dma_start3A_77, %dma_start3A_78] : memref<2x2x2048xi32, #tpu.memory_space<vmem>> -> memref<1x2x2048xi32, #tpu.memory_space<vmem>>
      %dma_start3A_80 = tpu.memref_squeeze %dma_start3A_79 : memref<1x2x2048xi32, #tpu.memory_space<vmem>> -> memref<2x2048xi32, #tpu.memory_space<vmem>>
      %dma_start3A_81 = arith.constant 0 : i32
      %dma_start3A_82 = arith.constant 0 : i32
      %dma_start3A_83 = tpu.memref_slice %arg3[%min3A, %dma_start3A_81, %dma_start3A_82] : memref<158x2x2048xi32, #tpu.memory_space<hbm>> -> memref<1x2x2048xi32, #tpu.memory_space<hbm>>
      %dma_start3A_84 = tpu.memref_squeeze %dma_start3A_83 : memref<1x2x2048xi32, #tpu.memory_space<hbm>> -> memref<2x2048xi32, #tpu.memory_space<hbm>>
      tpu.enqueue_dma source(%dma_start3A_84 : memref<2x2048xi32, #tpu.memory_space<hbm>>) target(%dma_start3A_80 : memref<2x2048xi32, #tpu.memory_space<vmem>>) target_semaphore(%arg9 : memref<!tpu.dma_semaphore, #tpu.memory_space<semaphore_mem>>)
      %dma_wait3A_85 = arith.constant 0 : i32
      %dma_wait3A_86 = arith.constant 0 : i32
      %dma_wait3A_87 = arith.constant 0 : i32
      %dma_wait3A_88 = tpu.memref_slice %arg7[%dma_wait3A_85, %dma_wait3A_86, %dma_wait3A_87] : memref<2x2x2048xi32, #tpu.memory_space<vmem>> -> memref<1x2x2048xi32, #tpu.memory_space<vmem>>
      %dma_wait3A_89 = tpu.memref_squeeze %dma_wait3A_88 : memref<1x2x2048xi32, #tpu.memory_space<vmem>> -> memref<2x2048xi32, #tpu.memory_space<vmem>>
      %dma_wait3A_90 = arith.constant 0 : i32
      %dma_wait3A_91 = arith.constant 0 : i32
      %dma_wait3A_92 = tpu.memref_slice %arg3[%add3A_65, %dma_wait3A_90, %dma_wait3A_91] : memref<158x2x2048xi32, #tpu.memory_space<hbm>> -> memref<1x2x2048xi32, #tpu.memory_space<hbm>>
      %dma_wait3A_93 = tpu.memref_squeeze %dma_wait3A_92 : memref<1x2x2048xi32, #tpu.memory_space<hbm>> -> memref<2x2048xi32, #tpu.memory_space<hbm>>
      %dma_wait3A_94 = arith.constant 0 : i32
      %dma_wait3A_95 = arith.constant 0 : i32
      %dma_wait3A_96 = tpu.memref_slice %arg7[%dma_wait3A_85, %dma_wait3A_94, %dma_wait3A_95] : memref<2x2x2048xi32, #tpu.memory_space<vmem>> -> memref<1x2x2048xi32, #tpu.memory_space<vmem>>
      %dma_wait3A_97 = tpu.memref_squeeze %dma_wait3A_96 : memref<1x2x2048xi32, #tpu.memory_space<vmem>> -> memref<2x2048xi32, #tpu.memory_space<vmem>>
      %dma_wait3A_98 = arith.constant 0 : i32
      %dma_wait3A_99 = arith.constant 0 : i32
      %dma_wait3A_100 = tpu.memref_slice %arg3[%add3A_65, %dma_wait3A_98, %dma_wait3A_99] : memref<158x2x2048xi32, #tpu.memory_space<hbm>> -> memref<1x2x2048xi32, #tpu.memory_space<hbm>>
      %dma_wait3A_101 = tpu.memref_squeeze %dma_wait3A_100 : memref<1x2x2048xi32, #tpu.memory_space<hbm>> -> memref<2x2048xi32, #tpu.memory_space<hbm>>
      tpu.wait_dma2 semaphore(%arg8 : memref<!tpu.dma_semaphore, #tpu.memory_space<semaphore_mem>>) src(%dma_wait3A_101 : memref<2x2048xi32, #tpu.memory_space<hbm>>) dst(%dma_wait3A_97 : memref<2x2048xi32, #tpu.memory_space<vmem>>)
      %parallel_loop3A_102 = arith.constant 0 : i32
      %parallel_loop3A_103 = arith.constant 128 : i32
      %parallel_loop3A_104 = arith.constant 1 : i32
      scf.for %parallel_loop3A_149 = %parallel_loop3A_102 to %parallel_loop3A_103 step %parallel_loop3A_104  : i32 {
        %parallel_loop3A_150 = arith.constant 16 : i32
        %parallel_loop3A_151 = arith.muli %parallel_loop3A_149, %parallel_loop3A_150 : i32
        %parallel_loop3A_152 = arith.constant 0 : i32
        %parallel_loop3A_153 = arith.constant 0 : i32
        %parallel_loop3A_154 = arith.index_cast %parallel_loop3A_152 : i32 to index
        %parallel_loop3A_155 = arith.index_cast %parallel_loop3A_153 : i32 to index
        %parallel_loop3A_156 = arith.index_cast %parallel_loop3A_151 : i32 to index
        %parallel_loop3A_157 = tpu.vector_load %arg7[%parallel_loop3A_154, %parallel_loop3A_155, %parallel_loop3A_156] {strides = array<i32>} : memref<2x2x2048xi32, #tpu.memory_space<vmem>>, vector<16xi32>,
        %parallel_loop3A_158 = arith.constant 0 : i32
        %parallel_loop3A_159 = arith.constant 1 : i32
        %parallel_loop3A_160 = arith.index_cast %parallel_loop3A_158 : i32 to index
        %parallel_loop3A_161 = arith.index_cast %parallel_loop3A_159 : i32 to index
        %parallel_loop3A_162 = arith.index_cast %parallel_loop3A_151 : i32 to index
        %parallel_loop3A_163 = tpu.vector_load %arg7[%parallel_loop3A_160, %parallel_loop3A_161, %parallel_loop3A_162] {strides = array<i32>} : memref<2x2x2048xi32, #tpu.memory_space<vmem>>, vector<16xi32>,
        %parallel_loop3A_164 = tpu.vector_load_idx %arg5[%broadcast_in_dim3A_26, %parallel_loop3A_157] : memref<4x10240xf32, #tpu.memory_space<vmem>>[vector<16xi32>, vector<16xi32>], vector<16xf32>,
        tpu.vector_store_idx %arg6[%broadcast_in_dim3A_26, %parallel_loop3A_163], %parallel_loop3A_164 {add = true} : memref<4x10240xf32, #tpu.memory_space<vmem>>[vector<16xi32>, vector<16xi32>], vector<16xf32>,
        %parallel_loop3A_165 = tpu.vector_load_idx %arg5[%broadcast_in_dim3A_28, %parallel_loop3A_157] : memref<4x10240xf32, #tpu.memory_space<vmem>>[vector<16xi32>, vector<16xi32>], vector<16xf32>,
        tpu.vector_store_idx %arg6[%broadcast_in_dim3A_28, %parallel_loop3A_163], %parallel_loop3A_165 {add = true} : memref<4x10240xf32, #tpu.memory_space<vmem>>[vector<16xi32>, vector<16xi32>], vector<16xf32>,
        %parallel_loop3A_166 = tpu.vector_load_idx %arg5[%broadcast_in_dim3A_30, %parallel_loop3A_157] : memref<4x10240xf32, #tpu.memory_space<vmem>>[vector<16xi32>, vector<16xi32>], vector<16xf32>,
        tpu.vector_store_idx %arg6[%broadcast_in_dim3A_30, %parallel_loop3A_163], %parallel_loop3A_166 {add = true} : memref<4x10240xf32, #tpu.memory_space<vmem>>[vector<16xi32>, vector<16xi32>], vector<16xf32>,
        %parallel_loop3A_167 = tpu.vector_load_idx %arg5[%broadcast_in_dim3A_32, %parallel_loop3A_157] : memref<4x10240xf32, #tpu.memory_space<vmem>>[vector<16xi32>, vector<16xi32>], vector<16xf32>,
        tpu.vector_store_idx %arg6[%broadcast_in_dim3A_32, %parallel_loop3A_163], %parallel_loop3A_167 {add = true} : memref<4x10240xf32, #tpu.memory_space<vmem>>[vector<16xi32>, vector<16xi32>], vector<16xf32>,
      } {sc.loop_unroll_factor = 8 : i64, sc.parallel_access}
      %mul3A_105 = arith.constant 2 : i32
      %mul3A_106 = arith.muli %while3A_61, %mul3A_105 : i32
      %add3A_107 = arith.constant 1 : i32
      %add3A_108 = arith.addi %mul3A_106, %add3A_107 : i32
      %add3A_109 = arith.constant 1 : i32
      %add3A_110 = arith.addi %add3A_108, %add3A_109 : i32
      %min3A_111 = arith.minsi %add3A_110, %while3A_33 : i32
      %dma_start3A_112 = arith.constant 0 : i32
      %dma_start3A_113 = arith.constant 0 : i32
      %dma_start3A_114 = arith.constant 0 : i32
      %dma_start3A_115 = tpu.memref_slice %arg7[%dma_start3A_112, %dma_start3A_113, %dma_start3A_114] : memref<2x2x2048xi32, #tpu.memory_space<vmem>> -> memref<1x2x2048xi32, #tpu.memory_space<vmem>>
      %dma_start3A_116 = tpu.memref_squeeze %dma_start3A_115 : memref<1x2x2048xi32, #tpu.memory_space<vmem>> -> memref<2x2048xi32, #tpu.memory_space<vmem>>
      %dma_start3A_117 = arith.constant 0 : i32
      %dma_start3A_118 = arith.constant 0 : i32
      %dma_start3A_119 = tpu.memref_slice %arg3[%min3A_111, %dma_start3A_117, %dma_start3A_118] : memref<158x2x2048xi32, #tpu.memory_space<hbm>> -> memref<1x2x2048xi32, #tpu.memory_space<hbm>>
      %dma_start3A_120 = tpu.memref_squeeze %dma_start3A_119 : memref<1x2x2048xi32, #tpu.memory_space<hbm>> -> memref<2x2048xi32, #tpu.memory_space<hbm>>
      %dma_start3A_121 = arith.constant 0 : i32
      %dma_start3A_122 = arith.constant 0 : i32
      %dma_start3A_123 = tpu.memref_slice %arg7[%dma_start3A_112, %dma_start3A_121, %dma_start3A_122] : memref<2x2x2048xi32, #tpu.memory_space<vmem>> -> memref<1x2x2048xi32, #tpu.memory_space<vmem>>
      %dma_start3A_124 = tpu.memref_squeeze %dma_start3A_123 : memref<1x2x2048xi32, #tpu.memory_space<vmem>> -> memref<2x2048xi32, #tpu.memory_space<vmem>>
      %dma_start3A_125 = arith.constant 0 : i32
      %dma_start3A_126 = arith.constant 0 : i32
      %dma_start3A_127 = tpu.memref_slice %arg3[%min3A_111, %dma_start3A_125, %dma_start3A_126] : memref<158x2x2048xi32, #tpu.memory_space<hbm>> -> memref<1x2x2048xi32, #tpu.memory_space<hbm>>
      %dma_start3A_128 = tpu.memref_squeeze %dma_start3A_127 : memref<1x2x2048xi32, #tpu.memory_space<hbm>> -> memref<2x2048xi32, #tpu.memory_space<hbm>>
      tpu.enqueue_dma source(%dma_start3A_128 : memref<2x2048xi32, #tpu.memory_space<hbm>>) target(%dma_start3A_124 : memref<2x2048xi32, #tpu.memory_space<vmem>>) target_semaphore(%arg8 : memref<!tpu.dma_semaphore, #tpu.memory_space<semaphore_mem>>)
      %dma_wait3A_129 = arith.constant 1 : i32
      %dma_wait3A_130 = arith.constant 0 : i32
      %dma_wait3A_131 = arith.constant 0 : i32
      %dma_wait3A_132 = tpu.memref_slice %arg7[%dma_wait3A_129, %dma_wait3A_130, %dma_wait3A_131] : memref<2x2x2048xi32, #tpu.memory_space<vmem>> -> memref<1x2x2048xi32, #tpu.memory_space<vmem>>
      %dma_wait3A_133 = tpu.memref_squeeze %dma_wait3A_132 : memref<1x2x2048xi32, #tpu.memory_space<vmem>> -> memref<2x2048xi32, #tpu.memory_space<vmem>>
      %dma_wait3A_134 = arith.constant 0 : i32
      %dma_wait3A_135 = arith.constant 0 : i32
      %dma_wait3A_136 = tpu.memref_slice %arg3[%add3A_108, %dma_wait3A_134, %dma_wait3A_135] : memref<158x2x2048xi32, #tpu.memory_space<hbm>> -> memref<1x2x2048xi32, #tpu.memory_space<hbm>>
      %dma_wait3A_137 = tpu.memref_squeeze %dma_wait3A_136 : memref<1x2x2048xi32, #tpu.memory_space<hbm>> -> memref<2x2048xi32, #tpu.memory_space<hbm>>
      %dma_wait3A_138 = arith.constant 0 : i32
      %dma_wait3A_139 = arith.constant 0 : i32
      %dma_wait3A_140 = tpu.memref_slice %arg7[%dma_wait3A_129, %dma_wait3A_138, %dma_wait3A_139] : memref<2x2x2048xi32, #tpu.memory_space<vmem>> -> memref<1x2x2048xi32, #tpu.memory_space<vmem>>
      %dma_wait3A_141 = tpu.memref_squeeze %dma_wait3A_140 : memref<1x2x2048xi32, #tpu.memory_space<vmem>> -> memref<2x2048xi32, #tpu.memory_space<vmem>>
      %dma_wait3A_142 = arith.constant 0 : i32
      %dma_wait3A_143 = arith.constant 0 : i32
      %dma_wait3A_144 = tpu.memref_slice %arg3[%add3A_108, %dma_wait3A_142, %dma_wait3A_143] : memref<158x2x2048xi32, #tpu.memory_space<hbm>> -> memref<1x2x2048xi32, #tpu.memory_space<hbm>>
      %dma_wait3A_145 = tpu.memref_squeeze %dma_wait3A_144 : memref<1x2x2048xi32, #tpu.memory_space<hbm>> -> memref<2x2048xi32, #tpu.memory_space<hbm>>
      tpu.wait_dma2 semaphore(%arg9 : memref<!tpu.dma_semaphore, #tpu.memory_space<semaphore_mem>>) src(%dma_wait3A_145 : memref<2x2048xi32, #tpu.memory_space<hbm>>) dst(%dma_wait3A_141 : memref<2x2048xi32, #tpu.memory_space<vmem>>)
      %parallel_loop3A_146 = arith.constant 0 : i32
      %parallel_loop3A_147 = arith.constant 128 : i32
      %parallel_loop3A_148 = arith.constant 1 : i32
      scf.for %parallel_loop3A_149 = %parallel_loop3A_146 to %parallel_loop3A_147 step %parallel_loop3A_148  : i32 {
        %parallel_loop3A_150 = arith.constant 16 : i32
        %parallel_loop3A_151 = arith.muli %parallel_loop3A_149, %parallel_loop3A_150 : i32
        %parallel_loop3A_152 = arith.constant 1 : i32
        %parallel_loop3A_153 = arith.constant 0 : i32
        %parallel_loop3A_154 = arith.index_cast %parallel_loop3A_152 : i32 to index
        %parallel_loop3A_155 = arith.index_cast %parallel_loop3A_153 : i32 to index
        %parallel_loop3A_156 = arith.index_cast %parallel_loop3A_151 : i32 to index
        %parallel_loop3A_157 = tpu.vector_load %arg7[%parallel_loop3A_154, %parallel_loop3A_155, %parallel_loop3A_156] {strides = array<i32>} : memref<2x2x2048xi32, #tpu.memory_space<vmem>>, vector<16xi32>,
        %parallel_loop3A_158 = arith.constant 1 : i32
        %parallel_loop3A_159 = arith.constant 1 : i32
        %parallel_loop3A_160 = arith.index_cast %parallel_loop3A_158 : i32 to index
        %parallel_loop3A_161 = arith.index_cast %parallel_loop3A_159 : i32 to index
        %parallel_loop3A_162 = arith.index_cast %parallel_loop3A_151 : i32 to index
        %parallel_loop3A_163 = tpu.vector_load %arg7[%parallel_loop3A_160, %parallel_loop3A_161, %parallel_loop3A_162] {strides = array<i32>} : memref<2x2x2048xi32, #tpu.memory_space<vmem>>, vector<16xi32>,
        %parallel_loop3A_164 = tpu.vector_load_idx %arg5[%broadcast_in_dim3A_26, %parallel_loop3A_157] : memref<4x10240xf32, #tpu.memory_space<vmem>>[vector<16xi32>, vector<16xi32>], vector<16xf32>,
        tpu.vector_store_idx %arg6[%broadcast_in_dim3A_26, %parallel_loop3A_163], %parallel_loop3A_164 {add = true} : memref<4x10240xf32, #tpu.memory_space<vmem>>[vector<16xi32>, vector<16xi32>], vector<16xf32>,
        %parallel_loop3A_165 = tpu.vector_load_idx %arg5[%broadcast_in_dim3A_28, %parallel_loop3A_157] : memref<4x10240xf32, #tpu.memory_space<vmem>>[vector<16xi32>, vector<16xi32>], vector<16xf32>,
        tpu.vector_store_idx %arg6[%broadcast_in_dim3A_28, %parallel_loop3A_163], %parallel_loop3A_165 {add = true} : memref<4x10240xf32, #tpu.memory_space<vmem>>[vector<16xi32>, vector<16xi32>], vector<16xf32>,
        %parallel_loop3A_166 = tpu.vector_load_idx %arg5[%broadcast_in_dim3A_30, %parallel_loop3A_157] : memref<4x10240xf32, #tpu.memory_space<vmem>>[vector<16xi32>, vector<16xi32>], vector<16xf32>,
        tpu.vector_store_idx %arg6[%broadcast_in_dim3A_30, %parallel_loop3A_163], %parallel_loop3A_166 {add = true} : memref<4x10240xf32, #tpu.memory_space<vmem>>[vector<16xi32>, vector<16xi32>], vector<16xf32>,
        %parallel_loop3A_167 = tpu.vector_load_idx %arg5[%broadcast_in_dim3A_32, %parallel_loop3A_157] : memref<4x10240xf32, #tpu.memory_space<vmem>>[vector<16xi32>, vector<16xi32>], vector<16xf32>,
        tpu.vector_store_idx %arg6[%broadcast_in_dim3A_32, %parallel_loop3A_163], %parallel_loop3A_167 {add = true} : memref<4x10240xf32, #tpu.memory_space<vmem>>[vector<16xi32>, vector<16xi32>], vector<16xf32>,
      } {sc.loop_unroll_factor = 8 : i64, sc.parallel_access}
    }
    %dma_wait3A = arith.constant 157 : i32
    %dma_wait3A_44 = arith.constant 0 : i32
    %dma_wait3A_45 = arith.constant 0 : i32
    %dma_wait3A_46 = arith.constant 0 : i32
    %dma_wait3A_47 = tpu.memref_slice %arg7[%dma_wait3A_44, %dma_wait3A_45, %dma_wait3A_46] : memref<2x2x2048xi32, #tpu.memory_space<vmem>> -> memref<1x2x2048xi32, #tpu.memory_space<vmem>>
    %dma_wait3A_48 = tpu.memref_squeeze %dma_wait3A_47 : memref<1x2x2048xi32, #tpu.memory_space<vmem>> -> memref<2x2048xi32, #tpu.memory_space<vmem>>
    %dma_wait3A_49 = arith.constant 0 : i32
    %dma_wait3A_50 = arith.constant 0 : i32
    %dma_wait3A_51 = tpu.memref_slice %arg3[%dma_wait3A, %dma_wait3A_49, %dma_wait3A_50] : memref<158x2x2048xi32, #tpu.memory_space<hbm>> -> memref<1x2x2048xi32, #tpu.memory_space<hbm>>
    %dma_wait3A_52 = tpu.memref_squeeze %dma_wait3A_51 : memref<1x2x2048xi32, #tpu.memory_space<hbm>> -> memref<2x2048xi32, #tpu.memory_space<hbm>>
    %dma_wait3A_53 = arith.constant 0 : i32
    %dma_wait3A_54 = arith.constant 0 : i32
    %dma_wait3A_55 = tpu.memref_slice %arg7[%dma_wait3A_44, %dma_wait3A_53, %dma_wait3A_54] : memref<2x2x2048xi32, #tpu.memory_space<vmem>> -> memref<1x2x2048xi32, #tpu.memory_space<vmem>>
    %dma_wait3A_56 = tpu.memref_squeeze %dma_wait3A_55 : memref<1x2x2048xi32, #tpu.memory_space<vmem>> -> memref<2x2048xi32, #tpu.memory_space<vmem>>
    %dma_wait3A_57 = arith.constant 0 : i32
    %dma_wait3A_58 = arith.constant 0 : i32
    %dma_wait3A_59 = tpu.memref_slice %arg3[%dma_wait3A, %dma_wait3A_57, %dma_wait3A_58] : memref<158x2x2048xi32, #tpu.memory_space<hbm>> -> memref<1x2x2048xi32, #tpu.memory_space<hbm>>
    %dma_wait3A_60 = tpu.memref_squeeze %dma_wait3A_59 : memref<1x2x2048xi32, #tpu.memory_space<hbm>> -> memref<2x2048xi32, #tpu.memory_space<hbm>>
    tpu.wait_dma2 semaphore(%arg8 : memref<!tpu.dma_semaphore, #tpu.memory_space<semaphore_mem>>) src(%dma_wait3A_60 : memref<2x2048xi32, #tpu.memory_space<hbm>>) dst(%dma_wait3A_56 : memref<2x2048xi32, #tpu.memory_space<vmem>>)
    "tpu.region"() ({
      %run_scoped3A = tpu.sem_alloc : memref<!tpu.dma_semaphore, #tpu.memory_space<semaphore_mem>>
      %dma_start3A_61 = arith.constant 0 : i32
      %dma_start3A_62 = tpu.memref_slice %arg4[%mul3A_2, %dma_start3A_61] : memref<128x10240xf32, #tpu.memory_space<hbm>> -> memref<4x10240xf32, #tpu.memory_space<hbm>>
      %dma_start3A_63 = arith.constant 0 : i32
      %dma_start3A_64 = tpu.memref_slice %arg4[%mul3A_2, %dma_start3A_63] : memref<128x10240xf32, #tpu.memory_space<hbm>> -> memref<4x10240xf32, #tpu.memory_space<hbm>>
      tpu.enqueue_dma source(%arg6 : memref<4x10240xf32, #tpu.memory_space<vmem>>) target(%dma_start3A_64 : memref<4x10240xf32, #tpu.memory_space<hbm>>) target_semaphore(%run_scoped3A : memref<!tpu.dma_semaphore, #tpu.memory_space<semaphore_mem>>)
      %dma_wait3A_65 = arith.constant 0 : i32
      %dma_wait3A_66 = tpu.memref_slice %arg4[%mul3A_2, %dma_wait3A_65] : memref<128x10240xf32, #tpu.memory_space<hbm>> -> memref<4x10240xf32, #tpu.memory_space<hbm>>
      %dma_wait3A_67 = arith.constant 0 : i32
      %dma_wait3A_68 = tpu.memref_slice %arg4[%mul3A_2, %dma_wait3A_67] : memref<128x10240xf32, #tpu.memory_space<hbm>> -> memref<4x10240xf32, #tpu.memory_space<hbm>>
      tpu.wait_dma2 semaphore(%run_scoped3A : memref<!tpu.dma_semaphore, #tpu.memory_space<semaphore_mem>>) src(%arg6 : memref<4x10240xf32, #tpu.memory_space<vmem>>) dst(%dma_wait3A_68 : memref<4x10240xf32, #tpu.memory_space<hbm>>)
      tpu.yield
    }) : () -> ()
    return
  }
}

module attributes {stable_mosaic.version = 14 : i64} {
  func.func @_tc_encode(%arg0: i32, %arg1: memref<2048x128xf32, #tpu.memory_space<vmem>>, %arg2: memref<128x128xf32, #tpu.memory_space<vmem>>, %arg3: memref<128x1xf32, #tpu.memory_space<vmem>>, %arg4: memref<128x2048xf32, #tpu.memory_space<vmem>>) attributes {dimension_semantics = [#tpu.dimension_semantics<arbitrary>], iteration_bounds = array<i64: 5>, scalar_prefetch = 0 : i64, scratch_operands = 0 : i64, tpu.core_type = #tpu.core_type<tc>, window_params = [{transform_indices = @transform_0, window_bounds = array<i64: 2048, 128>}, {pipeline_mode = #tpu.pipeline_mode<synchronous>, transform_indices = @transform_1, window_bounds = array<i64: 128, 128>}, {pipeline_mode = #tpu.pipeline_mode<synchronous>, transform_indices = @transform_2, window_bounds = array<i64: 128, 1>}, {transform_indices = @transform_3, window_bounds = array<i64: 128, 2048>}]} {
    %get3A = arith.constant 0 : index
    %get3A_0 = arith.constant 0 : index
    %get3A_1 = vector.load %arg2[%get3A, %get3A_0] : memref<128x128xf32, #tpu.memory_space<vmem>>, vector<128x128xf32>
    %get3A_2 = arith.constant 0 : index
    %get3A_3 = arith.constant 0 : index
    %get3A_4 = vector.load %arg1[%get3A_2, %get3A_3] : memref<2048x128xf32, #tpu.memory_space<vmem>>, vector<2048x128xf32>
    %dot_general3A = arith.constant dense<0.000000e+00> : vector<128x2048xf32>
    %dot_general3A_5 = tpu.matmul %get3A_1, %get3A_4, %dot_general3A {dimension_numbers = #tpu.dot_dimension_numbers<[1], [1], [0], [0], [0, 0, 1, 0], [], []>, precision = #tpu.contract_precision<fp32>, transpose_lhs_hint = false} : vector<128x128xf32>, vector<2048x128xf32>, vector<128x2048xf32> -> vector<128x2048xf32>
    %get3A_6 = arith.constant 0 : index
    %get3A_7 = arith.constant 0 : index
    %get3A_8 = vector.load %arg3[%get3A_6, %get3A_7] : memref<128x1xf32, #tpu.memory_space<vmem>>, vector<128x1xf32>
    %add3A = vector.broadcast %get3A_8 : vector<128x1xf32> to vector<128x2048xf32>
    %add3A_9 = arith.addf %dot_general3A_5, %add3A : vector<128x2048xf32>
    %swap3A = arith.constant 0 : index
    %swap3A_10 = arith.constant 0 : index
    %swap3A_11 = vector.load %arg4[%swap3A, %swap3A_10] : memref<128x2048xf32, #tpu.memory_space<vmem>>, vector<128x2048xf32>
    tpu.vector_store %arg4[%swap3A, %swap3A_10], %add3A_9 {strides = array<i32>} : memref<128x2048xf32, #tpu.memory_space<vmem>>, vector<128x2048xf32>,
    return
  }
  func.func @transform_0(%arg0: i32) -> (i32, i32) {
    %c0_i32 = arith.constant 0 : i32
    %c0_i32_0 = arith.constant 0 : i32
    return %arg0, %c0_i32 : i32, i32
  }
  func.func @transform_1(%arg0: i32) -> (i32, i32) {
    %c0_i32 = arith.constant 0 : i32
    %c0_i32_0 = arith.constant 0 : i32
    %c0_i32_1 = arith.constant 0 : i32
    return %c0_i32, %c0_i32_0 : i32, i32
  }
  func.func @transform_2(%arg0: i32) -> (i32, i32) {
    %c0_i32 = arith.constant 0 : i32
    %c0_i32_0 = arith.constant 0 : i32
    %c0_i32_1 = arith.constant 0 : i32
    return %c0_i32, %c0_i32_0 : i32, i32
  }
  func.func @transform_3(%arg0: i32) -> (i32, i32) {
    %c0_i32 = arith.constant 0 : i32
    %c0_i32_0 = arith.constant 0 : i32
    return %c0_i32, %arg0 : i32, i32
  }
}

module attributes {stable_mosaic.version = 14 : i64} {
  func.func @_tc_mm1(%arg0: i32, %arg1: memref<128x2048xf32, #tpu.memory_space<vmem>>, %arg2: memref<128x2048xf32, #tpu.memory_space<vmem>>, %arg3: memref<1x2048xf32, #tpu.memory_space<vmem>>, %arg4: memref<128x128xf32, #tpu.memory_space<vmem>>, %arg5: memref<128x128xf32, #tpu.memory_space<vmem>>, %arg6: memref<128x1xf32, #tpu.memory_space<vmem>>, %arg7: memref<128x2048xf32, #tpu.memory_space<vmem>>, %arg8: memref<1x2048xf32, #tpu.memory_space<vmem>>, %arg9: memref<128x1xf32, #tpu.memory_space<vmem>>, %arg10: memref<128x1xf32, #tpu.memory_space<vmem>>) attributes {dimension_semantics = [#tpu.dimension_semantics<arbitrary>], iteration_bounds = array<i64: 5>, scalar_prefetch = 0 : i64, scratch_operands = 0 : i64, tpu.core_type = #tpu.core_type<tc>, window_params = [{transform_indices = @transform_0, window_bounds = array<i64: 128, 2048>}, {transform_indices = @transform_1, window_bounds = array<i64: 128, 2048>}, {transform_indices = @transform_2, window_bounds = array<i64: 1, 2048>}, {pipeline_mode = #tpu.pipeline_mode<synchronous>, transform_indices = @transform_3, window_bounds = array<i64: 128, 128>}, {pipeline_mode = #tpu.pipeline_mode<synchronous>, transform_indices = @transform_4, window_bounds = array<i64: 128, 128>}, {pipeline_mode = #tpu.pipeline_mode<synchronous>, transform_indices = @transform_5, window_bounds = array<i64: 128, 1>}, {transform_indices = @transform_6, window_bounds = array<i64: 128, 2048>}, {transform_indices = @transform_7, window_bounds = array<i64: 1, 2048>}, {pipeline_mode = #tpu.pipeline_mode<synchronous>, transform_indices = @transform_8, window_bounds = array<i64: 128, 1>}, {pipeline_mode = #tpu.pipeline_mode<synchronous>, transform_indices = @transform_9, window_bounds = array<i64: 128, 1>}]} {
    %get3A = arith.constant 0 : index
    %get3A_0 = arith.constant 0 : index
    %get3A_1 = vector.load %arg3[%get3A, %get3A_0] : memref<1x2048xf32, #tpu.memory_space<vmem>>, vector<1x2048xf32>
    %max3A = arith.constant 1.000000e+00 : f32
    %max3A_2 = vector.broadcast %max3A : f32 to vector<1x2048xf32>
    %max3A_3 = arith.maximumf %get3A_1, %max3A_2 : vector<1x2048xf32>
    %swap3A = arith.constant 0 : index
    %swap3A_4 = arith.constant 0 : index
    %swap3A_5 = vector.load %arg8[%swap3A, %swap3A_4] : memref<1x2048xf32, #tpu.memory_space<vmem>>, vector<1x2048xf32>
    tpu.vector_store %arg8[%swap3A, %swap3A_4], %max3A_3 {strides = array<i32>} : memref<1x2048xf32, #tpu.memory_space<vmem>>, vector<1x2048xf32>,
    %get3A_6 = arith.constant 0 : index
    %get3A_7 = arith.constant 0 : index
    %get3A_8 = vector.load %arg2[%get3A_6, %get3A_7] : memref<128x2048xf32, #tpu.memory_space<vmem>>, vector<128x2048xf32>
    %div3A = arith.constant 1.000000e+00 : f32
    %div3A_9 = vector.broadcast %div3A : f32 to vector<1x2048xf32>
    %div3A_10 = arith.divf %div3A_9, %max3A_3 : vector<1x2048xf32>
    %mul3A = vector.broadcast %div3A_10 : vector<1x2048xf32> to vector<128x2048xf32>
    %mul3A_11 = arith.mulf %get3A_8, %mul3A : vector<128x2048xf32>
    %get3A_12 = arith.constant 0 : index
    %get3A_13 = arith.constant 0 : index
    %get3A_14 = vector.load %arg4[%get3A_12, %get3A_13] : memref<128x128xf32, #tpu.memory_space<vmem>>, vector<128x128xf32>
    %get3A_15 = arith.constant 0 : index
    %get3A_16 = arith.constant 0 : index
    %get3A_17 = vector.load %arg1[%get3A_15, %get3A_16] : memref<128x2048xf32, #tpu.memory_space<vmem>>, vector<128x2048xf32>
    %dot_general3A = arith.constant dense<0.000000e+00> : vector<128x2048xf32>
    %dot_general3A_18 = tpu.matmul %get3A_14, %get3A_17, %dot_general3A {dimension_numbers = #tpu.dot_dimension_numbers<[1], [0], [0], [1], [0, 0, 1, 1], [], []>, precision = #tpu.contract_precision<fp32>, transpose_lhs_hint = false} : vector<128x128xf32>, vector<128x2048xf32>, vector<128x2048xf32> -> vector<128x2048xf32>
    %get3A_19 = arith.constant 0 : index
    %get3A_20 = arith.constant 0 : index
    %get3A_21 = vector.load %arg5[%get3A_19, %get3A_20] : memref<128x128xf32, #tpu.memory_space<vmem>>, vector<128x128xf32>
    %dot_general3A_22 = arith.constant dense<0.000000e+00> : vector<128x2048xf32>
    %dot_general3A_23 = tpu.matmul %get3A_21, %mul3A_11, %dot_general3A_22 {dimension_numbers = #tpu.dot_dimension_numbers<[1], [0], [0], [1], [0, 0, 1, 1], [], []>, precision = #tpu.contract_precision<fp32>, transpose_lhs_hint = false} : vector<128x128xf32>, vector<128x2048xf32>, vector<128x2048xf32> -> vector<128x2048xf32>
    %add3A = arith.addf %dot_general3A_18, %dot_general3A_23 : vector<128x2048xf32>
    %get3A_24 = arith.constant 0 : index
    %get3A_25 = arith.constant 0 : index
    %get3A_26 = vector.load %arg6[%get3A_24, %get3A_25] : memref<128x1xf32, #tpu.memory_space<vmem>>, vector<128x1xf32>
    %add3A_27 = vector.broadcast %get3A_26 : vector<128x1xf32> to vector<128x2048xf32>
    %add3A_28 = arith.addf %add3A, %add3A_27 : vector<128x2048xf32>
    %swap3A_29 = arith.constant 0 : index
    %swap3A_30 = arith.constant 0 : index
    %swap3A_31 = vector.load %arg7[%swap3A_29, %swap3A_30] : memref<128x2048xf32, #tpu.memory_space<vmem>>, vector<128x2048xf32>
    tpu.vector_store %arg7[%swap3A_29, %swap3A_30], %add3A_28 {strides = array<i32>} : memref<128x2048xf32, #tpu.memory_space<vmem>>, vector<128x2048xf32>,
    %eq3A = arith.constant 0 : i32
    %eq3A_32 = arith.cmpi eq, %arg0, %eq3A : i32
    %convert_element_type3A = arith.extui %eq3A_32 : i1 to i32
    %cond3A = arith.constant 0 : i32
    %cond3A_33 = arith.cmpi ne, %convert_element_type3A, %cond3A : i32
    scf.if %cond3A_33 {
      %broadcast_in_dim3A_63 = arith.constant 0.000000e+00 : f32
      %broadcast_in_dim3A_64 = vector.broadcast %broadcast_in_dim3A_63 : f32 to vector<128x1xf32>
      %swap3A_65 = arith.constant 0 : index
      %swap3A_66 = arith.constant 0 : index
      %swap3A_67 = vector.load %arg9[%swap3A_65, %swap3A_66] : memref<128x1xf32, #tpu.memory_space<vmem>>, vector<128x1xf32>
      tpu.vector_store %arg9[%swap3A_65, %swap3A_66], %broadcast_in_dim3A_64 {strides = array<i32>} : memref<128x1xf32, #tpu.memory_space<vmem>>, vector<128x1xf32>,
      %broadcast_in_dim3A_68 = arith.constant 0.000000e+00 : f32
      %broadcast_in_dim3A_69 = vector.broadcast %broadcast_in_dim3A_68 : f32 to vector<128x1xf32>
      %swap3A_70 = arith.constant 0 : index
      %swap3A_71 = arith.constant 0 : index
      %swap3A_72 = vector.load %arg10[%swap3A_70, %swap3A_71] : memref<128x1xf32, #tpu.memory_space<vmem>>, vector<128x1xf32>
      tpu.vector_store %arg10[%swap3A_70, %swap3A_71], %broadcast_in_dim3A_69 {strides = array<i32>} : memref<128x1xf32, #tpu.memory_space<vmem>>, vector<128x1xf32>,
    } else {
    }
    %mul3A_34 = arith.constant 2048 : i32
    %mul3A_35 = arith.muli %arg0, %mul3A_34 : i32
    %iota3A = tpu.iota {dimensions = array<i32: 1>} : vector<1x2048xi32>
    %add3A_36 = vector.broadcast %mul3A_35 : i32 to vector<1x2048xi32>
    %add3A_37 = arith.addi %iota3A, %add3A_36 : vector<1x2048xi32>
    %lt3A = arith.constant 10000 : i32
    %lt3A_38 = vector.broadcast %lt3A : i32 to vector<1x2048xi32>
    %lt3A_39 = arith.cmpi slt, %add3A_37, %lt3A_38 : vector<1x2048xi32>
    %convert_element_type3A_40 = arith.extui %lt3A_39 : vector<1x2048xi1> to vector<1x2048xi32>
    %convert_element_type3A_41 = arith.sitofp %convert_element_type3A_40 : vector<1x2048xi32> to vector<1x2048xf32>
    %mul3A_42 = vector.broadcast %convert_element_type3A_41 : vector<1x2048xf32> to vector<128x2048xf32>
    %mul3A_43 = arith.mulf %add3A_28, %mul3A_42 : vector<128x2048xf32>
    %get3A_44 = arith.constant 0 : index
    %get3A_45 = arith.constant 0 : index
    %get3A_46 = vector.load %arg9[%get3A_44, %get3A_45] : memref<128x1xf32, #tpu.memory_space<vmem>>, vector<128x1xf32>
    %reduce_sum3A = arith.constant dense<0.000000e+00> : vector<128xf32>
    %reduce_sum3A_47 = vector.multi_reduction <add>, %mul3A_43, %reduce_sum3A [1] : vector<128x2048xf32> to vector<128xf32>
    %broadcast_in_dim3A = vector.shape_cast %reduce_sum3A_47 : vector<128xf32> to vector<128x1xf32>
    %add3A_48 = arith.addf %get3A_46, %broadcast_in_dim3A : vector<128x1xf32>
    %swap3A_49 = arith.constant 0 : index
    %swap3A_50 = arith.constant 0 : index
    %swap3A_51 = vector.load %arg9[%swap3A_49, %swap3A_50] : memref<128x1xf32, #tpu.memory_space<vmem>>, vector<128x1xf32>
    tpu.vector_store %arg9[%swap3A_49, %swap3A_50], %add3A_48 {strides = array<i32>} : memref<128x1xf32, #tpu.memory_space<vmem>>, vector<128x1xf32>,
    %get3A_52 = arith.constant 0 : index
    %get3A_53 = arith.constant 0 : index
    %get3A_54 = vector.load %arg10[%get3A_52, %get3A_53] : memref<128x1xf32, #tpu.memory_space<vmem>>, vector<128x1xf32>
    %mul3A_55 = arith.mulf %mul3A_43, %mul3A_43 : vector<128x2048xf32>
    %reduce_sum3A_56 = arith.constant dense<0.000000e+00> : vector<128xf32>
    %reduce_sum3A_57 = vector.multi_reduction <add>, %mul3A_55, %reduce_sum3A_56 [1] : vector<128x2048xf32> to vector<128xf32>
    %broadcast_in_dim3A_58 = vector.shape_cast %reduce_sum3A_57 : vector<128xf32> to vector<128x1xf32>
    %add3A_59 = arith.addf %get3A_54, %broadcast_in_dim3A_58 : vector<128x1xf32>
    %swap3A_60 = arith.constant 0 : index
    %swap3A_61 = arith.constant 0 : index
    %swap3A_62 = vector.load %arg10[%swap3A_60, %swap3A_61] : memref<128x1xf32, #tpu.memory_space<vmem>>, vector<128x1xf32>
    tpu.vector_store %arg10[%swap3A_60, %swap3A_61], %add3A_59 {strides = array<i32>} : memref<128x1xf32, #tpu.memory_space<vmem>>, vector<128x1xf32>,
    return
  }
  func.func @transform_0(%arg0: i32) -> (i32, i32) {
    %c0_i32 = arith.constant 0 : i32
    %c0_i32_0 = arith.constant 0 : i32
    return %c0_i32, %arg0 : i32, i32
  }
  func.func @transform_1(%arg0: i32) -> (i32, i32) {
    %c0_i32 = arith.constant 0 : i32
    %c0_i32_0 = arith.constant 0 : i32
    return %c0_i32, %arg0 : i32, i32
  }
  func.func @transform_2(%arg0: i32) -> (i32, i32) {
    %c0_i32 = arith.constant 0 : i32
    %c0_i32_0 = arith.constant 0 : i32
    return %c0_i32, %arg0 : i32, i32
  }
  func.func @transform_3(%arg0: i32) -> (i32, i32) {
    %c0_i32 = arith.constant 0 : i32
    %c0_i32_0 = arith.constant 0 : i32
    %c0_i32_1 = arith.constant 0 : i32
    return %c0_i32, %c0_i32_0 : i32, i32
  }
  func.func @transform_4(%arg0: i32) -> (i32, i32) {
    %c0_i32 = arith.constant 0 : i32
    %c0_i32_0 = arith.constant 0 : i32
    %c0_i32_1 = arith.constant 0 : i32
    return %c0_i32, %c0_i32_0 : i32, i32
  }
  func.func @transform_5(%arg0: i32) -> (i32, i32) {
    %c0_i32 = arith.constant 0 : i32
    %c0_i32_0 = arith.constant 0 : i32
    %c0_i32_1 = arith.constant 0 : i32
    return %c0_i32, %c0_i32_0 : i32, i32
  }
  func.func @transform_6(%arg0: i32) -> (i32, i32) {
    %c0_i32 = arith.constant 0 : i32
    %c0_i32_0 = arith.constant 0 : i32
    return %c0_i32, %arg0 : i32, i32
  }
  func.func @transform_7(%arg0: i32) -> (i32, i32) {
    %c0_i32 = arith.constant 0 : i32
    %c0_i32_0 = arith.constant 0 : i32
    return %c0_i32, %arg0 : i32, i32
  }
  func.func @transform_8(%arg0: i32) -> (i32, i32) {
    %c0_i32 = arith.constant 0 : i32
    %c0_i32_0 = arith.constant 0 : i32
    %c0_i32_1 = arith.constant 0 : i32
    return %c0_i32, %c0_i32_0 : i32, i32
  }
  func.func @transform_9(%arg0: i32) -> (i32, i32) {
    %c0_i32 = arith.constant 0 : i32
    %c0_i32_0 = arith.constant 0 : i32
    %c0_i32_1 = arith.constant 0 : i32
    return %c0_i32, %c0_i32_0 : i32, i32
  }
}

module attributes {stable_mosaic.version = 14 : i64} {
  func.func @_tc_norm(%arg0: i32, %arg1: memref<128x2048xf32, #tpu.memory_space<vmem>>, %arg2: memref<128x1xf32, #tpu.memory_space<vmem>>, %arg3: memref<128x1xf32, #tpu.memory_space<vmem>>, %arg4: memref<1x2048xf32, #tpu.memory_space<vmem>>, %arg5: memref<128x1xf32, #tpu.memory_space<vmem>>, %arg6: memref<128x1xf32, #tpu.memory_space<vmem>>, %arg7: memref<128x2048xf32, #tpu.memory_space<vmem>>) attributes {dimension_semantics = [#tpu.dimension_semantics<arbitrary>], iteration_bounds = array<i64: 5>, scalar_prefetch = 0 : i64, scratch_operands = 0 : i64, tpu.core_type = #tpu.core_type<tc>, window_params = [{transform_indices = @transform_0, window_bounds = array<i64: 128, 2048>}, {pipeline_mode = #tpu.pipeline_mode<synchronous>, transform_indices = @transform_1, window_bounds = array<i64: 128, 1>}, {pipeline_mode = #tpu.pipeline_mode<synchronous>, transform_indices = @transform_2, window_bounds = array<i64: 128, 1>}, {transform_indices = @transform_3, window_bounds = array<i64: 1, 2048>}, {pipeline_mode = #tpu.pipeline_mode<synchronous>, transform_indices = @transform_4, window_bounds = array<i64: 128, 1>}, {pipeline_mode = #tpu.pipeline_mode<synchronous>, transform_indices = @transform_5, window_bounds = array<i64: 128, 1>}, {transform_indices = @transform_6, window_bounds = array<i64: 128, 2048>}]} {
    %get3A = arith.constant 0 : index
    %get3A_0 = arith.constant 0 : index
    %get3A_1 = vector.load %arg1[%get3A, %get3A_0] : memref<128x2048xf32, #tpu.memory_space<vmem>>, vector<128x2048xf32>
    %get3A_2 = arith.constant 0 : index
    %get3A_3 = arith.constant 0 : index
    %get3A_4 = vector.load %arg2[%get3A_2, %get3A_3] : memref<128x1xf32, #tpu.memory_space<vmem>>, vector<128x1xf32>
    %get3A_5 = arith.constant 0 : index
    %get3A_6 = arith.constant 0 : index
    %get3A_7 = vector.load %arg3[%get3A_5, %get3A_6] : memref<128x1xf32, #tpu.memory_space<vmem>>, vector<128x1xf32>
    %get3A_8 = arith.constant 0 : index
    %get3A_9 = arith.constant 0 : index
    %get3A_10 = vector.load %arg5[%get3A_8, %get3A_9] : memref<128x1xf32, #tpu.memory_space<vmem>>, vector<128x1xf32>
    %get3A_11 = arith.constant 0 : index
    %get3A_12 = arith.constant 0 : index
    %get3A_13 = vector.load %arg6[%get3A_11, %get3A_12] : memref<128x1xf32, #tpu.memory_space<vmem>>, vector<128x1xf32>
    %mul3A = arith.constant 9.99999974E-5 : f32
    %mul3A_14 = vector.broadcast %mul3A : f32 to vector<128x1xf32>
    %mul3A_15 = arith.mulf %get3A_4, %mul3A_14 : vector<128x1xf32>
    %mul3A_16 = arith.constant 9.99999974E-5 : f32
    %mul3A_17 = vector.broadcast %mul3A_16 : f32 to vector<128x1xf32>
    %mul3A_18 = arith.mulf %get3A_7, %mul3A_17 : vector<128x1xf32>
    %mul3A_19 = arith.mulf %mul3A_15, %mul3A_15 : vector<128x1xf32>
    %sub3A = arith.subf %mul3A_18, %mul3A_19 : vector<128x1xf32>
    %sub3A_20 = vector.broadcast %mul3A_15 : vector<128x1xf32> to vector<128x2048xf32>
    %sub3A_21 = arith.subf %get3A_1, %sub3A_20 : vector<128x2048xf32>
    %add3A = arith.constant 9.99999974E-6 : f32
    %add3A_22 = vector.broadcast %add3A : f32 to vector<128x1xf32>
    %add3A_23 = arith.addf %sub3A, %add3A_22 : vector<128x1xf32>
    %rsqrt3A = math.rsqrt %add3A_23 : vector<128x1xf32>
    %mul3A_24 = vector.broadcast %rsqrt3A : vector<128x1xf32> to vector<128x2048xf32>
    %mul3A_25 = arith.mulf %sub3A_21, %mul3A_24 : vector<128x2048xf32>
    %mul3A_26 = vector.broadcast %get3A_10 : vector<128x1xf32> to vector<128x2048xf32>
    %mul3A_27 = arith.mulf %mul3A_25, %mul3A_26 : vector<128x2048xf32>
    %add3A_28 = vector.broadcast %get3A_13 : vector<128x1xf32> to vector<128x2048xf32>
    %add3A_29 = arith.addf %mul3A_27, %add3A_28 : vector<128x2048xf32>
    %max3A = arith.constant 0.000000e+00 : f32
    %max3A_30 = vector.broadcast %max3A : f32 to vector<128x2048xf32>
    %max3A_31 = arith.maximumf %add3A_29, %max3A_30 : vector<128x2048xf32>
    %get3A_32 = arith.constant 0 : index
    %get3A_33 = arith.constant 0 : index
    %get3A_34 = vector.load %arg4[%get3A_32, %get3A_33] : memref<1x2048xf32, #tpu.memory_space<vmem>>, vector<1x2048xf32>
    %rsqrt3A_35 = math.rsqrt %get3A_34 : vector<1x2048xf32>
    %mul3A_36 = vector.broadcast %rsqrt3A_35 : vector<1x2048xf32> to vector<128x2048xf32>
    %mul3A_37 = arith.mulf %max3A_31, %mul3A_36 : vector<128x2048xf32>
    %swap3A = arith.constant 0 : index
    %swap3A_38 = arith.constant 0 : index
    %swap3A_39 = vector.load %arg7[%swap3A, %swap3A_38] : memref<128x2048xf32, #tpu.memory_space<vmem>>, vector<128x2048xf32>
    tpu.vector_store %arg7[%swap3A, %swap3A_38], %mul3A_37 {strides = array<i32>} : memref<128x2048xf32, #tpu.memory_space<vmem>>, vector<128x2048xf32>,
    return
  }
  func.func @transform_0(%arg0: i32) -> (i32, i32) {
    %c0_i32 = arith.constant 0 : i32
    %c0_i32_0 = arith.constant 0 : i32
    return %c0_i32, %arg0 : i32, i32
  }
  func.func @transform_1(%arg0: i32) -> (i32, i32) {
    %c0_i32 = arith.constant 0 : i32
    %c0_i32_0 = arith.constant 0 : i32
    %c0_i32_1 = arith.constant 0 : i32
    return %c0_i32, %c0_i32_0 : i32, i32
  }
  func.func @transform_2(%arg0: i32) -> (i32, i32) {
    %c0_i32 = arith.constant 0 : i32
    %c0_i32_0 = arith.constant 0 : i32
    %c0_i32_1 = arith.constant 0 : i32
    return %c0_i32, %c0_i32_0 : i32, i32
  }
  func.func @transform_3(%arg0: i32) -> (i32, i32) {
    %c0_i32 = arith.constant 0 : i32
    %c0_i32_0 = arith.constant 0 : i32
    return %c0_i32, %arg0 : i32, i32
  }
  func.func @transform_4(%arg0: i32) -> (i32, i32) {
    %c0_i32 = arith.constant 0 : i32
    %c0_i32_0 = arith.constant 0 : i32
    %c0_i32_1 = arith.constant 0 : i32
    return %c0_i32, %c0_i32_0 : i32, i32
  }
  func.func @transform_5(%arg0: i32) -> (i32, i32) {
    %c0_i32 = arith.constant 0 : i32
    %c0_i32_0 = arith.constant 0 : i32
    %c0_i32_1 = arith.constant 0 : i32
    return %c0_i32, %c0_i32_0 : i32, i32
  }
  func.func @transform_6(%arg0: i32) -> (i32, i32) {
    %c0_i32 = arith.constant 0 : i32
    %c0_i32_0 = arith.constant 0 : i32
    return %c0_i32, %arg0 : i32, i32
  }
}

module attributes {stable_mosaic.version = 14 : i64} {
  func.func @_tc_mm(%arg0: i32, %arg1: memref<128x2048xf32, #tpu.memory_space<vmem>>, %arg2: memref<128x2048xf32, #tpu.memory_space<vmem>>, %arg3: memref<1x2048xf32, #tpu.memory_space<vmem>>, %arg4: memref<128x128xf32, #tpu.memory_space<vmem>>, %arg5: memref<128x128xf32, #tpu.memory_space<vmem>>, %arg6: memref<128x1xf32, #tpu.memory_space<vmem>>, %arg7: memref<128x2048xf32, #tpu.memory_space<vmem>>, %arg8: memref<128x1xf32, #tpu.memory_space<vmem>>, %arg9: memref<128x1xf32, #tpu.memory_space<vmem>>) attributes {dimension_semantics = [#tpu.dimension_semantics<arbitrary>], iteration_bounds = array<i64: 5>, scalar_prefetch = 0 : i64, scratch_operands = 0 : i64, tpu.core_type = #tpu.core_type<tc>, window_params = [{transform_indices = @transform_0, window_bounds = array<i64: 128, 2048>}, {transform_indices = @transform_1, window_bounds = array<i64: 128, 2048>}, {transform_indices = @transform_2, window_bounds = array<i64: 1, 2048>}, {pipeline_mode = #tpu.pipeline_mode<synchronous>, transform_indices = @transform_3, window_bounds = array<i64: 128, 128>}, {pipeline_mode = #tpu.pipeline_mode<synchronous>, transform_indices = @transform_4, window_bounds = array<i64: 128, 128>}, {pipeline_mode = #tpu.pipeline_mode<synchronous>, transform_indices = @transform_5, window_bounds = array<i64: 128, 1>}, {transform_indices = @transform_6, window_bounds = array<i64: 128, 2048>}, {pipeline_mode = #tpu.pipeline_mode<synchronous>, transform_indices = @transform_7, window_bounds = array<i64: 128, 1>}, {pipeline_mode = #tpu.pipeline_mode<synchronous>, transform_indices = @transform_8, window_bounds = array<i64: 128, 1>}]} {
    %get3A = arith.constant 0 : index
    %get3A_0 = arith.constant 0 : index
    %get3A_1 = vector.load %arg2[%get3A, %get3A_0] : memref<128x2048xf32, #tpu.memory_space<vmem>>, vector<128x2048xf32>
    %get3A_2 = arith.constant 0 : index
    %get3A_3 = arith.constant 0 : index
    %get3A_4 = vector.load %arg3[%get3A_2, %get3A_3] : memref<1x2048xf32, #tpu.memory_space<vmem>>, vector<1x2048xf32>
    %div3A = arith.constant 1.000000e+00 : f32
    %div3A_5 = vector.broadcast %div3A : f32 to vector<1x2048xf32>
    %div3A_6 = arith.divf %div3A_5, %get3A_4 : vector<1x2048xf32>
    %mul3A = vector.broadcast %div3A_6 : vector<1x2048xf32> to vector<128x2048xf32>
    %mul3A_7 = arith.mulf %get3A_1, %mul3A : vector<128x2048xf32>
    %get3A_8 = arith.constant 0 : index
    %get3A_9 = arith.constant 0 : index
    %get3A_10 = vector.load %arg4[%get3A_8, %get3A_9] : memref<128x128xf32, #tpu.memory_space<vmem>>, vector<128x128xf32>
    %get3A_11 = arith.constant 0 : index
    %get3A_12 = arith.constant 0 : index
    %get3A_13 = vector.load %arg1[%get3A_11, %get3A_12] : memref<128x2048xf32, #tpu.memory_space<vmem>>, vector<128x2048xf32>
    %dot_general3A = arith.constant dense<0.000000e+00> : vector<128x2048xf32>
    %dot_general3A_14 = tpu.matmul %get3A_10, %get3A_13, %dot_general3A {dimension_numbers = #tpu.dot_dimension_numbers<[1], [0], [0], [1], [0, 0, 1, 1], [], []>, precision = #tpu.contract_precision<fp32>, transpose_lhs_hint = false} : vector<128x128xf32>, vector<128x2048xf32>, vector<128x2048xf32> -> vector<128x2048xf32>
    %get3A_15 = arith.constant 0 : index
    %get3A_16 = arith.constant 0 : index
    %get3A_17 = vector.load %arg5[%get3A_15, %get3A_16] : memref<128x128xf32, #tpu.memory_space<vmem>>, vector<128x128xf32>
    %dot_general3A_18 = arith.constant dense<0.000000e+00> : vector<128x2048xf32>
    %dot_general3A_19 = tpu.matmul %get3A_17, %mul3A_7, %dot_general3A_18 {dimension_numbers = #tpu.dot_dimension_numbers<[1], [0], [0], [1], [0, 0, 1, 1], [], []>, precision = #tpu.contract_precision<fp32>, transpose_lhs_hint = false} : vector<128x128xf32>, vector<128x2048xf32>, vector<128x2048xf32> -> vector<128x2048xf32>
    %add3A = arith.addf %dot_general3A_14, %dot_general3A_19 : vector<128x2048xf32>
    %get3A_20 = arith.constant 0 : index
    %get3A_21 = arith.constant 0 : index
    %get3A_22 = vector.load %arg6[%get3A_20, %get3A_21] : memref<128x1xf32, #tpu.memory_space<vmem>>, vector<128x1xf32>
    %add3A_23 = vector.broadcast %get3A_22 : vector<128x1xf32> to vector<128x2048xf32>
    %add3A_24 = arith.addf %add3A, %add3A_23 : vector<128x2048xf32>
    %swap3A = arith.constant 0 : index
    %swap3A_25 = arith.constant 0 : index
    %swap3A_26 = vector.load %arg7[%swap3A, %swap3A_25] : memref<128x2048xf32, #tpu.memory_space<vmem>>, vector<128x2048xf32>
    tpu.vector_store %arg7[%swap3A, %swap3A_25], %add3A_24 {strides = array<i32>} : memref<128x2048xf32, #tpu.memory_space<vmem>>, vector<128x2048xf32>,
    %eq3A = arith.constant 0 : i32
    %eq3A_27 = arith.cmpi eq, %arg0, %eq3A : i32
    %convert_element_type3A = arith.extui %eq3A_27 : i1 to i32
    %cond3A = arith.constant 0 : i32
    %cond3A_28 = arith.cmpi ne, %convert_element_type3A, %cond3A : i32
    scf.if %cond3A_28 {
      %broadcast_in_dim3A_58 = arith.constant 0.000000e+00 : f32
      %broadcast_in_dim3A_59 = vector.broadcast %broadcast_in_dim3A_58 : f32 to vector<128x1xf32>
      %swap3A_60 = arith.constant 0 : index
      %swap3A_61 = arith.constant 0 : index
      %swap3A_62 = vector.load %arg8[%swap3A_60, %swap3A_61] : memref<128x1xf32, #tpu.memory_space<vmem>>, vector<128x1xf32>
      tpu.vector_store %arg8[%swap3A_60, %swap3A_61], %broadcast_in_dim3A_59 {strides = array<i32>} : memref<128x1xf32, #tpu.memory_space<vmem>>, vector<128x1xf32>,
      %broadcast_in_dim3A_63 = arith.constant 0.000000e+00 : f32
      %broadcast_in_dim3A_64 = vector.broadcast %broadcast_in_dim3A_63 : f32 to vector<128x1xf32>
      %swap3A_65 = arith.constant 0 : index
      %swap3A_66 = arith.constant 0 : index
      %swap3A_67 = vector.load %arg9[%swap3A_65, %swap3A_66] : memref<128x1xf32, #tpu.memory_space<vmem>>, vector<128x1xf32>
      tpu.vector_store %arg9[%swap3A_65, %swap3A_66], %broadcast_in_dim3A_64 {strides = array<i32>} : memref<128x1xf32, #tpu.memory_space<vmem>>, vector<128x1xf32>,
    } else {
    }
    %mul3A_29 = arith.constant 2048 : i32
    %mul3A_30 = arith.muli %arg0, %mul3A_29 : i32
    %iota3A = tpu.iota {dimensions = array<i32: 1>} : vector<1x2048xi32>
    %add3A_31 = vector.broadcast %mul3A_30 : i32 to vector<1x2048xi32>
    %add3A_32 = arith.addi %iota3A, %add3A_31 : vector<1x2048xi32>
    %lt3A = arith.constant 10000 : i32
    %lt3A_33 = vector.broadcast %lt3A : i32 to vector<1x2048xi32>
    %lt3A_34 = arith.cmpi slt, %add3A_32, %lt3A_33 : vector<1x2048xi32>
    %convert_element_type3A_35 = arith.extui %lt3A_34 : vector<1x2048xi1> to vector<1x2048xi32>
    %convert_element_type3A_36 = arith.sitofp %convert_element_type3A_35 : vector<1x2048xi32> to vector<1x2048xf32>
    %mul3A_37 = vector.broadcast %convert_element_type3A_36 : vector<1x2048xf32> to vector<128x2048xf32>
    %mul3A_38 = arith.mulf %add3A_24, %mul3A_37 : vector<128x2048xf32>
    %get3A_39 = arith.constant 0 : index
    %get3A_40 = arith.constant 0 : index
    %get3A_41 = vector.load %arg8[%get3A_39, %get3A_40] : memref<128x1xf32, #tpu.memory_space<vmem>>, vector<128x1xf32>
    %reduce_sum3A = arith.constant dense<0.000000e+00> : vector<128xf32>
    %reduce_sum3A_42 = vector.multi_reduction <add>, %mul3A_38, %reduce_sum3A [1] : vector<128x2048xf32> to vector<128xf32>
    %broadcast_in_dim3A = vector.shape_cast %reduce_sum3A_42 : vector<128xf32> to vector<128x1xf32>
    %add3A_43 = arith.addf %get3A_41, %broadcast_in_dim3A : vector<128x1xf32>
    %swap3A_44 = arith.constant 0 : index
    %swap3A_45 = arith.constant 0 : index
    %swap3A_46 = vector.load %arg8[%swap3A_44, %swap3A_45] : memref<128x1xf32, #tpu.memory_space<vmem>>, vector<128x1xf32>
    tpu.vector_store %arg8[%swap3A_44, %swap3A_45], %add3A_43 {strides = array<i32>} : memref<128x1xf32, #tpu.memory_space<vmem>>, vector<128x1xf32>,
    %get3A_47 = arith.constant 0 : index
    %get3A_48 = arith.constant 0 : index
    %get3A_49 = vector.load %arg9[%get3A_47, %get3A_48] : memref<128x1xf32, #tpu.memory_space<vmem>>, vector<128x1xf32>
    %mul3A_50 = arith.mulf %mul3A_38, %mul3A_38 : vector<128x2048xf32>
    %reduce_sum3A_51 = arith.constant dense<0.000000e+00> : vector<128xf32>
    %reduce_sum3A_52 = vector.multi_reduction <add>, %mul3A_50, %reduce_sum3A_51 [1] : vector<128x2048xf32> to vector<128xf32>
    %broadcast_in_dim3A_53 = vector.shape_cast %reduce_sum3A_52 : vector<128xf32> to vector<128x1xf32>
    %add3A_54 = arith.addf %get3A_49, %broadcast_in_dim3A_53 : vector<128x1xf32>
    %swap3A_55 = arith.constant 0 : index
    %swap3A_56 = arith.constant 0 : index
    %swap3A_57 = vector.load %arg9[%swap3A_55, %swap3A_56] : memref<128x1xf32, #tpu.memory_space<vmem>>, vector<128x1xf32>
    tpu.vector_store %arg9[%swap3A_55, %swap3A_56], %add3A_54 {strides = array<i32>} : memref<128x1xf32, #tpu.memory_space<vmem>>, vector<128x1xf32>,
    return
  }
  func.func @transform_0(%arg0: i32) -> (i32, i32) {
    %c0_i32 = arith.constant 0 : i32
    %c0_i32_0 = arith.constant 0 : i32
    return %c0_i32, %arg0 : i32, i32
  }
  func.func @transform_1(%arg0: i32) -> (i32, i32) {
    %c0_i32 = arith.constant 0 : i32
    %c0_i32_0 = arith.constant 0 : i32
    return %c0_i32, %arg0 : i32, i32
  }
  func.func @transform_2(%arg0: i32) -> (i32, i32) {
    %c0_i32 = arith.constant 0 : i32
    %c0_i32_0 = arith.constant 0 : i32
    return %c0_i32, %arg0 : i32, i32
  }
  func.func @transform_3(%arg0: i32) -> (i32, i32) {
    %c0_i32 = arith.constant 0 : i32
    %c0_i32_0 = arith.constant 0 : i32
    %c0_i32_1 = arith.constant 0 : i32
    return %c0_i32, %c0_i32_0 : i32, i32
  }
  func.func @transform_4(%arg0: i32) -> (i32, i32) {
    %c0_i32 = arith.constant 0 : i32
    %c0_i32_0 = arith.constant 0 : i32
    %c0_i32_1 = arith.constant 0 : i32
    return %c0_i32, %c0_i32_0 : i32, i32
  }
  func.func @transform_5(%arg0: i32) -> (i32, i32) {
    %c0_i32 = arith.constant 0 : i32
    %c0_i32_0 = arith.constant 0 : i32
    %c0_i32_1 = arith.constant 0 : i32
    return %c0_i32, %c0_i32_0 : i32, i32
  }
  func.func @transform_6(%arg0: i32) -> (i32, i32) {
    %c0_i32 = arith.constant 0 : i32
    %c0_i32_0 = arith.constant 0 : i32
    return %c0_i32, %arg0 : i32, i32
  }
  func.func @transform_7(%arg0: i32) -> (i32, i32) {
    %c0_i32 = arith.constant 0 : i32
    %c0_i32_0 = arith.constant 0 : i32
    %c0_i32_1 = arith.constant 0 : i32
    return %c0_i32, %c0_i32_0 : i32, i32
  }
  func.func @transform_8(%arg0: i32) -> (i32, i32) {
    %c0_i32 = arith.constant 0 : i32
    %c0_i32_0 = arith.constant 0 : i32
    %c0_i32_1 = arith.constant 0 : i32
    return %c0_i32, %c0_i32_0 : i32, i32
  }
}

module attributes {stable_mosaic.version = 14 : i64} {
  func.func @_tc_norm_out(%arg0: i32, %arg1: memref<128x2048xf32, #tpu.memory_space<vmem>>, %arg2: memref<128x1xf32, #tpu.memory_space<vmem>>, %arg3: memref<128x1xf32, #tpu.memory_space<vmem>>, %arg4: memref<1x2048xf32, #tpu.memory_space<vmem>>, %arg5: memref<128x1xf32, #tpu.memory_space<vmem>>, %arg6: memref<128x1xf32, #tpu.memory_space<vmem>>, %arg7: memref<16x128xf32, #tpu.memory_space<vmem>>, %arg8: memref<16x1xf32, #tpu.memory_space<vmem>>, %arg9: memref<16x2048xf32, #tpu.memory_space<vmem>>) attributes {dimension_semantics = [#tpu.dimension_semantics<arbitrary>], iteration_bounds = array<i64: 5>, scalar_prefetch = 0 : i64, scratch_operands = 0 : i64, tpu.core_type = #tpu.core_type<tc>, window_params = [{transform_indices = @transform_0, window_bounds = array<i64: 128, 2048>}, {pipeline_mode = #tpu.pipeline_mode<synchronous>, transform_indices = @transform_1, window_bounds = array<i64: 128, 1>}, {pipeline_mode = #tpu.pipeline_mode<synchronous>, transform_indices = @transform_2, window_bounds = array<i64: 128, 1>}, {transform_indices = @transform_3, window_bounds = array<i64: 1, 2048>}, {pipeline_mode = #tpu.pipeline_mode<synchronous>, transform_indices = @transform_4, window_bounds = array<i64: 128, 1>}, {pipeline_mode = #tpu.pipeline_mode<synchronous>, transform_indices = @transform_5, window_bounds = array<i64: 128, 1>}, {pipeline_mode = #tpu.pipeline_mode<synchronous>, transform_indices = @transform_6, window_bounds = array<i64: 16, 128>}, {pipeline_mode = #tpu.pipeline_mode<synchronous>, transform_indices = @transform_7, window_bounds = array<i64: 16, 1>}, {transform_indices = @transform_8, window_bounds = array<i64: 16, 2048>}]} {
    %get3A = arith.constant 0 : index
    %get3A_0 = arith.constant 0 : index
    %get3A_1 = vector.load %arg1[%get3A, %get3A_0] : memref<128x2048xf32, #tpu.memory_space<vmem>>, vector<128x2048xf32>
    %get3A_2 = arith.constant 0 : index
    %get3A_3 = arith.constant 0 : index
    %get3A_4 = vector.load %arg2[%get3A_2, %get3A_3] : memref<128x1xf32, #tpu.memory_space<vmem>>, vector<128x1xf32>
    %get3A_5 = arith.constant 0 : index
    %get3A_6 = arith.constant 0 : index
    %get3A_7 = vector.load %arg3[%get3A_5, %get3A_6] : memref<128x1xf32, #tpu.memory_space<vmem>>, vector<128x1xf32>
    %get3A_8 = arith.constant 0 : index
    %get3A_9 = arith.constant 0 : index
    %get3A_10 = vector.load %arg5[%get3A_8, %get3A_9] : memref<128x1xf32, #tpu.memory_space<vmem>>, vector<128x1xf32>
    %get3A_11 = arith.constant 0 : index
    %get3A_12 = arith.constant 0 : index
    %get3A_13 = vector.load %arg6[%get3A_11, %get3A_12] : memref<128x1xf32, #tpu.memory_space<vmem>>, vector<128x1xf32>
    %mul3A = arith.constant 9.99999974E-5 : f32
    %mul3A_14 = vector.broadcast %mul3A : f32 to vector<128x1xf32>
    %mul3A_15 = arith.mulf %get3A_4, %mul3A_14 : vector<128x1xf32>
    %mul3A_16 = arith.constant 9.99999974E-5 : f32
    %mul3A_17 = vector.broadcast %mul3A_16 : f32 to vector<128x1xf32>
    %mul3A_18 = arith.mulf %get3A_7, %mul3A_17 : vector<128x1xf32>
    %mul3A_19 = arith.mulf %mul3A_15, %mul3A_15 : vector<128x1xf32>
    %sub3A = arith.subf %mul3A_18, %mul3A_19 : vector<128x1xf32>
    %sub3A_20 = vector.broadcast %mul3A_15 : vector<128x1xf32> to vector<128x2048xf32>
    %sub3A_21 = arith.subf %get3A_1, %sub3A_20 : vector<128x2048xf32>
    %add3A = arith.constant 9.99999974E-6 : f32
    %add3A_22 = vector.broadcast %add3A : f32 to vector<128x1xf32>
    %add3A_23 = arith.addf %sub3A, %add3A_22 : vector<128x1xf32>
    %rsqrt3A = math.rsqrt %add3A_23 : vector<128x1xf32>
    %mul3A_24 = vector.broadcast %rsqrt3A : vector<128x1xf32> to vector<128x2048xf32>
    %mul3A_25 = arith.mulf %sub3A_21, %mul3A_24 : vector<128x2048xf32>
    %mul3A_26 = vector.broadcast %get3A_10 : vector<128x1xf32> to vector<128x2048xf32>
    %mul3A_27 = arith.mulf %mul3A_25, %mul3A_26 : vector<128x2048xf32>
    %add3A_28 = vector.broadcast %get3A_13 : vector<128x1xf32> to vector<128x2048xf32>
    %add3A_29 = arith.addf %mul3A_27, %add3A_28 : vector<128x2048xf32>
    %max3A = arith.constant 0.000000e+00 : f32
    %max3A_30 = vector.broadcast %max3A : f32 to vector<128x2048xf32>
    %max3A_31 = arith.maximumf %add3A_29, %max3A_30 : vector<128x2048xf32>
    %get3A_32 = arith.constant 0 : index
    %get3A_33 = arith.constant 0 : index
    %get3A_34 = vector.load %arg4[%get3A_32, %get3A_33] : memref<1x2048xf32, #tpu.memory_space<vmem>>, vector<1x2048xf32>
    %rsqrt3A_35 = math.rsqrt %get3A_34 : vector<1x2048xf32>
    %mul3A_36 = vector.broadcast %rsqrt3A_35 : vector<1x2048xf32> to vector<128x2048xf32>
    %mul3A_37 = arith.mulf %max3A_31, %mul3A_36 : vector<128x2048xf32>
    %get3A_38 = arith.constant 0 : index
    %get3A_39 = arith.constant 0 : index
    %get3A_40 = vector.load %arg7[%get3A_38, %get3A_39] : memref<16x128xf32, #tpu.memory_space<vmem>>, vector<16x128xf32>
    %dot_general3A = arith.constant dense<0.000000e+00> : vector<16x2048xf32>
    %dot_general3A_41 = tpu.matmul %get3A_40, %mul3A_37, %dot_general3A {dimension_numbers = #tpu.dot_dimension_numbers<[1], [0], [0], [1], [0, 0, 1, 1], [], []>, precision = #tpu.contract_precision<fp32>, transpose_lhs_hint = false} : vector<16x128xf32>, vector<128x2048xf32>, vector<16x2048xf32> -> vector<16x2048xf32>
    %get3A_42 = arith.constant 0 : index
    %get3A_43 = arith.constant 0 : index
    %get3A_44 = vector.load %arg8[%get3A_42, %get3A_43] : memref<16x1xf32, #tpu.memory_space<vmem>>, vector<16x1xf32>
    %add3A_45 = vector.broadcast %get3A_44 : vector<16x1xf32> to vector<16x2048xf32>
    %add3A_46 = arith.addf %dot_general3A_41, %add3A_45 : vector<16x2048xf32>
    %swap3A = arith.constant 0 : index
    %swap3A_47 = arith.constant 0 : index
    %swap3A_48 = vector.load %arg9[%swap3A, %swap3A_47] : memref<16x2048xf32, #tpu.memory_space<vmem>>, vector<16x2048xf32>
    tpu.vector_store %arg9[%swap3A, %swap3A_47], %add3A_46 {strides = array<i32>} : memref<16x2048xf32, #tpu.memory_space<vmem>>, vector<16x2048xf32>,
    return
  }
  func.func @transform_0(%arg0: i32) -> (i32, i32) {
    %c0_i32 = arith.constant 0 : i32
    %c0_i32_0 = arith.constant 0 : i32
    return %c0_i32, %arg0 : i32, i32
  }
  func.func @transform_1(%arg0: i32) -> (i32, i32) {
    %c0_i32 = arith.constant 0 : i32
    %c0_i32_0 = arith.constant 0 : i32
    %c0_i32_1 = arith.constant 0 : i32
    return %c0_i32, %c0_i32_0 : i32, i32
  }
  func.func @transform_2(%arg0: i32) -> (i32, i32) {
    %c0_i32 = arith.constant 0 : i32
    %c0_i32_0 = arith.constant 0 : i32
    %c0_i32_1 = arith.constant 0 : i32
    return %c0_i32, %c0_i32_0 : i32, i32
  }
  func.func @transform_3(%arg0: i32) -> (i32, i32) {
    %c0_i32 = arith.constant 0 : i32
    %c0_i32_0 = arith.constant 0 : i32
    return %c0_i32, %arg0 : i32, i32
  }
  func.func @transform_4(%arg0: i32) -> (i32, i32) {
    %c0_i32 = arith.constant 0 : i32
    %c0_i32_0 = arith.constant 0 : i32
    %c0_i32_1 = arith.constant 0 : i32
    return %c0_i32, %c0_i32_0 : i32, i32
  }
  func.func @transform_5(%arg0: i32) -> (i32, i32) {
    %c0_i32 = arith.constant 0 : i32
    %c0_i32_0 = arith.constant 0 : i32
    %c0_i32_1 = arith.constant 0 : i32
    return %c0_i32, %c0_i32_0 : i32, i32
  }
  func.func @transform_6(%arg0: i32) -> (i32, i32) {
    %c0_i32 = arith.constant 0 : i32
    %c0_i32_0 = arith.constant 0 : i32
    %c0_i32_1 = arith.constant 0 : i32
    return %c0_i32, %c0_i32_0 : i32, i32
  }
  func.func @transform_7(%arg0: i32) -> (i32, i32) {
    %c0_i32 = arith.constant 0 : i32
    %c0_i32_0 = arith.constant 0 : i32
    %c0_i32_1 = arith.constant 0 : i32
    return %c0_i32, %c0_i32_0 : i32, i32
  }
  func.func @transform_8(%arg0: i32) -> (i32, i32) {
    %c0_i32 = arith.constant 0 : i32
    %c0_i32_0 = arith.constant 0 : i32
    return %c0_i32, %arg0 : i32, i32
  }
}

</mosaic_0001>

<sc_bundles>
// kernel: kernel.15.cloned.1.call-start
scs
__scs_entry_jumppad:
0x0: {  	(pc) =	sbr.rel $0x88, $3  }
0x1: {  	(tag) =	ssettag $0x0;
	lr =	simm.s32 $0x1  }
0x2: {  	[smem:$0x3F97] =	sst lr;
	_ =	strace $0xD0000000  }
0x3: {  	_ = 	snop  }
0x4: {  	_ = 	snop  }
0x5: {  	_ = 	snop  }
0x6: {  	_ = 	snop  }
0x7: {  	_ = 	snop  }
__scs_overlays_trampoline_lowered:
0x8: {  	[smem:$0x3FA6] =	sst s0  }
0x9: {  	[smem:$0x3FA7] =	sst s1  }
0xa: {  	[smem:$0x3FA8] =	sst s2  }
0xb: {  	[smem:$0x3FA9] =	sst s3  }
0xc: {  	[smem:$0x3FAA] =	sst s4  }
0xd: {  	[smem:$0x3FAB] =	sst s5  }
0xe: {  	[smem:$0x3FAC] =	sst s6  }
0xf: {  	[smem:$0x3FAD] =	sst s7  }
0x10: {  	[smem:$0x3FAE] =	sst s8  }
0x11: {  	[smem:$0x3FAF] =	sst s9;
	s0 =	simm.s32 @!p0 $0x0  }
0x12: {  	s1 =	sld [smem:$0x3F95];
	s0 =	simm.s32 @p0 $0x1  }
0x13: {  	[smem:$0x3FB0] =	sst s0;
	s0 =	simm.s32 @!p1 $0x0  }
0x14: {  	s2 =	sld [smem:$0x3F94];
	s0 =	simm.s32 @p1 $0x1  }
0x15: {  	[smem:$0x3FB1] =	sst s0;
	s0 =	simm.s32 @!p2 $0x0  }
0x16: {  	s3 =	sld [smem:$0x3FDB];
	s0 =	simm.s32 @p2 $0x1  }
0x17: {  	s4 =	simm.s32 $0x1BF5;
	[smem:$0x3FB3] =	sst s0  }
0x18: {  	s0 =	sld [smem:$0x3F96];
	_ =	swait.ge [sflag:s4], $0x0  }
0x19: {  	s7 =	sld [smem:$0x3F97]  }
0x1a: {  	s8 =	sadd.s32 $0xFFFFE003, lr  }
0x1b: {  	s9 =	sadd.s32 $0xFFFFFEF7, lr;
	s5 =	simm.s32 $0xFFFFFFFF;
	p2 =	slt.u32 s8, $0xFFFFF086  }
0x1c: {  	p1 =	slt.u32 s9, $0xF7A;
	s5 =	simm.s32 @!p2 $0x0  }
0x1d: {  	s5 =	simm.s32 @p1 $0x1;
	p0 =	seq.s32 s7, s2  }
0x1e: {  	s7 =	smul.u32 @!p0 $0xF7A, s2;
	p2 =	seq.s32 @!p0 s5, $0x0  }
0x1f: {  	s9 =	smul.u32 $0xF7A, s1;
	s8 =	simm.s32 @!p0 $0x1BF5;
	p2 =	por !p2, p0  }
0x20: {  	[sflag:s8] =	ssyncset.s32 @!p0 $0xFFFFF086;
	s6 =	sadd.s32 @!p0 s3, s7;
	s7 =	simm.s32 @!p0 $0x108  }
0x21: {  	s3 =	sadd.s32 s3, s9;
	s6 =	sadd.s32 @!p0 $0x88, s6;
	s7 =	simm.s32 @p2 $0x1082  }
0x22: {  	[simem:s7], [sflag:s8] =	dma.local @!p0 [hbm:s6], $0xF7A  }
0x23: {  	s9 =	sor.u32 $0xD0000000, s2;
	s6 =	simm.s32 $0x108;
	_ =	swait.ge @!p0 [sflag:s8], $0x0  }
0x24: {  	s3 =	sadd.s32 $0x88, s3;
	s6 =	simm.s32 @!p1 $0x1082;
	[sflag:s4] =	ssyncset.s32 $0xFFFFF086  }
0x25: {  	[simem:s6], [sflag:s4] =	dma.local [hbm:s3], $0xF7A  }
0x26: {  	[smem:$0x3F97] =	sst s1;
	(tag) =	ssettag s2;
	_ =	strace s9  }
0x27: {  	s1 =	sld [smem:$0x3FA7]  }
0x28: {  	s2 =	sld [smem:$0x3FA8]  }
0x29: {  	s4 =	sld [smem:$0x3FAA]  }
0x2a: {  	p0 =	seq.s32 s5, $0x0;
	s5 =	sld [smem:$0x3FAB]  }
0x2b: {  	s6 =	sld [smem:$0x3FAC]  }
0x2c: {  	s7 =	sld [smem:$0x3FAD]  }
0x2d: {  	s3 =	simm.s32 $0x108;
	s8 =	sld [smem:$0x3FAE]  }
0x2e: {  	s3 =	simm.s32 @!p0 $0x1082;
	s9 =	sld [smem:$0x3FAF]  }
0x2f: {  	lr =	sadd.s32 s0, s3;
	s0 =	sld [smem:$0x3FA6]  }
0x30: {  	s3 =	sld [smem:$0x3FA9]  }
0x31: {  	[smem:$0x3FB2] =	sst s10  }
0x32: {  	s10 =	sld [smem:$0x3FB0];
	_ =	sdelay $0x3  }
0x33: {  	p0 =	seq.s32 s10, $0x1;
	s10 =	sld [smem:$0x3FB2];
	_ =	sdelay $0x3  }
0x34: {  	[smem:$0x3FB2] =	sst s10  }
0x35: {  	s10 =	sld [smem:$0x3FB1];
	_ =	sdelay $0x3  }
0x36: {  	p1 =	seq.s32 s10, $0x1;
	s10 =	sld [smem:$0x3FB2];
	_ =	sdelay $0x3  }
0x37: {  	[smem:$0x3FB2] =	sst s10  }
0x38: {  	s10 =	sld [smem:$0x3FB3]  }
0x39: {  	_ = 	snop;
	(pc) =	sbr.ind lr, $3  }
0x3a: {  	_ = 	snop  }
0x3b: {  	_ = 	snop  }
0x3c: {  	p2 =	seq.s32 s10, $0x1;
	s10 =	sld [smem:$0x3FB2]  }
0x3d: {  	_ =	shalt  }
0x3e: {  	_ =	shalt  }
0x3f: {  	_ =	shalt  }
0x40: {  	_ =	shalt  }
0x41: {  	_ =	shalt  }
0x42: {  	_ =	shalt  }
0x43: {  	_ =	shalt  }
0x44: {  	_ =	shalt  }
0x45: {  	_ =	shalt  }
0x46: {  	_ =	shalt  }
0x47: {  	_ =	shalt  }
0x48: {  	_ =	shalt  }
0x49: {  	_ =	shalt  }
0x4a: {  	_ =	shalt  }
0x4b: {  	_ =	shalt  }
0x4c: {  	_ =	shalt  }
0x4d: {  	_ =	shalt  }
0x4e: {  	_ =	shalt  }
0x4f: {  	_ =	shalt  }
0x50: {  	_ =	shalt  }
0x51: {  	_ =	shalt  }
0x52: {  	_ =	shalt  }
0x53: {  	_ =	shalt  }
0x54: {  	_ =	shalt  }
0x55: {  	_ =	shalt  }
0x56: {  	_ =	shalt  }
0x57: {  	_ =	shalt  }
0x58: {  	_ =	shalt  }
0x59: {  	_ =	shalt  }
0x5a: {  	_ =	shalt  }
0x5b: {  	_ =	shalt  }
0x5c: {  	_ =	shalt  }
0x5d: {  	_ =	shalt  }
0x5e: {  	_ =	shalt  }
0x5f: {  	_ =	shalt  }
0x60: {  	_ =	shalt  }
0x61: {  	_ =	shalt  }
0x62: {  	_ =	shalt  }
0x63: {  	_ =	shalt  }
0x64: {  	_ =	shalt  }
0x65: {  	_ =	shalt  }
0x66: {  	_ =	shalt  }
0x67: {  	_ =	shalt  }
0x68: {  	_ =	shalt  }
0x69: {  	_ =	shalt  }
0x6a: {  	_ =	shalt  }
0x6b: {  	_ =	shalt  }
0x6c: {  	_ =	shalt  }
0x6d: {  	_ =	shalt  }
0x6e: {  	_ =	shalt  }
0x6f: {  	_ =	shalt  }
0x70: {  	_ =	shalt  }
0x71: {  	_ =	shalt  }
0x72: {  	_ =	shalt  }
0x73: {  	_ =	shalt  }
0x74: {  	_ =	shalt  }
0x75: {  	_ =	shalt  }
0x76: {  	_ =	shalt  }
0x77: {  	_ =	shalt  }
0x78: {  	_ =	shalt  }
0x79: {  	_ =	shalt  }
0x7a: {  	_ =	shalt  }
0x7b: {  	_ =	shalt  }
0x7c: {  	_ =	shalt  }
0x7d: {  	_ =	shalt  }
0x7e: {  	_ =	shalt  }
0x7f: {  	_ =	shalt  }
0x80: {  	_ =	shalt  }
0x81: {  	_ =	shalt  }
0x82: {  	_ =	shalt  }
0x83: {  	_ =	shalt  }
0x84: {  	_ =	shalt  }
0x85: {  	_ =	shalt  }
0x86: {  	_ =	shalt  }
0x87: {  	_ =	shalt  }
.Lfunc_end0:
.L_simem_size_0:
called_computation_lowered:
.L_overlay_start_0:
0x88: {  	s2 =	sld [smem:$0x3FD9]  }
0x89: {  	s3 =	sld [smem:$0x3FFE];
	_ =	sdelay $0x1  }
0x8a: {  	s1 =	srdreg.scid  }
0x8b: {  	s0 =	sand.u32 $0x1, s1  }
0x8c: {  	s17 =	sshll.u32 s0, $0xA;
	s2 =	sadd.s32 s3, s2  }
0x8d: {  	s2 =	sadd.s32 s2, s17  }
0x8e: {  	[smem:$0x3FBE] =	sst s2  }
0x8f: {  	_ = 	snop  }
0x90: {  	s2 =	sld [smem:$0x3FD0];
	(tm) =	ssettm $0x1  }
0x91: {  	s18 =	sld [smem:$0x3FFB];
	_ =	sdelay $0x3  }
0x92: {  	_ =	strace s18  }
0x93: {  	s3 =	sld [smem:$0x3FFC];
	_ =	sdelay $0x3  }
0x94: {  	_ =	strace s3  }
0x95: {  	s3 =	sld [smem:$0x3FFD];
	_ =	sdelay $0x3  }
0x96: {  	_ =	strace s3  }
0x97: {  	_ =	strace $0x8FFFFFFF  }
0x98: {  	s19 =	sld [smem:$0x3FDB];
	_ =	sdelay $0x1  }
0x99: {  	s4 =	simm.s32 $_scs_section_size  }
0x9a: {  	s5 =	simm.s32 $_size__tile_overlayer_lowered;
	s6 =	simm.s32 $_tile_overlayer_lowered  }
0x9b: {  	s22 =	simm.s32 $0x1BFF;
	s21 =	sshll.u32 s6, $0x1;
	s3 =	sadd.s32 s4, s19  }
0x9c: {  	s7 =	simm.s32 $0x0;
	s20 =	sshll.u32 s5, $0x1;
	s5 =	sadd.s32 s21, s3  }
0x9d: {  	[timem:s7], [sflag:s22] =	dma.local [hbm:s5], s20  }
0x9e: {  	_ =	swait.ge [sflag:s22], s20  }
0x9f: {  	s4 =	ssub.s32 $0x0, s20;
	[sflag:s22] =	ssyncset.done $0x0  }
0xa0: {  	[sflag:s22] =	ssyncadd.s32 s4;
	_ =	sdelay $0x1  }
0xa1: {  	s23 =	simm.s32 $0x1B8B  }
0xa2: {  	_ =	swait.ge [sflag:s23], $0x1  }
0xa3: {  	[sflag:s23] =	ssyncset.done $0x0  }
0xa4: {  	s25 =	simm.s32 $0x1B8E;
	s24 =	sld [smem:$0x3FFE];
	[sflag:s23] =	ssyncadd.s32 $0xFFFFFFFF  }
0xa5: {  	s26 =	simm.s32 $execute0_lowered;
	[smem:$0x3FD2] =	sst s25  }
0xa6: {  	s5 =	sshll.u32 s26, $0x1;
	_ =	strace $0x80000046;
	[dreg:$0x1] =	wrdreg $0xFFFFFFFF  }
0xa7: {  	s28 =	simm.s32 $_size_execute0_lowered;
	s3 =	sadd.s32 s3, s5;
	[dreg:$0x0] =	wrdreg $0x0  }
0xa8: {  	s5 =	sshll.u32 s28, $0x1;
	[dreg:$0x2] =	wrdreg s3  }
0xa9: {  	[dreg:$0x3] =	wrdreg s5  }
0xaa: {  	[dreg:$0x4] =	wrdreg $0xC0  }
0xab: {  	_ =	task [dreg:s7], $0x5FFFF  }
0xac: {  	[dreg:$0x1] =	wrdreg $0xFFFFFFFF  }
0xad: {  	[dreg:$0x0] =	wrdreg $0x60  }
0xae: {  	[dreg:$0x2] =	wrdreg s24  }
0xaf: {  	[dreg:$0x3] =	wrdreg s2  }
0xb0: {  	[dreg:$0x4] =	wrdreg $0x9  }
0xb1: {  	_ =	task.clear_ibuf [dreg:s7], $0x5FFFF;
	_ =	strace $0x90000046  }
0xb2: {  	s29 =	simm.s32 $0x9;
	_ =	strace $0x80000048  }
0xb3: {  	_ =	swait.ge [sflag:s29], $0x1  }
0xb4: {  	[sflag:s29] =	ssyncadd.s32 $0xFFFFFFFF  }
0xb5: {  	_ =	strace $0x90000048  }
0xb6: {  	_ =	sfence  }
0xb7: {  	s30 =	sld [smem:$0x0];
	_ =	sdelay $0x2  }
0xb8: {  	s31 =	sshll.u32 s1, $0xD;
	s1 =	sshrl.u32 s1, $0x2  }
0xb9: {  	s3 =	sand.u32 $0x4000, s31;
	s1 =	sadd.s32 s1, s30  }
0xba: {  	s0 =	sor.u32 s3, s0;
	s1 =	sshll.u32 s1, $0x11  }
0xbb: {  	s0 =	sor.u32 s1, s0  }
0xbc: {  	s0 =	sadd.s32 $0x8F2B, s0  }
0xbd: {  	[sflag:s0] =	ssyncadd.remote.s32 $0x1  }
0xbe: {  	_ =	sfence.sel $0xFFFF  }
0xbf: {  	[dreg:$0x0] =	wrdreg $0xFFFFFFFF;
	(pc) =	sbr.abs _section_cstart, $3  }
0xc0: {  	[dreg:$0x1] =	wrdreg $0xFFFFFFFF  }
0xc1: {  	_ =	task.clear_ibuf [dreg:s7], $0x2FFFF;
	_ =	strace $0x9FFFFFFF  }
0xc2: {  	(tm) =	ssettm $0x7FFFFFFF  }
0xc3: {  	_ =	shalt  }
tec
execute0_lowered:
.L_overlay_start_1:
0x0: {  	(tag) =	ssettag $0x1  }
0x1: {  	s0 =	srdreg.scid;
	s7 =	rddreg [dreg:$0x0]  }
0x2: {  	s28 =	stileid.u32;
	s2 =	rddreg [dreg:$0x1]  }
0x3: {  	s3 =	simm.s32 $0x0;
	s10 =	simm.s32 $0x200;
	s11 =	simm.s32 $0x400  }
0x4: {  	s12 =	simm.s32 $0x3;
	s13 =	simm.s32 $0x16800;
	s4 =	sand.u32 $0x1, s0  }
0x5: {  	s14 =	simm.s32 $0x17800;
	s15 =	simm.s32 $0x1;
	s1 =	sshll.u32 s4, $0x4  }
0x6: {  	s16 =	simm.s32 $0xA000;
	s17 =	simm.s32 $0x14000;
	s19 =	sor.u32 s28, s1  }
0x7: {  	s18 =	simm.s32 $0x2;
	s29 =	sshll.u32 s28, $0x9;
	s1 =	sshrl.u32 s19, $0x1  }
0x8: {  	[smem:$0x7FF] =	sst s3;
	s30 =	ssub.s32 $0x2, s4;
	s5 =	smul.u32 $0x14000, s1  }
0x9: {  	s6 =	sand.u32 $0x200, s29;
	_ =	strace $0x80000047;
	s31 =	sshrl.u32 s30, $0x1  }
0xa: {  	s4 =	sadd.s32 $0x4C00, s7;
	s9 =	ssub.s32 s30, s31;
	s5 =	sor.u32 s6, s5  }
0xb: {  	p0 =	sne.s32 s19, $0x0;
	s19 =	simm.s32 $0x0;
	s5 =	sshrl.u32 s5, $0x3  }
0xc: {  	s9 =	smax.u32 s9, $0x1;
	s6 =	sadd.s32 $0x4E00, s7;
	s8 =	sadd.s32 s5, s7  }
0xd: {  	v0 =	vimm.f32 $0.0e+00;
	v1 =	vimm.f32 $1.000000000e+00;
	s7 =	sadd.s32 $0x5000, s7;
	s5 =	sadd.s32 $0x18800, s8;
	s8 =	sadd.s32 $0x40800, s8  }
.LBB2_1:
0xe: {  	[tilespmem:s3], [sflag:$0x3] =	stream.strided.gather [hbm4b:s5+s10], $0xA000, s11, s10, $0x38;
	[tilespmem:$0x18800] =	vst v63  }
0xf: {  	s20 =	sand.u32 $0x40, s3;
	s21 =	sand.u32 $0xFE00, s3;
	_ =	swait.ge [sflag:s12], $0xA000  }
0x10: {  	s21 =	sadd.s32 $0xA000, s21;
	s22 =	sor.u32 $0x30, s20;
	[sflag:s12] =	ssyncset.done $0x0  }
0x11: {  	s23 =	sor.u32 s22, s21;
	[sflag:s12] =	ssyncadd.s32 $0xFFFF6000  }
0x12: {  	[tilespmem:s23+$0x0] =	vst v0  }
0x13: {  	[tilespmem:s23+$0x80] =	vst v0  }
0x14: {  	[tilespmem:s23+$0x100] =	vst v0  }
0x15: {  	s26 =	sor.u32 s20, s21;
	[tilespmem:s23+$0x180] =	vst v0  }
0x16: {  	[tilespmem:s26+$0x0] =	vst v0  }
0x17: {  	[tilespmem:s26+$0x80] =	vst v0  }
0x18: {  	s25 =	sor.u32 $0x10, s20;
	[tilespmem:s26+$0x100] =	vst v0  }
0x19: {  	s29 =	sor.u32 s25, s21;
	[tilespmem:s26+$0x180] =	vst v0  }
0x1a: {  	[tilespmem:s29+$0x0] =	vst v0  }
0x1b: {  	[tilespmem:s29+$0x80] =	vst v0  }
0x1c: {  	s30 =	sor.u32 $0x20, s20;
	[tilespmem:s29+$0x100] =	vst v0  }
0x1d: {  	s24 =	sand.u32 $0x3F80, s3;
	s21 =	sor.u32 s30, s21;
	[tilespmem:s29+$0x180] =	vst v0  }
0x1e: {  	s24 =	sor.u32 $0x14000, s24;
	[tilespmem:s21+$0x0] =	vst v0  }
0x1f: {  	s22 =	sor.u32 s22, s24;
	[tilespmem:s21+$0x80] =	vst v0  }
0x20: {  	s28 =	simm.s32 $0x0;
	[tilespmem:s22+$0x0] =	vst v0  }
0x21: {  	s31 =	sor.u32 s25, s24;
	s20 =	simm.s32 $0x0;
	[tilespmem:s28+$0x14000] =	vst v0  }
0x22: {  	s24 =	sor.u32 s30, s24;
	s23 =	simm.s32 $0x40;
	[tilespmem:s31+$0x0] =	vst v0;
	s22 =	simm.s32 $0x100  }
.LBB2_2:
0x23: {  	s25 =	sand.u32 $0x40, s23;
	s26 =	sand.u32 $0xFE00, s22;
	s28 =	sshra.s32 s22, $0x2;
	[tilespmem:s21+$0x100] =	vst v0  }
0x24: {  	s26 =	sadd.s32 $0xA000, s26;
	s29 =	sor.u32 $0x10, s25;
	s30 =	sor.u32 $0x30, s25;
	[tilespmem:s21+$0x180] =	vst v0  }
0x25: {  	s31 =	sor.u32 s25, s26;
	s25 =	sor.u32 $0x20, s25;
	s1 =	sor.u32 s30, s26;
	[tilespmem:s24+$0x0] =	vst v0  }
0x26: {  	s0 =	sor.u32 s29, s26;
	s21 =	sor.u32 s25, s26;
	[tilespmem:s1+$0x0] =	vst v0  }
0x27: {  	s20 =	sadd.s32 $0x4, s20;
	s24 =	sand.u32 $0x3F80, s23;
	[tilespmem:s1+$0x80] =	vst v0  }
0x28: {  	p1 =	slt.u32 s20, $0x27C;
	s26 =	sor.u32 $0x14000, s24;
	[tilespmem:s1+$0x100] =	vst v0  }
0x29: {  	s29 =	sor.u32 s29, s26;
	s24 =	sor.u32 s25, s26;
	[tilespmem:s1+$0x180] =	vst v0;
	s1 =	sor.u32 s30, s26  }
0x2a: {  	[tilespmem:s1+$0x0] =	vst v0  }
0x2b: {  	[tilespmem:s31+$0x0] =	vst v0  }
0x2c: {  	[tilespmem:s31+$0x80] =	vst v0  }
0x2d: {  	[tilespmem:s31+$0x100] =	vst v0  }
0x2e: {  	[tilespmem:s31+$0x180] =	vst v0  }
0x2f: {  	[tilespmem:s28+$0x14000] =	vst v0  }
0x30: {  	[tilespmem:s0+$0x0] =	vst v0  }
0x31: {  	[tilespmem:s0+$0x80] =	vst v0  }
.Ltmp0:
0x32: {  	[tilespmem:s0+$0x100] =	vst v0;
	(pc) =	sbr.rel @p1 .LBB2_2-.Ltmp0, $4  }
0x33: {  	[tilespmem:s0+$0x180] =	vst v0  }
0x34: {  	[tilespmem:s29+$0x0] =	vst v0  }
0x35: {  	[tilespmem:s21+$0x0] =	vst v0  }
0x36: {  	s22 =	sadd.s32 $0x100, s22;
	s23 =	sadd.s32 $0x40, s23;
	[tilespmem:s21+$0x80] =	vst v0  }
0x37: {  	[tilespmem:s21+$0x100] =	vst v0  }
0x38: {  	[tilespmem:s21+$0x180] =	vst v0  }
0x39: {  	s20 =	simm.s32 $0x0;
	[tilespmem:s24+$0x0] =	vst v0  }
0x3a: {  	[tilespmem:s13], [sflag:$0x1] =	stream.linear.gather [hbm4b:s4+s20], $0x1000, $0x38;
	[tilespmem:$0x18800] =	vst v63  }
.LBB2_4:
0x3b: {  	s0 =	sshll.u32 s20, $0xA  }
0x3c: {  	s0 =	sadd.s32 s0, s6  }
0x3d: {  	[tilespmem:s14], [sflag:$0x2] =	stream.linear.gather [hbm4b:s0+s3], $0x1000, $0x38;
	[tilespmem:$0x18800] =	vst v63  }
0x3e: {  	_ =	swait.ge [sflag:s15], $0x1000  }
0x3f: {  	[sflag:s15] =	ssyncset.done $0x0  }
0x40: {  	s21 =	simm.s32 $0x16880;
	[sflag:s15] =	ssyncadd.s32 $0xFFFFF000  }
0x41: {  	v6 =	vld [tilespmem:s21+$0xFFFFFF80]  }
0x42: {  	v4 =	vld [tilespmem:s21+$0x0]  }
0x43: {  	v7 =	vld [tilespmem:s21+$0xFFFFFFE0]  }
0x44: {  	v9 =	vld [tilespmem:s21+$0xFFFFFFA0]  }
0x45: {  	v10 =	vld [tilespmem:s21+$0xFFFFFF90];
	_ =	sdelay $0x1  }
0x46: {  	v5 =	vld [tilespmem:s21+$0xFFFFFFC0]  }
0x47: {  	v3 =	vld [tilespmem:s21+$0x10];
	v8 =	vshll.u32 v6, $0x2  }
0x48: {  	v2 =	vld [tilespmem:s21+$0x40];
	v19 =	vshll.u32 v4, $0x2;
	v11 =	vand.u32 $0x7F, v6;
	v12 =	vand.u32 $0x7F, v7  }
0x49: {  	v6 =	vld [tilespmem:s21+$0xFFFFFFF0];
	v7 =	vshll.u32 v7, $0x2;
	v17 =	vshll.u32 v9, $0x2;
	v18 =	vshll.u32 v10, $0x2  }
0x4a: {  	v16 =	vld [tilespmem:s21+$0xFFFFFFB0];
	v9 =	vand.u32 $0x7F, v9;
	v10 =	vand.u32 $0x7F, v10;
	v7 =	vand.u32 $0xFFFFFE00, v7  }
0x4b: {  	v20 =	vld [tilespmem:s21+$0xFFFFFFD0];
	v15 =	vand.u32 $0xFFFFFE00, v8;
	v8 =	vshll.u32 v5, $0x2;
	v13 =	vor.u32 v12, v7  }
0x4c: {  	v5 =	vand.u32 $0x7F, v5;
	v14 =	vand.u32 $0xFFFFFE00, v8;
	v8 =	vld [tilespmem:s21+$0x20];
	v11 =	vor.u32 v11, v15  }
0x4d: {  	v7 =	vand.u32 $0xFFFFFE00, v17;
	v12 =	vor.u32 v5, v14;
	v5 =	vld [tilespmem:s21+$0x60];
	v14 =	vand.u32 $0xFFFFFE00, v18  }
0x4e: {  	v17 =	vor.u32 v9, v7;
	v7 =	vld [tilespmem:s21+$0x70];
	v14 =	vor.u32 v10, v14;
	v9 =	vshll.u32 v6, $0x2  }
0x4f: {  	v10 =	vshll.u32 v16, $0x2;
	v18 =	vand.u32 $0x7F, v6;
	v6 =	vld [tilespmem:s21+$0x30];
	v9 =	vand.u32 $0xFFFFFE00, v9  }
0x50: {  	v10 =	vand.u32 $0xFFFFFE00, v10;
	v18 =	vor.u32 v18, v9;
	v9 =	vand.u32 $0x7F, v16;
	v21 =	vld.idx.msk [tilespmem:v13+s3+$0x0], $0xffff  }
0x51: {  	v23 =	vand.u32 $0x7F, v2;
	v32 =	vld.idx.msk [tilespmem:v11+s3+$0x0], $0xffff;
	v22 =	vor.u32 v9, v10;
	v10 =	vshll.u32 v2, $0x2  }
0x52: {  	v15 =	vshll.u32 v20, $0x2;
	v9 =	vld.idx.msk [tilespmem:v12+s3+$0x0], $0xffff;
	v16 =	vshll.u32 v5, $0x2;
	v10 =	vand.u32 $0xFFFFFE00, v10  }
0x53: {  	v24 =	vld.idx.msk [tilespmem:v17+s3+$0x0], $0xffff;
	v25 =	vand.u32 $0x7F, v5;
	v26 =	vand.u32 $0xFFFFFE00, v16;
	v16 =	vor.u32 v23, v10  }
0x54: {  	v31 =	vshll.u32 v3, $0x2;
	v27 =	vld.idx.msk [tilespmem:v14+s3+$0x0], $0xffff;
	v23 =	vand.u32 $0xFFFFFE00, v15;
	v15 =	vor.u32 v25, v26  }
0x55: {  	v20 =	vand.u32 $0x7F, v20;
	v28 =	vor.u32 $0x80, v13;
	v10 =	vld [tilespmem:s21+$0x50];
	v25 =	vshll.u32 v8, $0x2  }
0x56: {  	v26 =	vand.u32 $0x7F, v8;
	v30 =	vand.u32 $0xFFFFFE00, v25;
	v25 =	vor.u32 v20, v23;
	v29 =	vld.idx.msk [tilespmem:v18+s3+$0x0], $0xffff  }
0x57: {  	v23 =	vand.u32 $0xFFFFFE00, v31;
	v20 =	vor.u32 v26, v30;
	v26 =	vand.u32 $0x7F, v3;
	v30 =	vld.idx.msk [tilespmem:v22+s3+$0x0], $0xffff  }
0x58: {  	v33 =	vand.u32 $0xFFFFFE00, v19;
	v19 =	vor.u32 v26, v23;
	[tilespmem:v16+s16+$0x0] =	vst.idx.add.f32.msk $0xffff, v9  }
0x59: {  	v31 =	vand.u32 $0x7F, v4;
	v26 =	vor.u32 $0x80, v17;
	[tilespmem:v15+s16+$0x0] =	vst.idx.add.f32.msk $0xffff, v21  }
0x5a: {  	v63 =	vor.u32 $0x80, v14;
	v23 =	vshll.u32 v6, $0x2;
	v9 =	vor.u32 v31, v33;
	v31 =	vld.idx.msk [tilespmem:v28+s3+$0x0], $0xffff  }
0x5b: {  	v23 =	vand.u32 $0xFFFFFE00, v23;
	v21 =	vand.u32 $0x7F, v6;
	v28 =	vld.idx.msk [tilespmem:v25+s3+$0x0], $0xffff  }
0x5c: {  	v23 =	vor.u32 v21, v23;
	[tilespmem:v20+s16+$0x0] =	vst.idx.add.f32.msk $0xffff, v24  }
0x5d: {  	v62 =	vor.u32 $0x80, v22;
	[tilespmem:v19+s16+$0x0] =	vst.idx.add.f32.msk $0xffff, v27  }
0x5e: {  	v21 =	vshll.u32 v7, $0x2;
	v24 =	vor.u32 $0x80, v12;
	v26 =	vld.idx.msk [tilespmem:v26+s3+$0x0], $0xffff  }
0x5f: {  	v34 =	vor.u32 $0x80, v20;
	v21 =	vand.u32 $0xFFFFFE00, v21;
	v27 =	vand.u32 $0x7F, v7;
	v37 =	vld.idx.msk [tilespmem:v63+s3+$0x0], $0xffff  }
0x60: {  	v21 =	vor.u32 v27, v21;
	[tilespmem:v9+s16+$0x0] =	vst.idx.add.f32.msk $0xffff, v32  }
0x61: {  	v27 =	vor.u32 $0x80, v18;
	[tilespmem:v23+s16+$0x0] =	vst.idx.add.f32.msk $0xffff, v30;
	v30 =	vshll.u32 v10, $0x2  }
0x62: {  	v35 =	vand.u32 $0x7F, v10;
	v39 =	vor.u32 $0x80, v23;
	v33 =	vld.idx.msk [tilespmem:v62+s3+$0x0], $0xffff;
	v30 =	vand.u32 $0xFFFFFE00, v30  }
0x63: {  	v38 =	vld.idx.msk [tilespmem:v24+s3+$0x0], $0xffff;
	v24 =	vor.u32 v35, v30  }
0x64: {  	v30 =	vor.u32 $0x80, v25;
	[tilespmem:v34+s16+$0x0] =	vst.idx.add.f32.msk $0xffff, v26  }
0x65: {  	[tilespmem:v21+s16+$0x0] =	vst.idx.add.f32.msk $0xffff, v29;
	v29 =	vor.u32 $0x80, v11  }
0x66: {  	v36 =	vld.idx.msk [tilespmem:v27+s3+$0x0], $0xffff;
	v27 =	vor.u32 $0x80, v15  }
0x67: {  	v26 =	vor.u32 $0x100, v17;
	[tilespmem:v39+s16+$0x0] =	vst.idx.add.f32.msk $0xffff, v33  }
0x68: {  	[tilespmem:v24+s16+$0x0] =	vst.idx.add.f32.msk $0xffff, v28  }
0x69: {  	v40 =	vld.idx.msk [tilespmem:v30+s3+$0x0], $0xffff  }
0x6a: {  	v41 =	vor.u32 $0x80, v16;
	v34 =	vor.u32 $0x100, v12;
	v42 =	vld.idx.msk [tilespmem:v29+s3+$0x0], $0xffff  }
0x6b: {  	s22 =	simm.s32 $0x0;
	v33 =	vor.u32 $0x80, v9;
	v39 =	vor.u32 $0x100, v22;
	v28 =	vor.u32 $0x100, v9;
	[tilespmem:v27+s16+$0x0] =	vst.idx.add.f32.msk $0xffff, v31  }
.LBB2_5:
0x6c: {  	s22 =	sadd.s32 $0x8, s22;
	v43 =	vld.idx.msk [tilespmem:v26+s3+$0x0], $0xffff;
	s21 =	sadd.s32 $0x100, s21  }
0x6d: {  	v29 =	vld [tilespmem:s21+$0x10];
	p1 =	slt.u32 s22, $0x78  }
0x6e: {  	v44 =	vor.u32 $0x80, v19;
	v26 =	vld [tilespmem:s21+$0x40]  }
0x6f: {  	v46 =	vor.u32 $0x100, v14;
	v45 =	vld [tilespmem:s21+$0x20]  }
0x70: {  	v27 =	vld [tilespmem:s21+$0x60]  }
0x71: {  	v35 =	vld [tilespmem:s21+$0x70]  }
0x72: {  	v30 =	vld [tilespmem:s21+$0x30]  }
0x73: {  	v31 =	vld [tilespmem:s21+$0xFFFFFF90]  }
0x74: {  	v32 =	vld [tilespmem:s21+$0xFFFFFFA0]  }
0x75: {  	[tilespmem:v33+s16+$0x0] =	vst.idx.add.f32.msk $0xffff, v42  }
0x76: {  	v33 =	vld [tilespmem:s21+$0xFFFFFFC0]  }
0x77: {  	v47 =	vor.u32 $0x80, v24;
	v42 =	vld [tilespmem:s21+$0xFFFFFFF0]  }
0x78: {  	v48 =	vld [tilespmem:s21+$0xFFFFFF80]  }
0x79: {  	v49 =	vld [tilespmem:s21+$0xFFFFFFD0]  }
0x7a: {  	v50 =	vld [tilespmem:s21+$0xFFFFFFE0]  }
0x7b: {  	v51 =	vld [tilespmem:s21+$0x0]  }
0x7c: {  	v52 =	vor.u32 $0x100, v20;
	[tilespmem:v47+s16+$0x0] =	vst.idx.add.f32.msk $0xffff, v40  }
0x7d: {  	[tilespmem:v41+s16+$0x0] =	vst.idx.add.f32.msk $0xffff, v38;
	v38 =	vor.u32 $0x100, v25  }
0x7e: {  	v40 =	vor.u32 $0x80, v21;
	v39 =	vld.idx.msk [tilespmem:v39+s3+$0x0], $0xffff  }
0x7f: {  	[tilespmem:v44+s16+$0x0] =	vst.idx.add.f32.msk $0xffff, v37;
	v37 =	vor.u32 $0x100, v18  }
0x80: {  	v44 =	vor.u32 $0x100, v23;
	v41 =	vld.idx.msk [tilespmem:v46+s3+$0x0], $0xffff  }
0x81: {  	v22 =	vor.u32 $0x180, v22;
	[tilespmem:v52+s16+$0x0] =	vst.idx.add.f32.msk $0xffff, v43  }
0x82: {  	v38 =	vld.idx.msk [tilespmem:v38+s3+$0x0], $0xffff  }
0x83: {  	v43 =	vor.u32 $0x100, v24;
	[tilespmem:v40+s16+$0x0] =	vst.idx.add.f32.msk $0xffff, v36  }
0x84: {  	v36 =	vor.u32 $0x100, v11;
	v37 =	vld.idx.msk [tilespmem:v37+s3+$0x0], $0xffff  }
0x85: {  	[tilespmem:v44+s16+$0x0] =	vst.idx.add.f32.msk $0xffff, v39;
	v39 =	vor.u32 $0x100, v21  }
0x86: {  	v40 =	vor.u32 $0x100, v13;
	v22 =	vld.idx.msk [tilespmem:v22+s3+$0x0], $0xffff  }
0x87: {  	v25 =	vor.u32 $0x180, v25;
	v44 =	vld [tilespmem:s21+$0xFFFFFFB0]  }
0x88: {  	v18 =	vor.u32 $0x180, v18;
	[tilespmem:v43+s16+$0x0] =	vst.idx.add.f32.msk $0xffff, v38  }
0x89: {  	v23 =	vor.u32 $0x180, v23;
	v36 =	vld.idx.msk [tilespmem:v36+s3+$0x0], $0xffff  }
0x8a: {  	[tilespmem:v39+s16+$0x0] =	vst.idx.add.f32.msk $0xffff, v37  }
0x8b: {  	v17 =	vor.u32 $0x180, v17;
	v37 =	vld.idx.msk [tilespmem:v40+s3+$0x0], $0xffff  }
0x8c: {  	v38 =	vor.u32 $0x100, v15;
	v25 =	vld.idx.msk [tilespmem:v25+s3+$0x0], $0xffff  }
0x8d: {  	v13 =	vor.u32 $0x180, v13;
	v18 =	vld.idx.msk [tilespmem:v18+s3+$0x0], $0xffff  }
0x8e: {  	[tilespmem:v23+s16+$0x0] =	vst.idx.add.f32.msk $0xffff, v22  }
0x8f: {  	v11 =	vor.u32 $0x180, v11;
	v22 =	vld.idx.msk [tilespmem:v34+s3+$0x0], $0xffff  }
0x90: {  	v23 =	vor.u32 $0x100, v16;
	v17 =	vld.idx.msk [tilespmem:v17+s3+$0x0], $0xffff  }
0x91: {  	v12 =	vor.u32 $0x180, v12;
	[tilespmem:v38+s16+$0x0] =	vst.idx.add.f32.msk $0xffff, v37  }
0x92: {  	v20 =	vor.u32 $0x180, v20;
	v13 =	vld.idx.msk [tilespmem:v13+s3+$0x0], $0xffff  }
0x93: {  	[tilespmem:v28+s16+$0x0] =	vst.idx.add.f32.msk $0xffff, v36  }
0x94: {  	v28 =	vor.u32 $0x100, v19;
	v11 =	vld.idx.msk [tilespmem:v11+s3+$0x0], $0xffff  }
0x95: {  	v14 =	vor.u32 $0x180, v14;
	[tilespmem:v23+s16+$0x0] =	vst.idx.add.f32.msk $0xffff, v22  }
0x96: {  	v22 =	vor.u32 $0x180, v9;
	v23 =	vld.idx.msk [tilespmem:v12+s3+$0x0], $0xffff  }
0x97: {  	v16 =	vor.u32 $0x180, v16;
	[tilespmem:v20+s16+$0x0] =	vst.idx.add.f32.msk $0xffff, v17  }
0x98: {  	v15 =	vor.u32 $0x180, v15;
	v12 =	vor.u32 $0x180, v19;
	v17 =	vor.u32 $0x180, v21;
	[tilespmem:v8+s17+$0x0] =	vst.idx.add.f32.msk $0xffff, v1;
	v8 =	vmovc v45  }
0x99: {  	v9 =	vand.u32 $0x7F, v51;
	v19 =	vshll.u32 v51, $0x2;
	v20 =	vor.u32 $0x180, v24;
	[tilespmem:v28+s16+$0x0] =	vst.idx.add.f32.msk $0xffff, v41  }
0x9a: {  	v21 =	vand.u32 $0x7F, v48;
	v24 =	vshll.u32 v48, $0x2;
	v19 =	vand.u32 $0xFFFFFE00, v19;
	v14 =	vld.idx.msk [tilespmem:v14+s3+$0x0], $0xffff  }
0x9b: {  	v24 =	vand.u32 $0xFFFFFE00, v24;
	v9 =	vor.u32 v9, v19;
	v19 =	vshll.u32 v42, $0x2;
	[tilespmem:v22+s16+$0x0] =	vst.idx.add.f32.msk $0xffff, v11  }
0x9c: {  	v34 =	vand.u32 $0x7F, v42;
	v28 =	vshll.u32 v50, $0x2;
	v22 =	vand.u32 $0x7F, v50;
	[tilespmem:v4+s17+$0x0] =	vst.idx.add.f32.msk $0xffff, v1;
	v4 =	vmovc v51  }
0x9d: {  	v11 =	vor.u32 v21, v24;
	v24 =	vand.u32 $0x7F, v49;
	v21 =	vshll.u32 v49, $0x2;
	[tilespmem:v17+s16+$0x0] =	vst.idx.add.f32.msk $0xffff, v18  }
0x9e: {  	v36 =	vand.u32 $0xFFFFFE00, v21;
	v21 =	vand.u32 $0xFFFFFE00, v28;
	v17 =	vshll.u32 v33, $0x2;
	[tilespmem:v20+s16+$0x0] =	vst.idx.add.f32.msk $0xffff, v25  }
0x9f: {  	v19 =	vand.u32 $0xFFFFFE00, v19;
	v18 =	vshll.u32 v44, $0x2;
	v17 =	vand.u32 $0xFFFFFE00, v17;
	[tilespmem:v7+s17+$0x0] =	vst.idx.add.f32.msk $0xffff, v1;
	v7 =	vmovc v35  }
0xa0: {  	v20 =	vshll.u32 v32, $0x2;
	v25 =	vand.u32 $0xFFFFFE00, v18;
	v18 =	vor.u32 v34, v19;
	[tilespmem:v15+s16+$0x0] =	vst.idx.add.f32.msk $0xffff, v13  }
0xa1: {  	v19 =	vand.u32 $0xFFFFFE00, v20;
	v15 =	vshll.u32 v31, $0x2;
	v13 =	vor.u32 v22, v21;
	[tilespmem:v10+s17+$0x0] =	vst.idx.add.f32.msk $0xffff, v1  }
0xa2: {  	v20 =	vand.u32 $0x7F, v33;
	v10 =	vand.u32 $0xFFFFFE00, v15;
	v15 =	vand.u32 $0x7F, v32;
	[tilespmem:v12+s16+$0x0] =	vst.idx.add.f32.msk $0xffff, v14  }
0xa3: {  	v21 =	vand.u32 $0x7F, v30;
	v14 =	vand.u32 $0x7F, v31;
	v12 =	vor.u32 v20, v17;
	[tilespmem:v16+s16+$0x0] =	vst.idx.add.f32.msk $0xffff, v23  }
0xa4: {  	v17 =	vor.u32 v15, v19;
	v15 =	vand.u32 $0x7F, v44;
	v19 =	vand.u32 $0x7F, v7;
	[tilespmem:v3+s17+$0x0] =	vst.idx.add.f32.msk $0xffff, v1;
	v3 =	vmovc v29  }
0xa5: {  	v22 =	vor.u32 v15, v25;
	v15 =	vshll.u32 v30, $0x2;
	v16 =	vand.u32 $0x7F, v27;
	[tilespmem:v6+s17+$0x0] =	vst.idx.add.f32.msk $0xffff, v1;
	v6 =	vmovc v30  }
0xa6: {  	v14 =	vor.u32 v14, v10;
	v10 =	vand.u32 $0xFFFFFE00, v15;
	v15 =	vshll.u32 v27, $0x2;
	[tilespmem:v2+s17+$0x0] =	vst.idx.add.f32.msk $0xffff, v1;
	v2 =	vmovc v26  }
0xa7: {  	v23 =	vor.u32 v21, v10;
	v21 =	vshll.u32 v7, $0x2;
	[tilespmem:v5+s17+$0x0] =	vst.idx.add.f32.msk $0xffff, v1;
	v5 =	vmov v27  }
0xa8: {  	v20 =	vshll.u32 v8, $0x2;
	v10 =	vand.u32 $0x7F, v8;
	v15 =	vand.u32 $0xFFFFFE00, v15;
	v26 =	vld.idx.msk [tilespmem:v13+s3+$0x0], $0xffff  }
0xa9: {  	v28 =	vor.u32 $0x80, v13;
	v20 =	vand.u32 $0xFFFFFE00, v20;
	v25 =	vshll.u32 v2, $0x2;
	v27 =	vld.idx.msk [tilespmem:v12+s3+$0x0], $0xffff  }
0xaa: {  	v15 =	vor.u32 v16, v15;
	v30 =	vand.u32 $0x7F, v2;
	v25 =	vand.u32 $0xFFFFFE00, v25;
	v29 =	vld.idx.msk [tilespmem:v17+s3+$0x0], $0xffff  }
0xab: {  	v32 =	vshll.u32 v3, $0x2;
	v20 =	vor.u32 v10, v20;
	v16 =	vor.u32 v30, v25;
	v31 =	vld.idx.msk [tilespmem:v14+s3+$0x0], $0xffff  }
0xac: {  	v33 =	vor.u32 $0x80, v9;
	v21 =	vand.u32 $0xFFFFFE00, v21;
	v30 =	vand.u32 $0xFFFFFE00, v32;
	v10 =	vld [tilespmem:s21+$0x50]  }
0xad: {  	v21 =	vor.u32 v19, v21;
	v32 =	vld.idx.msk [tilespmem:v18+s3+$0x0], $0xffff  }
0xae: {  	v19 =	vand.u32 $0x7F, v3;
	v25 =	vor.u32 v24, v36;
	v34 =	vld.idx.msk [tilespmem:v11+s3+$0x0], $0xffff  }
0xaf: {  	v24 =	vor.u32 $0x80, v17;
	v19 =	vor.u32 v19, v30;
	v30 =	vld.idx.msk [tilespmem:v22+s3+$0x0], $0xffff  }
0xb0: {  	v35 =	vor.u32 $0x80, v11;
	[tilespmem:v16+s16+$0x0] =	vst.idx.add.f32.msk $0xffff, v27  }
0xb1: {  	v27 =	vor.u32 $0x80, v12;
	v36 =	vand.u32 $0x7F, v10;
	v37 =	vshll.u32 v10, $0x2;
	[tilespmem:v15+s16+$0x0] =	vst.idx.add.f32.msk $0xffff, v26  }
0xb2: {  	v26 =	vand.u32 $0xFFFFFE00, v37;
	v43 =	vld.idx.msk [tilespmem:v28+s3+$0x0], $0xffff  }
0xb3: {  	v28 =	vor.u32 $0x80, v22;
	v40 =	vld.idx.msk [tilespmem:v25+s3+$0x0], $0xffff  }
0xb4: {  	[tilespmem:v20+s16+$0x0] =	vst.idx.add.f32.msk $0xffff, v29  }
0xb5: {  	[tilespmem:v19+s16+$0x0] =	vst.idx.add.f32.msk $0xffff, v31  }
0xb6: {  	v29 =	vor.u32 $0x80, v14;
	[tilespmem:v9+s16+$0x0] =	vst.idx.add.f32.msk $0xffff, v34  }
0xb7: {  	v31 =	vld.idx.msk [tilespmem:v24+s3+$0x0], $0xffff  }
0xb8: {  	[tilespmem:v23+s16+$0x0] =	vst.idx.add.f32.msk $0xffff, v30;
	v30 =	vor.u32 $0x80, v18  }
0xb9: {  	v34 =	vor.u32 $0x80, v20;
	v41 =	vld.idx.msk [tilespmem:v28+s3+$0x0], $0xffff  }
0xba: {  	v42 =	vor.u32 $0x80, v23;
	v38 =	vld.idx.msk [tilespmem:v27+s3+$0x0], $0xffff  }
0xbb: {  	v24 =	vor.u32 v36, v26;
	v37 =	vld.idx.msk [tilespmem:v29+s3+$0x0], $0xffff  }
0xbc: {  	v27 =	vor.u32 $0x80, v25;
	[tilespmem:v21+s16+$0x0] =	vst.idx.add.f32.msk $0xffff, v32  }
0xbd: {  	v39 =	vor.u32 $0x100, v22;
	v28 =	vor.u32 $0x100, v9;
	v36 =	vld.idx.msk [tilespmem:v30+s3+$0x0], $0xffff  }
0xbe: {  	v29 =	vor.u32 $0x80, v15;
	[tilespmem:v34+s16+$0x0] =	vst.idx.add.f32.msk $0xffff, v31  }
.Ltmp1:
0xbf: {  	v26 =	vor.u32 $0x100, v17;
	[tilespmem:v42+s16+$0x0] =	vst.idx.add.f32.msk $0xffff, v41;
	(pc) =	sbr.rel @p1 .LBB2_5-.Ltmp1, $4  }
0xc0: {  	v41 =	vor.u32 $0x80, v16;
	[tilespmem:v24+s16+$0x0] =	vst.idx.add.f32.msk $0xffff, v40  }
0xc1: {  	v34 =	vor.u32 $0x100, v12;
	v40 =	vld.idx.msk [tilespmem:v27+s3+$0x0], $0xffff  }
0xc2: {  	v42 =	vld.idx.msk [tilespmem:v35+s3+$0x0], $0xffff  }
0xc3: {  	[tilespmem:v29+s16+$0x0] =	vst.idx.add.f32.msk $0xffff, v43  }
0xc4: {  	_ =	sdelay $0x2  }
0xc5: {  	v27 =	vor.u32 $0x80, v24  }
0xc6: {  	v26 =	vld.idx.msk [tilespmem:v26+s3+$0x0], $0xffff;
	v29 =	vor.u32 $0x80, v19  }
0xc7: {  	v31 =	vor.u32 $0x100, v20;
	[tilespmem:v41+s16+$0x0] =	vst.idx.add.f32.msk $0xffff, v38  }
0xc8: {  	v32 =	vld.idx.msk [tilespmem:v39+s3+$0x0], $0xffff;
	v54 =	vor.u32 $0x80, v21  }
0xc9: {  	v35 =	vor.u32 $0x100, v23;
	[tilespmem:v33+s16+$0x0] =	vst.idx.add.f32.msk $0xffff, v42  }
0xca: {  	v22 =	vor.u32 $0x180, v22;
	[tilespmem:v27+s16+$0x0] =	vst.idx.add.f32.msk $0xffff, v40  }
0xcb: {  	v30 =	vor.u32 $0x100, v14;
	[tilespmem:v29+s16+$0x0] =	vst.idx.add.f32.msk $0xffff, v37  }
0xcc: {  	v17 =	vor.u32 $0x180, v17;
	[tilespmem:v31+s16+$0x0] =	vst.idx.add.f32.msk $0xffff, v26  }
0xcd: {  	v27 =	vor.u32 $0x100, v25;
	[tilespmem:v54+s16+$0x0] =	vst.idx.add.f32.msk $0xffff, v36  }
0xce: {  	v29 =	vor.u32 $0x100, v18;
	[tilespmem:v35+s16+$0x0] =	vst.idx.add.f32.msk $0xffff, v32  }
0xcf: {  	v23 =	vor.u32 $0x180, v23;
	v22 =	vld.idx.msk [tilespmem:v22+s3+$0x0], $0xffff  }
0xd0: {  	v30 =	vld.idx.msk [tilespmem:v30+s3+$0x0], $0xffff  }
0xd1: {  	v20 =	vor.u32 $0x180, v20;
	v17 =	vld.idx.msk [tilespmem:v17+s3+$0x0], $0xffff  }
0xd2: {  	v26 =	vld.idx.msk [tilespmem:v27+s3+$0x0], $0xffff  }
0xd3: {  	v29 =	vld.idx.msk [tilespmem:v29+s3+$0x0], $0xffff  }
0xd4: {  	v27 =	vor.u32 $0x100, v24;
	[tilespmem:v23+s16+$0x0] =	vst.idx.add.f32.msk $0xffff, v22  }
0xd5: {  	v31 =	vor.u32 $0x100, v11;
	v22 =	vld.idx.msk [tilespmem:v34+s3+$0x0], $0xffff  }
0xd6: {  	v55 =	vor.u32 $0x100, v21;
	[tilespmem:v20+s16+$0x0] =	vst.idx.add.f32.msk $0xffff, v17  }
0xd7: {  	v56 =	vor.u32 $0x100, v13;
	[tilespmem:v8+s17+$0x0] =	vst.idx.add.f32.msk $0xffff, v1  }
0xd8: {  	v25 =	vor.u32 $0x180, v25;
	[tilespmem:v6+s17+$0x0] =	vst.idx.add.f32.msk $0xffff, v1  }
0xd9: {  	v18 =	vor.u32 $0x180, v18;
	[tilespmem:v27+s16+$0x0] =	vst.idx.add.f32.msk $0xffff, v26  }
0xda: {  	v23 =	vor.u32 $0x100, v16;
	v26 =	vld.idx.msk [tilespmem:v31+s3+$0x0], $0xffff  }
0xdb: {  	v12 =	vor.u32 $0x180, v12;
	[tilespmem:v55+s16+$0x0] =	vst.idx.add.f32.msk $0xffff, v29  }
0xdc: {  	v27 =	vld.idx.msk [tilespmem:v56+s3+$0x0], $0xffff;
	v29 =	vor.u32 $0x100, v15  }
0xdd: {  	v25 =	vld.idx.msk [tilespmem:v25+s3+$0x0], $0xffff  }
0xde: {  	v13 =	vor.u32 $0x180, v13;
	v18 =	vld.idx.msk [tilespmem:v18+s3+$0x0], $0xffff  }
0xdf: {  	v11 =	vor.u32 $0x180, v11;
	[tilespmem:v23+s16+$0x0] =	vst.idx.add.f32.msk $0xffff, v22  }
0xe0: {  	v8 =	vor.u32 $0x180, v21;
	v12 =	vld.idx.msk [tilespmem:v12+s3+$0x0], $0xffff  }
0xe1: {  	v17 =	vor.u32 $0x180, v24;
	[tilespmem:v29+s16+$0x0] =	vst.idx.add.f32.msk $0xffff, v27  }
0xe2: {  	[tilespmem:v28+s16+$0x0] =	vst.idx.add.f32.msk $0xffff, v26  }
0xe3: {  	v13 =	vld.idx.msk [tilespmem:v13+s3+$0x0], $0xffff  }
0xe4: {  	v26 =	vor.u32 $0x100, v19;
	v11 =	vld.idx.msk [tilespmem:v11+s3+$0x0], $0xffff  }
0xe5: {  	v14 =	vor.u32 $0x180, v14;
	[tilespmem:v8+s16+$0x0] =	vst.idx.add.f32.msk $0xffff, v18  }
0xe6: {  	v9 =	vor.u32 $0x180, v9;
	[tilespmem:v17+s16+$0x0] =	vst.idx.add.f32.msk $0xffff, v25  }
0xe7: {  	[tilespmem:v7+s17+$0x0] =	vst.idx.add.f32.msk $0xffff, v1  }
0xe8: {  	v15 =	vor.u32 $0x180, v15;
	[tilespmem:v10+s17+$0x0] =	vst.idx.add.f32.msk $0xffff, v1  }
0xe9: {  	v8 =	vor.u32 $0x180, v16;
	[tilespmem:v26+s16+$0x0] =	vst.idx.add.f32.msk $0xffff, v30  }
0xea: {  	v14 =	vld.idx.msk [tilespmem:v14+s3+$0x0], $0xffff  }
0xeb: {  	[tilespmem:v9+s16+$0x0] =	vst.idx.add.f32.msk $0xffff, v11  }
0xec: {  	[tilespmem:v4+s17+$0x0] =	vst.idx.add.f32.msk $0xffff, v1;
	v4 =	vor.u32 $0x180, v19  }
0xed: {  	[tilespmem:v15+s16+$0x0] =	vst.idx.add.f32.msk $0xffff, v13  }
0xee: {  	[tilespmem:v8+s16+$0x0] =	vst.idx.add.f32.msk $0xffff, v12  }
0xef: {  	s0 =	sshll.u32 s20, $0x1;
	[tilespmem:v2+s17+$0x0] =	vst.idx.add.f32.msk $0xffff, v1  }
0xf0: {  	s0 =	smin.u32 s0, $0x9B;
	[tilespmem:v5+s17+$0x0] =	vst.idx.add.f32.msk $0xffff, v1  }
0xf1: {  	s0 =	sshll.u32 s0, $0x9;
	[tilespmem:v4+s16+$0x0] =	vst.idx.add.f32.msk $0xffff, v14  }
0xf2: {  	s0 =	sadd.s32 s0, s7;
	[tilespmem:v3+s17+$0x0] =	vst.idx.add.f32.msk $0xffff, v1  }
0xf3: {  	[tilespmem:s13], [sflag:$0x1] =	stream.linear.gather [hbm4b:s0+s3], $0x1000, $0x38;
	[tilespmem:$0x18800] =	vst v63  }
0xf4: {  	_ =	swait.ge [sflag:s18], $0x1000  }
0xf5: {  	[sflag:s18] =	ssyncset.done $0x0  }
0xf6: {  	s21 =	simm.s32 $0x178F0;
	[sflag:s18] =	ssyncadd.s32 $0xFFFFF000  }
0xf7: {  	v6 =	vld [tilespmem:s21+$0xFFFFFF10]  }
0xf8: {  	v4 =	vld [tilespmem:s21+$0xFFFFFF90]  }
0xf9: {  	v7 =	vld [tilespmem:s21+$0xFFFFFF70]  }
0xfa: {  	v9 =	vld [tilespmem:s21+$0xFFFFFF30]  }
0xfb: {  	v10 =	vld [tilespmem:s21+$0xFFFFFF20];
	_ =	sdelay $0x1  }
0xfc: {  	v5 =	vld [tilespmem:s21+$0xFFFFFF50]  }
0xfd: {  	v3 =	vld [tilespmem:s21+$0xFFFFFFA0];
	v8 =	vshll.u32 v6, $0x2  }
0xfe: {  	v2 =	vld [tilespmem:s21+$0xFFFFFFD0];
	v19 =	vshll.u32 v4, $0x2;
	v11 =	vand.u32 $0x7F, v6;
	v12 =	vand.u32 $0x7F, v7  }
0xff: {  	v6 =	vld [tilespmem:s21+$0xFFFFFF80];
	v7 =	vshll.u32 v7, $0x2;
	v17 =	vshll.u32 v9, $0x2;
	v18 =	vshll.u32 v10, $0x2  }
0x100: {  	v16 =	vld [tilespmem:s21+$0xFFFFFF40];
	v9 =	vand.u32 $0x7F, v9;
	v10 =	vand.u32 $0x7F, v10;
	v7 =	vand.u32 $0xFFFFFE00, v7  }
0x101: {  	v20 =	vld [tilespmem:s21+$0xFFFFFF60];
	v15 =	vand.u32 $0xFFFFFE00, v8;
	v8 =	vshll.u32 v5, $0x2;
	v13 =	vor.u32 v12, v7  }
0x102: {  	v5 =	vand.u32 $0x7F, v5;
	v14 =	vand.u32 $0xFFFFFE00, v8;
	v8 =	vld [tilespmem:s21+$0xFFFFFFB0];
	v11 =	vor.u32 v11, v15  }
0x103: {  	v7 =	vand.u32 $0xFFFFFE00, v17;
	v12 =	vor.u32 v5, v14;
	v5 =	vld [tilespmem:s21+$0xFFFFFFF0];
	v14 =	vand.u32 $0xFFFFFE00, v18  }
0x104: {  	v17 =	vor.u32 v9, v7;
	v7 =	vld [tilespmem:s21+$0x0];
	v14 =	vor.u32 v10, v14;
	v9 =	vshll.u32 v6, $0x2  }
0x105: {  	v10 =	vshll.u32 v16, $0x2;
	v18 =	vand.u32 $0x7F, v6;
	v6 =	vld [tilespmem:s21+$0xFFFFFFC0];
	v9 =	vand.u32 $0xFFFFFE00, v9  }
0x106: {  	v10 =	vand.u32 $0xFFFFFE00, v10;
	v18 =	vor.u32 v18, v9;
	v9 =	vand.u32 $0x7F, v16;
	v21 =	vld.idx.msk [tilespmem:v13+s3+$0x0], $0xffff  }
0x107: {  	v23 =	vand.u32 $0x7F, v2;
	v57 =	vld.idx.msk [tilespmem:v11+s3+$0x0], $0xffff;
	v22 =	vor.u32 v9, v10;
	v10 =	vshll.u32 v2, $0x2  }
0x108: {  	v15 =	vshll.u32 v20, $0x2;
	v9 =	vld.idx.msk [tilespmem:v12+s3+$0x0], $0xffff;
	v16 =	vshll.u32 v5, $0x2;
	v10 =	vand.u32 $0xFFFFFE00, v10  }
0x109: {  	v24 =	vld.idx.msk [tilespmem:v17+s3+$0x0], $0xffff;
	v25 =	vand.u32 $0x7F, v5;
	v26 =	vand.u32 $0xFFFFFE00, v16;
	v16 =	vor.u32 v23, v10  }
0x10a: {  	v31 =	vshll.u32 v3, $0x2;
	v27 =	vld.idx.msk [tilespmem:v14+s3+$0x0], $0xffff;
	v23 =	vand.u32 $0xFFFFFE00, v15;
	v15 =	vor.u32 v25, v26  }
0x10b: {  	v20 =	vand.u32 $0x7F, v20;
	v28 =	vor.u32 $0x80, v13;
	v10 =	vld [tilespmem:s21+$0xFFFFFFE0];
	v25 =	vshll.u32 v8, $0x2  }
0x10c: {  	v26 =	vand.u32 $0x7F, v8;
	v30 =	vand.u32 $0xFFFFFE00, v25;
	v25 =	vor.u32 v20, v23;
	v29 =	vld.idx.msk [tilespmem:v18+s3+$0x0], $0xffff  }
0x10d: {  	v23 =	vand.u32 $0xFFFFFE00, v31;
	v20 =	vor.u32 v26, v30;
	v26 =	vand.u32 $0x7F, v3;
	v30 =	vld.idx.msk [tilespmem:v22+s3+$0x0], $0xffff  }
0x10e: {  	v58 =	vand.u32 $0xFFFFFE00, v19;
	v19 =	vor.u32 v26, v23;
	[tilespmem:v16+s16+$0x0] =	vst.idx.add.f32.msk $0xffff, v9  }
0x10f: {  	v31 =	vand.u32 $0x7F, v4;
	v26 =	vor.u32 $0x80, v17;
	[tilespmem:v15+s16+$0x0] =	vst.idx.add.f32.msk $0xffff, v21  }
0x110: {  	v60 =	vor.u32 $0x80, v14;
	v23 =	vshll.u32 v6, $0x2;
	v9 =	vor.u32 v31, v58;
	v31 =	vld.idx.msk [tilespmem:v28+s3+$0x0], $0xffff  }
0x111: {  	v23 =	vand.u32 $0xFFFFFE00, v23;
	v21 =	vand.u32 $0x7F, v6;
	v28 =	vld.idx.msk [tilespmem:v25+s3+$0x0], $0xffff  }
0x112: {  	v23 =	vor.u32 v21, v23;
	[tilespmem:v20+s16+$0x0] =	vst.idx.add.f32.msk $0xffff, v24  }
0x113: {  	v59 =	vor.u32 $0x80, v22;
	[tilespmem:v19+s16+$0x0] =	vst.idx.add.f32.msk $0xffff, v27  }
0x114: {  	v21 =	vshll.u32 v7, $0x2;
	v24 =	vor.u32 $0x80, v12;
	v26 =	vld.idx.msk [tilespmem:v26+s3+$0x0], $0xffff  }
0x115: {  	v61 =	vor.u32 $0x80, v20;
	v21 =	vand.u32 $0xFFFFFE00, v21;
	v27 =	vand.u32 $0x7F, v7;
	v37 =	vld.idx.msk [tilespmem:v60+s3+$0x0], $0xffff  }
0x116: {  	v21 =	vor.u32 v27, v21;
	[tilespmem:v9+s16+$0x0] =	vst.idx.add.f32.msk $0xffff, v57  }
0x117: {  	v27 =	vor.u32 $0x80, v18;
	[tilespmem:v23+s16+$0x0] =	vst.idx.add.f32.msk $0xffff, v30;
	v30 =	vshll.u32 v10, $0x2  }
0x118: {  	v62 =	vand.u32 $0x7F, v10;
	v63 =	vor.u32 $0x80, v23;
	v33 =	vld.idx.msk [tilespmem:v59+s3+$0x0], $0xffff;
	v30 =	vand.u32 $0xFFFFFE00, v30  }
0x119: {  	v38 =	vld.idx.msk [tilespmem:v24+s3+$0x0], $0xffff;
	v24 =	vor.u32 v62, v30  }
0x11a: {  	v30 =	vor.u32 $0x80, v25;
	[tilespmem:v61+s16+$0x0] =	vst.idx.add.f32.msk $0xffff, v26  }
0x11b: {  	[tilespmem:v21+s16+$0x0] =	vst.idx.add.f32.msk $0xffff, v29;
	v29 =	vor.u32 $0x80, v11  }
0x11c: {  	v36 =	vld.idx.msk [tilespmem:v27+s3+$0x0], $0xffff;
	v27 =	vor.u32 $0x80, v15  }
0x11d: {  	v26 =	vor.u32 $0x100, v17;
	[tilespmem:v63+s16+$0x0] =	vst.idx.add.f32.msk $0xffff, v33  }
0x11e: {  	[tilespmem:v24+s16+$0x0] =	vst.idx.add.f32.msk $0xffff, v28  }
0x11f: {  	v40 =	vld.idx.msk [tilespmem:v30+s3+$0x0], $0xffff  }
0x120: {  	v34 =	vor.u32 $0x100, v12;
	v39 =	vor.u32 $0x100, v22;
	v42 =	vld.idx.msk [tilespmem:v29+s3+$0x0], $0xffff  }
0x121: {  	s22 =	simm.s32 $0x0;
	v41 =	vor.u32 $0x80, v16;
	v33 =	vor.u32 $0x80, v9;
	v28 =	vor.u32 $0x100, v9;
	[tilespmem:v27+s16+$0x0] =	vst.idx.add.f32.msk $0xffff, v31  }
.LBB2_7:
0x122: {  	s22 =	sadd.s32 $0x8, s22;
	v43 =	vld.idx.msk [tilespmem:v26+s3+$0x0], $0xffff;
	s21 =	sadd.s32 $0x100, s21  }
0x123: {  	v29 =	vld [tilespmem:s21+$0xFFFFFFA0];
	p1 =	slt.u32 s22, $0x78  }
0x124: {  	v44 =	vor.u32 $0x80, v19;
	v26 =	vld [tilespmem:s21+$0xFFFFFFD0]  }
0x125: {  	v46 =	vor.u32 $0x100, v14;
	v45 =	vld [tilespmem:s21+$0xFFFFFFB0]  }
0x126: {  	v27 =	vld [tilespmem:s21+$0xFFFFFFF0]  }
0x127: {  	v35 =	vld [tilespmem:s21+$0x0]  }
0x128: {  	v30 =	vld [tilespmem:s21+$0xFFFFFFC0]  }
0x129: {  	v31 =	vld [tilespmem:s21+$0xFFFFFF20]  }
0x12a: {  	v32 =	vld [tilespmem:s21+$0xFFFFFF30]  }
0x12b: {  	[tilespmem:v33+s16+$0x0] =	vst.idx.add.f32.msk $0xffff, v42  }
0x12c: {  	v33 =	vld [tilespmem:s21+$0xFFFFFF50]  }
0x12d: {  	v47 =	vor.u32 $0x80, v24;
	v42 =	vld [tilespmem:s21+$0xFFFFFF80]  }
0x12e: {  	v48 =	vld [tilespmem:s21+$0xFFFFFF10]  }
0x12f: {  	v49 =	vld [tilespmem:s21+$0xFFFFFF60]  }
0x130: {  	v50 =	vld [tilespmem:s21+$0xFFFFFF70]  }
0x131: {  	v51 =	vld [tilespmem:s21+$0xFFFFFF90]  }
0x132: {  	v52 =	vor.u32 $0x100, v20;
	[tilespmem:v47+s16+$0x0] =	vst.idx.add.f32.msk $0xffff, v40  }
0x133: {  	[tilespmem:v41+s16+$0x0] =	vst.idx.add.f32.msk $0xffff, v38;
	v38 =	vor.u32 $0x100, v25  }
0x134: {  	v40 =	vor.u32 $0x80, v21;
	v39 =	vld.idx.msk [tilespmem:v39+s3+$0x0], $0xffff  }
0x135: {  	[tilespmem:v44+s16+$0x0] =	vst.idx.add.f32.msk $0xffff, v37;
	v37 =	vor.u32 $0x100, v18  }
0x136: {  	v44 =	vor.u32 $0x100, v23;
	v41 =	vld.idx.msk [tilespmem:v46+s3+$0x0], $0xffff  }
0x137: {  	v22 =	vor.u32 $0x180, v22;
	[tilespmem:v52+s16+$0x0] =	vst.idx.add.f32.msk $0xffff, v43  }
0x138: {  	v38 =	vld.idx.msk [tilespmem:v38+s3+$0x0], $0xffff  }
0x139: {  	v43 =	vor.u32 $0x100, v24;
	[tilespmem:v40+s16+$0x0] =	vst.idx.add.f32.msk $0xffff, v36  }
0x13a: {  	v36 =	vor.u32 $0x100, v11;
	v37 =	vld.idx.msk [tilespmem:v37+s3+$0x0], $0xffff  }
0x13b: {  	[tilespmem:v44+s16+$0x0] =	vst.idx.add.f32.msk $0xffff, v39;
	v39 =	vor.u32 $0x100, v21  }
0x13c: {  	v40 =	vor.u32 $0x100, v13;
	v22 =	vld.idx.msk [tilespmem:v22+s3+$0x0], $0xffff  }
0x13d: {  	v25 =	vor.u32 $0x180, v25;
	v44 =	vld [tilespmem:s21+$0xFFFFFF40]  }
0x13e: {  	v18 =	vor.u32 $0x180, v18;
	[tilespmem:v43+s16+$0x0] =	vst.idx.add.f32.msk $0xffff, v38  }
0x13f: {  	v23 =	vor.u32 $0x180, v23;
	v36 =	vld.idx.msk [tilespmem:v36+s3+$0x0], $0xffff  }
0x140: {  	[tilespmem:v39+s16+$0x0] =	vst.idx.add.f32.msk $0xffff, v37  }
0x141: {  	v17 =	vor.u32 $0x180, v17;
	v37 =	vld.idx.msk [tilespmem:v40+s3+$0x0], $0xffff  }
0x142: {  	v38 =	vor.u32 $0x100, v15;
	v25 =	vld.idx.msk [tilespmem:v25+s3+$0x0], $0xffff  }
0x143: {  	v13 =	vor.u32 $0x180, v13;
	v18 =	vld.idx.msk [tilespmem:v18+s3+$0x0], $0xffff  }
0x144: {  	[tilespmem:v23+s16+$0x0] =	vst.idx.add.f32.msk $0xffff, v22  }
0x145: {  	v11 =	vor.u32 $0x180, v11;
	v22 =	vld.idx.msk [tilespmem:v34+s3+$0x0], $0xffff  }
0x146: {  	v23 =	vor.u32 $0x100, v16;
	v17 =	vld.idx.msk [tilespmem:v17+s3+$0x0], $0xffff  }
0x147: {  	v12 =	vor.u32 $0x180, v12;
	[tilespmem:v38+s16+$0x0] =	vst.idx.add.f32.msk $0xffff, v37  }
0x148: {  	v20 =	vor.u32 $0x180, v20;
	v13 =	vld.idx.msk [tilespmem:v13+s3+$0x0], $0xffff  }
0x149: {  	[tilespmem:v28+s16+$0x0] =	vst.idx.add.f32.msk $0xffff, v36  }
0x14a: {  	v28 =	vor.u32 $0x100, v19;
	v11 =	vld.idx.msk [tilespmem:v11+s3+$0x0], $0xffff  }
0x14b: {  	v14 =	vor.u32 $0x180, v14;
	[tilespmem:v23+s16+$0x0] =	vst.idx.add.f32.msk $0xffff, v22  }
0x14c: {  	v22 =	vor.u32 $0x180, v9;
	v23 =	vld.idx.msk [tilespmem:v12+s3+$0x0], $0xffff  }
0x14d: {  	v16 =	vor.u32 $0x180, v16;
	[tilespmem:v20+s16+$0x0] =	vst.idx.add.f32.msk $0xffff, v17  }
0x14e: {  	v15 =	vor.u32 $0x180, v15;
	v12 =	vor.u32 $0x180, v19;
	v17 =	vor.u32 $0x180, v21;
	[tilespmem:v8+s17+$0x0] =	vst.idx.add.f32.msk $0xffff, v1;
	v8 =	vmovc v45  }
0x14f: {  	v9 =	vand.u32 $0x7F, v51;
	v19 =	vshll.u32 v51, $0x2;
	v20 =	vor.u32 $0x180, v24;
	[tilespmem:v28+s16+$0x0] =	vst.idx.add.f32.msk $0xffff, v41  }
0x150: {  	v21 =	vand.u32 $0x7F, v48;
	v24 =	vshll.u32 v48, $0x2;
	v19 =	vand.u32 $0xFFFFFE00, v19;
	v14 =	vld.idx.msk [tilespmem:v14+s3+$0x0], $0xffff  }
0x151: {  	v24 =	vand.u32 $0xFFFFFE00, v24;
	v9 =	vor.u32 v9, v19;
	v19 =	vshll.u32 v42, $0x2;
	[tilespmem:v22+s16+$0x0] =	vst.idx.add.f32.msk $0xffff, v11  }
0x152: {  	v34 =	vand.u32 $0x7F, v42;
	v28 =	vshll.u32 v50, $0x2;
	v22 =	vand.u32 $0x7F, v50;
	[tilespmem:v4+s17+$0x0] =	vst.idx.add.f32.msk $0xffff, v1;
	v4 =	vmovc v51  }
0x153: {  	v11 =	vor.u32 v21, v24;
	v24 =	vand.u32 $0x7F, v49;
	v21 =	vshll.u32 v49, $0x2;
	[tilespmem:v17+s16+$0x0] =	vst.idx.add.f32.msk $0xffff, v18  }
0x154: {  	v36 =	vand.u32 $0xFFFFFE00, v21;
	v21 =	vand.u32 $0xFFFFFE00, v28;
	v17 =	vshll.u32 v33, $0x2;
	[tilespmem:v20+s16+$0x0] =	vst.idx.add.f32.msk $0xffff, v25  }
0x155: {  	v19 =	vand.u32 $0xFFFFFE00, v19;
	v18 =	vshll.u32 v44, $0x2;
	v17 =	vand.u32 $0xFFFFFE00, v17;
	[tilespmem:v7+s17+$0x0] =	vst.idx.add.f32.msk $0xffff, v1;
	v7 =	vmovc v35  }
0x156: {  	v20 =	vshll.u32 v32, $0x2;
	v25 =	vand.u32 $0xFFFFFE00, v18;
	v18 =	vor.u32 v34, v19;
	[tilespmem:v15+s16+$0x0] =	vst.idx.add.f32.msk $0xffff, v13  }
0x157: {  	v19 =	vand.u32 $0xFFFFFE00, v20;
	v15 =	vshll.u32 v31, $0x2;
	v13 =	vor.u32 v22, v21;
	[tilespmem:v10+s17+$0x0] =	vst.idx.add.f32.msk $0xffff, v1  }
0x158: {  	v20 =	vand.u32 $0x7F, v33;
	v10 =	vand.u32 $0xFFFFFE00, v15;
	v15 =	vand.u32 $0x7F, v32;
	[tilespmem:v12+s16+$0x0] =	vst.idx.add.f32.msk $0xffff, v14  }
0x159: {  	v21 =	vand.u32 $0x7F, v30;
	v14 =	vand.u32 $0x7F, v31;
	v12 =	vor.u32 v20, v17;
	[tilespmem:v16+s16+$0x0] =	vst.idx.add.f32.msk $0xffff, v23  }
0x15a: {  	v17 =	vor.u32 v15, v19;
	v15 =	vand.u32 $0x7F, v44;
	v19 =	vand.u32 $0x7F, v7;
	[tilespmem:v3+s17+$0x0] =	vst.idx.add.f32.msk $0xffff, v1;
	v3 =	vmovc v29  }
0x15b: {  	v22 =	vor.u32 v15, v25;
	v15 =	vshll.u32 v30, $0x2;
	v16 =	vand.u32 $0x7F, v27;
	[tilespmem:v6+s17+$0x0] =	vst.idx.add.f32.msk $0xffff, v1;
	v6 =	vmovc v30  }
0x15c: {  	v14 =	vor.u32 v14, v10;
	v10 =	vand.u32 $0xFFFFFE00, v15;
	v15 =	vshll.u32 v27, $0x2;
	[tilespmem:v2+s17+$0x0] =	vst.idx.add.f32.msk $0xffff, v1;
	v2 =	vmovc v26  }
0x15d: {  	v23 =	vor.u32 v21, v10;
	v21 =	vshll.u32 v7, $0x2;
	[tilespmem:v5+s17+$0x0] =	vst.idx.add.f32.msk $0xffff, v1;
	v5 =	vmov v27  }
0x15e: {  	v20 =	vshll.u32 v8, $0x2;
	v10 =	vand.u32 $0x7F, v8;
	v15 =	vand.u32 $0xFFFFFE00, v15;
	v26 =	vld.idx.msk [tilespmem:v13+s3+$0x0], $0xffff  }
0x15f: {  	v28 =	vor.u32 $0x80, v13;
	v20 =	vand.u32 $0xFFFFFE00, v20;
	v25 =	vshll.u32 v2, $0x2;
	v27 =	vld.idx.msk [tilespmem:v12+s3+$0x0], $0xffff  }
0x160: {  	v15 =	vor.u32 v16, v15;
	v30 =	vand.u32 $0x7F, v2;
	v25 =	vand.u32 $0xFFFFFE00, v25;
	v29 =	vld.idx.msk [tilespmem:v17+s3+$0x0], $0xffff  }
0x161: {  	v32 =	vshll.u32 v3, $0x2;
	v20 =	vor.u32 v10, v20;
	v16 =	vor.u32 v30, v25;
	v31 =	vld.idx.msk [tilespmem:v14+s3+$0x0], $0xffff  }
0x162: {  	v33 =	vor.u32 $0x80, v9;
	v21 =	vand.u32 $0xFFFFFE00, v21;
	v30 =	vand.u32 $0xFFFFFE00, v32;
	v10 =	vld [tilespmem:s21+$0xFFFFFFE0]  }
0x163: {  	v21 =	vor.u32 v19, v21;
	v32 =	vld.idx.msk [tilespmem:v18+s3+$0x0], $0xffff  }
0x164: {  	v19 =	vand.u32 $0x7F, v3;
	v25 =	vor.u32 v24, v36;
	v34 =	vld.idx.msk [tilespmem:v11+s3+$0x0], $0xffff  }
0x165: {  	v24 =	vor.u32 $0x80, v17;
	v19 =	vor.u32 v19, v30;
	v30 =	vld.idx.msk [tilespmem:v22+s3+$0x0], $0xffff  }
0x166: {  	v35 =	vor.u32 $0x80, v11;
	[tilespmem:v16+s16+$0x0] =	vst.idx.add.f32.msk $0xffff, v27  }
0x167: {  	v27 =	vor.u32 $0x80, v12;
	v36 =	vand.u32 $0x7F, v10;
	v37 =	vshll.u32 v10, $0x2;
	[tilespmem:v15+s16+$0x0] =	vst.idx.add.f32.msk $0xffff, v26  }
0x168: {  	v26 =	vand.u32 $0xFFFFFE00, v37;
	v43 =	vld.idx.msk [tilespmem:v28+s3+$0x0], $0xffff  }
0x169: {  	v28 =	vor.u32 $0x80, v22;
	v40 =	vld.idx.msk [tilespmem:v25+s3+$0x0], $0xffff  }
0x16a: {  	[tilespmem:v20+s16+$0x0] =	vst.idx.add.f32.msk $0xffff, v29  }
0x16b: {  	[tilespmem:v19+s16+$0x0] =	vst.idx.add.f32.msk $0xffff, v31  }
0x16c: {  	v29 =	vor.u32 $0x80, v14;
	[tilespmem:v9+s16+$0x0] =	vst.idx.add.f32.msk $0xffff, v34  }
0x16d: {  	v31 =	vld.idx.msk [tilespmem:v24+s3+$0x0], $0xffff  }
0x16e: {  	[tilespmem:v23+s16+$0x0] =	vst.idx.add.f32.msk $0xffff, v30;
	v30 =	vor.u32 $0x80, v18  }
0x16f: {  	v34 =	vor.u32 $0x80, v20;
	v41 =	vld.idx.msk [tilespmem:v28+s3+$0x0], $0xffff  }
0x170: {  	v42 =	vor.u32 $0x80, v23;
	v38 =	vld.idx.msk [tilespmem:v27+s3+$0x0], $0xffff  }
0x171: {  	v24 =	vor.u32 v36, v26;
	v37 =	vld.idx.msk [tilespmem:v29+s3+$0x0], $0xffff  }
0x172: {  	v27 =	vor.u32 $0x80, v25;
	[tilespmem:v21+s16+$0x0] =	vst.idx.add.f32.msk $0xffff, v32  }
0x173: {  	v39 =	vor.u32 $0x100, v22;
	v28 =	vor.u32 $0x100, v9;
	v36 =	vld.idx.msk [tilespmem:v30+s3+$0x0], $0xffff  }
0x174: {  	v29 =	vor.u32 $0x80, v15;
	[tilespmem:v34+s16+$0x0] =	vst.idx.add.f32.msk $0xffff, v31  }
.Ltmp2:
0x175: {  	v26 =	vor.u32 $0x100, v17;
	[tilespmem:v42+s16+$0x0] =	vst.idx.add.f32.msk $0xffff, v41;
	(pc) =	sbr.rel @p1 .LBB2_7-.Ltmp2, $4  }
0x176: {  	v41 =	vor.u32 $0x80, v16;
	[tilespmem:v24+s16+$0x0] =	vst.idx.add.f32.msk $0xffff, v40  }
0x177: {  	v34 =	vor.u32 $0x100, v12;
	v40 =	vld.idx.msk [tilespmem:v27+s3+$0x0], $0xffff  }
0x178: {  	v42 =	vld.idx.msk [tilespmem:v35+s3+$0x0], $0xffff  }
0x179: {  	[tilespmem:v29+s16+$0x0] =	vst.idx.add.f32.msk $0xffff, v43  }
0x17a: {  	_ =	sdelay $0x3  }
0x17b: {  	v27 =	vor.u32 $0x80, v24;
	v26 =	vld.idx.msk [tilespmem:v26+s3+$0x0], $0xffff  }
0x17c: {  	v29 =	vor.u32 $0x80, v19;
	[tilespmem:v41+s16+$0x0] =	vst.idx.add.f32.msk $0xffff, v38  }
0x17d: {  	v31 =	vor.u32 $0x100, v20;
	v32 =	vld.idx.msk [tilespmem:v39+s3+$0x0], $0xffff  }
0x17e: {  	v39 =	vor.u32 $0x80, v21;
	v54 =	vld.idx.msk [tilespmem:v34+s3+$0x0], $0xffff  }
0x17f: {  	v35 =	vor.u32 $0x100, v23;
	[tilespmem:v33+s16+$0x0] =	vst.idx.add.f32.msk $0xffff, v42  }
0x180: {  	v43 =	vor.u32 $0x100, v11;
	[tilespmem:v27+s16+$0x0] =	vst.idx.add.f32.msk $0xffff, v40  }
0x181: {  	v45 =	vor.u32 $0x100, v13;
	[tilespmem:v29+s16+$0x0] =	vst.idx.add.f32.msk $0xffff, v37  }
0x182: {  	v30 =	vor.u32 $0x100, v14;
	[tilespmem:v31+s16+$0x0] =	vst.idx.add.f32.msk $0xffff, v26  }
0x183: {  	v38 =	vor.u32 $0x100, v25;
	[tilespmem:v39+s16+$0x0] =	vst.idx.add.f32.msk $0xffff, v36  }
0x184: {  	v22 =	vor.u32 $0x180, v22;
	[tilespmem:v35+s16+$0x0] =	vst.idx.add.f32.msk $0xffff, v32  }
0x185: {  	v17 =	vor.u32 $0x180, v17;
	v48 =	vld.idx.msk [tilespmem:v43+s3+$0x0], $0xffff  }
0x186: {  	v55 =	vor.u32 $0x100, v16;
	v50 =	vld.idx.msk [tilespmem:v45+s3+$0x0], $0xffff  }
0x187: {  	v12 =	vor.u32 $0x180, v12;
	v30 =	vld.idx.msk [tilespmem:v30+s3+$0x0], $0xffff  }
0x188: {  	v40 =	vor.u32 $0x100, v18;
	v41 =	vld.idx.msk [tilespmem:v38+s3+$0x0], $0xffff  }
0x189: {  	v51 =	vor.u32 $0x100, v15;
	v22 =	vld.idx.msk [tilespmem:v22+s3+$0x0], $0xffff  }
0x18a: {  	v17 =	vld.idx.msk [tilespmem:v17+s3+$0x0], $0xffff  }
0x18b: {  	v42 =	vor.u32 $0x100, v24;
	[tilespmem:v55+s16+$0x0] =	vst.idx.add.f32.msk $0xffff, v54  }
0x18c: {  	v49 =	vor.u32 $0x180, v23;
	v12 =	vld.idx.msk [tilespmem:v12+s3+$0x0], $0xffff  }
0x18d: {  	v52 =	vor.u32 $0x180, v13;
	v29 =	vld.idx.msk [tilespmem:v40+s3+$0x0], $0xffff  }
0x18e: {  	v53 =	vor.u32 $0x180, v11;
	[tilespmem:v51+s16+$0x0] =	vst.idx.add.f32.msk $0xffff, v50  }
0x18f: {  	v56 =	vor.u32 $0x180, v20;
	[tilespmem:v28+s16+$0x0] =	vst.idx.add.f32.msk $0xffff, v48  }
0x190: {  	v57 =	vor.u32 $0x100, v19;
	[tilespmem:v42+s16+$0x0] =	vst.idx.add.f32.msk $0xffff, v41  }
0x191: {  	v46 =	vor.u32 $0x180, v25;
	[tilespmem:v49+s16+$0x0] =	vst.idx.add.f32.msk $0xffff, v22  }
0x192: {  	v13 =	vld.idx.msk [tilespmem:v52+s3+$0x0], $0xffff  }
0x193: {  	v58 =	vor.u32 $0x180, v14;
	v11 =	vld.idx.msk [tilespmem:v53+s3+$0x0], $0xffff  }
0x194: {  	v63 =	vor.u32 $0x180, v16;
	[tilespmem:v56+s16+$0x0] =	vst.idx.add.f32.msk $0xffff, v17  }
0x195: {  	[tilespmem:v57+s16+$0x0] =	vst.idx.add.f32.msk $0xffff, v30  }
0x196: {  	v25 =	vld.idx.msk [tilespmem:v46+s3+$0x0], $0xffff  }
0x197: {  	v44 =	vor.u32 $0x100, v21;
	[tilespmem:v8+s17+$0x0] =	vst.idx.add.f32.msk $0xffff, v1  }
0x198: {  	v47 =	vor.u32 $0x180, v18;
	v14 =	vld.idx.msk [tilespmem:v58+s3+$0x0], $0xffff  }
0x199: {  	v9 =	vor.u32 $0x180, v9;
	[tilespmem:v63+s16+$0x0] =	vst.idx.add.f32.msk $0xffff, v12  }
0x19a: {  	v61 =	vor.u32 $0x180, v15;
	[tilespmem:v6+s17+$0x0] =	vst.idx.add.f32.msk $0xffff, v1  }
0x19b: {  	[tilespmem:v2+s17+$0x0] =	vst.idx.add.f32.msk $0xffff, v1  }
0x19c: {  	v60 =	vor.u32 $0x180, v24;
	[tilespmem:v44+s16+$0x0] =	vst.idx.add.f32.msk $0xffff, v29  }
0x19d: {  	v62 =	vor.u32 $0x180, v19;
	v18 =	vld.idx.msk [tilespmem:v47+s3+$0x0], $0xffff  }
0x19e: {  	[tilespmem:v9+s16+$0x0] =	vst.idx.add.f32.msk $0xffff, v11  }
0x19f: {  	[tilespmem:v61+s16+$0x0] =	vst.idx.add.f32.msk $0xffff, v13  }
0x1a0: {  	[tilespmem:v4+s17+$0x0] =	vst.idx.add.f32.msk $0xffff, v1  }
0x1a1: {  	v59 =	vor.u32 $0x180, v21;
	s20 =	sadd.s32 $0x1, s20;
	[tilespmem:v60+s16+$0x0] =	vst.idx.add.f32.msk $0xffff, v25  }
0x1a2: {  	p1 =	sne.s32 s20, $0x4F;
	[tilespmem:v62+s16+$0x0] =	vst.idx.add.f32.msk $0xffff, v14  }
.Ltmp3:
0x1a3: {  	[tilespmem:v5+s17+$0x0] =	vst.idx.add.f32.msk $0xffff, v1;
	(pc) =	sbr.rel @p1 .LBB2_4-.Ltmp3, $4  }
0x1a4: {  	[tilespmem:v10+s17+$0x0] =	vst.idx.add.f32.msk $0xffff, v1  }
0x1a5: {  	[tilespmem:v3+s17+$0x0] =	vst.idx.add.f32.msk $0xffff, v1  }
0x1a6: {  	[tilespmem:v59+s16+$0x0] =	vst.idx.add.f32.msk $0xffff, v18  }
0x1a7: {  	[tilespmem:v7+s17+$0x0] =	vst.idx.add.f32.msk $0xffff, v1  }
0x1a8: {  	_ =	swait.ge [sflag:s15], $0x1000  }
0x1a9: {  	[sflag:s15] =	ssyncset.done $0x0  }
0x1aa: {  	[sflag:s15] =	ssyncadd.s32 $0xFFFFF000  }
0x1ab: {  	[hbm4b:s8+s10] =	stream.strided.scatter [tilespmem:s16], [sflag:$0x3], $0xA000, s11, s10, $0x38;
	[tilespmem:$0x18800] =	vst v63  }
0x1ac: {  	_ =	swait.ge [sflag:s12], $0xA000  }
0x1ad: {  	s0 =	simm.s32 @!p0 $0x0;
	s19 =	sadd.s32 $0x1, s19;
	[sflag:s12] =	ssyncset.done $0x0  }
0x1ae: {  	s1 =	simm.s32 @!p0 $0x14000;
	p1 =	sne.s32 s19, s9;
	[sflag:s12] =	ssyncadd.s32 $0xFFFF6000  }
0x1af: {  	[hbm4b:s2+s0] =	stream.linear.scatter @!p0 [tilespmem:s1], [sflag:$0x3], $0x2800, $0x38;
	[tilespmem:$0x18800] =	vst v63  }
.Ltmp4:
0x1b0: {  	_ = 	snop;
	(pc) =	sbr.rel @p1 .LBB2_1-.Ltmp4, $4  }
0x1b1: {  	s0 =	simm.s32 @!p0 $0x3  }
0x1b2: {  	_ =	swait.ge @!p0 [sflag:s0], $0x2800  }
0x1b3: {  	[sflag:s0] =	ssyncset.done @!p0 $0x0  }
0x1b4: {  	[sflag:s0] =	ssyncadd.s32 @!p0 $0xFFFFD800  }
0x1b5: {  	_ =	sfence.sel $0x180000  }
0x1b6: {  	[bflag:$0x0] =	sbarrier.arrive $0xFFFF  }
0x1b7: {  	_ =	strace $0x90000047  }
0x1b8: {  	s0 =	stileid.u32;
	[bflag:$0x2] =	sbarrier.arrive $0xFFFF  }
0x1b9: {  	p0 =	sne.s32 s0, $0x0;
	s0 =	rddreg [dreg:$0x2]  }
0x1ba: {  	s0 =	sadd.s32 @!p0 $0x100000, s0  }
0x1bb: {  	[sflag:s0] =	ssyncadd.tile.s32 @!p0 $0x1;
	_ =	shalt  }
.Lfunc_end2:
_tile_overlayer_lowered:
.L_overlay_start_2:
0x1bc: {  	(tag) =	ssettag $0x2  }
0x1bd: {  	s0 =	rddreg [dreg:$0x0];
	s2 =	stileid.u32  }
0x1be: {  	s1 =	rddreg [dreg:$0x1];
	p0 =	sne.s32 s2, $0x0  }
0x1bf: {  	s3 =	rddreg [dreg:$0x2];
	[bflag:$0x3] =	sbarrier.arrive $0xFFFF;
	s2 =	simm.s32 @!p0 $0x1C03  }
0x1c0: {  	[timem:s3], [sflag:s2] =	dma.local @!p0 [hbm:s0], s1  }
0x1c1: {  	s0 =	simm.s32 @!p0 $0x3  }
0x1c2: {  	_ =	swait.ge @!p0 [sflag:s0], s1  }
0x1c3: {  	s1 =	ssub.s32 @!p0 $0x0, s1;
	[sflag:s0] =	ssyncset.done @!p0 $0x0  }
0x1c4: {  	[sflag:s0] =	ssyncadd.s32 @!p0 s1  }
0x1c5: {  	[bflag:$0x3] =	sbarrier.arrive $0xFFFF  }
0x1c6: {  	_ =	shalt  }

// kernel: kernel.18.cloned.1.call-start
scs
__scs_entry_jumppad:
0x0: {  	(pc) =	sbr.rel $0x88, $3  }
0x1: {  	(tag) =	ssettag $0x0;
	lr =	simm.s32 $0x1  }
0x2: {  	[smem:$0x3F97] =	sst lr;
	_ =	strace $0xD0000000  }
0x3: {  	_ = 	snop  }
0x4: {  	_ = 	snop  }
0x5: {  	_ = 	snop  }
0x6: {  	_ = 	snop  }
0x7: {  	_ = 	snop  }
__scs_overlays_trampoline_lowered:
0x8: {  	[smem:$0x3FA6] =	sst s0  }
0x9: {  	[smem:$0x3FA7] =	sst s1  }
0xa: {  	[smem:$0x3FA8] =	sst s2  }
0xb: {  	[smem:$0x3FA9] =	sst s3  }
0xc: {  	[smem:$0x3FAA] =	sst s4  }
0xd: {  	[smem:$0x3FAB] =	sst s5  }
0xe: {  	[smem:$0x3FAC] =	sst s6  }
0xf: {  	[smem:$0x3FAD] =	sst s7  }
0x10: {  	[smem:$0x3FAE] =	sst s8  }
0x11: {  	[smem:$0x3FAF] =	sst s9;
	s0 =	simm.s32 @!p0 $0x0  }
0x12: {  	s1 =	sld [smem:$0x3F95];
	s0 =	simm.s32 @p0 $0x1  }
0x13: {  	[smem:$0x3FB0] =	sst s0;
	s0 =	simm.s32 @!p1 $0x0  }
0x14: {  	s2 =	sld [smem:$0x3F94];
	s0 =	simm.s32 @p1 $0x1  }
0x15: {  	[smem:$0x3FB1] =	sst s0;
	s0 =	simm.s32 @!p2 $0x0  }
0x16: {  	s3 =	sld [smem:$0x3FDB];
	s0 =	simm.s32 @p2 $0x1  }
0x17: {  	s4 =	simm.s32 $0x1BF5;
	[smem:$0x3FB3] =	sst s0  }
0x18: {  	s0 =	sld [smem:$0x3F96];
	_ =	swait.ge [sflag:s4], $0x0  }
0x19: {  	s7 =	sld [smem:$0x3F97]  }
0x1a: {  	s8 =	sadd.s32 $0xFFFFE003, lr  }
0x1b: {  	s9 =	sadd.s32 $0xFFFFFEF7, lr;
	s5 =	simm.s32 $0xFFFFFFFF;
	p2 =	slt.u32 s8, $0xFFFFF086  }
0x1c: {  	p1 =	slt.u32 s9, $0xF7A;
	s5 =	simm.s32 @!p2 $0x0  }
0x1d: {  	s5 =	simm.s32 @p1 $0x1;
	p0 =	seq.s32 s7, s2  }
0x1e: {  	s7 =	smul.u32 @!p0 $0xF7A, s2;
	p2 =	seq.s32 @!p0 s5, $0x0  }
0x1f: {  	s9 =	smul.u32 $0xF7A, s1;
	s8 =	simm.s32 @!p0 $0x1BF5;
	p2 =	por !p2, p0  }
0x20: {  	[sflag:s8] =	ssyncset.s32 @!p0 $0xFFFFF086;
	s6 =	sadd.s32 @!p0 s3, s7;
	s7 =	simm.s32 @!p0 $0x108  }
0x21: {  	s3 =	sadd.s32 s3, s9;
	s6 =	sadd.s32 @!p0 $0x88, s6;
	s7 =	simm.s32 @p2 $0x1082  }
0x22: {  	[simem:s7], [sflag:s8] =	dma.local @!p0 [hbm:s6], $0xF7A  }
0x23: {  	s9 =	sor.u32 $0xD0000000, s2;
	s6 =	simm.s32 $0x108;
	_ =	swait.ge @!p0 [sflag:s8], $0x0  }
0x24: {  	s3 =	sadd.s32 $0x88, s3;
	s6 =	simm.s32 @!p1 $0x1082;
	[sflag:s4] =	ssyncset.s32 $0xFFFFF086  }
0x25: {  	[simem:s6], [sflag:s4] =	dma.local [hbm:s3], $0xF7A  }
0x26: {  	[smem:$0x3F97] =	sst s1;
	(tag) =	ssettag s2;
	_ =	strace s9  }
0x27: {  	s1 =	sld [smem:$0x3FA7]  }
0x28: {  	s2 =	sld [smem:$0x3FA8]  }
0x29: {  	s4 =	sld [smem:$0x3FAA]  }
0x2a: {  	p0 =	seq.s32 s5, $0x0;
	s5 =	sld [smem:$0x3FAB]  }
0x2b: {  	s6 =	sld [smem:$0x3FAC]  }
0x2c: {  	s7 =	sld [smem:$0x3FAD]  }
0x2d: {  	s3 =	simm.s32 $0x108;
	s8 =	sld [smem:$0x3FAE]  }
0x2e: {  	s3 =	simm.s32 @!p0 $0x1082;
	s9 =	sld [smem:$0x3FAF]  }
0x2f: {  	lr =	sadd.s32 s0, s3;
	s0 =	sld [smem:$0x3FA6]  }
0x30: {  	s3 =	sld [smem:$0x3FA9]  }
0x31: {  	[smem:$0x3FB2] =	sst s10  }
0x32: {  	s10 =	sld [smem:$0x3FB0];
	_ =	sdelay $0x3  }
0x33: {  	p0 =	seq.s32 s10, $0x1;
	s10 =	sld [smem:$0x3FB2];
	_ =	sdelay $0x3  }
0x34: {  	[smem:$0x3FB2] =	sst s10  }
0x35: {  	s10 =	sld [smem:$0x3FB1];
	_ =	sdelay $0x3  }
0x36: {  	p1 =	seq.s32 s10, $0x1;
	s10 =	sld [smem:$0x3FB2];
	_ =	sdelay $0x3  }
0x37: {  	[smem:$0x3FB2] =	sst s10  }
0x38: {  	s10 =	sld [smem:$0x3FB3]  }
0x39: {  	_ = 	snop;
	(pc) =	sbr.ind lr, $3  }
0x3a: {  	_ = 	snop  }
0x3b: {  	_ = 	snop  }
0x3c: {  	p2 =	seq.s32 s10, $0x1;
	s10 =	sld [smem:$0x3FB2]  }
0x3d: {  	_ =	shalt  }
0x3e: {  	_ =	shalt  }
0x3f: {  	_ =	shalt  }
0x40: {  	_ =	shalt  }
0x41: {  	_ =	shalt  }
0x42: {  	_ =	shalt  }
0x43: {  	_ =	shalt  }
0x44: {  	_ =	shalt  }
0x45: {  	_ =	shalt  }
0x46: {  	_ =	shalt  }
0x47: {  	_ =	shalt  }
0x48: {  	_ =	shalt  }
0x49: {  	_ =	shalt  }
0x4a: {  	_ =	shalt  }
0x4b: {  	_ =	shalt  }
0x4c: {  	_ =	shalt  }
0x4d: {  	_ =	shalt  }
0x4e: {  	_ =	shalt  }
0x4f: {  	_ =	shalt  }
0x50: {  	_ =	shalt  }
0x51: {  	_ =	shalt  }
0x52: {  	_ =	shalt  }
0x53: {  	_ =	shalt  }
0x54: {  	_ =	shalt  }
0x55: {  	_ =	shalt  }
0x56: {  	_ =	shalt  }
0x57: {  	_ =	shalt  }
0x58: {  	_ =	shalt  }
0x59: {  	_ =	shalt  }
0x5a: {  	_ =	shalt  }
0x5b: {  	_ =	shalt  }
0x5c: {  	_ =	shalt  }
0x5d: {  	_ =	shalt  }
0x5e: {  	_ =	shalt  }
0x5f: {  	_ =	shalt  }
0x60: {  	_ =	shalt  }
0x61: {  	_ =	shalt  }
0x62: {  	_ =	shalt  }
0x63: {  	_ =	shalt  }
0x64: {  	_ =	shalt  }
0x65: {  	_ =	shalt  }
0x66: {  	_ =	shalt  }
0x67: {  	_ =	shalt  }
0x68: {  	_ =	shalt  }
0x69: {  	_ =	shalt  }
0x6a: {  	_ =	shalt  }
0x6b: {  	_ =	shalt  }
0x6c: {  	_ =	shalt  }
0x6d: {  	_ =	shalt  }
0x6e: {  	_ =	shalt  }
0x6f: {  	_ =	shalt  }
0x70: {  	_ =	shalt  }
0x71: {  	_ =	shalt  }
0x72: {  	_ =	shalt  }
0x73: {  	_ =	shalt  }
0x74: {  	_ =	shalt  }
0x75: {  	_ =	shalt  }
0x76: {  	_ =	shalt  }
0x77: {  	_ =	shalt  }
0x78: {  	_ =	shalt  }
0x79: {  	_ =	shalt  }
0x7a: {  	_ =	shalt  }
0x7b: {  	_ =	shalt  }
0x7c: {  	_ =	shalt  }
0x7d: {  	_ =	shalt  }
0x7e: {  	_ =	shalt  }
0x7f: {  	_ =	shalt  }
0x80: {  	_ =	shalt  }
0x81: {  	_ =	shalt  }
0x82: {  	_ =	shalt  }
0x83: {  	_ =	shalt  }
0x84: {  	_ =	shalt  }
0x85: {  	_ =	shalt  }
0x86: {  	_ =	shalt  }
0x87: {  	_ =	shalt  }
.Lfunc_end0:
.L_simem_size_0:
called_computation.1_lowered:
.L_overlay_start_0:
0x88: {  	s2 =	sld [smem:$0x3FD9]  }
0x89: {  	s3 =	sld [smem:$0x3FFE];
	_ =	sdelay $0x1  }
0x8a: {  	s1 =	srdreg.scid  }
0x8b: {  	s0 =	sand.u32 $0x1, s1  }
0x8c: {  	s16 =	sshll.u32 s0, $0xA;
	s2 =	sadd.s32 s3, s2  }
0x8d: {  	s2 =	sadd.s32 s2, s16  }
0x8e: {  	[smem:$0x3FBE] =	sst s2  }
0x8f: {  	_ = 	snop  }
0x90: {  	(tm) =	ssettm $0x1  }
0x91: {  	s17 =	sld [smem:$0x3FFB];
	_ =	sdelay $0x3  }
0x92: {  	_ =	strace s17  }
0x93: {  	s2 =	sld [smem:$0x3FFC];
	_ =	sdelay $0x3  }
0x94: {  	_ =	strace s2  }
0x95: {  	s2 =	sld [smem:$0x3FFD];
	_ =	sdelay $0x3  }
0x96: {  	_ =	strace s2  }
0x97: {  	_ =	strace $0x8FFFFFFF  }
0x98: {  	s18 =	sld [smem:$0x3FDB];
	_ =	sdelay $0x1  }
0x99: {  	s19 =	simm.s32 $_scs_section_size  }
0x9a: {  	s4 =	simm.s32 $_size__tile_overlayer_lowered;
	s5 =	simm.s32 $_tile_overlayer_lowered  }
0x9b: {  	s22 =	simm.s32 $0x1BFF;
	s21 =	sshll.u32 s5, $0x1;
	s2 =	sadd.s32 s19, s18  }
0x9c: {  	s6 =	simm.s32 $0x0;
	s20 =	sshll.u32 s4, $0x1;
	s4 =	sadd.s32 s21, s2  }
0x9d: {  	[timem:s6], [sflag:s22] =	dma.local [hbm:s4], s20  }
0x9e: {  	_ =	swait.ge [sflag:s22], s20  }
0x9f: {  	s3 =	ssub.s32 $0x0, s20;
	[sflag:s22] =	ssyncset.done $0x0  }
0xa0: {  	[sflag:s22] =	ssyncadd.s32 s3;
	_ =	sdelay $0x1  }
0xa1: {  	s23 =	simm.s32 $0x1B8B  }
0xa2: {  	_ =	swait.ge [sflag:s23], $0x1  }
0xa3: {  	[sflag:s23] =	ssyncset.done $0x0  }
0xa4: {  	s25 =	simm.s32 $0x1B8E;
	s24 =	sld [smem:$0x3FFE];
	[sflag:s23] =	ssyncadd.s32 $0xFFFFFFFF  }
0xa5: {  	s26 =	simm.s32 $execute0_lowered;
	[smem:$0x3FD2] =	sst s25  }
0xa6: {  	s4 =	sshll.u32 s26, $0x1;
	_ =	strace $0x80000049;
	[dreg:$0x1] =	wrdreg $0xFFFFFFFF  }
0xa7: {  	s28 =	simm.s32 $_size_execute0_lowered;
	s2 =	sadd.s32 s2, s4;
	[dreg:$0x0] =	wrdreg $0x0  }
0xa8: {  	s4 =	sshll.u32 s28, $0x1;
	[dreg:$0x2] =	wrdreg s2  }
0xa9: {  	[dreg:$0x3] =	wrdreg s4  }
0xaa: {  	[dreg:$0x4] =	wrdreg $0xC0  }
0xab: {  	_ =	task [dreg:s6], $0x5FFFF  }
0xac: {  	[dreg:$0x1] =	wrdreg $0xFFFFFFFF  }
0xad: {  	[dreg:$0x0] =	wrdreg $0x60  }
0xae: {  	[dreg:$0x2] =	wrdreg s24  }
0xaf: {  	[dreg:$0x3] =	wrdreg $0x9  }
0xb0: {  	_ =	task.clear_ibuf [dreg:s6], $0x4FFFF;
	_ =	strace $0x90000049  }
0xb1: {  	s29 =	simm.s32 $0x9;
	_ =	strace $0x8000004B  }
0xb2: {  	_ =	swait.ge [sflag:s29], $0x1  }
0xb3: {  	[sflag:s29] =	ssyncadd.s32 $0xFFFFFFFF  }
0xb4: {  	_ =	strace $0x9000004B  }
0xb5: {  	_ =	sfence  }
0xb6: {  	s30 =	sld [smem:$0x0];
	_ =	sdelay $0x2  }
0xb7: {  	s31 =	sshll.u32 s1, $0xD;
	s1 =	sshrl.u32 s1, $0x2  }
0xb8: {  	s3 =	sand.u32 $0x4000, s31;
	s1 =	sadd.s32 s1, s30  }
0xb9: {  	s0 =	sor.u32 s3, s0;
	s1 =	sshll.u32 s1, $0x11  }
0xba: {  	s0 =	sor.u32 s1, s0  }
0xbb: {  	s0 =	sadd.s32 $0x8F2B, s0  }
0xbc: {  	[sflag:s0] =	ssyncadd.remote.s32 $0x1  }
0xbd: {  	_ =	sfence.sel $0xFFFF  }
0xbe: {  	[dreg:$0x0] =	wrdreg $0xFFFFFFFF;
	(pc) =	sbr.abs _section_cstart, $3  }
0xbf: {  	[dreg:$0x1] =	wrdreg $0xFFFFFFFF  }
0xc0: {  	_ =	task.clear_ibuf [dreg:s6], $0x2FFFF;
	_ =	strace $0x9FFFFFFF  }
0xc1: {  	(tm) =	ssettm $0x7FFFFFFF  }
tec
execute0_lowered:
.L_overlay_start_1:
0x0: {  	(tag) =	ssettag $0x1  }
0x1: {  	s1 =	srdreg.scid  }
0x2: {  	s0 =	stileid.u32;
	s6 =	rddreg [dreg:$0x0]  }
0x3: {  	s9 =	simm.s32 $0x200;
	s10 =	simm.s32 $0x400;
	s11 =	simm.s32 $0x3  }
0x4: {  	s12 =	simm.s32 $0x1;
	s13 =	simm.s32 $0x14000;
	s3 =	sand.u32 $0x1, s1  }
0x5: {  	s14 =	simm.s32 $0x15000;
	s2 =	sshll.u32 s0, $0x2;
	s1 =	sshll.u32 s3, $0x6  }
0x6: {  	s15 =	simm.s32 $0xA000;
	s16 =	simm.s32 $0x2;
	s1 =	sor.u32 s2, s1  }
0x7: {  	s17 =	simm.s32 $0x0;
	s5 =	sshll.u32 s0, $0x9;
	s1 =	sshrl.u32 s1, $0x3  }
0x8: {  	s5 =	sand.u32 $0x200, s5;
	s30 =	ssub.s32 $0x2, s3;
	s4 =	smul.u32 $0x14000, s1  }
0x9: {  	s3 =	sadd.s32 $0x4C00, s6;
	s2 =	simm.s32 $0x0;
	s31 =	sshrl.u32 s30, $0x1  }
0xa: {  	[smem:$0x7FF] =	sst s2;
	s8 =	ssub.s32 s30, s31;
	s4 =	sor.u32 s5, s4  }
0xb: {  	s1 =	rddreg [dreg:$0x1];
	_ =	strace $0x8000004A;
	s4 =	sshrl.u32 s4, $0x3  }
0xc: {  	s8 =	smax.u32 s8, $0x1;
	s5 =	sadd.s32 $0x4E00, s6;
	s7 =	sadd.s32 s4, s6  }
0xd: {  	v0 =	vimm.f32 $0.0e+00;
	s6 =	sadd.s32 $0x5000, s6;
	s4 =	sadd.s32 $0x18800, s7;
	s7 =	sadd.s32 $0x40800, s7  }
.LBB2_1:
0xe: {  	[tilespmem:s2], [sflag:$0x3] =	stream.strided.gather [hbm4b:s4+s9], $0xA000, s10, s9, $0x38;
	[tilespmem:$0x16000] =	vst v63  }
0xf: {  	_ =	swait.ge [sflag:s11], $0xA000  }
0x10: {  	s18 =	sand.u32 $0x40, s2;
	s19 =	sand.u32 $0xFE00, s2;
	[sflag:s11] =	ssyncset.done $0x0  }
0x11: {  	s20 =	sor.u32 s18, s19;
	[sflag:s11] =	ssyncadd.s32 $0xFFFF6000  }
0x12: {  	[tilespmem:s20+$0xA030] =	vst v0  }
0x13: {  	[tilespmem:s20+$0xA080] =	vst v0  }
0x14: {  	[tilespmem:s20+$0xA0B0] =	vst v0  }
0x15: {  	p0 =	por $0x0, $0x0;
	s18 =	simm.s32 $0x1;
	[tilespmem:s20+$0xA090] =	vst v0  }
0x16: {  	s18 =	simm.s32 @!p0 $0x0;
	[tilespmem:s20+$0xA0A0] =	vst v0  }
0x17: {  	s18 =	sshll.u32 s18, $0x6;
	[tilespmem:s20+$0xA000] =	vst v0  }
0x18: {  	s18 =	sadd.s32 $0x0, s18;
	[tilespmem:s20+$0xA010] =	vst v0  }
0x19: {  	[tilespmem:s20+$0xA020] =	vst v0;
	s25 =	sor.u32 $0x100, s18  }
0x1a: {  	s26 =	sor.u32 $0x180, s18;
	s21 =	sadd.s32 $0x10, s18;
	[tilespmem:s25+$0xA000] =	vst v0  }
0x1b: {  	s22 =	sadd.s32 $0x30, s18;
	s28 =	sor.u32 $0x100, s21;
	[tilespmem:s26+$0xA000] =	vst v0  }
0x1c: {  	s30 =	sor.u32 $0x100, s22;
	[tilespmem:s28+$0xA000] =	vst v0  }
0x1d: {  	s19 =	simm.s32 $0x40;
	p0 =	por !p0, !p0;
	s29 =	sor.u32 $0x180, s21;
	[tilespmem:s30+$0xA000] =	vst v0  }
0x1e: {  	s20 =	simm.s32 $0x100;
	s23 =	sadd.s32 $0x20, s18;
	s31 =	sor.u32 $0x180, s22;
	[tilespmem:s29+$0xA000] =	vst v0  }
0x1f: {  	s18 =	simm.s32 $0x0;
	s21 =	sor.u32 $0x100, s23;
	s22 =	sor.u32 $0x180, s23;
	[tilespmem:s31+$0xA000] =	vst v0  }
.LBB2_2:
0x20: {  	s23 =	simm.s32 $0x1  }
0x21: {  	s24 =	sand.u32 $0x40, s19;
	s25 =	sand.u32 $0xFE00, s20;
	[tilespmem:s21+$0xA000] =	vst v0;
	s23 =	simm.s32 @!p0 $0x0  }
0x22: {  	s18 =	sadd.s32 $0x4, s18;
	s21 =	sshll.u32 s23, $0x6;
	s23 =	sor.u32 s24, s25;
	[tilespmem:s22+$0xA000] =	vst v0  }
0x23: {  	p1 =	slt.u32 s18, $0x27C;
	s22 =	sadd.s32 s21, s20;
	[tilespmem:s23+$0xA030] =	vst v0  }
0x24: {  	[tilespmem:s23+$0xA080] =	vst v0;
	s24 =	sor.u32 $0x100, s22;
	s25 =	sadd.s32 $0x10, s22;
	s26 =	sadd.s32 $0x20, s22  }
0x25: {  	s29 =	sadd.s32 $0x30, s22;
	s28 =	sor.u32 $0x100, s25;
	[tilespmem:s23+$0xA0B0] =	vst v0  }
0x26: {  	s21 =	sor.u32 $0x100, s26;
	[tilespmem:s23+$0xA090] =	vst v0  }
0x27: {  	s30 =	sor.u32 $0x100, s29;
	[tilespmem:s23+$0xA0A0] =	vst v0  }
0x28: {  	[tilespmem:s23+$0xA000] =	vst v0  }
0x29: {  	s22 =	sor.u32 $0x180, s22;
	[tilespmem:s24+$0xA000] =	vst v0;
	s24 =	sor.u32 $0x180, s29  }
0x2a: {  	[tilespmem:s22+$0xA000] =	vst v0  }
0x2b: {  	[tilespmem:s23+$0xA010] =	vst v0  }
.Ltmp0:
0x2c: {  	s22 =	sor.u32 $0x180, s25;
	[tilespmem:s28+$0xA000] =	vst v0;
	(pc) =	sbr.rel @p1 .LBB2_2-.Ltmp0, $4  }
0x2d: {  	[tilespmem:s22+$0xA000] =	vst v0  }
0x2e: {  	[tilespmem:s30+$0xA000] =	vst v0  }
0x2f: {  	s19 =	sadd.s32 $0x40, s19;
	[tilespmem:s24+$0xA000] =	vst v0  }
0x30: {  	p0 =	por !p0, !p0;
	s20 =	sadd.s32 $0x100, s20;
	s22 =	sor.u32 $0x180, s26;
	[tilespmem:s23+$0xA020] =	vst v0  }
0x31: {  	[tilespmem:s21+$0xA000] =	vst v0  }
0x32: {  	s18 =	simm.s32 $0x0;
	[tilespmem:s22+$0xA000] =	vst v0  }
0x33: {  	[tilespmem:s13], [sflag:$0x1] =	stream.linear.gather [hbm4b:s3+s18], $0x1000, $0x38;
	[tilespmem:$0x16000] =	vst v63  }
.LBB2_4:
0x34: {  	s19 =	sshll.u32 s18, $0xA  }
0x35: {  	s19 =	sadd.s32 s19, s5  }
0x36: {  	[tilespmem:s14], [sflag:$0x2] =	stream.linear.gather [hbm4b:s19+s2], $0x1000, $0x38;
	[tilespmem:$0x16000] =	vst v63  }
0x37: {  	_ =	swait.ge [sflag:s12], $0x1000  }
0x38: {  	[sflag:s12] =	ssyncset.done $0x0  }
0x39: {  	s19 =	simm.s32 $0x14080;
	[sflag:s12] =	ssyncadd.s32 $0xFFFFF000  }
0x3a: {  	v1 =	vld [tilespmem:s19+$0xFFFFFFF0]  }
0x3b: {  	v2 =	vld [tilespmem:s19+$0x0]  }
0x3c: {  	v3 =	vld [tilespmem:s19+$0xFFFFFF80]  }
0x3d: {  	v4 =	vld [tilespmem:s19+$0xFFFFFFE0]  }
0x3e: {  	v12 =	vld [tilespmem:s19+$0xFFFFFFA0]  }
0x3f: {  	v5 =	vld [tilespmem:s19+$0xFFFFFF90]  }
0x40: {  	v7 =	vld [tilespmem:s19+$0xFFFFFFC0];
	v10 =	vand.u32 $0x7F, v2;
	v2 =	vshll.u32 v2, $0x2;
	v9 =	vshll.u32 v1, $0x2  }
0x41: {  	v6 =	vld [tilespmem:s19+$0xFFFFFFB0];
	v11 =	vand.u32 $0x7F, v3;
	v1 =	vand.u32 $0x7F, v1;
	v14 =	vshll.u32 v3, $0x2  }
0x42: {  	v15 =	vshll.u32 v4, $0x2;
	v4 =	vand.u32 $0x7F, v4;
	v9 =	vand.u32 $0xFFFFFE00, v9  }
0x43: {  	v8 =	vld [tilespmem:s19+$0x70];
	v16 =	vshll.u32 v12, $0x2;
	v12 =	vand.u32 $0x7F, v12;
	v3 =	vor.u32 v1, v9  }
0x44: {  	v13 =	vld [tilespmem:s19+$0xFFFFFFD0];
	v1 =	vand.u32 $0xFFFFFE00, v14;
	v9 =	vand.u32 $0xFFFFFE00, v15;
	v14 =	vand.u32 $0xFFFFFE00, v2  }
0x45: {  	v17 =	vld [tilespmem:s19+$0x10];
	v2 =	vor.u32 v11, v1;
	v11 =	vor.u32 v4, v9;
	v1 =	vshll.u32 v7, $0x2  }
0x46: {  	v18 =	vld [tilespmem:s19+$0x40];
	v4 =	vshll.u32 v6, $0x2;
	v9 =	vshll.u32 v5, $0x2;
	v5 =	vand.u32 $0x7F, v5  }
0x47: {  	v19 =	vld [tilespmem:s19+$0x60];
	v6 =	vand.u32 $0x7F, v6;
	v7 =	vand.u32 $0x7F, v7;
	v9 =	vand.u32 $0xFFFFFE00, v9  }
0x48: {  	v21 =	vld [tilespmem:s19+$0x30];
	v4 =	vand.u32 $0xFFFFFE00, v4;
	v1 =	vand.u32 $0xFFFFFE00, v1;
	v5 =	vor.u32 v5, v9  }
0x49: {  	v15 =	vld [tilespmem:s19+$0x20];
	v9 =	vor.u32 v6, v4;
	v4 =	vand.u32 $0xFFFFFE00, v16;
	v6 =	vor.u32 v7, v1  }
0x4a: {  	v7 =	vshll.u32 v13, $0x2;
	v4 =	vor.u32 v12, v4;
	v12 =	vand.u32 $0x7F, v13;
	v13 =	vld [tilespmem:s19+$0x50]  }
0x4b: {  	v20 =	vld.idx.msk [tilespmem:v3+s2+$0x0], $0xffff  }
0x4c: {  	v7 =	vand.u32 $0xFFFFFE00, v7;
	v22 =	vld.idx.msk [tilespmem:v11+s2+$0x0], $0xffff  }
0x4d: {  	v1 =	vor.u32 v10, v14;
	v14 =	vshll.u32 v19, $0x2;
	v7 =	vor.u32 v12, v7;
	v10 =	vld.idx.msk [tilespmem:v2+s2+$0x0], $0xffff  }
0x4e: {  	v14 =	vand.u32 $0xFFFFFE00, v14;
	v12 =	vand.u32 $0x7F, v19;
	v23 =	vld.idx.msk [tilespmem:v5+s2+$0x0], $0xffff  }
0x4f: {  	v24 =	vshll.u32 v21, $0x2;
	v25 =	vshll.u32 v8, $0x2;
	v16 =	vor.u32 v12, v14;
	v19 =	vld.idx.msk [tilespmem:v9+s2+$0x0], $0xffff  }
0x50: {  	v12 =	vand.u32 $0x7F, v21;
	v14 =	vand.u32 $0xFFFFFE00, v24;
	v24 =	vor.u32 $0x80, v11;
	v21 =	vld.idx.msk [tilespmem:v6+s2+$0x0], $0xffff  }
0x51: {  	v8 =	vand.u32 $0x7F, v8;
	v14 =	vor.u32 v12, v14;
	v12 =	vand.u32 $0xFFFFFE00, v25;
	v26 =	vld.idx.msk [tilespmem:v4+s2+$0x0], $0xffff  }
0x52: {  	v8 =	vor.u32 v8, v12;
	v27 =	vld.idx.msk [tilespmem:v7+s2+$0x0], $0xffff  }
0x53: {  	v28 =	vor.u32 $0x80, v3;
	v25 =	vor.u32 $0x80, v9;
	v12 =	vshll.u32 v13, $0x2;
	[tilespmem:v1+s15+$0x0] =	vst.idx.add.f32.msk $0xffff, v10  }
0x54: {  	v29 =	vor.u32 $0x80, v16;
	v13 =	vand.u32 $0x7F, v13;
	v12 =	vand.u32 $0xFFFFFE00, v12;
	[tilespmem:v16+s15+$0x0] =	vst.idx.add.f32.msk $0xffff, v22  }
0x55: {  	v10 =	vshll.u32 v15, $0x2;
	v15 =	vand.u32 $0x7F, v15;
	v13 =	vor.u32 v13, v12;
	v24 =	vld.idx.msk [tilespmem:v24+s2+$0x0], $0xffff  }
0x56: {  	v12 =	vshll.u32 v17, $0x2;
	v17 =	vand.u32 $0x7F, v17;
	v10 =	vand.u32 $0xFFFFFE00, v10;
	[tilespmem:v14+s15+$0x0] =	vst.idx.add.f32.msk $0xffff, v19  }
0x57: {  	v12 =	vand.u32 $0xFFFFFE00, v12;
	v10 =	vor.u32 v15, v10;
	v15 =	vshll.u32 v18, $0x2;
	[tilespmem:v8+s15+$0x0] =	vst.idx.add.f32.msk $0xffff, v20  }
0x58: {  	v25 =	vld.idx.msk [tilespmem:v25+s2+$0x0], $0xffff;
	v20 =	vand.u32 $0xFFFFFE00, v15;
	v15 =	vor.u32 v17, v12  }
0x59: {  	v18 =	vand.u32 $0x7F, v18;
	v28 =	vld.idx.msk [tilespmem:v28+s2+$0x0], $0xffff;
	v17 =	vor.u32 $0x80, v7  }
0x5a: {  	v12 =	vor.u32 v18, v20;
	v18 =	vor.u32 $0x80, v5;
	[tilespmem:v13+s15+$0x0] =	vst.idx.add.f32.msk $0xffff, v27  }
0x5b: {  	v19 =	vor.u32 $0x80, v4;
	[tilespmem:v29+s15+$0x0] =	vst.idx.add.f32.msk $0xffff, v24  }
0x5c: {  	[tilespmem:v10+s15+$0x0] =	vst.idx.add.f32.msk $0xffff, v26  }
0x5d: {  	[tilespmem:v15+s15+$0x0] =	vst.idx.add.f32.msk $0xffff, v23  }
0x5e: {  	v24 =	vor.u32 $0x80, v14;
	v27 =	vld.idx.msk [tilespmem:v17+s2+$0x0], $0xffff  }
0x5f: {  	v17 =	vld.idx.msk [tilespmem:v18+s2+$0x0], $0xffff;
	v18 =	vor.u32 $0x100, v11  }
0x60: {  	v22 =	vld.idx.msk [tilespmem:v19+s2+$0x0], $0xffff;
	v19 =	vor.u32 $0x80, v8  }
0x61: {  	v63 =	vor.u32 $0x80, v13  }
0x62: {  	v20 =	vor.u32 $0x100, v3;
	[tilespmem:v12+s15+$0x0] =	vst.idx.add.f32.msk $0xffff, v21  }
0x63: {  	v21 =	vor.u32 $0x80, v6;
	[tilespmem:v24+s15+$0x0] =	vst.idx.add.f32.msk $0xffff, v25  }
0x64: {  	v24 =	vld.idx.msk [tilespmem:v18+s2+$0x0], $0xffff;
	v18 =	vor.u32 $0x80, v15  }
0x65: {  	[tilespmem:v19+s15+$0x0] =	vst.idx.add.f32.msk $0xffff, v28  }
0x66: {  	[tilespmem:v63+s15+$0x0] =	vst.idx.add.f32.msk $0xffff, v27  }
0x67: {  	v23 =	vld.idx.msk [tilespmem:v20+s2+$0x0], $0xffff  }
0x68: {  	s20 =	simm.s32 $0x0;
	v25 =	vor.u32 $0x80, v12;
	v26 =	vld.idx.msk [tilespmem:v21+s2+$0x0], $0xffff  }
.LBB2_5:
0x69: {  	s20 =	sadd.s32 $0x8, s20;
	[tilespmem:v18+s15+$0x0] =	vst.idx.add.f32.msk $0xffff, v17;
	s19 =	sadd.s32 $0x100, s19  }
0x6a: {  	v17 =	vld [tilespmem:s19+$0x70];
	p0 =	slt.u32 s20, $0x78  }
0x6b: {  	v18 =	vld [tilespmem:s19+$0xFFFFFF90]  }
0x6c: {  	v20 =	vld [tilespmem:s19+$0xFFFFFFA0]  }
0x6d: {  	v27 =	vor.u32 $0x100, v5;
	v21 =	vld [tilespmem:s19+$0xFFFFFFB0]  }
0x6e: {  	v19 =	vld [tilespmem:s19+$0xFFFFFFC0]  }
0x6f: {  	v28 =	vld [tilespmem:s19+$0xFFFFFFD0]  }
0x70: {  	v29 =	vld [tilespmem:s19+$0xFFFFFFE0]  }
0x71: {  	[tilespmem:v25+s15+$0x0] =	vst.idx.add.f32.msk $0xffff, v26;
	v25 =	vor.u32 $0x100, v8  }
0x72: {  	v26 =	vld.idx.msk [tilespmem:v27+s2+$0x0], $0xffff;
	v27 =	vor.u32 $0x100, v16  }
0x73: {  	v31 =	vor.u32 $0x100, v9;
	v30 =	vld [tilespmem:s19+$0xFFFFFFF0]  }
0x74: {  	v33 =	vor.u32 $0x80, v2;
	v32 =	vld [tilespmem:s19+$0xFFFFFF80]  }
0x75: {  	v11 =	vor.u32 $0x180, v11;
	v34 =	vld [tilespmem:s19+$0x0]  }
0x76: {  	v35 =	vor.u32 $0x80, v10;
	[tilespmem:v25+s15+$0x0] =	vst.idx.add.f32.msk $0xffff, v23  }
0x77: {  	v23 =	vor.u32 $0x100, v7;
	[tilespmem:v27+s15+$0x0] =	vst.idx.add.f32.msk $0xffff, v24  }
0x78: {  	v24 =	vor.u32 $0x100, v4;
	v25 =	vld.idx.msk [tilespmem:v31+s2+$0x0], $0xffff  }
0x79: {  	v31 =	vor.u32 $0x100, v6;
	v27 =	vld.idx.msk [tilespmem:v33+s2+$0x0], $0xffff  }
0x7a: {  	v33 =	vor.u32 $0x100, v15;
	v11 =	vld.idx.msk [tilespmem:v11+s2+$0x0], $0xffff  }
0x7b: {  	v16 =	vor.u32 $0x180, v16;
	[tilespmem:v35+s15+$0x0] =	vst.idx.add.f32.msk $0xffff, v22  }
0x7c: {  	v22 =	vor.u32 $0x80, v1;
	v23 =	vld.idx.msk [tilespmem:v23+s2+$0x0], $0xffff  }
0x7d: {  	v35 =	vor.u32 $0x100, v14;
	v24 =	vld.idx.msk [tilespmem:v24+s2+$0x0], $0xffff  }
0x7e: {  	v9 =	vor.u32 $0x180, v9;
	v31 =	vld.idx.msk [tilespmem:v31+s2+$0x0], $0xffff  }
0x7f: {  	[tilespmem:v33+s15+$0x0] =	vst.idx.add.f32.msk $0xffff, v26;
	v26 =	vor.u32 $0x100, v12  }
0x80: {  	v3 =	vor.u32 $0x180, v3;
	[tilespmem:v16+s15+$0x0] =	vst.idx.add.f32.msk $0xffff, v11  }
0x81: {  	v11 =	vor.u32 $0x100, v13;
	[tilespmem:v22+s15+$0x0] =	vst.idx.add.f32.msk $0xffff, v27  }
0x82: {  	v16 =	vor.u32 $0x100, v2;
	[tilespmem:v35+s15+$0x0] =	vst.idx.add.f32.msk $0xffff, v25  }
0x83: {  	v5 =	vor.u32 $0x180, v5;
	v9 =	vld.idx.msk [tilespmem:v9+s2+$0x0], $0xffff  }
0x84: {  	v7 =	vor.u32 $0x180, v7;
	[tilespmem:v26+s15+$0x0] =	vst.idx.add.f32.msk $0xffff, v31  }
0x85: {  	v14 =	vor.u32 $0x180, v14;
	v3 =	vld.idx.msk [tilespmem:v3+s2+$0x0], $0xffff  }
0x86: {  	v6 =	vor.u32 $0x180, v6;
	[tilespmem:v11+s15+$0x0] =	vst.idx.add.f32.msk $0xffff, v23  }
0x87: {  	v11 =	vld.idx.msk [tilespmem:v16+s2+$0x0], $0xffff;
	v16 =	vor.u32 $0x100, v10  }
0x88: {  	v22 =	vor.u32 $0x100, v1;
	v5 =	vld.idx.msk [tilespmem:v5+s2+$0x0], $0xffff  }
0x89: {  	v4 =	vor.u32 $0x180, v4;
	v2 =	vor.u32 $0x180, v2;
	v7 =	vld.idx.msk [tilespmem:v7+s2+$0x0], $0xffff  }
0x8a: {  	[tilespmem:v14+s15+$0x0] =	vst.idx.add.f32.msk $0xffff, v9  }
0x8b: {  	v9 =	vor.u32 $0x180, v15;
	v6 =	vld.idx.msk [tilespmem:v6+s2+$0x0], $0xffff  }
0x8c: {  	v13 =	vor.u32 $0x180, v13;
	[tilespmem:v16+s15+$0x0] =	vst.idx.add.f32.msk $0xffff, v24  }
0x8d: {  	v8 =	vor.u32 $0x180, v8;
	[tilespmem:v22+s15+$0x0] =	vst.idx.add.f32.msk $0xffff, v11  }
0x8e: {  	v12 =	vor.u32 $0x180, v12;
	v14 =	vor.u32 $0x180, v1;
	v11 =	vld.idx.msk [tilespmem:v2+s2+$0x0], $0xffff  }
0x8f: {  	v10 =	vor.u32 $0x180, v10;
	v1 =	vand.u32 $0x7F, v34;
	v2 =	vshll.u32 v34, $0x2;
	v4 =	vld.idx.msk [tilespmem:v4+s2+$0x0], $0xffff  }
0x90: {  	v15 =	vand.u32 $0x7F, v32;
	v16 =	vshll.u32 v32, $0x2;
	v2 =	vand.u32 $0xFFFFFE00, v2;
	[tilespmem:v9+s15+$0x0] =	vst.idx.add.f32.msk $0xffff, v5  }
0x91: {  	v5 =	vand.u32 $0xFFFFFE00, v16;
	v1 =	vor.u32 v1, v2;
	v9 =	vshll.u32 v30, $0x2;
	[tilespmem:v13+s15+$0x0] =	vst.idx.add.f32.msk $0xffff, v7  }
0x92: {  	v16 =	vand.u32 $0x7F, v30;
	v7 =	vand.u32 $0x7F, v29;
	v13 =	vshll.u32 v29, $0x2;
	[tilespmem:v8+s15+$0x0] =	vst.idx.add.f32.msk $0xffff, v3  }
0x93: {  	v2 =	vor.u32 v15, v5;
	v3 =	vshll.u32 v28, $0x2;
	v5 =	vand.u32 $0xFFFFFE00, v13;
	[tilespmem:v12+s15+$0x0] =	vst.idx.add.f32.msk $0xffff, v6  }
0x94: {  	v6 =	vshll.u32 v19, $0x2;
	v8 =	vand.u32 $0xFFFFFE00, v3;
	v3 =	vand.u32 $0xFFFFFE00, v9;
	[tilespmem:v14+s15+$0x0] =	vst.idx.add.f32.msk $0xffff, v11  }
0x95: {  	v9 =	vshll.u32 v21, $0x2;
	v12 =	vand.u32 $0x7F, v28;
	v3 =	vor.u32 v16, v3;
	[tilespmem:v10+s15+$0x0] =	vst.idx.add.f32.msk $0xffff, v4  }
0x96: {  	v13 =	vand.u32 $0x7F, v21;
	v9 =	vand.u32 $0xFFFFFE00, v9;
	v4 =	vshll.u32 v20, $0x2;
	v10 =	vld [tilespmem:s19+$0x20]  }
0x97: {  	v14 =	vshll.u32 v18, $0x2;
	v11 =	vor.u32 v7, v5;
	v4 =	vand.u32 $0xFFFFFE00, v4;
	v15 =	vld [tilespmem:s19+$0x10]  }
0x98: {  	v7 =	vor.u32 v12, v8;
	v5 =	vand.u32 $0xFFFFFE00, v14;
	v14 =	vand.u32 $0x7F, v20;
	v20 =	vld [tilespmem:s19+$0x40]  }
0x99: {  	v8 =	vand.u32 $0x7F, v18;
	v4 =	vor.u32 v14, v4;
	v14 =	vand.u32 $0x7F, v17;
	v12 =	vld [tilespmem:s19+$0x60]  }
0x9a: {  	v6 =	vand.u32 $0xFFFFFE00, v6;
	v5 =	vor.u32 v8, v5;
	v8 =	vand.u32 $0x7F, v19;
	v18 =	vld.idx.msk [tilespmem:v3+s2+$0x0], $0xffff  }
0x9b: {  	v9 =	vor.u32 v13, v9;
	v6 =	vor.u32 v8, v6;
	v16 =	vshll.u32 v10, $0x2;
	v19 =	vld [tilespmem:s19+$0x30]  }
0x9c: {  	v8 =	vshll.u32 v17, $0x2;
	v21 =	vshll.u32 v15, $0x2;
	v13 =	vand.u32 $0xFFFFFE00, v16;
	v22 =	vld.idx.msk [tilespmem:v11+s2+$0x0], $0xffff  }
0x9d: {  	v8 =	vand.u32 $0xFFFFFE00, v8;
	v17 =	vld.idx.msk [tilespmem:v2+s2+$0x0], $0xffff;
	v16 =	vshll.u32 v20, $0x2  }
0x9e: {  	v8 =	vor.u32 v14, v8;
	v23 =	vand.u32 $0xFFFFFE00, v16;
	v24 =	vld [tilespmem:s19+$0x50];
	v16 =	vshll.u32 v12, $0x2  }
0x9f: {  	v12 =	vand.u32 $0x7F, v12;
	v25 =	vld.idx.msk [tilespmem:v5+s2+$0x0], $0xffff;
	v14 =	vand.u32 $0xFFFFFE00, v16  }
0xa0: {  	v26 =	vld.idx.msk [tilespmem:v9+s2+$0x0], $0xffff;
	v27 =	vshll.u32 v19, $0x2;
	v16 =	vor.u32 v12, v14  }
0xa1: {  	v12 =	vand.u32 $0x7F, v19;
	v14 =	vand.u32 $0xFFFFFE00, v27;
	v19 =	vld.idx.msk [tilespmem:v6+s2+$0x0], $0xffff;
	v27 =	vor.u32 $0x80, v11  }
0xa2: {  	v28 =	vld.idx.msk [tilespmem:v4+s2+$0x0], $0xffff;
	v14 =	vor.u32 v12, v14  }
0xa3: {  	v29 =	vor.u32 $0x80, v9;
	[tilespmem:v1+s15+$0x0] =	vst.idx.add.f32.msk $0xffff, v17;
	v17 =	vor.u32 $0x80, v4;
	v30 =	vand.u32 $0x7F, v24  }
0xa4: {  	v31 =	vor.u32 $0x80, v3;
	v12 =	vand.u32 $0x7F, v20;
	v24 =	vshll.u32 v24, $0x2;
	v20 =	vld.idx.msk [tilespmem:v7+s2+$0x0], $0xffff  }
0xa5: {  	v10 =	vand.u32 $0x7F, v10;
	v12 =	vor.u32 v12, v23;
	v23 =	vand.u32 $0xFFFFFE00, v24;
	[tilespmem:v16+s15+$0x0] =	vst.idx.add.f32.msk $0xffff, v22  }
0xa6: {  	v10 =	vor.u32 v10, v13;
	v13 =	vor.u32 v30, v23;
	v23 =	vld.idx.msk [tilespmem:v27+s2+$0x0], $0xffff  }
0xa7: {  	v24 =	vor.u32 $0x80, v16;
	[tilespmem:v14+s15+$0x0] =	vst.idx.add.f32.msk $0xffff, v26  }
0xa8: {  	v26 =	vld.idx.msk [tilespmem:v29+s2+$0x0], $0xffff  }
0xa9: {  	v15 =	vand.u32 $0x7F, v15;
	v21 =	vand.u32 $0xFFFFFE00, v21;
	v27 =	vor.u32 $0x80, v6;
	[tilespmem:v8+s15+$0x0] =	vst.idx.add.f32.msk $0xffff, v18  }
0xaa: {  	v15 =	vor.u32 v15, v21;
	v18 =	vld.idx.msk [tilespmem:v31+s2+$0x0], $0xffff  }
0xab: {  	[tilespmem:v13+s15+$0x0] =	vst.idx.add.f32.msk $0xffff, v20  }
0xac: {  	v20 =	vor.u32 $0x80, v7;
	[tilespmem:v10+s15+$0x0] =	vst.idx.add.f32.msk $0xffff, v28  }
0xad: {  	v21 =	vor.u32 $0x80, v5;
	v22 =	vld.idx.msk [tilespmem:v17+s2+$0x0], $0xffff  }
0xae: {  	[tilespmem:v24+s15+$0x0] =	vst.idx.add.f32.msk $0xffff, v23;
	v23 =	vor.u32 $0x80, v8  }
0xaf: {  	v24 =	vor.u32 $0x100, v3;
	[tilespmem:v15+s15+$0x0] =	vst.idx.add.f32.msk $0xffff, v25  }
0xb0: {  	v28 =	vor.u32 $0x80, v14;
	[tilespmem:v12+s15+$0x0] =	vst.idx.add.f32.msk $0xffff, v19  }
0xb1: {  	v25 =	vor.u32 $0x80, v12;
	v19 =	vld.idx.msk [tilespmem:v20+s2+$0x0], $0xffff  }
0xb2: {  	v20 =	vor.u32 $0x100, v11;
	v17 =	vld.idx.msk [tilespmem:v21+s2+$0x0], $0xffff  }
0xb3: {  	v21 =	vor.u32 $0x80, v13;
	[tilespmem:v23+s15+$0x0] =	vst.idx.add.f32.msk $0xffff, v18  }
.Ltmp1:
0xb4: {  	v18 =	vor.u32 $0x80, v15;
	v23 =	vld.idx.msk [tilespmem:v24+s2+$0x0], $0xffff;
	(pc) =	sbr.rel @p0 .LBB2_5-.Ltmp1, $4  }
0xb5: {  	[tilespmem:v28+s15+$0x0] =	vst.idx.add.f32.msk $0xffff, v26  }
0xb6: {  	v26 =	vld.idx.msk [tilespmem:v27+s2+$0x0], $0xffff  }
0xb7: {  	v24 =	vld.idx.msk [tilespmem:v20+s2+$0x0], $0xffff  }
0xb8: {  	[tilespmem:v21+s15+$0x0] =	vst.idx.add.f32.msk $0xffff, v19  }
0xb9: {  	_ = 	snop  }
0xba: {  	v19 =	vor.u32 $0x100, v5  }
0xbb: {  	v20 =	vor.u32 $0x100, v8  }
0xbc: {  	v21 =	vor.u32 $0x100, v16  }
0xbd: {  	[tilespmem:v18+s15+$0x0] =	vst.idx.add.f32.msk $0xffff, v17;
	v17 =	vor.u32 $0x100, v9  }
0xbe: {  	v18 =	vor.u32 $0x80, v2;
	[tilespmem:v25+s15+$0x0] =	vst.idx.add.f32.msk $0xffff, v26  }
0xbf: {  	v11 =	vor.u32 $0x180, v11;
	v19 =	vld.idx.msk [tilespmem:v19+s2+$0x0], $0xffff  }
0xc0: {  	v3 =	vor.u32 $0x180, v3;
	[tilespmem:v20+s15+$0x0] =	vst.idx.add.f32.msk $0xffff, v23  }
0xc1: {  	v25 =	vor.u32 $0x80, v10;
	[tilespmem:v21+s15+$0x0] =	vst.idx.add.f32.msk $0xffff, v24  }
0xc2: {  	v20 =	vor.u32 $0x100, v7;
	v17 =	vld.idx.msk [tilespmem:v17+s2+$0x0], $0xffff  }
0xc3: {  	v21 =	vor.u32 $0x100, v4;
	v18 =	vld.idx.msk [tilespmem:v18+s2+$0x0], $0xffff  }
0xc4: {  	v23 =	vor.u32 $0x100, v6;
	v11 =	vld.idx.msk [tilespmem:v11+s2+$0x0], $0xffff  }
0xc5: {  	v24 =	vor.u32 $0x100, v15;
	v3 =	vld.idx.msk [tilespmem:v3+s2+$0x0], $0xffff  }
0xc6: {  	v16 =	vor.u32 $0x180, v16;
	[tilespmem:v25+s15+$0x0] =	vst.idx.add.f32.msk $0xffff, v22  }
0xc7: {  	v5 =	vor.u32 $0x180, v5;
	v20 =	vld.idx.msk [tilespmem:v20+s2+$0x0], $0xffff  }
0xc8: {  	v8 =	vor.u32 $0x180, v8;
	v21 =	vld.idx.msk [tilespmem:v21+s2+$0x0], $0xffff  }
0xc9: {  	v22 =	vor.u32 $0x80, v1;
	v23 =	vld.idx.msk [tilespmem:v23+s2+$0x0], $0xffff  }
0xca: {  	v25 =	vor.u32 $0x100, v14;
	[tilespmem:v24+s15+$0x0] =	vst.idx.add.f32.msk $0xffff, v19  }
0xcb: {  	v9 =	vor.u32 $0x180, v9;
	[tilespmem:v16+s15+$0x0] =	vst.idx.add.f32.msk $0xffff, v11  }
0xcc: {  	v11 =	vor.u32 $0x100, v13;
	v5 =	vld.idx.msk [tilespmem:v5+s2+$0x0], $0xffff  }
0xcd: {  	v16 =	vor.u32 $0x100, v2;
	[tilespmem:v8+s15+$0x0] =	vst.idx.add.f32.msk $0xffff, v3  }
0xce: {  	v19 =	vor.u32 $0x100, v12;
	[tilespmem:v22+s15+$0x0] =	vst.idx.add.f32.msk $0xffff, v18  }
0xcf: {  	v6 =	vor.u32 $0x180, v6;
	[tilespmem:v25+s15+$0x0] =	vst.idx.add.f32.msk $0xffff, v17  }
0xd0: {  	v7 =	vor.u32 $0x180, v7;
	v9 =	vld.idx.msk [tilespmem:v9+s2+$0x0], $0xffff  }
0xd1: {  	v14 =	vor.u32 $0x180, v14;
	[tilespmem:v11+s15+$0x0] =	vst.idx.add.f32.msk $0xffff, v20  }
0xd2: {  	v11 =	vld.idx.msk [tilespmem:v16+s2+$0x0], $0xffff;
	v16 =	vor.u32 $0x100, v10  }
0xd3: {  	v17 =	vor.u32 $0x100, v1;
	[tilespmem:v19+s15+$0x0] =	vst.idx.add.f32.msk $0xffff, v23  }
0xd4: {  	v2 =	vor.u32 $0x180, v2;
	v6 =	vld.idx.msk [tilespmem:v6+s2+$0x0], $0xffff  }
0xd5: {  	v4 =	vor.u32 $0x180, v4;
	v7 =	vld.idx.msk [tilespmem:v7+s2+$0x0], $0xffff  }
0xd6: {  	v13 =	vor.u32 $0x180, v13;
	[tilespmem:v14+s15+$0x0] =	vst.idx.add.f32.msk $0xffff, v9  }
0xd7: {  	v9 =	vor.u32 $0x180, v15;
	[tilespmem:v16+s15+$0x0] =	vst.idx.add.f32.msk $0xffff, v21  }
0xd8: {  	[tilespmem:v17+s15+$0x0] =	vst.idx.add.f32.msk $0xffff, v11;
	v11 =	vor.u32 $0x180, v12  }
0xd9: {  	v1 =	vor.u32 $0x180, v1;
	v2 =	vld.idx.msk [tilespmem:v2+s2+$0x0], $0xffff  }
0xda: {  	v10 =	vor.u32 $0x180, v10;
	v4 =	vld.idx.msk [tilespmem:v4+s2+$0x0], $0xffff  }
0xdb: {  	[tilespmem:v13+s15+$0x0] =	vst.idx.add.f32.msk $0xffff, v7  }
0xdc: {  	s19 =	sshll.u32 s18, $0x1;
	[tilespmem:v9+s15+$0x0] =	vst.idx.add.f32.msk $0xffff, v5  }
0xdd: {  	s19 =	smin.u32 s19, $0x9B;
	[tilespmem:v11+s15+$0x0] =	vst.idx.add.f32.msk $0xffff, v6  }
0xde: {  	s19 =	sshll.u32 s19, $0x9;
	[tilespmem:v1+s15+$0x0] =	vst.idx.add.f32.msk $0xffff, v2  }
0xdf: {  	s19 =	sadd.s32 s19, s6;
	[tilespmem:v10+s15+$0x0] =	vst.idx.add.f32.msk $0xffff, v4  }
0xe0: {  	[tilespmem:s13], [sflag:$0x1] =	stream.linear.gather [hbm4b:s19+s2], $0x1000, $0x38;
	[tilespmem:$0x16000] =	vst v63  }
0xe1: {  	_ =	swait.ge [sflag:s16], $0x1000  }
0xe2: {  	[sflag:s16] =	ssyncset.done $0x0  }
0xe3: {  	s19 =	simm.s32 $0x150F0;
	[sflag:s16] =	ssyncadd.s32 $0xFFFFF000  }
0xe4: {  	v1 =	vld [tilespmem:s19+$0xFFFFFF80]  }
0xe5: {  	v2 =	vld [tilespmem:s19+$0xFFFFFF90]  }
0xe6: {  	v3 =	vld [tilespmem:s19+$0xFFFFFF10]  }
0xe7: {  	v4 =	vld [tilespmem:s19+$0xFFFFFF70]  }
0xe8: {  	v12 =	vld [tilespmem:s19+$0xFFFFFF30]  }
0xe9: {  	v5 =	vld [tilespmem:s19+$0xFFFFFF20]  }
0xea: {  	v7 =	vld [tilespmem:s19+$0xFFFFFF50];
	v10 =	vand.u32 $0x7F, v2;
	v2 =	vshll.u32 v2, $0x2;
	v9 =	vshll.u32 v1, $0x2  }
0xeb: {  	v6 =	vld [tilespmem:s19+$0xFFFFFF40];
	v11 =	vand.u32 $0x7F, v3;
	v1 =	vand.u32 $0x7F, v1;
	v14 =	vshll.u32 v3, $0x2  }
0xec: {  	v15 =	vshll.u32 v4, $0x2;
	v4 =	vand.u32 $0x7F, v4;
	v9 =	vand.u32 $0xFFFFFE00, v9  }
0xed: {  	v8 =	vld [tilespmem:s19+$0x0];
	v16 =	vshll.u32 v12, $0x2;
	v12 =	vand.u32 $0x7F, v12;
	v3 =	vor.u32 v1, v9  }
0xee: {  	v13 =	vld [tilespmem:s19+$0xFFFFFF60];
	v1 =	vand.u32 $0xFFFFFE00, v14;
	v9 =	vand.u32 $0xFFFFFE00, v15;
	v14 =	vand.u32 $0xFFFFFE00, v2  }
0xef: {  	v17 =	vld [tilespmem:s19+$0xFFFFFFA0];
	v2 =	vor.u32 v11, v1;
	v11 =	vor.u32 v4, v9;
	v1 =	vshll.u32 v7, $0x2  }
0xf0: {  	v18 =	vld [tilespmem:s19+$0xFFFFFFD0];
	v4 =	vshll.u32 v6, $0x2;
	v9 =	vshll.u32 v5, $0x2;
	v5 =	vand.u32 $0x7F, v5  }
0xf1: {  	v19 =	vld [tilespmem:s19+$0xFFFFFFF0];
	v6 =	vand.u32 $0x7F, v6;
	v7 =	vand.u32 $0x7F, v7;
	v9 =	vand.u32 $0xFFFFFE00, v9  }
0xf2: {  	v21 =	vld [tilespmem:s19+$0xFFFFFFC0];
	v4 =	vand.u32 $0xFFFFFE00, v4;
	v1 =	vand.u32 $0xFFFFFE00, v1;
	v5 =	vor.u32 v5, v9  }
0xf3: {  	v15 =	vld [tilespmem:s19+$0xFFFFFFB0];
	v9 =	vor.u32 v6, v4;
	v4 =	vand.u32 $0xFFFFFE00, v16;
	v6 =	vor.u32 v7, v1  }
0xf4: {  	v7 =	vshll.u32 v13, $0x2;
	v4 =	vor.u32 v12, v4;
	v12 =	vand.u32 $0x7F, v13;
	v13 =	vld [tilespmem:s19+$0xFFFFFFE0]  }
0xf5: {  	v20 =	vld.idx.msk [tilespmem:v3+s2+$0x0], $0xffff  }
0xf6: {  	v7 =	vand.u32 $0xFFFFFE00, v7;
	v22 =	vld.idx.msk [tilespmem:v11+s2+$0x0], $0xffff  }
0xf7: {  	v1 =	vor.u32 v10, v14;
	v14 =	vshll.u32 v19, $0x2;
	v7 =	vor.u32 v12, v7;
	v10 =	vld.idx.msk [tilespmem:v2+s2+$0x0], $0xffff  }
0xf8: {  	v14 =	vand.u32 $0xFFFFFE00, v14;
	v12 =	vand.u32 $0x7F, v19;
	v23 =	vld.idx.msk [tilespmem:v5+s2+$0x0], $0xffff  }
0xf9: {  	v24 =	vshll.u32 v21, $0x2;
	v25 =	vshll.u32 v8, $0x2;
	v16 =	vor.u32 v12, v14;
	v19 =	vld.idx.msk [tilespmem:v9+s2+$0x0], $0xffff  }
0xfa: {  	v12 =	vand.u32 $0x7F, v21;
	v14 =	vand.u32 $0xFFFFFE00, v24;
	v24 =	vor.u32 $0x80, v11;
	v21 =	vld.idx.msk [tilespmem:v6+s2+$0x0], $0xffff  }
0xfb: {  	v8 =	vand.u32 $0x7F, v8;
	v14 =	vor.u32 v12, v14;
	v12 =	vand.u32 $0xFFFFFE00, v25;
	v26 =	vld.idx.msk [tilespmem:v4+s2+$0x0], $0xffff  }
0xfc: {  	v8 =	vor.u32 v8, v12;
	v27 =	vld.idx.msk [tilespmem:v7+s2+$0x0], $0xffff  }
0xfd: {  	v28 =	vor.u32 $0x80, v3;
	v25 =	vor.u32 $0x80, v9;
	v12 =	vshll.u32 v13, $0x2;
	[tilespmem:v1+s15+$0x0] =	vst.idx.add.f32.msk $0xffff, v10  }
0xfe: {  	v29 =	vor.u32 $0x80, v16;
	v13 =	vand.u32 $0x7F, v13;
	v12 =	vand.u32 $0xFFFFFE00, v12;
	[tilespmem:v16+s15+$0x0] =	vst.idx.add.f32.msk $0xffff, v22  }
0xff: {  	v10 =	vshll.u32 v15, $0x2;
	v15 =	vand.u32 $0x7F, v15;
	v13 =	vor.u32 v13, v12;
	v24 =	vld.idx.msk [tilespmem:v24+s2+$0x0], $0xffff  }
0x100: {  	v12 =	vshll.u32 v17, $0x2;
	v17 =	vand.u32 $0x7F, v17;
	v10 =	vand.u32 $0xFFFFFE00, v10;
	[tilespmem:v14+s15+$0x0] =	vst.idx.add.f32.msk $0xffff, v19  }
0x101: {  	v12 =	vand.u32 $0xFFFFFE00, v12;
	v10 =	vor.u32 v15, v10;
	v15 =	vshll.u32 v18, $0x2;
	[tilespmem:v8+s15+$0x0] =	vst.idx.add.f32.msk $0xffff, v20  }
0x102: {  	v25 =	vld.idx.msk [tilespmem:v25+s2+$0x0], $0xffff;
	v20 =	vand.u32 $0xFFFFFE00, v15;
	v15 =	vor.u32 v17, v12  }
0x103: {  	v18 =	vand.u32 $0x7F, v18;
	v28 =	vld.idx.msk [tilespmem:v28+s2+$0x0], $0xffff;
	v17 =	vor.u32 $0x80, v7  }
0x104: {  	v12 =	vor.u32 v18, v20;
	v18 =	vor.u32 $0x80, v5;
	[tilespmem:v13+s15+$0x0] =	vst.idx.add.f32.msk $0xffff, v27  }
0x105: {  	v19 =	vor.u32 $0x80, v4;
	[tilespmem:v29+s15+$0x0] =	vst.idx.add.f32.msk $0xffff, v24  }
0x106: {  	[tilespmem:v10+s15+$0x0] =	vst.idx.add.f32.msk $0xffff, v26  }
0x107: {  	[tilespmem:v15+s15+$0x0] =	vst.idx.add.f32.msk $0xffff, v23  }
0x108: {  	v24 =	vor.u32 $0x80, v14;
	v27 =	vld.idx.msk [tilespmem:v17+s2+$0x0], $0xffff  }
0x109: {  	v17 =	vld.idx.msk [tilespmem:v18+s2+$0x0], $0xffff;
	v18 =	vor.u32 $0x100, v11  }
0x10a: {  	v22 =	vld.idx.msk [tilespmem:v19+s2+$0x0], $0xffff;
	v19 =	vor.u32 $0x80, v8  }
0x10b: {  	v63 =	vor.u32 $0x80, v13  }
0x10c: {  	v20 =	vor.u32 $0x100, v3;
	[tilespmem:v12+s15+$0x0] =	vst.idx.add.f32.msk $0xffff, v21  }
0x10d: {  	v21 =	vor.u32 $0x80, v6;
	[tilespmem:v24+s15+$0x0] =	vst.idx.add.f32.msk $0xffff, v25  }
0x10e: {  	v24 =	vld.idx.msk [tilespmem:v18+s2+$0x0], $0xffff;
	v18 =	vor.u32 $0x80, v15  }
0x10f: {  	[tilespmem:v19+s15+$0x0] =	vst.idx.add.f32.msk $0xffff, v28  }
0x110: {  	[tilespmem:v63+s15+$0x0] =	vst.idx.add.f32.msk $0xffff, v27  }
0x111: {  	v23 =	vld.idx.msk [tilespmem:v20+s2+$0x0], $0xffff  }
0x112: {  	s20 =	simm.s32 $0x0;
	v25 =	vor.u32 $0x80, v12;
	v26 =	vld.idx.msk [tilespmem:v21+s2+$0x0], $0xffff  }
.LBB2_7:
0x113: {  	s20 =	sadd.s32 $0x8, s20;
	[tilespmem:v18+s15+$0x0] =	vst.idx.add.f32.msk $0xffff, v17;
	s19 =	sadd.s32 $0x100, s19  }
0x114: {  	v17 =	vld [tilespmem:s19+$0x0];
	p0 =	slt.u32 s20, $0x78  }
0x115: {  	v18 =	vld [tilespmem:s19+$0xFFFFFF20]  }
0x116: {  	v20 =	vld [tilespmem:s19+$0xFFFFFF30]  }
0x117: {  	v27 =	vor.u32 $0x100, v5;
	v21 =	vld [tilespmem:s19+$0xFFFFFF40]  }
0x118: {  	v19 =	vld [tilespmem:s19+$0xFFFFFF50]  }
0x119: {  	v28 =	vld [tilespmem:s19+$0xFFFFFF60]  }
0x11a: {  	v29 =	vld [tilespmem:s19+$0xFFFFFF70]  }
0x11b: {  	[tilespmem:v25+s15+$0x0] =	vst.idx.add.f32.msk $0xffff, v26;
	v25 =	vor.u32 $0x100, v8  }
0x11c: {  	v26 =	vld.idx.msk [tilespmem:v27+s2+$0x0], $0xffff;
	v27 =	vor.u32 $0x100, v16  }
0x11d: {  	v31 =	vor.u32 $0x100, v9;
	v30 =	vld [tilespmem:s19+$0xFFFFFF80]  }
0x11e: {  	v33 =	vor.u32 $0x80, v2;
	v32 =	vld [tilespmem:s19+$0xFFFFFF10]  }
0x11f: {  	v11 =	vor.u32 $0x180, v11;
	v34 =	vld [tilespmem:s19+$0xFFFFFF90]  }
0x120: {  	v35 =	vor.u32 $0x80, v10;
	[tilespmem:v25+s15+$0x0] =	vst.idx.add.f32.msk $0xffff, v23  }
0x121: {  	v23 =	vor.u32 $0x100, v7;
	[tilespmem:v27+s15+$0x0] =	vst.idx.add.f32.msk $0xffff, v24  }
0x122: {  	v24 =	vor.u32 $0x100, v4;
	v25 =	vld.idx.msk [tilespmem:v31+s2+$0x0], $0xffff  }
0x123: {  	v31 =	vor.u32 $0x100, v6;
	v27 =	vld.idx.msk [tilespmem:v33+s2+$0x0], $0xffff  }
0x124: {  	v33 =	vor.u32 $0x100, v15;
	v11 =	vld.idx.msk [tilespmem:v11+s2+$0x0], $0xffff  }
0x125: {  	v16 =	vor.u32 $0x180, v16;
	[tilespmem:v35+s15+$0x0] =	vst.idx.add.f32.msk $0xffff, v22  }
0x126: {  	v22 =	vor.u32 $0x80, v1;
	v23 =	vld.idx.msk [tilespmem:v23+s2+$0x0], $0xffff  }
0x127: {  	v35 =	vor.u32 $0x100, v14;
	v24 =	vld.idx.msk [tilespmem:v24+s2+$0x0], $0xffff  }
0x128: {  	v9 =	vor.u32 $0x180, v9;
	v31 =	vld.idx.msk [tilespmem:v31+s2+$0x0], $0xffff  }
0x129: {  	[tilespmem:v33+s15+$0x0] =	vst.idx.add.f32.msk $0xffff, v26;
	v26 =	vor.u32 $0x100, v12  }
0x12a: {  	v3 =	vor.u32 $0x180, v3;
	[tilespmem:v16+s15+$0x0] =	vst.idx.add.f32.msk $0xffff, v11  }
0x12b: {  	v11 =	vor.u32 $0x100, v13;
	[tilespmem:v22+s15+$0x0] =	vst.idx.add.f32.msk $0xffff, v27  }
0x12c: {  	v16 =	vor.u32 $0x100, v2;
	[tilespmem:v35+s15+$0x0] =	vst.idx.add.f32.msk $0xffff, v25  }
0x12d: {  	v5 =	vor.u32 $0x180, v5;
	v9 =	vld.idx.msk [tilespmem:v9+s2+$0x0], $0xffff  }
0x12e: {  	v7 =	vor.u32 $0x180, v7;
	[tilespmem:v26+s15+$0x0] =	vst.idx.add.f32.msk $0xffff, v31  }
0x12f: {  	v14 =	vor.u32 $0x180, v14;
	v3 =	vld.idx.msk [tilespmem:v3+s2+$0x0], $0xffff  }
0x130: {  	v6 =	vor.u32 $0x180, v6;
	[tilespmem:v11+s15+$0x0] =	vst.idx.add.f32.msk $0xffff, v23  }
0x131: {  	v11 =	vld.idx.msk [tilespmem:v16+s2+$0x0], $0xffff;
	v16 =	vor.u32 $0x100, v10  }
0x132: {  	v22 =	vor.u32 $0x100, v1;
	v5 =	vld.idx.msk [tilespmem:v5+s2+$0x0], $0xffff  }
0x133: {  	v4 =	vor.u32 $0x180, v4;
	v2 =	vor.u32 $0x180, v2;
	v7 =	vld.idx.msk [tilespmem:v7+s2+$0x0], $0xffff  }
0x134: {  	[tilespmem:v14+s15+$0x0] =	vst.idx.add.f32.msk $0xffff, v9  }
0x135: {  	v9 =	vor.u32 $0x180, v15;
	v6 =	vld.idx.msk [tilespmem:v6+s2+$0x0], $0xffff  }
0x136: {  	v13 =	vor.u32 $0x180, v13;
	[tilespmem:v16+s15+$0x0] =	vst.idx.add.f32.msk $0xffff, v24  }
0x137: {  	v8 =	vor.u32 $0x180, v8;
	[tilespmem:v22+s15+$0x0] =	vst.idx.add.f32.msk $0xffff, v11  }
0x138: {  	v12 =	vor.u32 $0x180, v12;
	v14 =	vor.u32 $0x180, v1;
	v11 =	vld.idx.msk [tilespmem:v2+s2+$0x0], $0xffff  }
0x139: {  	v10 =	vor.u32 $0x180, v10;
	v1 =	vand.u32 $0x7F, v34;
	v2 =	vshll.u32 v34, $0x2;
	v4 =	vld.idx.msk [tilespmem:v4+s2+$0x0], $0xffff  }
0x13a: {  	v15 =	vand.u32 $0x7F, v32;
	v16 =	vshll.u32 v32, $0x2;
	v2 =	vand.u32 $0xFFFFFE00, v2;
	[tilespmem:v9+s15+$0x0] =	vst.idx.add.f32.msk $0xffff, v5  }
0x13b: {  	v5 =	vand.u32 $0xFFFFFE00, v16;
	v1 =	vor.u32 v1, v2;
	v9 =	vshll.u32 v30, $0x2;
	[tilespmem:v13+s15+$0x0] =	vst.idx.add.f32.msk $0xffff, v7  }
0x13c: {  	v16 =	vand.u32 $0x7F, v30;
	v7 =	vand.u32 $0x7F, v29;
	v13 =	vshll.u32 v29, $0x2;
	[tilespmem:v8+s15+$0x0] =	vst.idx.add.f32.msk $0xffff, v3  }
0x13d: {  	v2 =	vor.u32 v15, v5;
	v3 =	vshll.u32 v28, $0x2;
	v5 =	vand.u32 $0xFFFFFE00, v13;
	[tilespmem:v12+s15+$0x0] =	vst.idx.add.f32.msk $0xffff, v6  }
0x13e: {  	v6 =	vshll.u32 v19, $0x2;
	v8 =	vand.u32 $0xFFFFFE00, v3;
	v3 =	vand.u32 $0xFFFFFE00, v9;
	[tilespmem:v14+s15+$0x0] =	vst.idx.add.f32.msk $0xffff, v11  }
0x13f: {  	v9 =	vshll.u32 v21, $0x2;
	v12 =	vand.u32 $0x7F, v28;
	v3 =	vor.u32 v16, v3;
	[tilespmem:v10+s15+$0x0] =	vst.idx.add.f32.msk $0xffff, v4  }
0x140: {  	v13 =	vand.u32 $0x7F, v21;
	v9 =	vand.u32 $0xFFFFFE00, v9;
	v4 =	vshll.u32 v20, $0x2;
	v10 =	vld [tilespmem:s19+$0xFFFFFFB0]  }
0x141: {  	v14 =	vshll.u32 v18, $0x2;
	v11 =	vor.u32 v7, v5;
	v4 =	vand.u32 $0xFFFFFE00, v4;
	v15 =	vld [tilespmem:s19+$0xFFFFFFA0]  }
0x142: {  	v7 =	vor.u32 v12, v8;
	v5 =	vand.u32 $0xFFFFFE00, v14;
	v14 =	vand.u32 $0x7F, v20;
	v20 =	vld [tilespmem:s19+$0xFFFFFFD0]  }
0x143: {  	v8 =	vand.u32 $0x7F, v18;
	v4 =	vor.u32 v14, v4;
	v14 =	vand.u32 $0x7F, v17;
	v12 =	vld [tilespmem:s19+$0xFFFFFFF0]  }
0x144: {  	v6 =	vand.u32 $0xFFFFFE00, v6;
	v5 =	vor.u32 v8, v5;
	v8 =	vand.u32 $0x7F, v19;
	v18 =	vld.idx.msk [tilespmem:v3+s2+$0x0], $0xffff  }
0x145: {  	v9 =	vor.u32 v13, v9;
	v6 =	vor.u32 v8, v6;
	v16 =	vshll.u32 v10, $0x2;
	v19 =	vld [tilespmem:s19+$0xFFFFFFC0]  }
0x146: {  	v8 =	vshll.u32 v17, $0x2;
	v21 =	vshll.u32 v15, $0x2;
	v13 =	vand.u32 $0xFFFFFE00, v16;
	v22 =	vld.idx.msk [tilespmem:v11+s2+$0x0], $0xffff  }
0x147: {  	v8 =	vand.u32 $0xFFFFFE00, v8;
	v17 =	vld.idx.msk [tilespmem:v2+s2+$0x0], $0xffff;
	v16 =	vshll.u32 v20, $0x2  }
0x148: {  	v8 =	vor.u32 v14, v8;
	v23 =	vand.u32 $0xFFFFFE00, v16;
	v24 =	vld [tilespmem:s19+$0xFFFFFFE0];
	v16 =	vshll.u32 v12, $0x2  }
0x149: {  	v12 =	vand.u32 $0x7F, v12;
	v25 =	vld.idx.msk [tilespmem:v5+s2+$0x0], $0xffff;
	v14 =	vand.u32 $0xFFFFFE00, v16  }
0x14a: {  	v26 =	vld.idx.msk [tilespmem:v9+s2+$0x0], $0xffff;
	v27 =	vshll.u32 v19, $0x2;
	v16 =	vor.u32 v12, v14  }
0x14b: {  	v12 =	vand.u32 $0x7F, v19;
	v14 =	vand.u32 $0xFFFFFE00, v27;
	v19 =	vld.idx.msk [tilespmem:v6+s2+$0x0], $0xffff;
	v27 =	vor.u32 $0x80, v11  }
0x14c: {  	v28 =	vld.idx.msk [tilespmem:v4+s2+$0x0], $0xffff;
	v14 =	vor.u32 v12, v14  }
0x14d: {  	v29 =	vor.u32 $0x80, v9;
	[tilespmem:v1+s15+$0x0] =	vst.idx.add.f32.msk $0xffff, v17;
	v17 =	vor.u32 $0x80, v4;
	v30 =	vand.u32 $0x7F, v24  }
0x14e: {  	v31 =	vor.u32 $0x80, v3;
	v12 =	vand.u32 $0x7F, v20;
	v24 =	vshll.u32 v24, $0x2;
	v20 =	vld.idx.msk [tilespmem:v7+s2+$0x0], $0xffff  }
0x14f: {  	v10 =	vand.u32 $0x7F, v10;
	v12 =	vor.u32 v12, v23;
	v23 =	vand.u32 $0xFFFFFE00, v24;
	[tilespmem:v16+s15+$0x0] =	vst.idx.add.f32.msk $0xffff, v22  }
0x150: {  	v10 =	vor.u32 v10, v13;
	v13 =	vor.u32 v30, v23;
	v23 =	vld.idx.msk [tilespmem:v27+s2+$0x0], $0xffff  }
0x151: {  	v24 =	vor.u32 $0x80, v16;
	[tilespmem:v14+s15+$0x0] =	vst.idx.add.f32.msk $0xffff, v26  }
0x152: {  	v26 =	vld.idx.msk [tilespmem:v29+s2+$0x0], $0xffff  }
0x153: {  	v15 =	vand.u32 $0x7F, v15;
	v21 =	vand.u32 $0xFFFFFE00, v21;
	v27 =	vor.u32 $0x80, v6;
	[tilespmem:v8+s15+$0x0] =	vst.idx.add.f32.msk $0xffff, v18  }
0x154: {  	v15 =	vor.u32 v15, v21;
	v18 =	vld.idx.msk [tilespmem:v31+s2+$0x0], $0xffff  }
0x155: {  	[tilespmem:v13+s15+$0x0] =	vst.idx.add.f32.msk $0xffff, v20  }
0x156: {  	v20 =	vor.u32 $0x80, v7;
	[tilespmem:v10+s15+$0x0] =	vst.idx.add.f32.msk $0xffff, v28  }
0x157: {  	v21 =	vor.u32 $0x80, v5;
	v22 =	vld.idx.msk [tilespmem:v17+s2+$0x0], $0xffff  }
0x158: {  	[tilespmem:v24+s15+$0x0] =	vst.idx.add.f32.msk $0xffff, v23;
	v23 =	vor.u32 $0x80, v8  }
0x159: {  	v24 =	vor.u32 $0x100, v3;
	[tilespmem:v15+s15+$0x0] =	vst.idx.add.f32.msk $0xffff, v25  }
0x15a: {  	v28 =	vor.u32 $0x80, v14;
	[tilespmem:v12+s15+$0x0] =	vst.idx.add.f32.msk $0xffff, v19  }
0x15b: {  	v25 =	vor.u32 $0x80, v12;
	v19 =	vld.idx.msk [tilespmem:v20+s2+$0x0], $0xffff  }
0x15c: {  	v20 =	vor.u32 $0x100, v11;
	v17 =	vld.idx.msk [tilespmem:v21+s2+$0x0], $0xffff  }
0x15d: {  	v21 =	vor.u32 $0x80, v13;
	[tilespmem:v23+s15+$0x0] =	vst.idx.add.f32.msk $0xffff, v18  }
.Ltmp2:
0x15e: {  	v18 =	vor.u32 $0x80, v15;
	v23 =	vld.idx.msk [tilespmem:v24+s2+$0x0], $0xffff;
	(pc) =	sbr.rel @p0 .LBB2_7-.Ltmp2, $4  }
0x15f: {  	[tilespmem:v28+s15+$0x0] =	vst.idx.add.f32.msk $0xffff, v26  }
0x160: {  	v26 =	vld.idx.msk [tilespmem:v27+s2+$0x0], $0xffff  }
0x161: {  	v24 =	vld.idx.msk [tilespmem:v20+s2+$0x0], $0xffff  }
0x162: {  	[tilespmem:v21+s15+$0x0] =	vst.idx.add.f32.msk $0xffff, v19  }
0x163: {  	_ = 	snop  }
0x164: {  	v19 =	vor.u32 $0x100, v5  }
0x165: {  	v20 =	vor.u32 $0x100, v8  }
0x166: {  	v21 =	vor.u32 $0x100, v16  }
0x167: {  	[tilespmem:v18+s15+$0x0] =	vst.idx.add.f32.msk $0xffff, v17;
	v37 =	vor.u32 $0x100, v9  }
0x168: {  	v38 =	vor.u32 $0x80, v2;
	[tilespmem:v25+s15+$0x0] =	vst.idx.add.f32.msk $0xffff, v26  }
0x169: {  	v39 =	vor.u32 $0x80, v10;
	v19 =	vld.idx.msk [tilespmem:v19+s2+$0x0], $0xffff  }
0x16a: {  	v40 =	vor.u32 $0x100, v7;
	[tilespmem:v20+s15+$0x0] =	vst.idx.add.f32.msk $0xffff, v23  }
0x16b: {  	v42 =	vor.u32 $0x100, v6;
	[tilespmem:v21+s15+$0x0] =	vst.idx.add.f32.msk $0xffff, v24  }
0x16c: {  	v11 =	vor.u32 $0x180, v11;
	v17 =	vld.idx.msk [tilespmem:v37+s2+$0x0], $0xffff  }
0x16d: {  	v41 =	vor.u32 $0x100, v4;
	v18 =	vld.idx.msk [tilespmem:v38+s2+$0x0], $0xffff  }
0x16e: {  	v3 =	vor.u32 $0x180, v3;
	[tilespmem:v39+s15+$0x0] =	vst.idx.add.f32.msk $0xffff, v22  }
0x16f: {  	v43 =	vor.u32 $0x100, v15;
	v20 =	vld.idx.msk [tilespmem:v40+s2+$0x0], $0xffff  }
0x170: {  	v45 =	vor.u32 $0x80, v1;
	v23 =	vld.idx.msk [tilespmem:v42+s2+$0x0], $0xffff  }
0x171: {  	v46 =	vor.u32 $0x100, v14;
	v11 =	vld.idx.msk [tilespmem:v11+s2+$0x0], $0xffff  }
0x172: {  	v48 =	vor.u32 $0x100, v12;
	v21 =	vld.idx.msk [tilespmem:v41+s2+$0x0], $0xffff  }
0x173: {  	v49 =	vor.u32 $0x100, v13;
	v3 =	vld.idx.msk [tilespmem:v3+s2+$0x0], $0xffff  }
0x174: {  	v44 =	vor.u32 $0x180, v16;
	[tilespmem:v43+s15+$0x0] =	vst.idx.add.f32.msk $0xffff, v19  }
0x175: {  	v47 =	vor.u32 $0x180, v9;
	[tilespmem:v45+s15+$0x0] =	vst.idx.add.f32.msk $0xffff, v18  }
0x176: {  	v50 =	vor.u32 $0x100, v2;
	[tilespmem:v46+s15+$0x0] =	vst.idx.add.f32.msk $0xffff, v17  }
0x177: {  	v51 =	vor.u32 $0x180, v5;
	[tilespmem:v48+s15+$0x0] =	vst.idx.add.f32.msk $0xffff, v23  }
0x178: {  	v52 =	vor.u32 $0x180, v7;
	[tilespmem:v49+s15+$0x0] =	vst.idx.add.f32.msk $0xffff, v20  }
0x179: {  	v54 =	vor.u32 $0x180, v6;
	[tilespmem:v44+s15+$0x0] =	vst.idx.add.f32.msk $0xffff, v11  }
0x17a: {  	v56 =	vor.u32 $0x100, v10;
	v9 =	vld.idx.msk [tilespmem:v47+s2+$0x0], $0xffff  }
0x17b: {  	v61 =	vor.u32 $0x180, v8;
	v55 =	vld.idx.msk [tilespmem:v50+s2+$0x0], $0xffff  }
0x17c: {  	v58 =	vor.u32 $0x180, v4;
	v5 =	vld.idx.msk [tilespmem:v51+s2+$0x0], $0xffff  }
0x17d: {  	v53 =	vor.u32 $0x180, v14;
	v7 =	vld.idx.msk [tilespmem:v52+s2+$0x0], $0xffff  }
0x17e: {  	v57 =	vor.u32 $0x100, v1;
	v6 =	vld.idx.msk [tilespmem:v54+s2+$0x0], $0xffff  }
0x17f: {  	v2 =	vor.u32 $0x180, v2;
	[tilespmem:v56+s15+$0x0] =	vst.idx.add.f32.msk $0xffff, v21  }
0x180: {  	v59 =	vor.u32 $0x180, v15;
	[tilespmem:v61+s15+$0x0] =	vst.idx.add.f32.msk $0xffff, v3  }
0x181: {  	v60 =	vor.u32 $0x180, v13;
	v4 =	vld.idx.msk [tilespmem:v58+s2+$0x0], $0xffff  }
0x182: {  	v62 =	vor.u32 $0x180, v12;
	[tilespmem:v53+s15+$0x0] =	vst.idx.add.f32.msk $0xffff, v9  }
0x183: {  	v63 =	vor.u32 $0x180, v10;
	s18 =	sadd.s32 $0x1, s18;
	[tilespmem:v57+s15+$0x0] =	vst.idx.add.f32.msk $0xffff, v55  }
0x184: {  	v1 =	vor.u32 $0x180, v1;
	p0 =	sne.s32 s18, $0x4F;
	v2 =	vld.idx.msk [tilespmem:v2+s2+$0x0], $0xffff  }
.Ltmp3:
0x185: {  	[tilespmem:v59+s15+$0x0] =	vst.idx.add.f32.msk $0xffff, v5;
	(pc) =	sbr.rel @p0 .LBB2_4-.Ltmp3, $4  }
0x186: {  	[tilespmem:v60+s15+$0x0] =	vst.idx.add.f32.msk $0xffff, v7  }
0x187: {  	[tilespmem:v62+s15+$0x0] =	vst.idx.add.f32.msk $0xffff, v6  }
0x188: {  	[tilespmem:v63+s15+$0x0] =	vst.idx.add.f32.msk $0xffff, v4  }
0x189: {  	[tilespmem:v1+s15+$0x0] =	vst.idx.add.f32.msk $0xffff, v2  }
0x18a: {  	_ =	swait.ge [sflag:s12], $0x1000;
	s17 =	sadd.s32 $0x1, s17  }
0x18b: {  	[sflag:s12] =	ssyncset.done $0x0;
	p0 =	sne.s32 s17, s8  }
.Ltmp4:
0x18c: {  	[sflag:s12] =	ssyncadd.s32 $0xFFFFF000;
	(pc) =	sbr.rel @p0 .LBB2_1-.Ltmp4, $4  }
0x18d: {  	[hbm4b:s7+s9] =	stream.strided.scatter [tilespmem:s15], [sflag:$0x3], $0xA000, s10, s9, $0x38;
	[tilespmem:$0x16000] =	vst v63  }
0x18e: {  	_ =	swait.ge [sflag:s11], $0xA000  }
0x18f: {  	[sflag:s11] =	ssyncset.done $0x0  }
0x190: {  	[sflag:s11] =	ssyncadd.s32 $0xFFFF6000  }
0x191: {  	_ =	sfence.sel $0x180000  }
0x192: {  	[bflag:$0x0] =	sbarrier.arrive $0xFFFF  }
0x193: {  	p0 =	sne.s32 s0, $0x0;
	_ =	strace $0x9000004A  }
0x194: {  	s0 =	sadd.s32 @!p0 $0x100000, s1;
	[bflag:$0x2] =	sbarrier.arrive $0xFFFF  }
0x195: {  	[sflag:s0] =	ssyncadd.tile.s32 @!p0 $0x1;
	_ =	shalt  }
.Lfunc_end2:
_tile_overlayer_lowered:
.L_overlay_start_2:
0x196: {  	(tag) =	ssettag $0x2  }
0x197: {  	s0 =	rddreg [dreg:$0x0];
	s2 =	stileid.u32  }
0x198: {  	s1 =	rddreg [dreg:$0x1];
	p0 =	sne.s32 s2, $0x0  }
0x199: {  	s3 =	rddreg [dreg:$0x2];
	[bflag:$0x3] =	sbarrier.arrive $0xFFFF;
	s2 =	simm.s32 @!p0 $0x1C03  }
0x19a: {  	[timem:s3], [sflag:s2] =	dma.local @!p0 [hbm:s0], s1  }
0x19b: {  	s0 =	simm.s32 @!p0 $0x3  }
0x19c: {  	_ =	swait.ge @!p0 [sflag:s0], s1  }
0x19d: {  	s1 =	ssub.s32 @!p0 $0x0, s1;
	[sflag:s0] =	ssyncset.done @!p0 $0x0  }
0x19e: {  	[sflag:s0] =	ssyncadd.s32 @!p0 s1  }
0x19f: {  	[bflag:$0x3] =	sbarrier.arrive $0xFFFF  }
0x1a0: {  	_ =	shalt  }

// kernel: kernel.21.cloned.1.call-start
scs
__scs_entry_jumppad:
0x0: {  	(pc) =	sbr.rel $0x88, $3  }
0x1: {  	(tag) =	ssettag $0x0;
	lr =	simm.s32 $0x1  }
0x2: {  	[smem:$0x3F97] =	sst lr;
	_ =	strace $0xD0000000  }
0x3: {  	_ = 	snop  }
0x4: {  	_ = 	snop  }
0x5: {  	_ = 	snop  }
0x6: {  	_ = 	snop  }
0x7: {  	_ = 	snop  }
__scs_overlays_trampoline_lowered:
0x8: {  	[smem:$0x3FA6] =	sst s0  }
0x9: {  	[smem:$0x3FA7] =	sst s1  }
0xa: {  	[smem:$0x3FA8] =	sst s2  }
0xb: {  	[smem:$0x3FA9] =	sst s3  }
0xc: {  	[smem:$0x3FAA] =	sst s4  }
0xd: {  	[smem:$0x3FAB] =	sst s5  }
0xe: {  	[smem:$0x3FAC] =	sst s6  }
0xf: {  	[smem:$0x3FAD] =	sst s7  }
0x10: {  	[smem:$0x3FAE] =	sst s8  }
0x11: {  	[smem:$0x3FAF] =	sst s9;
	s0 =	simm.s32 @!p0 $0x0  }
0x12: {  	s1 =	sld [smem:$0x3F95];
	s0 =	simm.s32 @p0 $0x1  }
0x13: {  	[smem:$0x3FB0] =	sst s0;
	s0 =	simm.s32 @!p1 $0x0  }
0x14: {  	s2 =	sld [smem:$0x3F94];
	s0 =	simm.s32 @p1 $0x1  }
0x15: {  	[smem:$0x3FB1] =	sst s0;
	s0 =	simm.s32 @!p2 $0x0  }
0x16: {  	s3 =	sld [smem:$0x3FDB];
	s0 =	simm.s32 @p2 $0x1  }
0x17: {  	s4 =	simm.s32 $0x1BF5;
	[smem:$0x3FB3] =	sst s0  }
0x18: {  	s0 =	sld [smem:$0x3F96];
	_ =	swait.ge [sflag:s4], $0x0  }
0x19: {  	s7 =	sld [smem:$0x3F97]  }
0x1a: {  	s8 =	sadd.s32 $0xFFFFE003, lr  }
0x1b: {  	s9 =	sadd.s32 $0xFFFFFEF7, lr;
	s5 =	simm.s32 $0xFFFFFFFF;
	p2 =	slt.u32 s8, $0xFFFFF086  }
0x1c: {  	p1 =	slt.u32 s9, $0xF7A;
	s5 =	simm.s32 @!p2 $0x0  }
0x1d: {  	s5 =	simm.s32 @p1 $0x1;
	p0 =	seq.s32 s7, s2  }
0x1e: {  	s7 =	smul.u32 @!p0 $0xF7A, s2;
	p2 =	seq.s32 @!p0 s5, $0x0  }
0x1f: {  	s9 =	smul.u32 $0xF7A, s1;
	s8 =	simm.s32 @!p0 $0x1BF5;
	p2 =	por !p2, p0  }
0x20: {  	[sflag:s8] =	ssyncset.s32 @!p0 $0xFFFFF086;
	s6 =	sadd.s32 @!p0 s3, s7;
	s7 =	simm.s32 @!p0 $0x108  }
0x21: {  	s3 =	sadd.s32 s3, s9;
	s6 =	sadd.s32 @!p0 $0x88, s6;
	s7 =	simm.s32 @p2 $0x1082  }
0x22: {  	[simem:s7], [sflag:s8] =	dma.local @!p0 [hbm:s6], $0xF7A  }
0x23: {  	s9 =	sor.u32 $0xD0000000, s2;
	s6 =	simm.s32 $0x108;
	_ =	swait.ge @!p0 [sflag:s8], $0x0  }
0x24: {  	s3 =	sadd.s32 $0x88, s3;
	s6 =	simm.s32 @!p1 $0x1082;
	[sflag:s4] =	ssyncset.s32 $0xFFFFF086  }
0x25: {  	[simem:s6], [sflag:s4] =	dma.local [hbm:s3], $0xF7A  }
0x26: {  	[smem:$0x3F97] =	sst s1;
	(tag) =	ssettag s2;
	_ =	strace s9  }
0x27: {  	s1 =	sld [smem:$0x3FA7]  }
0x28: {  	s2 =	sld [smem:$0x3FA8]  }
0x29: {  	s4 =	sld [smem:$0x3FAA]  }
0x2a: {  	p0 =	seq.s32 s5, $0x0;
	s5 =	sld [smem:$0x3FAB]  }
0x2b: {  	s6 =	sld [smem:$0x3FAC]  }
0x2c: {  	s7 =	sld [smem:$0x3FAD]  }
0x2d: {  	s3 =	simm.s32 $0x108;
	s8 =	sld [smem:$0x3FAE]  }
0x2e: {  	s3 =	simm.s32 @!p0 $0x1082;
	s9 =	sld [smem:$0x3FAF]  }
0x2f: {  	lr =	sadd.s32 s0, s3;
	s0 =	sld [smem:$0x3FA6]  }
0x30: {  	s3 =	sld [smem:$0x3FA9]  }
0x31: {  	[smem:$0x3FB2] =	sst s10  }
0x32: {  	s10 =	sld [smem:$0x3FB0];
	_ =	sdelay $0x3  }
0x33: {  	p0 =	seq.s32 s10, $0x1;
	s10 =	sld [smem:$0x3FB2];
	_ =	sdelay $0x3  }
0x34: {  	[smem:$0x3FB2] =	sst s10  }
0x35: {  	s10 =	sld [smem:$0x3FB1];
	_ =	sdelay $0x3  }
0x36: {  	p1 =	seq.s32 s10, $0x1;
	s10 =	sld [smem:$0x3FB2];
	_ =	sdelay $0x3  }
0x37: {  	[smem:$0x3FB2] =	sst s10  }
0x38: {  	s10 =	sld [smem:$0x3FB3]  }
0x39: {  	_ = 	snop;
	(pc) =	sbr.ind lr, $3  }
0x3a: {  	_ = 	snop  }
0x3b: {  	_ = 	snop  }
0x3c: {  	p2 =	seq.s32 s10, $0x1;
	s10 =	sld [smem:$0x3FB2]  }
0x3d: {  	_ =	shalt  }
0x3e: {  	_ =	shalt  }
0x3f: {  	_ =	shalt  }
0x40: {  	_ =	shalt  }
0x41: {  	_ =	shalt  }
0x42: {  	_ =	shalt  }
0x43: {  	_ =	shalt  }
0x44: {  	_ =	shalt  }
0x45: {  	_ =	shalt  }
0x46: {  	_ =	shalt  }
0x47: {  	_ =	shalt  }
0x48: {  	_ =	shalt  }
0x49: {  	_ =	shalt  }
0x4a: {  	_ =	shalt  }
0x4b: {  	_ =	shalt  }
0x4c: {  	_ =	shalt  }
0x4d: {  	_ =	shalt  }
0x4e: {  	_ =	shalt  }
0x4f: {  	_ =	shalt  }
0x50: {  	_ =	shalt  }
0x51: {  	_ =	shalt  }
0x52: {  	_ =	shalt  }
0x53: {  	_ =	shalt  }
0x54: {  	_ =	shalt  }
0x55: {  	_ =	shalt  }
0x56: {  	_ =	shalt  }
0x57: {  	_ =	shalt  }
0x58: {  	_ =	shalt  }
0x59: {  	_ =	shalt  }
0x5a: {  	_ =	shalt  }
0x5b: {  	_ =	shalt  }
0x5c: {  	_ =	shalt  }
0x5d: {  	_ =	shalt  }
0x5e: {  	_ =	shalt  }
0x5f: {  	_ =	shalt  }
0x60: {  	_ =	shalt  }
0x61: {  	_ =	shalt  }
0x62: {  	_ =	shalt  }
0x63: {  	_ =	shalt  }
0x64: {  	_ =	shalt  }
0x65: {  	_ =	shalt  }
0x66: {  	_ =	shalt  }
0x67: {  	_ =	shalt  }
0x68: {  	_ =	shalt  }
0x69: {  	_ =	shalt  }
0x6a: {  	_ =	shalt  }
0x6b: {  	_ =	shalt  }
0x6c: {  	_ =	shalt  }
0x6d: {  	_ =	shalt  }
0x6e: {  	_ =	shalt  }
0x6f: {  	_ =	shalt  }
0x70: {  	_ =	shalt  }
0x71: {  	_ =	shalt  }
0x72: {  	_ =	shalt  }
0x73: {  	_ =	shalt  }
0x74: {  	_ =	shalt  }
0x75: {  	_ =	shalt  }
0x76: {  	_ =	shalt  }
0x77: {  	_ =	shalt  }
0x78: {  	_ =	shalt  }
0x79: {  	_ =	shalt  }
0x7a: {  	_ =	shalt  }
0x7b: {  	_ =	shalt  }
0x7c: {  	_ =	shalt  }
0x7d: {  	_ =	shalt  }
0x7e: {  	_ =	shalt  }
0x7f: {  	_ =	shalt  }
0x80: {  	_ =	shalt  }
0x81: {  	_ =	shalt  }
0x82: {  	_ =	shalt  }
0x83: {  	_ =	shalt  }
0x84: {  	_ =	shalt  }
0x85: {  	_ =	shalt  }
0x86: {  	_ =	shalt  }
0x87: {  	_ =	shalt  }
.Lfunc_end0:
.L_simem_size_0:
called_computation.2_lowered:
.L_overlay_start_0:
0x88: {  	s2 =	sld [smem:$0x3FD9]  }
0x89: {  	s3 =	sld [smem:$0x3FFE];
	_ =	sdelay $0x1  }
0x8a: {  	s1 =	srdreg.scid  }
0x8b: {  	s0 =	sand.u32 $0x1, s1  }
0x8c: {  	s16 =	sshll.u32 s0, $0xA;
	s2 =	sadd.s32 s3, s2  }
0x8d: {  	s2 =	sadd.s32 s2, s16  }
0x8e: {  	[smem:$0x3FBE] =	sst s2  }
0x8f: {  	_ = 	snop  }
0x90: {  	(tm) =	ssettm $0x1  }
0x91: {  	s17 =	sld [smem:$0x3FFB];
	_ =	sdelay $0x3  }
0x92: {  	_ =	strace s17  }
0x93: {  	s2 =	sld [smem:$0x3FFC];
	_ =	sdelay $0x3  }
0x94: {  	_ =	strace s2  }
0x95: {  	s2 =	sld [smem:$0x3FFD];
	_ =	sdelay $0x3  }
0x96: {  	_ =	strace s2  }
0x97: {  	_ =	strace $0x8FFFFFFF  }
0x98: {  	s18 =	sld [smem:$0x3FDB];
	_ =	sdelay $0x1  }
0x99: {  	s19 =	simm.s32 $_scs_section_size  }
0x9a: {  	s4 =	simm.s32 $_size__tile_overlayer_lowered;
	s5 =	simm.s32 $_tile_overlayer_lowered  }
0x9b: {  	s22 =	simm.s32 $0x1BFF;
	s21 =	sshll.u32 s5, $0x1;
	s2 =	sadd.s32 s19, s18  }
0x9c: {  	s6 =	simm.s32 $0x0;
	s20 =	sshll.u32 s4, $0x1;
	s4 =	sadd.s32 s21, s2  }
0x9d: {  	[timem:s6], [sflag:s22] =	dma.local [hbm:s4], s20  }
0x9e: {  	_ =	swait.ge [sflag:s22], s20  }
0x9f: {  	s3 =	ssub.s32 $0x0, s20;
	[sflag:s22] =	ssyncset.done $0x0  }
0xa0: {  	[sflag:s22] =	ssyncadd.s32 s3;
	_ =	sdelay $0x1  }
0xa1: {  	s23 =	simm.s32 $0x1B8B  }
0xa2: {  	_ =	swait.ge [sflag:s23], $0x1  }
0xa3: {  	[sflag:s23] =	ssyncset.done $0x0  }
0xa4: {  	s25 =	simm.s32 $0x1B8E;
	s24 =	sld [smem:$0x3FFE];
	[sflag:s23] =	ssyncadd.s32 $0xFFFFFFFF  }
0xa5: {  	s26 =	simm.s32 $execute0_lowered;
	[smem:$0x3FD2] =	sst s25  }
0xa6: {  	s4 =	sshll.u32 s26, $0x1;
	_ =	strace $0x8000004C;
	[dreg:$0x1] =	wrdreg $0xFFFFFFFF  }
0xa7: {  	s28 =	simm.s32 $_size_execute0_lowered;
	s2 =	sadd.s32 s2, s4;
	[dreg:$0x0] =	wrdreg $0x0  }
0xa8: {  	s4 =	sshll.u32 s28, $0x1;
	[dreg:$0x2] =	wrdreg s2  }
0xa9: {  	[dreg:$0x3] =	wrdreg s4  }
0xaa: {  	[dreg:$0x4] =	wrdreg $0xC0  }
0xab: {  	_ =	task [dreg:s6], $0x5FFFF  }
0xac: {  	[dreg:$0x1] =	wrdreg $0xFFFFFFFF  }
0xad: {  	[dreg:$0x0] =	wrdreg $0x60  }
0xae: {  	[dreg:$0x2] =	wrdreg s24  }
0xaf: {  	[dreg:$0x3] =	wrdreg $0x9  }
0xb0: {  	_ =	task.clear_ibuf [dreg:s6], $0x4FFFF;
	_ =	strace $0x9000004C  }
0xb1: {  	s29 =	simm.s32 $0x9;
	_ =	strace $0x8000004E  }
0xb2: {  	_ =	swait.ge [sflag:s29], $0x1  }
0xb3: {  	[sflag:s29] =	ssyncadd.s32 $0xFFFFFFFF  }
0xb4: {  	_ =	strace $0x9000004E  }
0xb5: {  	_ =	sfence  }
0xb6: {  	s30 =	sld [smem:$0x0];
	_ =	sdelay $0x2  }
0xb7: {  	s31 =	sshll.u32 s1, $0xD;
	s1 =	sshrl.u32 s1, $0x2  }
0xb8: {  	s3 =	sand.u32 $0x4000, s31;
	s1 =	sadd.s32 s1, s30  }
0xb9: {  	s0 =	sor.u32 s3, s0;
	s1 =	sshll.u32 s1, $0x11  }
0xba: {  	s0 =	sor.u32 s1, s0  }
0xbb: {  	s0 =	sadd.s32 $0x8F2B, s0  }
0xbc: {  	[sflag:s0] =	ssyncadd.remote.s32 $0x1  }
0xbd: {  	_ =	sfence.sel $0xFFFF  }
0xbe: {  	[dreg:$0x0] =	wrdreg $0xFFFFFFFF;
	(pc) =	sbr.abs _section_cstart, $3  }
0xbf: {  	[dreg:$0x1] =	wrdreg $0xFFFFFFFF  }
0xc0: {  	_ =	task.clear_ibuf [dreg:s6], $0x2FFFF;
	_ =	strace $0x9FFFFFFF  }
0xc1: {  	(tm) =	ssettm $0x7FFFFFFF  }
tec
execute0_lowered:
.L_overlay_start_1:
0x0: {  	(tag) =	ssettag $0x1  }
0x1: {  	s1 =	srdreg.scid  }
0x2: {  	s0 =	stileid.u32;
	s6 =	rddreg [dreg:$0x0]  }
0x3: {  	s9 =	simm.s32 $0x200;
	s10 =	simm.s32 $0x400;
	s11 =	simm.s32 $0x3  }
0x4: {  	s12 =	simm.s32 $0x1;
	s13 =	simm.s32 $0x14000;
	s3 =	sand.u32 $0x1, s1  }
0x5: {  	s14 =	simm.s32 $0x15000;
	s2 =	sshll.u32 s0, $0x2;
	s1 =	sshll.u32 s3, $0x6  }
0x6: {  	s15 =	simm.s32 $0xA000;
	s16 =	simm.s32 $0x2;
	s1 =	sor.u32 s2, s1  }
0x7: {  	s17 =	simm.s32 $0x0;
	s5 =	sshll.u32 s0, $0x9;
	s1 =	sshrl.u32 s1, $0x3  }
0x8: {  	s5 =	sand.u32 $0x200, s5;
	s30 =	ssub.s32 $0x2, s3;
	s4 =	smul.u32 $0x14000, s1  }
0x9: {  	s3 =	sadd.s32 $0x4C00, s6;
	s2 =	simm.s32 $0x0;
	s31 =	sshrl.u32 s30, $0x1  }
0xa: {  	[smem:$0x7FF] =	sst s2;
	s8 =	ssub.s32 s30, s31;
	s4 =	sor.u32 s5, s4  }
0xb: {  	s1 =	rddreg [dreg:$0x1];
	_ =	strace $0x8000004D;
	s4 =	sshrl.u32 s4, $0x3  }
0xc: {  	s8 =	smax.u32 s8, $0x1;
	s5 =	sadd.s32 $0x4E00, s6;
	s7 =	sadd.s32 s4, s6  }
0xd: {  	v0 =	vimm.f32 $0.0e+00;
	s6 =	sadd.s32 $0x5000, s6;
	s4 =	sadd.s32 $0x18800, s7;
	s7 =	sadd.s32 $0x40800, s7  }
.LBB2_1:
0xe: {  	[tilespmem:s2], [sflag:$0x3] =	stream.strided.gather [hbm4b:s4+s9], $0xA000, s10, s9, $0x38;
	[tilespmem:$0x16000] =	vst v63  }
0xf: {  	_ =	swait.ge [sflag:s11], $0xA000  }
0x10: {  	s18 =	sand.u32 $0x40, s2;
	s19 =	sand.u32 $0xFE00, s2;
	[sflag:s11] =	ssyncset.done $0x0  }
0x11: {  	s20 =	sor.u32 s18, s19;
	[sflag:s11] =	ssyncadd.s32 $0xFFFF6000  }
0x12: {  	[tilespmem:s20+$0xA030] =	vst v0  }
0x13: {  	[tilespmem:s20+$0xA080] =	vst v0  }
0x14: {  	[tilespmem:s20+$0xA0B0] =	vst v0  }
0x15: {  	p0 =	por $0x0, $0x0;
	s18 =	simm.s32 $0x1;
	[tilespmem:s20+$0xA090] =	vst v0  }
0x16: {  	s18 =	simm.s32 @!p0 $0x0;
	[tilespmem:s20+$0xA0A0] =	vst v0  }
0x17: {  	s18 =	sshll.u32 s18, $0x6;
	[tilespmem:s20+$0xA000] =	vst v0  }
0x18: {  	s18 =	sadd.s32 $0x0, s18;
	[tilespmem:s20+$0xA010] =	vst v0  }
0x19: {  	[tilespmem:s20+$0xA020] =	vst v0;
	s25 =	sor.u32 $0x100, s18  }
0x1a: {  	s26 =	sor.u32 $0x180, s18;
	s21 =	sadd.s32 $0x10, s18;
	[tilespmem:s25+$0xA000] =	vst v0  }
0x1b: {  	s22 =	sadd.s32 $0x30, s18;
	s28 =	sor.u32 $0x100, s21;
	[tilespmem:s26+$0xA000] =	vst v0  }
0x1c: {  	s30 =	sor.u32 $0x100, s22;
	[tilespmem:s28+$0xA000] =	vst v0  }
0x1d: {  	s19 =	simm.s32 $0x40;
	p0 =	por !p0, !p0;
	s29 =	sor.u32 $0x180, s21;
	[tilespmem:s30+$0xA000] =	vst v0  }
0x1e: {  	s20 =	simm.s32 $0x100;
	s23 =	sadd.s32 $0x20, s18;
	s31 =	sor.u32 $0x180, s22;
	[tilespmem:s29+$0xA000] =	vst v0  }
0x1f: {  	s18 =	simm.s32 $0x0;
	s21 =	sor.u32 $0x100, s23;
	s22 =	sor.u32 $0x180, s23;
	[tilespmem:s31+$0xA000] =	vst v0  }
.LBB2_2:
0x20: {  	s23 =	simm.s32 $0x1  }
0x21: {  	s24 =	sand.u32 $0x40, s19;
	s25 =	sand.u32 $0xFE00, s20;
	[tilespmem:s21+$0xA000] =	vst v0;
	s23 =	simm.s32 @!p0 $0x0  }
0x22: {  	s18 =	sadd.s32 $0x4, s18;
	s21 =	sshll.u32 s23, $0x6;
	s23 =	sor.u32 s24, s25;
	[tilespmem:s22+$0xA000] =	vst v0  }
0x23: {  	p1 =	slt.u32 s18, $0x27C;
	s22 =	sadd.s32 s21, s20;
	[tilespmem:s23+$0xA030] =	vst v0  }
0x24: {  	[tilespmem:s23+$0xA080] =	vst v0;
	s24 =	sor.u32 $0x100, s22;
	s25 =	sadd.s32 $0x10, s22;
	s26 =	sadd.s32 $0x20, s22  }
0x25: {  	s29 =	sadd.s32 $0x30, s22;
	s28 =	sor.u32 $0x100, s25;
	[tilespmem:s23+$0xA0B0] =	vst v0  }
0x26: {  	s21 =	sor.u32 $0x100, s26;
	[tilespmem:s23+$0xA090] =	vst v0  }
0x27: {  	s30 =	sor.u32 $0x100, s29;
	[tilespmem:s23+$0xA0A0] =	vst v0  }
0x28: {  	[tilespmem:s23+$0xA000] =	vst v0  }
0x29: {  	s22 =	sor.u32 $0x180, s22;
	[tilespmem:s24+$0xA000] =	vst v0;
	s24 =	sor.u32 $0x180, s29  }
0x2a: {  	[tilespmem:s22+$0xA000] =	vst v0  }
0x2b: {  	[tilespmem:s23+$0xA010] =	vst v0  }
.Ltmp0:
0x2c: {  	s22 =	sor.u32 $0x180, s25;
	[tilespmem:s28+$0xA000] =	vst v0;
	(pc) =	sbr.rel @p1 .LBB2_2-.Ltmp0, $4  }
0x2d: {  	[tilespmem:s22+$0xA000] =	vst v0  }
0x2e: {  	[tilespmem:s30+$0xA000] =	vst v0  }
0x2f: {  	s19 =	sadd.s32 $0x40, s19;
	[tilespmem:s24+$0xA000] =	vst v0  }
0x30: {  	p0 =	por !p0, !p0;
	s20 =	sadd.s32 $0x100, s20;
	s22 =	sor.u32 $0x180, s26;
	[tilespmem:s23+$0xA020] =	vst v0  }
0x31: {  	[tilespmem:s21+$0xA000] =	vst v0  }
0x32: {  	s18 =	simm.s32 $0x0;
	[tilespmem:s22+$0xA000] =	vst v0  }
0x33: {  	[tilespmem:s13], [sflag:$0x1] =	stream.linear.gather [hbm4b:s3+s18], $0x1000, $0x38;
	[tilespmem:$0x16000] =	vst v63  }
.LBB2_4:
0x34: {  	s19 =	sshll.u32 s18, $0xA  }
0x35: {  	s19 =	sadd.s32 s19, s5  }
0x36: {  	[tilespmem:s14], [sflag:$0x2] =	stream.linear.gather [hbm4b:s19+s2], $0x1000, $0x38;
	[tilespmem:$0x16000] =	vst v63  }
0x37: {  	_ =	swait.ge [sflag:s12], $0x1000  }
0x38: {  	[sflag:s12] =	ssyncset.done $0x0  }
0x39: {  	s19 =	simm.s32 $0x14080;
	[sflag:s12] =	ssyncadd.s32 $0xFFFFF000  }
0x3a: {  	v1 =	vld [tilespmem:s19+$0xFFFFFFF0]  }
0x3b: {  	v2 =	vld [tilespmem:s19+$0x0]  }
0x3c: {  	v3 =	vld [tilespmem:s19+$0xFFFFFF80]  }
0x3d: {  	v4 =	vld [tilespmem:s19+$0xFFFFFFE0]  }
0x3e: {  	v12 =	vld [tilespmem:s19+$0xFFFFFFA0]  }
0x3f: {  	v5 =	vld [tilespmem:s19+$0xFFFFFF90]  }
0x40: {  	v7 =	vld [tilespmem:s19+$0xFFFFFFC0];
	v10 =	vand.u32 $0x7F, v2;
	v2 =	vshll.u32 v2, $0x2;
	v9 =	vshll.u32 v1, $0x2  }
0x41: {  	v6 =	vld [tilespmem:s19+$0xFFFFFFB0];
	v11 =	vand.u32 $0x7F, v3;
	v1 =	vand.u32 $0x7F, v1;
	v14 =	vshll.u32 v3, $0x2  }
0x42: {  	v15 =	vshll.u32 v4, $0x2;
	v4 =	vand.u32 $0x7F, v4;
	v9 =	vand.u32 $0xFFFFFE00, v9  }
0x43: {  	v8 =	vld [tilespmem:s19+$0x70];
	v16 =	vshll.u32 v12, $0x2;
	v12 =	vand.u32 $0x7F, v12;
	v3 =	vor.u32 v1, v9  }
0x44: {  	v13 =	vld [tilespmem:s19+$0xFFFFFFD0];
	v1 =	vand.u32 $0xFFFFFE00, v14;
	v9 =	vand.u32 $0xFFFFFE00, v15;
	v14 =	vand.u32 $0xFFFFFE00, v2  }
0x45: {  	v17 =	vld [tilespmem:s19+$0x10];
	v2 =	vor.u32 v11, v1;
	v11 =	vor.u32 v4, v9;
	v1 =	vshll.u32 v7, $0x2  }
0x46: {  	v18 =	vld [tilespmem:s19+$0x40];
	v4 =	vshll.u32 v6, $0x2;
	v9 =	vshll.u32 v5, $0x2;
	v5 =	vand.u32 $0x7F, v5  }
0x47: {  	v19 =	vld [tilespmem:s19+$0x60];
	v6 =	vand.u32 $0x7F, v6;
	v7 =	vand.u32 $0x7F, v7;
	v9 =	vand.u32 $0xFFFFFE00, v9  }
0x48: {  	v21 =	vld [tilespmem:s19+$0x30];
	v4 =	vand.u32 $0xFFFFFE00, v4;
	v1 =	vand.u32 $0xFFFFFE00, v1;
	v5 =	vor.u32 v5, v9  }
0x49: {  	v15 =	vld [tilespmem:s19+$0x20];
	v9 =	vor.u32 v6, v4;
	v4 =	vand.u32 $0xFFFFFE00, v16;
	v6 =	vor.u32 v7, v1  }
0x4a: {  	v7 =	vshll.u32 v13, $0x2;
	v4 =	vor.u32 v12, v4;
	v12 =	vand.u32 $0x7F, v13;
	v13 =	vld [tilespmem:s19+$0x50]  }
0x4b: {  	v20 =	vld.idx.msk [tilespmem:v3+s2+$0x0], $0xffff  }
0x4c: {  	v7 =	vand.u32 $0xFFFFFE00, v7;
	v22 =	vld.idx.msk [tilespmem:v11+s2+$0x0], $0xffff  }
0x4d: {  	v1 =	vor.u32 v10, v14;
	v14 =	vshll.u32 v19, $0x2;
	v7 =	vor.u32 v12, v7;
	v10 =	vld.idx.msk [tilespmem:v2+s2+$0x0], $0xffff  }
0x4e: {  	v14 =	vand.u32 $0xFFFFFE00, v14;
	v12 =	vand.u32 $0x7F, v19;
	v23 =	vld.idx.msk [tilespmem:v5+s2+$0x0], $0xffff  }
0x4f: {  	v24 =	vshll.u32 v21, $0x2;
	v25 =	vshll.u32 v8, $0x2;
	v16 =	vor.u32 v12, v14;
	v19 =	vld.idx.msk [tilespmem:v9+s2+$0x0], $0xffff  }
0x50: {  	v12 =	vand.u32 $0x7F, v21;
	v14 =	vand.u32 $0xFFFFFE00, v24;
	v24 =	vor.u32 $0x80, v11;
	v21 =	vld.idx.msk [tilespmem:v6+s2+$0x0], $0xffff  }
0x51: {  	v8 =	vand.u32 $0x7F, v8;
	v14 =	vor.u32 v12, v14;
	v12 =	vand.u32 $0xFFFFFE00, v25;
	v26 =	vld.idx.msk [tilespmem:v4+s2+$0x0], $0xffff  }
0x52: {  	v8 =	vor.u32 v8, v12;
	v27 =	vld.idx.msk [tilespmem:v7+s2+$0x0], $0xffff  }
0x53: {  	v28 =	vor.u32 $0x80, v3;
	v25 =	vor.u32 $0x80, v9;
	v12 =	vshll.u32 v13, $0x2;
	[tilespmem:v1+s15+$0x0] =	vst.idx.add.f32.msk $0xffff, v10  }
0x54: {  	v29 =	vor.u32 $0x80, v16;
	v13 =	vand.u32 $0x7F, v13;
	v12 =	vand.u32 $0xFFFFFE00, v12;
	[tilespmem:v16+s15+$0x0] =	vst.idx.add.f32.msk $0xffff, v22  }
0x55: {  	v10 =	vshll.u32 v15, $0x2;
	v15 =	vand.u32 $0x7F, v15;
	v13 =	vor.u32 v13, v12;
	v24 =	vld.idx.msk [tilespmem:v24+s2+$0x0], $0xffff  }
0x56: {  	v12 =	vshll.u32 v17, $0x2;
	v17 =	vand.u32 $0x7F, v17;
	v10 =	vand.u32 $0xFFFFFE00, v10;
	[tilespmem:v14+s15+$0x0] =	vst.idx.add.f32.msk $0xffff, v19  }
0x57: {  	v12 =	vand.u32 $0xFFFFFE00, v12;
	v10 =	vor.u32 v15, v10;
	v15 =	vshll.u32 v18, $0x2;
	[tilespmem:v8+s15+$0x0] =	vst.idx.add.f32.msk $0xffff, v20  }
0x58: {  	v25 =	vld.idx.msk [tilespmem:v25+s2+$0x0], $0xffff;
	v20 =	vand.u32 $0xFFFFFE00, v15;
	v15 =	vor.u32 v17, v12  }
0x59: {  	v18 =	vand.u32 $0x7F, v18;
	v28 =	vld.idx.msk [tilespmem:v28+s2+$0x0], $0xffff;
	v17 =	vor.u32 $0x80, v7  }
0x5a: {  	v12 =	vor.u32 v18, v20;
	v18 =	vor.u32 $0x80, v5;
	[tilespmem:v13+s15+$0x0] =	vst.idx.add.f32.msk $0xffff, v27  }
0x5b: {  	v19 =	vor.u32 $0x80, v4;
	[tilespmem:v29+s15+$0x0] =	vst.idx.add.f32.msk $0xffff, v24  }
0x5c: {  	[tilespmem:v10+s15+$0x0] =	vst.idx.add.f32.msk $0xffff, v26  }
0x5d: {  	[tilespmem:v15+s15+$0x0] =	vst.idx.add.f32.msk $0xffff, v23  }
0x5e: {  	v24 =	vor.u32 $0x80, v14;
	v27 =	vld.idx.msk [tilespmem:v17+s2+$0x0], $0xffff  }
0x5f: {  	v17 =	vld.idx.msk [tilespmem:v18+s2+$0x0], $0xffff;
	v18 =	vor.u32 $0x100, v11  }
0x60: {  	v22 =	vld.idx.msk [tilespmem:v19+s2+$0x0], $0xffff;
	v19 =	vor.u32 $0x80, v8  }
0x61: {  	v63 =	vor.u32 $0x80, v13  }
0x62: {  	v20 =	vor.u32 $0x100, v3;
	[tilespmem:v12+s15+$0x0] =	vst.idx.add.f32.msk $0xffff, v21  }
0x63: {  	v21 =	vor.u32 $0x80, v6;
	[tilespmem:v24+s15+$0x0] =	vst.idx.add.f32.msk $0xffff, v25  }
0x64: {  	v24 =	vld.idx.msk [tilespmem:v18+s2+$0x0], $0xffff;
	v18 =	vor.u32 $0x80, v15  }
0x65: {  	[tilespmem:v19+s15+$0x0] =	vst.idx.add.f32.msk $0xffff, v28  }
0x66: {  	[tilespmem:v63+s15+$0x0] =	vst.idx.add.f32.msk $0xffff, v27  }
0x67: {  	v23 =	vld.idx.msk [tilespmem:v20+s2+$0x0], $0xffff  }
0x68: {  	s20 =	simm.s32 $0x0;
	v25 =	vor.u32 $0x80, v12;
	v26 =	vld.idx.msk [tilespmem:v21+s2+$0x0], $0xffff  }
.LBB2_5:
0x69: {  	s20 =	sadd.s32 $0x8, s20;
	[tilespmem:v18+s15+$0x0] =	vst.idx.add.f32.msk $0xffff, v17;
	s19 =	sadd.s32 $0x100, s19  }
0x6a: {  	v17 =	vld [tilespmem:s19+$0x70];
	p0 =	slt.u32 s20, $0x78  }
0x6b: {  	v18 =	vld [tilespmem:s19+$0xFFFFFF90]  }
0x6c: {  	v20 =	vld [tilespmem:s19+$0xFFFFFFA0]  }
0x6d: {  	v27 =	vor.u32 $0x100, v5;
	v21 =	vld [tilespmem:s19+$0xFFFFFFB0]  }
0x6e: {  	v19 =	vld [tilespmem:s19+$0xFFFFFFC0]  }
0x6f: {  	v28 =	vld [tilespmem:s19+$0xFFFFFFD0]  }
0x70: {  	v29 =	vld [tilespmem:s19+$0xFFFFFFE0]  }
0x71: {  	[tilespmem:v25+s15+$0x0] =	vst.idx.add.f32.msk $0xffff, v26;
	v25 =	vor.u32 $0x100, v8  }
0x72: {  	v26 =	vld.idx.msk [tilespmem:v27+s2+$0x0], $0xffff;
	v27 =	vor.u32 $0x100, v16  }
0x73: {  	v31 =	vor.u32 $0x100, v9;
	v30 =	vld [tilespmem:s19+$0xFFFFFFF0]  }
0x74: {  	v33 =	vor.u32 $0x80, v2;
	v32 =	vld [tilespmem:s19+$0xFFFFFF80]  }
0x75: {  	v11 =	vor.u32 $0x180, v11;
	v34 =	vld [tilespmem:s19+$0x0]  }
0x76: {  	v35 =	vor.u32 $0x80, v10;
	[tilespmem:v25+s15+$0x0] =	vst.idx.add.f32.msk $0xffff, v23  }
0x77: {  	v23 =	vor.u32 $0x100, v7;
	[tilespmem:v27+s15+$0x0] =	vst.idx.add.f32.msk $0xffff, v24  }
0x78: {  	v24 =	vor.u32 $0x100, v4;
	v25 =	vld.idx.msk [tilespmem:v31+s2+$0x0], $0xffff  }
0x79: {  	v31 =	vor.u32 $0x100, v6;
	v27 =	vld.idx.msk [tilespmem:v33+s2+$0x0], $0xffff  }
0x7a: {  	v33 =	vor.u32 $0x100, v15;
	v11 =	vld.idx.msk [tilespmem:v11+s2+$0x0], $0xffff  }
0x7b: {  	v16 =	vor.u32 $0x180, v16;
	[tilespmem:v35+s15+$0x0] =	vst.idx.add.f32.msk $0xffff, v22  }
0x7c: {  	v22 =	vor.u32 $0x80, v1;
	v23 =	vld.idx.msk [tilespmem:v23+s2+$0x0], $0xffff  }
0x7d: {  	v35 =	vor.u32 $0x100, v14;
	v24 =	vld.idx.msk [tilespmem:v24+s2+$0x0], $0xffff  }
0x7e: {  	v9 =	vor.u32 $0x180, v9;
	v31 =	vld.idx.msk [tilespmem:v31+s2+$0x0], $0xffff  }
0x7f: {  	[tilespmem:v33+s15+$0x0] =	vst.idx.add.f32.msk $0xffff, v26;
	v26 =	vor.u32 $0x100, v12  }
0x80: {  	v3 =	vor.u32 $0x180, v3;
	[tilespmem:v16+s15+$0x0] =	vst.idx.add.f32.msk $0xffff, v11  }
0x81: {  	v11 =	vor.u32 $0x100, v13;
	[tilespmem:v22+s15+$0x0] =	vst.idx.add.f32.msk $0xffff, v27  }
0x82: {  	v16 =	vor.u32 $0x100, v2;
	[tilespmem:v35+s15+$0x0] =	vst.idx.add.f32.msk $0xffff, v25  }
0x83: {  	v5 =	vor.u32 $0x180, v5;
	v9 =	vld.idx.msk [tilespmem:v9+s2+$0x0], $0xffff  }
0x84: {  	v7 =	vor.u32 $0x180, v7;
	[tilespmem:v26+s15+$0x0] =	vst.idx.add.f32.msk $0xffff, v31  }
0x85: {  	v14 =	vor.u32 $0x180, v14;
	v3 =	vld.idx.msk [tilespmem:v3+s2+$0x0], $0xffff  }
0x86: {  	v6 =	vor.u32 $0x180, v6;
	[tilespmem:v11+s15+$0x0] =	vst.idx.add.f32.msk $0xffff, v23  }
0x87: {  	v11 =	vld.idx.msk [tilespmem:v16+s2+$0x0], $0xffff;
	v16 =	vor.u32 $0x100, v10  }
0x88: {  	v22 =	vor.u32 $0x100, v1;
	v5 =	vld.idx.msk [tilespmem:v5+s2+$0x0], $0xffff  }
0x89: {  	v4 =	vor.u32 $0x180, v4;
	v2 =	vor.u32 $0x180, v2;
	v7 =	vld.idx.msk [tilespmem:v7+s2+$0x0], $0xffff  }
0x8a: {  	[tilespmem:v14+s15+$0x0] =	vst.idx.add.f32.msk $0xffff, v9  }
0x8b: {  	v9 =	vor.u32 $0x180, v15;
	v6 =	vld.idx.msk [tilespmem:v6+s2+$0x0], $0xffff  }
0x8c: {  	v13 =	vor.u32 $0x180, v13;
	[tilespmem:v16+s15+$0x0] =	vst.idx.add.f32.msk $0xffff, v24  }
0x8d: {  	v8 =	vor.u32 $0x180, v8;
	[tilespmem:v22+s15+$0x0] =	vst.idx.add.f32.msk $0xffff, v11  }
0x8e: {  	v12 =	vor.u32 $0x180, v12;
	v14 =	vor.u32 $0x180, v1;
	v11 =	vld.idx.msk [tilespmem:v2+s2+$0x0], $0xffff  }
0x8f: {  	v10 =	vor.u32 $0x180, v10;
	v1 =	vand.u32 $0x7F, v34;
	v2 =	vshll.u32 v34, $0x2;
	v4 =	vld.idx.msk [tilespmem:v4+s2+$0x0], $0xffff  }
0x90: {  	v15 =	vand.u32 $0x7F, v32;
	v16 =	vshll.u32 v32, $0x2;
	v2 =	vand.u32 $0xFFFFFE00, v2;
	[tilespmem:v9+s15+$0x0] =	vst.idx.add.f32.msk $0xffff, v5  }
0x91: {  	v5 =	vand.u32 $0xFFFFFE00, v16;
	v1 =	vor.u32 v1, v2;
	v9 =	vshll.u32 v30, $0x2;
	[tilespmem:v13+s15+$0x0] =	vst.idx.add.f32.msk $0xffff, v7  }
0x92: {  	v16 =	vand.u32 $0x7F, v30;
	v7 =	vand.u32 $0x7F, v29;
	v13 =	vshll.u32 v29, $0x2;
	[tilespmem:v8+s15+$0x0] =	vst.idx.add.f32.msk $0xffff, v3  }
0x93: {  	v2 =	vor.u32 v15, v5;
	v3 =	vshll.u32 v28, $0x2;
	v5 =	vand.u32 $0xFFFFFE00, v13;
	[tilespmem:v12+s15+$0x0] =	vst.idx.add.f32.msk $0xffff, v6  }
0x94: {  	v6 =	vshll.u32 v19, $0x2;
	v8 =	vand.u32 $0xFFFFFE00, v3;
	v3 =	vand.u32 $0xFFFFFE00, v9;
	[tilespmem:v14+s15+$0x0] =	vst.idx.add.f32.msk $0xffff, v11  }
0x95: {  	v9 =	vshll.u32 v21, $0x2;
	v12 =	vand.u32 $0x7F, v28;
	v3 =	vor.u32 v16, v3;
	[tilespmem:v10+s15+$0x0] =	vst.idx.add.f32.msk $0xffff, v4  }
0x96: {  	v13 =	vand.u32 $0x7F, v21;
	v9 =	vand.u32 $0xFFFFFE00, v9;
	v4 =	vshll.u32 v20, $0x2;
	v10 =	vld [tilespmem:s19+$0x20]  }
0x97: {  	v14 =	vshll.u32 v18, $0x2;
	v11 =	vor.u32 v7, v5;
	v4 =	vand.u32 $0xFFFFFE00, v4;
	v15 =	vld [tilespmem:s19+$0x10]  }
0x98: {  	v7 =	vor.u32 v12, v8;
	v5 =	vand.u32 $0xFFFFFE00, v14;
	v14 =	vand.u32 $0x7F, v20;
	v20 =	vld [tilespmem:s19+$0x40]  }
0x99: {  	v8 =	vand.u32 $0x7F, v18;
	v4 =	vor.u32 v14, v4;
	v14 =	vand.u32 $0x7F, v17;
	v12 =	vld [tilespmem:s19+$0x60]  }
0x9a: {  	v6 =	vand.u32 $0xFFFFFE00, v6;
	v5 =	vor.u32 v8, v5;
	v8 =	vand.u32 $0x7F, v19;
	v18 =	vld.idx.msk [tilespmem:v3+s2+$0x0], $0xffff  }
0x9b: {  	v9 =	vor.u32 v13, v9;
	v6 =	vor.u32 v8, v6;
	v16 =	vshll.u32 v10, $0x2;
	v19 =	vld [tilespmem:s19+$0x30]  }
0x9c: {  	v8 =	vshll.u32 v17, $0x2;
	v21 =	vshll.u32 v15, $0x2;
	v13 =	vand.u32 $0xFFFFFE00, v16;
	v22 =	vld.idx.msk [tilespmem:v11+s2+$0x0], $0xffff  }
0x9d: {  	v8 =	vand.u32 $0xFFFFFE00, v8;
	v17 =	vld.idx.msk [tilespmem:v2+s2+$0x0], $0xffff;
	v16 =	vshll.u32 v20, $0x2  }
0x9e: {  	v8 =	vor.u32 v14, v8;
	v23 =	vand.u32 $0xFFFFFE00, v16;
	v24 =	vld [tilespmem:s19+$0x50];
	v16 =	vshll.u32 v12, $0x2  }
0x9f: {  	v12 =	vand.u32 $0x7F, v12;
	v25 =	vld.idx.msk [tilespmem:v5+s2+$0x0], $0xffff;
	v14 =	vand.u32 $0xFFFFFE00, v16  }
0xa0: {  	v26 =	vld.idx.msk [tilespmem:v9+s2+$0x0], $0xffff;
	v27 =	vshll.u32 v19, $0x2;
	v16 =	vor.u32 v12, v14  }
0xa1: {  	v12 =	vand.u32 $0x7F, v19;
	v14 =	vand.u32 $0xFFFFFE00, v27;
	v19 =	vld.idx.msk [tilespmem:v6+s2+$0x0], $0xffff;
	v27 =	vor.u32 $0x80, v11  }
0xa2: {  	v28 =	vld.idx.msk [tilespmem:v4+s2+$0x0], $0xffff;
	v14 =	vor.u32 v12, v14  }
0xa3: {  	v29 =	vor.u32 $0x80, v9;
	[tilespmem:v1+s15+$0x0] =	vst.idx.add.f32.msk $0xffff, v17;
	v17 =	vor.u32 $0x80, v4;
	v30 =	vand.u32 $0x7F, v24  }
0xa4: {  	v31 =	vor.u32 $0x80, v3;
	v12 =	vand.u32 $0x7F, v20;
	v24 =	vshll.u32 v24, $0x2;
	v20 =	vld.idx.msk [tilespmem:v7+s2+$0x0], $0xffff  }
0xa5: {  	v10 =	vand.u32 $0x7F, v10;
	v12 =	vor.u32 v12, v23;
	v23 =	vand.u32 $0xFFFFFE00, v24;
	[tilespmem:v16+s15+$0x0] =	vst.idx.add.f32.msk $0xffff, v22  }
0xa6: {  	v10 =	vor.u32 v10, v13;
	v13 =	vor.u32 v30, v23;
	v23 =	vld.idx.msk [tilespmem:v27+s2+$0x0], $0xffff  }
0xa7: {  	v24 =	vor.u32 $0x80, v16;
	[tilespmem:v14+s15+$0x0] =	vst.idx.add.f32.msk $0xffff, v26  }
0xa8: {  	v26 =	vld.idx.msk [tilespmem:v29+s2+$0x0], $0xffff  }
0xa9: {  	v15 =	vand.u32 $0x7F, v15;
	v21 =	vand.u32 $0xFFFFFE00, v21;
	v27 =	vor.u32 $0x80, v6;
	[tilespmem:v8+s15+$0x0] =	vst.idx.add.f32.msk $0xffff, v18  }
0xaa: {  	v15 =	vor.u32 v15, v21;
	v18 =	vld.idx.msk [tilespmem:v31+s2+$0x0], $0xffff  }
0xab: {  	[tilespmem:v13+s15+$0x0] =	vst.idx.add.f32.msk $0xffff, v20  }
0xac: {  	v20 =	vor.u32 $0x80, v7;
	[tilespmem:v10+s15+$0x0] =	vst.idx.add.f32.msk $0xffff, v28  }
0xad: {  	v21 =	vor.u32 $0x80, v5;
	v22 =	vld.idx.msk [tilespmem:v17+s2+$0x0], $0xffff  }
0xae: {  	[tilespmem:v24+s15+$0x0] =	vst.idx.add.f32.msk $0xffff, v23;
	v23 =	vor.u32 $0x80, v8  }
0xaf: {  	v24 =	vor.u32 $0x100, v3;
	[tilespmem:v15+s15+$0x0] =	vst.idx.add.f32.msk $0xffff, v25  }
0xb0: {  	v28 =	vor.u32 $0x80, v14;
	[tilespmem:v12+s15+$0x0] =	vst.idx.add.f32.msk $0xffff, v19  }
0xb1: {  	v25 =	vor.u32 $0x80, v12;
	v19 =	vld.idx.msk [tilespmem:v20+s2+$0x0], $0xffff  }
0xb2: {  	v20 =	vor.u32 $0x100, v11;
	v17 =	vld.idx.msk [tilespmem:v21+s2+$0x0], $0xffff  }
0xb3: {  	v21 =	vor.u32 $0x80, v13;
	[tilespmem:v23+s15+$0x0] =	vst.idx.add.f32.msk $0xffff, v18  }
.Ltmp1:
0xb4: {  	v18 =	vor.u32 $0x80, v15;
	v23 =	vld.idx.msk [tilespmem:v24+s2+$0x0], $0xffff;
	(pc) =	sbr.rel @p0 .LBB2_5-.Ltmp1, $4  }
0xb5: {  	[tilespmem:v28+s15+$0x0] =	vst.idx.add.f32.msk $0xffff, v26  }
0xb6: {  	v26 =	vld.idx.msk [tilespmem:v27+s2+$0x0], $0xffff  }
0xb7: {  	v24 =	vld.idx.msk [tilespmem:v20+s2+$0x0], $0xffff  }
0xb8: {  	[tilespmem:v21+s15+$0x0] =	vst.idx.add.f32.msk $0xffff, v19  }
0xb9: {  	_ = 	snop  }
0xba: {  	v19 =	vor.u32 $0x100, v5  }
0xbb: {  	v20 =	vor.u32 $0x100, v8  }
0xbc: {  	v21 =	vor.u32 $0x100, v16  }
0xbd: {  	[tilespmem:v18+s15+$0x0] =	vst.idx.add.f32.msk $0xffff, v17;
	v17 =	vor.u32 $0x100, v9  }
0xbe: {  	v18 =	vor.u32 $0x80, v2;
	[tilespmem:v25+s15+$0x0] =	vst.idx.add.f32.msk $0xffff, v26  }
0xbf: {  	v11 =	vor.u32 $0x180, v11;
	v19 =	vld.idx.msk [tilespmem:v19+s2+$0x0], $0xffff  }
0xc0: {  	v3 =	vor.u32 $0x180, v3;
	[tilespmem:v20+s15+$0x0] =	vst.idx.add.f32.msk $0xffff, v23  }
0xc1: {  	v25 =	vor.u32 $0x80, v10;
	[tilespmem:v21+s15+$0x0] =	vst.idx.add.f32.msk $0xffff, v24  }
0xc2: {  	v20 =	vor.u32 $0x100, v7;
	v17 =	vld.idx.msk [tilespmem:v17+s2+$0x0], $0xffff  }
0xc3: {  	v21 =	vor.u32 $0x100, v4;
	v18 =	vld.idx.msk [tilespmem:v18+s2+$0x0], $0xffff  }
0xc4: {  	v23 =	vor.u32 $0x100, v6;
	v11 =	vld.idx.msk [tilespmem:v11+s2+$0x0], $0xffff  }
0xc5: {  	v24 =	vor.u32 $0x100, v15;
	v3 =	vld.idx.msk [tilespmem:v3+s2+$0x0], $0xffff  }
0xc6: {  	v16 =	vor.u32 $0x180, v16;
	[tilespmem:v25+s15+$0x0] =	vst.idx.add.f32.msk $0xffff, v22  }
0xc7: {  	v5 =	vor.u32 $0x180, v5;
	v20 =	vld.idx.msk [tilespmem:v20+s2+$0x0], $0xffff  }
0xc8: {  	v8 =	vor.u32 $0x180, v8;
	v21 =	vld.idx.msk [tilespmem:v21+s2+$0x0], $0xffff  }
0xc9: {  	v22 =	vor.u32 $0x80, v1;
	v23 =	vld.idx.msk [tilespmem:v23+s2+$0x0], $0xffff  }
0xca: {  	v25 =	vor.u32 $0x100, v14;
	[tilespmem:v24+s15+$0x0] =	vst.idx.add.f32.msk $0xffff, v19  }
0xcb: {  	v9 =	vor.u32 $0x180, v9;
	[tilespmem:v16+s15+$0x0] =	vst.idx.add.f32.msk $0xffff, v11  }
0xcc: {  	v11 =	vor.u32 $0x100, v13;
	v5 =	vld.idx.msk [tilespmem:v5+s2+$0x0], $0xffff  }
0xcd: {  	v16 =	vor.u32 $0x100, v2;
	[tilespmem:v8+s15+$0x0] =	vst.idx.add.f32.msk $0xffff, v3  }
0xce: {  	v19 =	vor.u32 $0x100, v12;
	[tilespmem:v22+s15+$0x0] =	vst.idx.add.f32.msk $0xffff, v18  }
0xcf: {  	v6 =	vor.u32 $0x180, v6;
	[tilespmem:v25+s15+$0x0] =	vst.idx.add.f32.msk $0xffff, v17  }
0xd0: {  	v7 =	vor.u32 $0x180, v7;
	v9 =	vld.idx.msk [tilespmem:v9+s2+$0x0], $0xffff  }
0xd1: {  	v14 =	vor.u32 $0x180, v14;
	[tilespmem:v11+s15+$0x0] =	vst.idx.add.f32.msk $0xffff, v20  }
0xd2: {  	v11 =	vld.idx.msk [tilespmem:v16+s2+$0x0], $0xffff;
	v16 =	vor.u32 $0x100, v10  }
0xd3: {  	v17 =	vor.u32 $0x100, v1;
	[tilespmem:v19+s15+$0x0] =	vst.idx.add.f32.msk $0xffff, v23  }
0xd4: {  	v2 =	vor.u32 $0x180, v2;
	v6 =	vld.idx.msk [tilespmem:v6+s2+$0x0], $0xffff  }
0xd5: {  	v4 =	vor.u32 $0x180, v4;
	v7 =	vld.idx.msk [tilespmem:v7+s2+$0x0], $0xffff  }
0xd6: {  	v13 =	vor.u32 $0x180, v13;
	[tilespmem:v14+s15+$0x0] =	vst.idx.add.f32.msk $0xffff, v9  }
0xd7: {  	v9 =	vor.u32 $0x180, v15;
	[tilespmem:v16+s15+$0x0] =	vst.idx.add.f32.msk $0xffff, v21  }
0xd8: {  	[tilespmem:v17+s15+$0x0] =	vst.idx.add.f32.msk $0xffff, v11;
	v11 =	vor.u32 $0x180, v12  }
0xd9: {  	v1 =	vor.u32 $0x180, v1;
	v2 =	vld.idx.msk [tilespmem:v2+s2+$0x0], $0xffff  }
0xda: {  	v10 =	vor.u32 $0x180, v10;
	v4 =	vld.idx.msk [tilespmem:v4+s2+$0x0], $0xffff  }
0xdb: {  	[tilespmem:v13+s15+$0x0] =	vst.idx.add.f32.msk $0xffff, v7  }
0xdc: {  	s19 =	sshll.u32 s18, $0x1;
	[tilespmem:v9+s15+$0x0] =	vst.idx.add.f32.msk $0xffff, v5  }
0xdd: {  	s19 =	smin.u32 s19, $0x9B;
	[tilespmem:v11+s15+$0x0] =	vst.idx.add.f32.msk $0xffff, v6  }
0xde: {  	s19 =	sshll.u32 s19, $0x9;
	[tilespmem:v1+s15+$0x0] =	vst.idx.add.f32.msk $0xffff, v2  }
0xdf: {  	s19 =	sadd.s32 s19, s6;
	[tilespmem:v10+s15+$0x0] =	vst.idx.add.f32.msk $0xffff, v4  }
0xe0: {  	[tilespmem:s13], [sflag:$0x1] =	stream.linear.gather [hbm4b:s19+s2], $0x1000, $0x38;
	[tilespmem:$0x16000] =	vst v63  }
0xe1: {  	_ =	swait.ge [sflag:s16], $0x1000  }
0xe2: {  	[sflag:s16] =	ssyncset.done $0x0  }
0xe3: {  	s19 =	simm.s32 $0x150F0;
	[sflag:s16] =	ssyncadd.s32 $0xFFFFF000  }
0xe4: {  	v1 =	vld [tilespmem:s19+$0xFFFFFF80]  }
0xe5: {  	v2 =	vld [tilespmem:s19+$0xFFFFFF90]  }
0xe6: {  	v3 =	vld [tilespmem:s19+$0xFFFFFF10]  }
0xe7: {  	v4 =	vld [tilespmem:s19+$0xFFFFFF70]  }
0xe8: {  	v12 =	vld [tilespmem:s19+$0xFFFFFF30]  }
0xe9: {  	v5 =	vld [tilespmem:s19+$0xFFFFFF20]  }
0xea: {  	v7 =	vld [tilespmem:s19+$0xFFFFFF50];
	v10 =	vand.u32 $0x7F, v2;
	v2 =	vshll.u32 v2, $0x2;
	v9 =	vshll.u32 v1, $0x2  }
0xeb: {  	v6 =	vld [tilespmem:s19+$0xFFFFFF40];
	v11 =	vand.u32 $0x7F, v3;
	v1 =	vand.u32 $0x7F, v1;
	v14 =	vshll.u32 v3, $0x2  }
0xec: {  	v15 =	vshll.u32 v4, $0x2;
	v4 =	vand.u32 $0x7F, v4;
	v9 =	vand.u32 $0xFFFFFE00, v9  }
0xed: {  	v8 =	vld [tilespmem:s19+$0x0];
	v16 =	vshll.u32 v12, $0x2;
	v12 =	vand.u32 $0x7F, v12;
	v3 =	vor.u32 v1, v9  }
0xee: {  	v13 =	vld [tilespmem:s19+$0xFFFFFF60];
	v1 =	vand.u32 $0xFFFFFE00, v14;
	v9 =	vand.u32 $0xFFFFFE00, v15;
	v14 =	vand.u32 $0xFFFFFE00, v2  }
0xef: {  	v17 =	vld [tilespmem:s19+$0xFFFFFFA0];
	v2 =	vor.u32 v11, v1;
	v11 =	vor.u32 v4, v9;
	v1 =	vshll.u32 v7, $0x2  }
0xf0: {  	v18 =	vld [tilespmem:s19+$0xFFFFFFD0];
	v4 =	vshll.u32 v6, $0x2;
	v9 =	vshll.u32 v5, $0x2;
	v5 =	vand.u32 $0x7F, v5  }
0xf1: {  	v19 =	vld [tilespmem:s19+$0xFFFFFFF0];
	v6 =	vand.u32 $0x7F, v6;
	v7 =	vand.u32 $0x7F, v7;
	v9 =	vand.u32 $0xFFFFFE00, v9  }
0xf2: {  	v21 =	vld [tilespmem:s19+$0xFFFFFFC0];
	v4 =	vand.u32 $0xFFFFFE00, v4;
	v1 =	vand.u32 $0xFFFFFE00, v1;
	v5 =	vor.u32 v5, v9  }
0xf3: {  	v15 =	vld [tilespmem:s19+$0xFFFFFFB0];
	v9 =	vor.u32 v6, v4;
	v4 =	vand.u32 $0xFFFFFE00, v16;
	v6 =	vor.u32 v7, v1  }
0xf4: {  	v7 =	vshll.u32 v13, $0x2;
	v4 =	vor.u32 v12, v4;
	v12 =	vand.u32 $0x7F, v13;
	v13 =	vld [tilespmem:s19+$0xFFFFFFE0]  }
0xf5: {  	v20 =	vld.idx.msk [tilespmem:v3+s2+$0x0], $0xffff  }
0xf6: {  	v7 =	vand.u32 $0xFFFFFE00, v7;
	v22 =	vld.idx.msk [tilespmem:v11+s2+$0x0], $0xffff  }
0xf7: {  	v1 =	vor.u32 v10, v14;
	v14 =	vshll.u32 v19, $0x2;
	v7 =	vor.u32 v12, v7;
	v10 =	vld.idx.msk [tilespmem:v2+s2+$0x0], $0xffff  }
0xf8: {  	v14 =	vand.u32 $0xFFFFFE00, v14;
	v12 =	vand.u32 $0x7F, v19;
	v23 =	vld.idx.msk [tilespmem:v5+s2+$0x0], $0xffff  }
0xf9: {  	v24 =	vshll.u32 v21, $0x2;
	v25 =	vshll.u32 v8, $0x2;
	v16 =	vor.u32 v12, v14;
	v19 =	vld.idx.msk [tilespmem:v9+s2+$0x0], $0xffff  }
0xfa: {  	v12 =	vand.u32 $0x7F, v21;
	v14 =	vand.u32 $0xFFFFFE00, v24;
	v24 =	vor.u32 $0x80, v11;
	v21 =	vld.idx.msk [tilespmem:v6+s2+$0x0], $0xffff  }
0xfb: {  	v8 =	vand.u32 $0x7F, v8;
	v14 =	vor.u32 v12, v14;
	v12 =	vand.u32 $0xFFFFFE00, v25;
	v26 =	vld.idx.msk [tilespmem:v4+s2+$0x0], $0xffff  }
0xfc: {  	v8 =	vor.u32 v8, v12;
	v27 =	vld.idx.msk [tilespmem:v7+s2+$0x0], $0xffff  }
0xfd: {  	v28 =	vor.u32 $0x80, v3;
	v25 =	vor.u32 $0x80, v9;
	v12 =	vshll.u32 v13, $0x2;
	[tilespmem:v1+s15+$0x0] =	vst.idx.add.f32.msk $0xffff, v10  }
0xfe: {  	v29 =	vor.u32 $0x80, v16;
	v13 =	vand.u32 $0x7F, v13;
	v12 =	vand.u32 $0xFFFFFE00, v12;
	[tilespmem:v16+s15+$0x0] =	vst.idx.add.f32.msk $0xffff, v22  }
0xff: {  	v10 =	vshll.u32 v15, $0x2;
	v15 =	vand.u32 $0x7F, v15;
	v13 =	vor.u32 v13, v12;
	v24 =	vld.idx.msk [tilespmem:v24+s2+$0x0], $0xffff  }
0x100: {  	v12 =	vshll.u32 v17, $0x2;
	v17 =	vand.u32 $0x7F, v17;
	v10 =	vand.u32 $0xFFFFFE00, v10;
	[tilespmem:v14+s15+$0x0] =	vst.idx.add.f32.msk $0xffff, v19  }
0x101: {  	v12 =	vand.u32 $0xFFFFFE00, v12;
	v10 =	vor.u32 v15, v10;
	v15 =	vshll.u32 v18, $0x2;
	[tilespmem:v8+s15+$0x0] =	vst.idx.add.f32.msk $0xffff, v20  }
0x102: {  	v25 =	vld.idx.msk [tilespmem:v25+s2+$0x0], $0xffff;
	v20 =	vand.u32 $0xFFFFFE00, v15;
	v15 =	vor.u32 v17, v12  }
0x103: {  	v18 =	vand.u32 $0x7F, v18;
	v28 =	vld.idx.msk [tilespmem:v28+s2+$0x0], $0xffff;
	v17 =	vor.u32 $0x80, v7  }
0x104: {  	v12 =	vor.u32 v18, v20;
	v18 =	vor.u32 $0x80, v5;
	[tilespmem:v13+s15+$0x0] =	vst.idx.add.f32.msk $0xffff, v27  }
0x105: {  	v19 =	vor.u32 $0x80, v4;
	[tilespmem:v29+s15+$0x0] =	vst.idx.add.f32.msk $0xffff, v24  }
0x106: {  	[tilespmem:v10+s15+$0x0] =	vst.idx.add.f32.msk $0xffff, v26  }
0x107: {  	[tilespmem:v15+s15+$0x0] =	vst.idx.add.f32.msk $0xffff, v23  }
0x108: {  	v24 =	vor.u32 $0x80, v14;
	v27 =	vld.idx.msk [tilespmem:v17+s2+$0x0], $0xffff  }
0x109: {  	v17 =	vld.idx.msk [tilespmem:v18+s2+$0x0], $0xffff;
	v18 =	vor.u32 $0x100, v11  }
0x10a: {  	v22 =	vld.idx.msk [tilespmem:v19+s2+$0x0], $0xffff;
	v19 =	vor.u32 $0x80, v8  }
0x10b: {  	v63 =	vor.u32 $0x80, v13  }
0x10c: {  	v20 =	vor.u32 $0x100, v3;
	[tilespmem:v12+s15+$0x0] =	vst.idx.add.f32.msk $0xffff, v21  }
0x10d: {  	v21 =	vor.u32 $0x80, v6;
	[tilespmem:v24+s15+$0x0] =	vst.idx.add.f32.msk $0xffff, v25  }
0x10e: {  	v24 =	vld.idx.msk [tilespmem:v18+s2+$0x0], $0xffff;
	v18 =	vor.u32 $0x80, v15  }
0x10f: {  	[tilespmem:v19+s15+$0x0] =	vst.idx.add.f32.msk $0xffff, v28  }
0x110: {  	[tilespmem:v63+s15+$0x0] =	vst.idx.add.f32.msk $0xffff, v27  }
0x111: {  	v23 =	vld.idx.msk [tilespmem:v20+s2+$0x0], $0xffff  }
0x112: {  	s20 =	simm.s32 $0x0;
	v25 =	vor.u32 $0x80, v12;
	v26 =	vld.idx.msk [tilespmem:v21+s2+$0x0], $0xffff  }
.LBB2_7:
0x113: {  	s20 =	sadd.s32 $0x8, s20;
	[tilespmem:v18+s15+$0x0] =	vst.idx.add.f32.msk $0xffff, v17;
	s19 =	sadd.s32 $0x100, s19  }
0x114: {  	v17 =	vld [tilespmem:s19+$0x0];
	p0 =	slt.u32 s20, $0x78  }
0x115: {  	v18 =	vld [tilespmem:s19+$0xFFFFFF20]  }
0x116: {  	v20 =	vld [tilespmem:s19+$0xFFFFFF30]  }
0x117: {  	v27 =	vor.u32 $0x100, v5;
	v21 =	vld [tilespmem:s19+$0xFFFFFF40]  }
0x118: {  	v19 =	vld [tilespmem:s19+$0xFFFFFF50]  }
0x119: {  	v28 =	vld [tilespmem:s19+$0xFFFFFF60]  }
0x11a: {  	v29 =	vld [tilespmem:s19+$0xFFFFFF70]  }
0x11b: {  	[tilespmem:v25+s15+$0x0] =	vst.idx.add.f32.msk $0xffff, v26;
	v25 =	vor.u32 $0x100, v8  }
0x11c: {  	v26 =	vld.idx.msk [tilespmem:v27+s2+$0x0], $0xffff;
	v27 =	vor.u32 $0x100, v16  }
0x11d: {  	v31 =	vor.u32 $0x100, v9;
	v30 =	vld [tilespmem:s19+$0xFFFFFF80]  }
0x11e: {  	v33 =	vor.u32 $0x80, v2;
	v32 =	vld [tilespmem:s19+$0xFFFFFF10]  }
0x11f: {  	v11 =	vor.u32 $0x180, v11;
	v34 =	vld [tilespmem:s19+$0xFFFFFF90]  }
0x120: {  	v35 =	vor.u32 $0x80, v10;
	[tilespmem:v25+s15+$0x0] =	vst.idx.add.f32.msk $0xffff, v23  }
0x121: {  	v23 =	vor.u32 $0x100, v7;
	[tilespmem:v27+s15+$0x0] =	vst.idx.add.f32.msk $0xffff, v24  }
0x122: {  	v24 =	vor.u32 $0x100, v4;
	v25 =	vld.idx.msk [tilespmem:v31+s2+$0x0], $0xffff  }
0x123: {  	v31 =	vor.u32 $0x100, v6;
	v27 =	vld.idx.msk [tilespmem:v33+s2+$0x0], $0xffff  }
0x124: {  	v33 =	vor.u32 $0x100, v15;
	v11 =	vld.idx.msk [tilespmem:v11+s2+$0x0], $0xffff  }
0x125: {  	v16 =	vor.u32 $0x180, v16;
	[tilespmem:v35+s15+$0x0] =	vst.idx.add.f32.msk $0xffff, v22  }
0x126: {  	v22 =	vor.u32 $0x80, v1;
	v23 =	vld.idx.msk [tilespmem:v23+s2+$0x0], $0xffff  }
0x127: {  	v35 =	vor.u32 $0x100, v14;
	v24 =	vld.idx.msk [tilespmem:v24+s2+$0x0], $0xffff  }
0x128: {  	v9 =	vor.u32 $0x180, v9;
	v31 =	vld.idx.msk [tilespmem:v31+s2+$0x0], $0xffff  }
0x129: {  	[tilespmem:v33+s15+$0x0] =	vst.idx.add.f32.msk $0xffff, v26;
	v26 =	vor.u32 $0x100, v12  }
0x12a: {  	v3 =	vor.u32 $0x180, v3;
	[tilespmem:v16+s15+$0x0] =	vst.idx.add.f32.msk $0xffff, v11  }
0x12b: {  	v11 =	vor.u32 $0x100, v13;
	[tilespmem:v22+s15+$0x0] =	vst.idx.add.f32.msk $0xffff, v27  }
0x12c: {  	v16 =	vor.u32 $0x100, v2;
	[tilespmem:v35+s15+$0x0] =	vst.idx.add.f32.msk $0xffff, v25  }
0x12d: {  	v5 =	vor.u32 $0x180, v5;
	v9 =	vld.idx.msk [tilespmem:v9+s2+$0x0], $0xffff  }
0x12e: {  	v7 =	vor.u32 $0x180, v7;
	[tilespmem:v26+s15+$0x0] =	vst.idx.add.f32.msk $0xffff, v31  }
0x12f: {  	v14 =	vor.u32 $0x180, v14;
	v3 =	vld.idx.msk [tilespmem:v3+s2+$0x0], $0xffff  }
0x130: {  	v6 =	vor.u32 $0x180, v6;
	[tilespmem:v11+s15+$0x0] =	vst.idx.add.f32.msk $0xffff, v23  }
0x131: {  	v11 =	vld.idx.msk [tilespmem:v16+s2+$0x0], $0xffff;
	v16 =	vor.u32 $0x100, v10  }
0x132: {  	v22 =	vor.u32 $0x100, v1;
	v5 =	vld.idx.msk [tilespmem:v5+s2+$0x0], $0xffff  }
0x133: {  	v4 =	vor.u32 $0x180, v4;
	v2 =	vor.u32 $0x180, v2;
	v7 =	vld.idx.msk [tilespmem:v7+s2+$0x0], $0xffff  }
0x134: {  	[tilespmem:v14+s15+$0x0] =	vst.idx.add.f32.msk $0xffff, v9  }
0x135: {  	v9 =	vor.u32 $0x180, v15;
	v6 =	vld.idx.msk [tilespmem:v6+s2+$0x0], $0xffff  }
0x136: {  	v13 =	vor.u32 $0x180, v13;
	[tilespmem:v16+s15+$0x0] =	vst.idx.add.f32.msk $0xffff, v24  }
0x137: {  	v8 =	vor.u32 $0x180, v8;
	[tilespmem:v22+s15+$0x0] =	vst.idx.add.f32.msk $0xffff, v11  }
0x138: {  	v12 =	vor.u32 $0x180, v12;
	v14 =	vor.u32 $0x180, v1;
	v11 =	vld.idx.msk [tilespmem:v2+s2+$0x0], $0xffff  }
0x139: {  	v10 =	vor.u32 $0x180, v10;
	v1 =	vand.u32 $0x7F, v34;
	v2 =	vshll.u32 v34, $0x2;
	v4 =	vld.idx.msk [tilespmem:v4+s2+$0x0], $0xffff  }
0x13a: {  	v15 =	vand.u32 $0x7F, v32;
	v16 =	vshll.u32 v32, $0x2;
	v2 =	vand.u32 $0xFFFFFE00, v2;
	[tilespmem:v9+s15+$0x0] =	vst.idx.add.f32.msk $0xffff, v5  }
0x13b: {  	v5 =	vand.u32 $0xFFFFFE00, v16;
	v1 =	vor.u32 v1, v2;
	v9 =	vshll.u32 v30, $0x2;
	[tilespmem:v13+s15+$0x0] =	vst.idx.add.f32.msk $0xffff, v7  }
0x13c: {  	v16 =	vand.u32 $0x7F, v30;
	v7 =	vand.u32 $0x7F, v29;
	v13 =	vshll.u32 v29, $0x2;
	[tilespmem:v8+s15+$0x0] =	vst.idx.add.f32.msk $0xffff, v3  }
0x13d: {  	v2 =	vor.u32 v15, v5;
	v3 =	vshll.u32 v28, $0x2;
	v5 =	vand.u32 $0xFFFFFE00, v13;
	[tilespmem:v12+s15+$0x0] =	vst.idx.add.f32.msk $0xffff, v6  }
0x13e: {  	v6 =	vshll.u32 v19, $0x2;
	v8 =	vand.u32 $0xFFFFFE00, v3;
	v3 =	vand.u32 $0xFFFFFE00, v9;
	[tilespmem:v14+s15+$0x0] =	vst.idx.add.f32.msk $0xffff, v11  }
0x13f: {  	v9 =	vshll.u32 v21, $0x2;
	v12 =	vand.u32 $0x7F, v28;
	v3 =	vor.u32 v16, v3;
	[tilespmem:v10+s15+$0x0] =	vst.idx.add.f32.msk $0xffff, v4  }
0x140: {  	v13 =	vand.u32 $0x7F, v21;
	v9 =	vand.u32 $0xFFFFFE00, v9;
	v4 =	vshll.u32 v20, $0x2;
	v10 =	vld [tilespmem:s19+$0xFFFFFFB0]  }
0x141: {  	v14 =	vshll.u32 v18, $0x2;
	v11 =	vor.u32 v7, v5;
	v4 =	vand.u32 $0xFFFFFE00, v4;
	v15 =	vld [tilespmem:s19+$0xFFFFFFA0]  }
0x142: {  	v7 =	vor.u32 v12, v8;
	v5 =	vand.u32 $0xFFFFFE00, v14;
	v14 =	vand.u32 $0x7F, v20;
	v20 =	vld [tilespmem:s19+$0xFFFFFFD0]  }
0x143: {  	v8 =	vand.u32 $0x7F, v18;
	v4 =	vor.u32 v14, v4;
	v14 =	vand.u32 $0x7F, v17;
	v12 =	vld [tilespmem:s19+$0xFFFFFFF0]  }
0x144: {  	v6 =	vand.u32 $0xFFFFFE00, v6;
	v5 =	vor.u32 v8, v5;
	v8 =	vand.u32 $0x7F, v19;
	v18 =	vld.idx.msk [tilespmem:v3+s2+$0x0], $0xffff  }
0x145: {  	v9 =	vor.u32 v13, v9;
	v6 =	vor.u32 v8, v6;
	v16 =	vshll.u32 v10, $0x2;
	v19 =	vld [tilespmem:s19+$0xFFFFFFC0]  }
0x146: {  	v8 =	vshll.u32 v17, $0x2;
	v21 =	vshll.u32 v15, $0x2;
	v13 =	vand.u32 $0xFFFFFE00, v16;
	v22 =	vld.idx.msk [tilespmem:v11+s2+$0x0], $0xffff  }
0x147: {  	v8 =	vand.u32 $0xFFFFFE00, v8;
	v17 =	vld.idx.msk [tilespmem:v2+s2+$0x0], $0xffff;
	v16 =	vshll.u32 v20, $0x2  }
0x148: {  	v8 =	vor.u32 v14, v8;
	v23 =	vand.u32 $0xFFFFFE00, v16;
	v24 =	vld [tilespmem:s19+$0xFFFFFFE0];
	v16 =	vshll.u32 v12, $0x2  }
0x149: {  	v12 =	vand.u32 $0x7F, v12;
	v25 =	vld.idx.msk [tilespmem:v5+s2+$0x0], $0xffff;
	v14 =	vand.u32 $0xFFFFFE00, v16  }
0x14a: {  	v26 =	vld.idx.msk [tilespmem:v9+s2+$0x0], $0xffff;
	v27 =	vshll.u32 v19, $0x2;
	v16 =	vor.u32 v12, v14  }
0x14b: {  	v12 =	vand.u32 $0x7F, v19;
	v14 =	vand.u32 $0xFFFFFE00, v27;
	v19 =	vld.idx.msk [tilespmem:v6+s2+$0x0], $0xffff;
	v27 =	vor.u32 $0x80, v11  }
0x14c: {  	v28 =	vld.idx.msk [tilespmem:v4+s2+$0x0], $0xffff;
	v14 =	vor.u32 v12, v14  }
0x14d: {  	v29 =	vor.u32 $0x80, v9;
	[tilespmem:v1+s15+$0x0] =	vst.idx.add.f32.msk $0xffff, v17;
	v17 =	vor.u32 $0x80, v4;
	v30 =	vand.u32 $0x7F, v24  }
0x14e: {  	v31 =	vor.u32 $0x80, v3;
	v12 =	vand.u32 $0x7F, v20;
	v24 =	vshll.u32 v24, $0x2;
	v20 =	vld.idx.msk [tilespmem:v7+s2+$0x0], $0xffff  }
0x14f: {  	v10 =	vand.u32 $0x7F, v10;
	v12 =	vor.u32 v12, v23;
	v23 =	vand.u32 $0xFFFFFE00, v24;
	[tilespmem:v16+s15+$0x0] =	vst.idx.add.f32.msk $0xffff, v22  }
0x150: {  	v10 =	vor.u32 v10, v13;
	v13 =	vor.u32 v30, v23;
	v23 =	vld.idx.msk [tilespmem:v27+s2+$0x0], $0xffff  }
0x151: {  	v24 =	vor.u32 $0x80, v16;
	[tilespmem:v14+s15+$0x0] =	vst.idx.add.f32.msk $0xffff, v26  }
0x152: {  	v26 =	vld.idx.msk [tilespmem:v29+s2+$0x0], $0xffff  }
0x153: {  	v15 =	vand.u32 $0x7F, v15;
	v21 =	vand.u32 $0xFFFFFE00, v21;
	v27 =	vor.u32 $0x80, v6;
	[tilespmem:v8+s15+$0x0] =	vst.idx.add.f32.msk $0xffff, v18  }
0x154: {  	v15 =	vor.u32 v15, v21;
	v18 =	vld.idx.msk [tilespmem:v31+s2+$0x0], $0xffff  }
0x155: {  	[tilespmem:v13+s15+$0x0] =	vst.idx.add.f32.msk $0xffff, v20  }
0x156: {  	v20 =	vor.u32 $0x80, v7;
	[tilespmem:v10+s15+$0x0] =	vst.idx.add.f32.msk $0xffff, v28  }
0x157: {  	v21 =	vor.u32 $0x80, v5;
	v22 =	vld.idx.msk [tilespmem:v17+s2+$0x0], $0xffff  }
0x158: {  	[tilespmem:v24+s15+$0x0] =	vst.idx.add.f32.msk $0xffff, v23;
	v23 =	vor.u32 $0x80, v8  }
0x159: {  	v24 =	vor.u32 $0x100, v3;
	[tilespmem:v15+s15+$0x0] =	vst.idx.add.f32.msk $0xffff, v25  }
0x15a: {  	v28 =	vor.u32 $0x80, v14;
	[tilespmem:v12+s15+$0x0] =	vst.idx.add.f32.msk $0xffff, v19  }
0x15b: {  	v25 =	vor.u32 $0x80, v12;
	v19 =	vld.idx.msk [tilespmem:v20+s2+$0x0], $0xffff  }
0x15c: {  	v20 =	vor.u32 $0x100, v11;
	v17 =	vld.idx.msk [tilespmem:v21+s2+$0x0], $0xffff  }
0x15d: {  	v21 =	vor.u32 $0x80, v13;
	[tilespmem:v23+s15+$0x0] =	vst.idx.add.f32.msk $0xffff, v18  }
.Ltmp2:
0x15e: {  	v18 =	vor.u32 $0x80, v15;
	v23 =	vld.idx.msk [tilespmem:v24+s2+$0x0], $0xffff;
	(pc) =	sbr.rel @p0 .LBB2_7-.Ltmp2, $4  }
0x15f: {  	[tilespmem:v28+s15+$0x0] =	vst.idx.add.f32.msk $0xffff, v26  }
0x160: {  	v26 =	vld.idx.msk [tilespmem:v27+s2+$0x0], $0xffff  }
0x161: {  	v24 =	vld.idx.msk [tilespmem:v20+s2+$0x0], $0xffff  }
0x162: {  	[tilespmem:v21+s15+$0x0] =	vst.idx.add.f32.msk $0xffff, v19  }
0x163: {  	_ = 	snop  }
0x164: {  	v19 =	vor.u32 $0x100, v5  }
0x165: {  	v20 =	vor.u32 $0x100, v8  }
0x166: {  	v21 =	vor.u32 $0x100, v16  }
0x167: {  	[tilespmem:v18+s15+$0x0] =	vst.idx.add.f32.msk $0xffff, v17;
	v37 =	vor.u32 $0x100, v9  }
0x168: {  	v38 =	vor.u32 $0x80, v2;
	[tilespmem:v25+s15+$0x0] =	vst.idx.add.f32.msk $0xffff, v26  }
0x169: {  	v39 =	vor.u32 $0x80, v10;
	v19 =	vld.idx.msk [tilespmem:v19+s2+$0x0], $0xffff  }
0x16a: {  	v40 =	vor.u32 $0x100, v7;
	[tilespmem:v20+s15+$0x0] =	vst.idx.add.f32.msk $0xffff, v23  }
0x16b: {  	v42 =	vor.u32 $0x100, v6;
	[tilespmem:v21+s15+$0x0] =	vst.idx.add.f32.msk $0xffff, v24  }
0x16c: {  	v11 =	vor.u32 $0x180, v11;
	v17 =	vld.idx.msk [tilespmem:v37+s2+$0x0], $0xffff  }
0x16d: {  	v41 =	vor.u32 $0x100, v4;
	v18 =	vld.idx.msk [tilespmem:v38+s2+$0x0], $0xffff  }
0x16e: {  	v3 =	vor.u32 $0x180, v3;
	[tilespmem:v39+s15+$0x0] =	vst.idx.add.f32.msk $0xffff, v22  }
0x16f: {  	v43 =	vor.u32 $0x100, v15;
	v20 =	vld.idx.msk [tilespmem:v40+s2+$0x0], $0xffff  }
0x170: {  	v45 =	vor.u32 $0x80, v1;
	v23 =	vld.idx.msk [tilespmem:v42+s2+$0x0], $0xffff  }
0x171: {  	v46 =	vor.u32 $0x100, v14;
	v11 =	vld.idx.msk [tilespmem:v11+s2+$0x0], $0xffff  }
0x172: {  	v48 =	vor.u32 $0x100, v12;
	v21 =	vld.idx.msk [tilespmem:v41+s2+$0x0], $0xffff  }
0x173: {  	v49 =	vor.u32 $0x100, v13;
	v3 =	vld.idx.msk [tilespmem:v3+s2+$0x0], $0xffff  }
0x174: {  	v44 =	vor.u32 $0x180, v16;
	[tilespmem:v43+s15+$0x0] =	vst.idx.add.f32.msk $0xffff, v19  }
0x175: {  	v47 =	vor.u32 $0x180, v9;
	[tilespmem:v45+s15+$0x0] =	vst.idx.add.f32.msk $0xffff, v18  }
0x176: {  	v50 =	vor.u32 $0x100, v2;
	[tilespmem:v46+s15+$0x0] =	vst.idx.add.f32.msk $0xffff, v17  }
0x177: {  	v51 =	vor.u32 $0x180, v5;
	[tilespmem:v48+s15+$0x0] =	vst.idx.add.f32.msk $0xffff, v23  }
0x178: {  	v52 =	vor.u32 $0x180, v7;
	[tilespmem:v49+s15+$0x0] =	vst.idx.add.f32.msk $0xffff, v20  }
0x179: {  	v54 =	vor.u32 $0x180, v6;
	[tilespmem:v44+s15+$0x0] =	vst.idx.add.f32.msk $0xffff, v11  }
0x17a: {  	v56 =	vor.u32 $0x100, v10;
	v9 =	vld.idx.msk [tilespmem:v47+s2+$0x0], $0xffff  }
0x17b: {  	v61 =	vor.u32 $0x180, v8;
	v55 =	vld.idx.msk [tilespmem:v50+s2+$0x0], $0xffff  }
0x17c: {  	v58 =	vor.u32 $0x180, v4;
	v5 =	vld.idx.msk [tilespmem:v51+s2+$0x0], $0xffff  }
0x17d: {  	v53 =	vor.u32 $0x180, v14;
	v7 =	vld.idx.msk [tilespmem:v52+s2+$0x0], $0xffff  }
0x17e: {  	v57 =	vor.u32 $0x100, v1;
	v6 =	vld.idx.msk [tilespmem:v54+s2+$0x0], $0xffff  }
0x17f: {  	v2 =	vor.u32 $0x180, v2;
	[tilespmem:v56+s15+$0x0] =	vst.idx.add.f32.msk $0xffff, v21  }
0x180: {  	v59 =	vor.u32 $0x180, v15;
	[tilespmem:v61+s15+$0x0] =	vst.idx.add.f32.msk $0xffff, v3  }
0x181: {  	v60 =	vor.u32 $0x180, v13;
	v4 =	vld.idx.msk [tilespmem:v58+s2+$0x0], $0xffff  }
0x182: {  	v62 =	vor.u32 $0x180, v12;
	[tilespmem:v53+s15+$0x0] =	vst.idx.add.f32.msk $0xffff, v9  }
0x183: {  	v63 =	vor.u32 $0x180, v10;
	s18 =	sadd.s32 $0x1, s18;
	[tilespmem:v57+s15+$0x0] =	vst.idx.add.f32.msk $0xffff, v55  }
0x184: {  	v1 =	vor.u32 $0x180, v1;
	p0 =	sne.s32 s18, $0x4F;
	v2 =	vld.idx.msk [tilespmem:v2+s2+$0x0], $0xffff  }
.Ltmp3:
0x185: {  	[tilespmem:v59+s15+$0x0] =	vst.idx.add.f32.msk $0xffff, v5;
	(pc) =	sbr.rel @p0 .LBB2_4-.Ltmp3, $4  }
0x186: {  	[tilespmem:v60+s15+$0x0] =	vst.idx.add.f32.msk $0xffff, v7  }
0x187: {  	[tilespmem:v62+s15+$0x0] =	vst.idx.add.f32.msk $0xffff, v6  }
0x188: {  	[tilespmem:v63+s15+$0x0] =	vst.idx.add.f32.msk $0xffff, v4  }
0x189: {  	[tilespmem:v1+s15+$0x0] =	vst.idx.add.f32.msk $0xffff, v2  }
0x18a: {  	_ =	swait.ge [sflag:s12], $0x1000;
	s17 =	sadd.s32 $0x1, s17  }
0x18b: {  	[sflag:s12] =	ssyncset.done $0x0;
	p0 =	sne.s32 s17, s8  }
.Ltmp4:
0x18c: {  	[sflag:s12] =	ssyncadd.s32 $0xFFFFF000;
	(pc) =	sbr.rel @p0 .LBB2_1-.Ltmp4, $4  }
0x18d: {  	[hbm4b:s7+s9] =	stream.strided.scatter [tilespmem:s15], [sflag:$0x3], $0xA000, s10, s9, $0x38;
	[tilespmem:$0x16000] =	vst v63  }
0x18e: {  	_ =	swait.ge [sflag:s11], $0xA000  }
0x18f: {  	[sflag:s11] =	ssyncset.done $0x0  }
0x190: {  	[sflag:s11] =	ssyncadd.s32 $0xFFFF6000  }
0x191: {  	_ =	sfence.sel $0x180000  }
0x192: {  	[bflag:$0x0] =	sbarrier.arrive $0xFFFF  }
0x193: {  	p0 =	sne.s32 s0, $0x0;
	_ =	strace $0x9000004D  }
0x194: {  	s0 =	sadd.s32 @!p0 $0x100000, s1;
	[bflag:$0x2] =	sbarrier.arrive $0xFFFF  }
0x195: {  	[sflag:s0] =	ssyncadd.tile.s32 @!p0 $0x1;
	_ =	shalt  }
.Lfunc_end2:
_tile_overlayer_lowered:
.L_overlay_start_2:
0x196: {  	(tag) =	ssettag $0x2  }
0x197: {  	s0 =	rddreg [dreg:$0x0];
	s2 =	stileid.u32  }
0x198: {  	s1 =	rddreg [dreg:$0x1];
	p0 =	sne.s32 s2, $0x0  }
0x199: {  	s3 =	rddreg [dreg:$0x2];
	[bflag:$0x3] =	sbarrier.arrive $0xFFFF;
	s2 =	simm.s32 @!p0 $0x1C03  }
0x19a: {  	[timem:s3], [sflag:s2] =	dma.local @!p0 [hbm:s0], s1  }
0x19b: {  	s0 =	simm.s32 @!p0 $0x3  }
0x19c: {  	_ =	swait.ge @!p0 [sflag:s0], s1  }
0x19d: {  	s1 =	ssub.s32 @!p0 $0x0, s1;
	[sflag:s0] =	ssyncset.done @!p0 $0x0  }
0x19e: {  	[sflag:s0] =	ssyncadd.s32 @!p0 s1  }
0x19f: {  	[bflag:$0x3] =	sbarrier.arrive $0xFFFF  }
0x1a0: {  	_ =	shalt  }

// kernel: kernel.24.cloned.1.call-start
scs
__scs_entry_jumppad:
0x0: {  	(pc) =	sbr.rel $0x88, $3  }
0x1: {  	(tag) =	ssettag $0x0;
	lr =	simm.s32 $0x1  }
0x2: {  	[smem:$0x3F97] =	sst lr;
	_ =	strace $0xD0000000  }
0x3: {  	_ = 	snop  }
0x4: {  	_ = 	snop  }
0x5: {  	_ = 	snop  }
0x6: {  	_ = 	snop  }
0x7: {  	_ = 	snop  }
__scs_overlays_trampoline_lowered:
0x8: {  	[smem:$0x3FA6] =	sst s0  }
0x9: {  	[smem:$0x3FA7] =	sst s1  }
0xa: {  	[smem:$0x3FA8] =	sst s2  }
0xb: {  	[smem:$0x3FA9] =	sst s3  }
0xc: {  	[smem:$0x3FAA] =	sst s4  }
0xd: {  	[smem:$0x3FAB] =	sst s5  }
0xe: {  	[smem:$0x3FAC] =	sst s6  }
0xf: {  	[smem:$0x3FAD] =	sst s7  }
0x10: {  	[smem:$0x3FAE] =	sst s8  }
0x11: {  	[smem:$0x3FAF] =	sst s9;
	s0 =	simm.s32 @!p0 $0x0  }
0x12: {  	s1 =	sld [smem:$0x3F95];
	s0 =	simm.s32 @p0 $0x1  }
0x13: {  	[smem:$0x3FB0] =	sst s0;
	s0 =	simm.s32 @!p1 $0x0  }
0x14: {  	s2 =	sld [smem:$0x3F94];
	s0 =	simm.s32 @p1 $0x1  }
0x15: {  	[smem:$0x3FB1] =	sst s0;
	s0 =	simm.s32 @!p2 $0x0  }
0x16: {  	s3 =	sld [smem:$0x3FDB];
	s0 =	simm.s32 @p2 $0x1  }
0x17: {  	s4 =	simm.s32 $0x1BF5;
	[smem:$0x3FB3] =	sst s0  }
0x18: {  	s0 =	sld [smem:$0x3F96];
	_ =	swait.ge [sflag:s4], $0x0  }
0x19: {  	s7 =	sld [smem:$0x3F97]  }
0x1a: {  	s8 =	sadd.s32 $0xFFFFE003, lr  }
0x1b: {  	s9 =	sadd.s32 $0xFFFFFEF7, lr;
	s5 =	simm.s32 $0xFFFFFFFF;
	p2 =	slt.u32 s8, $0xFFFFF086  }
0x1c: {  	p1 =	slt.u32 s9, $0xF7A;
	s5 =	simm.s32 @!p2 $0x0  }
0x1d: {  	s5 =	simm.s32 @p1 $0x1;
	p0 =	seq.s32 s7, s2  }
0x1e: {  	s7 =	smul.u32 @!p0 $0xF7A, s2;
	p2 =	seq.s32 @!p0 s5, $0x0  }
0x1f: {  	s9 =	smul.u32 $0xF7A, s1;
	s8 =	simm.s32 @!p0 $0x1BF5;
	p2 =	por !p2, p0  }
0x20: {  	[sflag:s8] =	ssyncset.s32 @!p0 $0xFFFFF086;
	s6 =	sadd.s32 @!p0 s3, s7;
	s7 =	simm.s32 @!p0 $0x108  }
0x21: {  	s3 =	sadd.s32 s3, s9;
	s6 =	sadd.s32 @!p0 $0x88, s6;
	s7 =	simm.s32 @p2 $0x1082  }
0x22: {  	[simem:s7], [sflag:s8] =	dma.local @!p0 [hbm:s6], $0xF7A  }
0x23: {  	s9 =	sor.u32 $0xD0000000, s2;
	s6 =	simm.s32 $0x108;
	_ =	swait.ge @!p0 [sflag:s8], $0x0  }
0x24: {  	s3 =	sadd.s32 $0x88, s3;
	s6 =	simm.s32 @!p1 $0x1082;
	[sflag:s4] =	ssyncset.s32 $0xFFFFF086  }
0x25: {  	[simem:s6], [sflag:s4] =	dma.local [hbm:s3], $0xF7A  }
0x26: {  	[smem:$0x3F97] =	sst s1;
	(tag) =	ssettag s2;
	_ =	strace s9  }
0x27: {  	s1 =	sld [smem:$0x3FA7]  }
0x28: {  	s2 =	sld [smem:$0x3FA8]  }
0x29: {  	s4 =	sld [smem:$0x3FAA]  }
0x2a: {  	p0 =	seq.s32 s5, $0x0;
	s5 =	sld [smem:$0x3FAB]  }
0x2b: {  	s6 =	sld [smem:$0x3FAC]  }
0x2c: {  	s7 =	sld [smem:$0x3FAD]  }
0x2d: {  	s3 =	simm.s32 $0x108;
	s8 =	sld [smem:$0x3FAE]  }
0x2e: {  	s3 =	simm.s32 @!p0 $0x1082;
	s9 =	sld [smem:$0x3FAF]  }
0x2f: {  	lr =	sadd.s32 s0, s3;
	s0 =	sld [smem:$0x3FA6]  }
0x30: {  	s3 =	sld [smem:$0x3FA9]  }
0x31: {  	[smem:$0x3FB2] =	sst s10  }
0x32: {  	s10 =	sld [smem:$0x3FB0];
	_ =	sdelay $0x3  }
0x33: {  	p0 =	seq.s32 s10, $0x1;
	s10 =	sld [smem:$0x3FB2];
	_ =	sdelay $0x3  }
0x34: {  	[smem:$0x3FB2] =	sst s10  }
0x35: {  	s10 =	sld [smem:$0x3FB1];
	_ =	sdelay $0x3  }
0x36: {  	p1 =	seq.s32 s10, $0x1;
	s10 =	sld [smem:$0x3FB2];
	_ =	sdelay $0x3  }
0x37: {  	[smem:$0x3FB2] =	sst s10  }
0x38: {  	s10 =	sld [smem:$0x3FB3]  }
0x39: {  	_ = 	snop;
	(pc) =	sbr.ind lr, $3  }
0x3a: {  	_ = 	snop  }
0x3b: {  	_ = 	snop  }
0x3c: {  	p2 =	seq.s32 s10, $0x1;
	s10 =	sld [smem:$0x3FB2]  }
0x3d: {  	_ =	shalt  }
0x3e: {  	_ =	shalt  }
0x3f: {  	_ =	shalt  }
0x40: {  	_ =	shalt  }
0x41: {  	_ =	shalt  }
0x42: {  	_ =	shalt  }
0x43: {  	_ =	shalt  }
0x44: {  	_ =	shalt  }
0x45: {  	_ =	shalt  }
0x46: {  	_ =	shalt  }
0x47: {  	_ =	shalt  }
0x48: {  	_ =	shalt  }
0x49: {  	_ =	shalt  }
0x4a: {  	_ =	shalt  }
0x4b: {  	_ =	shalt  }
0x4c: {  	_ =	shalt  }
0x4d: {  	_ =	shalt  }
0x4e: {  	_ =	shalt  }
0x4f: {  	_ =	shalt  }
0x50: {  	_ =	shalt  }
0x51: {  	_ =	shalt  }
0x52: {  	_ =	shalt  }
0x53: {  	_ =	shalt  }
0x54: {  	_ =	shalt  }
0x55: {  	_ =	shalt  }
0x56: {  	_ =	shalt  }
0x57: {  	_ =	shalt  }
0x58: {  	_ =	shalt  }
0x59: {  	_ =	shalt  }
0x5a: {  	_ =	shalt  }
0x5b: {  	_ =	shalt  }
0x5c: {  	_ =	shalt  }
0x5d: {  	_ =	shalt  }
0x5e: {  	_ =	shalt  }
0x5f: {  	_ =	shalt  }
0x60: {  	_ =	shalt  }
0x61: {  	_ =	shalt  }
0x62: {  	_ =	shalt  }
0x63: {  	_ =	shalt  }
0x64: {  	_ =	shalt  }
0x65: {  	_ =	shalt  }
0x66: {  	_ =	shalt  }
0x67: {  	_ =	shalt  }
0x68: {  	_ =	shalt  }
0x69: {  	_ =	shalt  }
0x6a: {  	_ =	shalt  }
0x6b: {  	_ =	shalt  }
0x6c: {  	_ =	shalt  }
0x6d: {  	_ =	shalt  }
0x6e: {  	_ =	shalt  }
0x6f: {  	_ =	shalt  }
0x70: {  	_ =	shalt  }
0x71: {  	_ =	shalt  }
0x72: {  	_ =	shalt  }
0x73: {  	_ =	shalt  }
0x74: {  	_ =	shalt  }
0x75: {  	_ =	shalt  }
0x76: {  	_ =	shalt  }
0x77: {  	_ =	shalt  }
0x78: {  	_ =	shalt  }
0x79: {  	_ =	shalt  }
0x7a: {  	_ =	shalt  }
0x7b: {  	_ =	shalt  }
0x7c: {  	_ =	shalt  }
0x7d: {  	_ =	shalt  }
0x7e: {  	_ =	shalt  }
0x7f: {  	_ =	shalt  }
0x80: {  	_ =	shalt  }
0x81: {  	_ =	shalt  }
0x82: {  	_ =	shalt  }
0x83: {  	_ =	shalt  }
0x84: {  	_ =	shalt  }
0x85: {  	_ =	shalt  }
0x86: {  	_ =	shalt  }
0x87: {  	_ =	shalt  }
.Lfunc_end0:
.L_simem_size_0:
called_computation.3_lowered:
.L_overlay_start_0:
0x88: {  	s2 =	sld [smem:$0x3FD9]  }
0x89: {  	s3 =	sld [smem:$0x3FFE];
	_ =	sdelay $0x1  }
0x8a: {  	s1 =	srdreg.scid  }
0x8b: {  	s0 =	sand.u32 $0x1, s1  }
0x8c: {  	s16 =	sshll.u32 s0, $0xA;
	s2 =	sadd.s32 s3, s2  }
0x8d: {  	s2 =	sadd.s32 s2, s16  }
0x8e: {  	[smem:$0x3FBE] =	sst s2  }
0x8f: {  	_ = 	snop  }
0x90: {  	(tm) =	ssettm $0x1  }
0x91: {  	s17 =	sld [smem:$0x3FFB];
	_ =	sdelay $0x3  }
0x92: {  	_ =	strace s17  }
0x93: {  	s2 =	sld [smem:$0x3FFC];
	_ =	sdelay $0x3  }
0x94: {  	_ =	strace s2  }
0x95: {  	s2 =	sld [smem:$0x3FFD];
	_ =	sdelay $0x3  }
0x96: {  	_ =	strace s2  }
0x97: {  	_ =	strace $0x8FFFFFFF  }
0x98: {  	s18 =	sld [smem:$0x3FDB];
	_ =	sdelay $0x1  }
0x99: {  	s19 =	simm.s32 $_scs_section_size  }
0x9a: {  	s4 =	simm.s32 $_size__tile_overlayer_lowered;
	s5 =	simm.s32 $_tile_overlayer_lowered  }
0x9b: {  	s22 =	simm.s32 $0x1BFF;
	s21 =	sshll.u32 s5, $0x1;
	s2 =	sadd.s32 s19, s18  }
0x9c: {  	s6 =	simm.s32 $0x0;
	s20 =	sshll.u32 s4, $0x1;
	s4 =	sadd.s32 s21, s2  }
0x9d: {  	[timem:s6], [sflag:s22] =	dma.local [hbm:s4], s20  }
0x9e: {  	_ =	swait.ge [sflag:s22], s20  }
0x9f: {  	s3 =	ssub.s32 $0x0, s20;
	[sflag:s22] =	ssyncset.done $0x0  }
0xa0: {  	[sflag:s22] =	ssyncadd.s32 s3;
	_ =	sdelay $0x1  }
0xa1: {  	s23 =	simm.s32 $0x1B8B  }
0xa2: {  	_ =	swait.ge [sflag:s23], $0x1  }
0xa3: {  	[sflag:s23] =	ssyncset.done $0x0  }
0xa4: {  	s25 =	simm.s32 $0x1B8E;
	s24 =	sld [smem:$0x3FFE];
	[sflag:s23] =	ssyncadd.s32 $0xFFFFFFFF  }
0xa5: {  	s26 =	simm.s32 $execute0_lowered;
	[smem:$0x3FD2] =	sst s25  }
0xa6: {  	s4 =	sshll.u32 s26, $0x1;
	_ =	strace $0x8000004F;
	[dreg:$0x1] =	wrdreg $0xFFFFFFFF  }
0xa7: {  	s28 =	simm.s32 $_size_execute0_lowered;
	s2 =	sadd.s32 s2, s4;
	[dreg:$0x0] =	wrdreg $0x0  }
0xa8: {  	s4 =	sshll.u32 s28, $0x1;
	[dreg:$0x2] =	wrdreg s2  }
0xa9: {  	[dreg:$0x3] =	wrdreg s4  }
0xaa: {  	[dreg:$0x4] =	wrdreg $0xC0  }
0xab: {  	_ =	task [dreg:s6], $0x5FFFF  }
0xac: {  	[dreg:$0x1] =	wrdreg $0xFFFFFFFF  }
0xad: {  	[dreg:$0x0] =	wrdreg $0x60  }
0xae: {  	[dreg:$0x2] =	wrdreg s24  }
0xaf: {  	[dreg:$0x3] =	wrdreg $0x9  }
0xb0: {  	_ =	task.clear_ibuf [dreg:s6], $0x4FFFF;
	_ =	strace $0x9000004F  }
0xb1: {  	s29 =	simm.s32 $0x9;
	_ =	strace $0x80000051  }
0xb2: {  	_ =	swait.ge [sflag:s29], $0x1  }
0xb3: {  	[sflag:s29] =	ssyncadd.s32 $0xFFFFFFFF  }
0xb4: {  	_ =	strace $0x90000051  }
0xb5: {  	_ =	sfence  }
0xb6: {  	s30 =	sld [smem:$0x0];
	_ =	sdelay $0x2  }
0xb7: {  	s31 =	sshll.u32 s1, $0xD;
	s1 =	sshrl.u32 s1, $0x2  }
0xb8: {  	s3 =	sand.u32 $0x4000, s31;
	s1 =	sadd.s32 s1, s30  }
0xb9: {  	s0 =	sor.u32 s3, s0;
	s1 =	sshll.u32 s1, $0x11  }
0xba: {  	s0 =	sor.u32 s1, s0  }
0xbb: {  	s0 =	sadd.s32 $0x8F2B, s0  }
0xbc: {  	[sflag:s0] =	ssyncadd.remote.s32 $0x1  }
0xbd: {  	_ =	sfence.sel $0xFFFF  }
0xbe: {  	[dreg:$0x0] =	wrdreg $0xFFFFFFFF;
	(pc) =	sbr.abs _section_cstart, $3  }
0xbf: {  	[dreg:$0x1] =	wrdreg $0xFFFFFFFF  }
0xc0: {  	_ =	task.clear_ibuf [dreg:s6], $0x2FFFF;
	_ =	strace $0x9FFFFFFF  }
0xc1: {  	(tm) =	ssettm $0x7FFFFFFF  }
tec
execute0_lowered:
.L_overlay_start_1:
0x0: {  	(tag) =	ssettag $0x1  }
0x1: {  	s1 =	srdreg.scid  }
0x2: {  	s0 =	stileid.u32;
	s6 =	rddreg [dreg:$0x0]  }
0x3: {  	s9 =	simm.s32 $0x200;
	s10 =	simm.s32 $0x400;
	s11 =	simm.s32 $0x3  }
0x4: {  	s12 =	simm.s32 $0x1;
	s13 =	simm.s32 $0x14000;
	s3 =	sand.u32 $0x1, s1  }
0x5: {  	s14 =	simm.s32 $0x15000;
	s2 =	sshll.u32 s0, $0x2;
	s1 =	sshll.u32 s3, $0x6  }
0x6: {  	s15 =	simm.s32 $0xA000;
	s16 =	simm.s32 $0x2;
	s1 =	sor.u32 s2, s1  }
0x7: {  	s17 =	simm.s32 $0x0;
	s5 =	sshll.u32 s0, $0x9;
	s1 =	sshrl.u32 s1, $0x3  }
0x8: {  	s5 =	sand.u32 $0x200, s5;
	s30 =	ssub.s32 $0x2, s3;
	s4 =	smul.u32 $0x14000, s1  }
0x9: {  	s3 =	sadd.s32 $0x4C00, s6;
	s2 =	simm.s32 $0x0;
	s31 =	sshrl.u32 s30, $0x1  }
0xa: {  	[smem:$0x7FF] =	sst s2;
	s8 =	ssub.s32 s30, s31;
	s4 =	sor.u32 s5, s4  }
0xb: {  	s1 =	rddreg [dreg:$0x1];
	_ =	strace $0x80000050;
	s4 =	sshrl.u32 s4, $0x3  }
0xc: {  	s8 =	smax.u32 s8, $0x1;
	s5 =	sadd.s32 $0x4E00, s6;
	s7 =	sadd.s32 s4, s6  }
0xd: {  	v0 =	vimm.f32 $0.0e+00;
	s6 =	sadd.s32 $0x5000, s6;
	s4 =	sadd.s32 $0x18800, s7;
	s7 =	sadd.s32 $0x40800, s7  }
.LBB2_1:
0xe: {  	[tilespmem:s2], [sflag:$0x3] =	stream.strided.gather [hbm4b:s4+s9], $0xA000, s10, s9, $0x38;
	[tilespmem:$0x16000] =	vst v63  }
0xf: {  	_ =	swait.ge [sflag:s11], $0xA000  }
0x10: {  	s18 =	sand.u32 $0x40, s2;
	s19 =	sand.u32 $0xFE00, s2;
	[sflag:s11] =	ssyncset.done $0x0  }
0x11: {  	s20 =	sor.u32 s18, s19;
	[sflag:s11] =	ssyncadd.s32 $0xFFFF6000  }
0x12: {  	[tilespmem:s20+$0xA030] =	vst v0  }
0x13: {  	[tilespmem:s20+$0xA080] =	vst v0  }
0x14: {  	[tilespmem:s20+$0xA0B0] =	vst v0  }
0x15: {  	p0 =	por $0x0, $0x0;
	s18 =	simm.s32 $0x1;
	[tilespmem:s20+$0xA090] =	vst v0  }
0x16: {  	s18 =	simm.s32 @!p0 $0x0;
	[tilespmem:s20+$0xA0A0] =	vst v0  }
0x17: {  	s18 =	sshll.u32 s18, $0x6;
	[tilespmem:s20+$0xA000] =	vst v0  }
0x18: {  	s18 =	sadd.s32 $0x0, s18;
	[tilespmem:s20+$0xA010] =	vst v0  }
0x19: {  	[tilespmem:s20+$0xA020] =	vst v0;
	s25 =	sor.u32 $0x100, s18  }
0x1a: {  	s26 =	sor.u32 $0x180, s18;
	s21 =	sadd.s32 $0x10, s18;
	[tilespmem:s25+$0xA000] =	vst v0  }
0x1b: {  	s22 =	sadd.s32 $0x30, s18;
	s28 =	sor.u32 $0x100, s21;
	[tilespmem:s26+$0xA000] =	vst v0  }
0x1c: {  	s30 =	sor.u32 $0x100, s22;
	[tilespmem:s28+$0xA000] =	vst v0  }
0x1d: {  	s19 =	simm.s32 $0x40;
	p0 =	por !p0, !p0;
	s29 =	sor.u32 $0x180, s21;
	[tilespmem:s30+$0xA000] =	vst v0  }
0x1e: {  	s20 =	simm.s32 $0x100;
	s23 =	sadd.s32 $0x20, s18;
	s31 =	sor.u32 $0x180, s22;
	[tilespmem:s29+$0xA000] =	vst v0  }
0x1f: {  	s18 =	simm.s32 $0x0;
	s21 =	sor.u32 $0x100, s23;
	s22 =	sor.u32 $0x180, s23;
	[tilespmem:s31+$0xA000] =	vst v0  }
.LBB2_2:
0x20: {  	s23 =	simm.s32 $0x1  }
0x21: {  	s24 =	sand.u32 $0x40, s19;
	s25 =	sand.u32 $0xFE00, s20;
	[tilespmem:s21+$0xA000] =	vst v0;
	s23 =	simm.s32 @!p0 $0x0  }
0x22: {  	s18 =	sadd.s32 $0x4, s18;
	s21 =	sshll.u32 s23, $0x6;
	s23 =	sor.u32 s24, s25;
	[tilespmem:s22+$0xA000] =	vst v0  }
0x23: {  	p1 =	slt.u32 s18, $0x27C;
	s22 =	sadd.s32 s21, s20;
	[tilespmem:s23+$0xA030] =	vst v0  }
0x24: {  	[tilespmem:s23+$0xA080] =	vst v0;
	s24 =	sor.u32 $0x100, s22;
	s25 =	sadd.s32 $0x10, s22;
	s26 =	sadd.s32 $0x20, s22  }
0x25: {  	s29 =	sadd.s32 $0x30, s22;
	s28 =	sor.u32 $0x100, s25;
	[tilespmem:s23+$0xA0B0] =	vst v0  }
0x26: {  	s21 =	sor.u32 $0x100, s26;
	[tilespmem:s23+$0xA090] =	vst v0  }
0x27: {  	s30 =	sor.u32 $0x100, s29;
	[tilespmem:s23+$0xA0A0] =	vst v0  }
0x28: {  	[tilespmem:s23+$0xA000] =	vst v0  }
0x29: {  	s22 =	sor.u32 $0x180, s22;
	[tilespmem:s24+$0xA000] =	vst v0;
	s24 =	sor.u32 $0x180, s29  }
0x2a: {  	[tilespmem:s22+$0xA000] =	vst v0  }
0x2b: {  	[tilespmem:s23+$0xA010] =	vst v0  }
.Ltmp0:
0x2c: {  	s22 =	sor.u32 $0x180, s25;
	[tilespmem:s28+$0xA000] =	vst v0;
	(pc) =	sbr.rel @p1 .LBB2_2-.Ltmp0, $4  }
0x2d: {  	[tilespmem:s22+$0xA000] =	vst v0  }
0x2e: {  	[tilespmem:s30+$0xA000] =	vst v0  }
0x2f: {  	s19 =	sadd.s32 $0x40, s19;
	[tilespmem:s24+$0xA000] =	vst v0  }
0x30: {  	p0 =	por !p0, !p0;
	s20 =	sadd.s32 $0x100, s20;
	s22 =	sor.u32 $0x180, s26;
	[tilespmem:s23+$0xA020] =	vst v0  }
0x31: {  	[tilespmem:s21+$0xA000] =	vst v0  }
0x32: {  	s18 =	simm.s32 $0x0;
	[tilespmem:s22+$0xA000] =	vst v0  }
0x33: {  	[tilespmem:s13], [sflag:$0x1] =	stream.linear.gather [hbm4b:s3+s18], $0x1000, $0x38;
	[tilespmem:$0x16000] =	vst v63  }
.LBB2_4:
0x34: {  	s19 =	sshll.u32 s18, $0xA  }
0x35: {  	s19 =	sadd.s32 s19, s5  }
0x36: {  	[tilespmem:s14], [sflag:$0x2] =	stream.linear.gather [hbm4b:s19+s2], $0x1000, $0x38;
	[tilespmem:$0x16000] =	vst v63  }
0x37: {  	_ =	swait.ge [sflag:s12], $0x1000  }
0x38: {  	[sflag:s12] =	ssyncset.done $0x0  }
0x39: {  	s19 =	simm.s32 $0x14080;
	[sflag:s12] =	ssyncadd.s32 $0xFFFFF000  }
0x3a: {  	v1 =	vld [tilespmem:s19+$0xFFFFFFF0]  }
0x3b: {  	v2 =	vld [tilespmem:s19+$0x0]  }
0x3c: {  	v3 =	vld [tilespmem:s19+$0xFFFFFF80]  }
0x3d: {  	v4 =	vld [tilespmem:s19+$0xFFFFFFE0]  }
0x3e: {  	v12 =	vld [tilespmem:s19+$0xFFFFFFA0]  }
0x3f: {  	v5 =	vld [tilespmem:s19+$0xFFFFFF90]  }
0x40: {  	v7 =	vld [tilespmem:s19+$0xFFFFFFC0];
	v10 =	vand.u32 $0x7F, v2;
	v2 =	vshll.u32 v2, $0x2;
	v9 =	vshll.u32 v1, $0x2  }
0x41: {  	v6 =	vld [tilespmem:s19+$0xFFFFFFB0];
	v11 =	vand.u32 $0x7F, v3;
	v1 =	vand.u32 $0x7F, v1;
	v14 =	vshll.u32 v3, $0x2  }
0x42: {  	v15 =	vshll.u32 v4, $0x2;
	v4 =	vand.u32 $0x7F, v4;
	v9 =	vand.u32 $0xFFFFFE00, v9  }
0x43: {  	v8 =	vld [tilespmem:s19+$0x70];
	v16 =	vshll.u32 v12, $0x2;
	v12 =	vand.u32 $0x7F, v12;
	v3 =	vor.u32 v1, v9  }
0x44: {  	v13 =	vld [tilespmem:s19+$0xFFFFFFD0];
	v1 =	vand.u32 $0xFFFFFE00, v14;
	v9 =	vand.u32 $0xFFFFFE00, v15;
	v14 =	vand.u32 $0xFFFFFE00, v2  }
0x45: {  	v17 =	vld [tilespmem:s19+$0x10];
	v2 =	vor.u32 v11, v1;
	v11 =	vor.u32 v4, v9;
	v1 =	vshll.u32 v7, $0x2  }
0x46: {  	v18 =	vld [tilespmem:s19+$0x40];
	v4 =	vshll.u32 v6, $0x2;
	v9 =	vshll.u32 v5, $0x2;
	v5 =	vand.u32 $0x7F, v5  }
0x47: {  	v19 =	vld [tilespmem:s19+$0x60];
	v6 =	vand.u32 $0x7F, v6;
	v7 =	vand.u32 $0x7F, v7;
	v9 =	vand.u32 $0xFFFFFE00, v9  }
0x48: {  	v21 =	vld [tilespmem:s19+$0x30];
	v4 =	vand.u32 $0xFFFFFE00, v4;
	v1 =	vand.u32 $0xFFFFFE00, v1;
	v5 =	vor.u32 v5, v9  }
0x49: {  	v15 =	vld [tilespmem:s19+$0x20];
	v9 =	vor.u32 v6, v4;
	v4 =	vand.u32 $0xFFFFFE00, v16;
	v6 =	vor.u32 v7, v1  }
0x4a: {  	v7 =	vshll.u32 v13, $0x2;
	v4 =	vor.u32 v12, v4;
	v12 =	vand.u32 $0x7F, v13;
	v13 =	vld [tilespmem:s19+$0x50]  }
0x4b: {  	v20 =	vld.idx.msk [tilespmem:v3+s2+$0x0], $0xffff  }
0x4c: {  	v7 =	vand.u32 $0xFFFFFE00, v7;
	v22 =	vld.idx.msk [tilespmem:v11+s2+$0x0], $0xffff  }
0x4d: {  	v1 =	vor.u32 v10, v14;
	v14 =	vshll.u32 v19, $0x2;
	v7 =	vor.u32 v12, v7;
	v10 =	vld.idx.msk [tilespmem:v2+s2+$0x0], $0xffff  }
0x4e: {  	v14 =	vand.u32 $0xFFFFFE00, v14;
	v12 =	vand.u32 $0x7F, v19;
	v23 =	vld.idx.msk [tilespmem:v5+s2+$0x0], $0xffff  }
0x4f: {  	v24 =	vshll.u32 v21, $0x2;
	v25 =	vshll.u32 v8, $0x2;
	v16 =	vor.u32 v12, v14;
	v19 =	vld.idx.msk [tilespmem:v9+s2+$0x0], $0xffff  }
0x50: {  	v12 =	vand.u32 $0x7F, v21;
	v14 =	vand.u32 $0xFFFFFE00, v24;
	v24 =	vor.u32 $0x80, v11;
	v21 =	vld.idx.msk [tilespmem:v6+s2+$0x0], $0xffff  }
0x51: {  	v8 =	vand.u32 $0x7F, v8;
	v14 =	vor.u32 v12, v14;
	v12 =	vand.u32 $0xFFFFFE00, v25;
	v26 =	vld.idx.msk [tilespmem:v4+s2+$0x0], $0xffff  }
0x52: {  	v8 =	vor.u32 v8, v12;
	v27 =	vld.idx.msk [tilespmem:v7+s2+$0x0], $0xffff  }
0x53: {  	v28 =	vor.u32 $0x80, v3;
	v25 =	vor.u32 $0x80, v9;
	v12 =	vshll.u32 v13, $0x2;
	[tilespmem:v1+s15+$0x0] =	vst.idx.add.f32.msk $0xffff, v10  }
0x54: {  	v29 =	vor.u32 $0x80, v16;
	v13 =	vand.u32 $0x7F, v13;
	v12 =	vand.u32 $0xFFFFFE00, v12;
	[tilespmem:v16+s15+$0x0] =	vst.idx.add.f32.msk $0xffff, v22  }
0x55: {  	v10 =	vshll.u32 v15, $0x2;
	v15 =	vand.u32 $0x7F, v15;
	v13 =	vor.u32 v13, v12;
	v24 =	vld.idx.msk [tilespmem:v24+s2+$0x0], $0xffff  }
0x56: {  	v12 =	vshll.u32 v17, $0x2;
	v17 =	vand.u32 $0x7F, v17;
	v10 =	vand.u32 $0xFFFFFE00, v10;
	[tilespmem:v14+s15+$0x0] =	vst.idx.add.f32.msk $0xffff, v19  }
0x57: {  	v12 =	vand.u32 $0xFFFFFE00, v12;
	v10 =	vor.u32 v15, v10;
	v15 =	vshll.u32 v18, $0x2;
	[tilespmem:v8+s15+$0x0] =	vst.idx.add.f32.msk $0xffff, v20  }
0x58: {  	v25 =	vld.idx.msk [tilespmem:v25+s2+$0x0], $0xffff;
	v20 =	vand.u32 $0xFFFFFE00, v15;
	v15 =	vor.u32 v17, v12  }
0x59: {  	v18 =	vand.u32 $0x7F, v18;
	v28 =	vld.idx.msk [tilespmem:v28+s2+$0x0], $0xffff;
	v17 =	vor.u32 $0x80, v7  }
0x5a: {  	v12 =	vor.u32 v18, v20;
	v18 =	vor.u32 $0x80, v5;
	[tilespmem:v13+s15+$0x0] =	vst.idx.add.f32.msk $0xffff, v27  }
0x5b: {  	v19 =	vor.u32 $0x80, v4;
	[tilespmem:v29+s15+$0x0] =	vst.idx.add.f32.msk $0xffff, v24  }
0x5c: {  	[tilespmem:v10+s15+$0x0] =	vst.idx.add.f32.msk $0xffff, v26  }
0x5d: {  	[tilespmem:v15+s15+$0x0] =	vst.idx.add.f32.msk $0xffff, v23  }
0x5e: {  	v24 =	vor.u32 $0x80, v14;
	v27 =	vld.idx.msk [tilespmem:v17+s2+$0x0], $0xffff  }
0x5f: {  	v17 =	vld.idx.msk [tilespmem:v18+s2+$0x0], $0xffff;
	v18 =	vor.u32 $0x100, v11  }
0x60: {  	v22 =	vld.idx.msk [tilespmem:v19+s2+$0x0], $0xffff;
	v19 =	vor.u32 $0x80, v8  }
0x61: {  	v63 =	vor.u32 $0x80, v13  }
0x62: {  	v20 =	vor.u32 $0x100, v3;
	[tilespmem:v12+s15+$0x0] =	vst.idx.add.f32.msk $0xffff, v21  }
0x63: {  	v21 =	vor.u32 $0x80, v6;
	[tilespmem:v24+s15+$0x0] =	vst.idx.add.f32.msk $0xffff, v25  }
0x64: {  	v24 =	vld.idx.msk [tilespmem:v18+s2+$0x0], $0xffff;
	v18 =	vor.u32 $0x80, v15  }
0x65: {  	[tilespmem:v19+s15+$0x0] =	vst.idx.add.f32.msk $0xffff, v28  }
0x66: {  	[tilespmem:v63+s15+$0x0] =	vst.idx.add.f32.msk $0xffff, v27  }
0x67: {  	v23 =	vld.idx.msk [tilespmem:v20+s2+$0x0], $0xffff  }
0x68: {  	s20 =	simm.s32 $0x0;
	v25 =	vor.u32 $0x80, v12;
	v26 =	vld.idx.msk [tilespmem:v21+s2+$0x0], $0xffff  }
.LBB2_5:
0x69: {  	s20 =	sadd.s32 $0x8, s20;
	[tilespmem:v18+s15+$0x0] =	vst.idx.add.f32.msk $0xffff, v17;
	s19 =	sadd.s32 $0x100, s19  }
0x6a: {  	v17 =	vld [tilespmem:s19+$0x70];
	p0 =	slt.u32 s20, $0x78  }
0x6b: {  	v18 =	vld [tilespmem:s19+$0xFFFFFF90]  }
0x6c: {  	v20 =	vld [tilespmem:s19+$0xFFFFFFA0]  }
0x6d: {  	v27 =	vor.u32 $0x100, v5;
	v21 =	vld [tilespmem:s19+$0xFFFFFFB0]  }
0x6e: {  	v19 =	vld [tilespmem:s19+$0xFFFFFFC0]  }
0x6f: {  	v28 =	vld [tilespmem:s19+$0xFFFFFFD0]  }
0x70: {  	v29 =	vld [tilespmem:s19+$0xFFFFFFE0]  }
0x71: {  	[tilespmem:v25+s15+$0x0] =	vst.idx.add.f32.msk $0xffff, v26;
	v25 =	vor.u32 $0x100, v8  }
0x72: {  	v26 =	vld.idx.msk [tilespmem:v27+s2+$0x0], $0xffff;
	v27 =	vor.u32 $0x100, v16  }
0x73: {  	v31 =	vor.u32 $0x100, v9;
	v30 =	vld [tilespmem:s19+$0xFFFFFFF0]  }
0x74: {  	v33 =	vor.u32 $0x80, v2;
	v32 =	vld [tilespmem:s19+$0xFFFFFF80]  }
0x75: {  	v11 =	vor.u32 $0x180, v11;
	v34 =	vld [tilespmem:s19+$0x0]  }
0x76: {  	v35 =	vor.u32 $0x80, v10;
	[tilespmem:v25+s15+$0x0] =	vst.idx.add.f32.msk $0xffff, v23  }
0x77: {  	v23 =	vor.u32 $0x100, v7;
	[tilespmem:v27+s15+$0x0] =	vst.idx.add.f32.msk $0xffff, v24  }
0x78: {  	v24 =	vor.u32 $0x100, v4;
	v25 =	vld.idx.msk [tilespmem:v31+s2+$0x0], $0xffff  }
0x79: {  	v31 =	vor.u32 $0x100, v6;
	v27 =	vld.idx.msk [tilespmem:v33+s2+$0x0], $0xffff  }
0x7a: {  	v33 =	vor.u32 $0x100, v15;
	v11 =	vld.idx.msk [tilespmem:v11+s2+$0x0], $0xffff  }
0x7b: {  	v16 =	vor.u32 $0x180, v16;
	[tilespmem:v35+s15+$0x0] =	vst.idx.add.f32.msk $0xffff, v22  }
0x7c: {  	v22 =	vor.u32 $0x80, v1;
	v23 =	vld.idx.msk [tilespmem:v23+s2+$0x0], $0xffff  }
0x7d: {  	v35 =	vor.u32 $0x100, v14;
	v24 =	vld.idx.msk [tilespmem:v24+s2+$0x0], $0xffff  }
0x7e: {  	v9 =	vor.u32 $0x180, v9;
	v31 =	vld.idx.msk [tilespmem:v31+s2+$0x0], $0xffff  }
0x7f: {  	[tilespmem:v33+s15+$0x0] =	vst.idx.add.f32.msk $0xffff, v26;
	v26 =	vor.u32 $0x100, v12  }
0x80: {  	v3 =	vor.u32 $0x180, v3;
	[tilespmem:v16+s15+$0x0] =	vst.idx.add.f32.msk $0xffff, v11  }
0x81: {  	v11 =	vor.u32 $0x100, v13;
	[tilespmem:v22+s15+$0x0] =	vst.idx.add.f32.msk $0xffff, v27  }
0x82: {  	v16 =	vor.u32 $0x100, v2;
	[tilespmem:v35+s15+$0x0] =	vst.idx.add.f32.msk $0xffff, v25  }
0x83: {  	v5 =	vor.u32 $0x180, v5;
	v9 =	vld.idx.msk [tilespmem:v9+s2+$0x0], $0xffff  }
0x84: {  	v7 =	vor.u32 $0x180, v7;
	[tilespmem:v26+s15+$0x0] =	vst.idx.add.f32.msk $0xffff, v31  }
0x85: {  	v14 =	vor.u32 $0x180, v14;
	v3 =	vld.idx.msk [tilespmem:v3+s2+$0x0], $0xffff  }
0x86: {  	v6 =	vor.u32 $0x180, v6;
	[tilespmem:v11+s15+$0x0] =	vst.idx.add.f32.msk $0xffff, v23  }
0x87: {  	v11 =	vld.idx.msk [tilespmem:v16+s2+$0x0], $0xffff;
	v16 =	vor.u32 $0x100, v10  }
0x88: {  	v22 =	vor.u32 $0x100, v1;
	v5 =	vld.idx.msk [tilespmem:v5+s2+$0x0], $0xffff  }
0x89: {  	v4 =	vor.u32 $0x180, v4;
	v2 =	vor.u32 $0x180, v2;
	v7 =	vld.idx.msk [tilespmem:v7+s2+$0x0], $0xffff  }
0x8a: {  	[tilespmem:v14+s15+$0x0] =	vst.idx.add.f32.msk $0xffff, v9  }
0x8b: {  	v9 =	vor.u32 $0x180, v15;
	v6 =	vld.idx.msk [tilespmem:v6+s2+$0x0], $0xffff  }
0x8c: {  	v13 =	vor.u32 $0x180, v13;
	[tilespmem:v16+s15+$0x0] =	vst.idx.add.f32.msk $0xffff, v24  }
0x8d: {  	v8 =	vor.u32 $0x180, v8;
	[tilespmem:v22+s15+$0x0] =	vst.idx.add.f32.msk $0xffff, v11  }
0x8e: {  	v12 =	vor.u32 $0x180, v12;
	v14 =	vor.u32 $0x180, v1;
	v11 =	vld.idx.msk [tilespmem:v2+s2+$0x0], $0xffff  }
0x8f: {  	v10 =	vor.u32 $0x180, v10;
	v1 =	vand.u32 $0x7F, v34;
	v2 =	vshll.u32 v34, $0x2;
	v4 =	vld.idx.msk [tilespmem:v4+s2+$0x0], $0xffff  }
0x90: {  	v15 =	vand.u32 $0x7F, v32;
	v16 =	vshll.u32 v32, $0x2;
	v2 =	vand.u32 $0xFFFFFE00, v2;
	[tilespmem:v9+s15+$0x0] =	vst.idx.add.f32.msk $0xffff, v5  }
0x91: {  	v5 =	vand.u32 $0xFFFFFE00, v16;
	v1 =	vor.u32 v1, v2;
	v9 =	vshll.u32 v30, $0x2;
	[tilespmem:v13+s15+$0x0] =	vst.idx.add.f32.msk $0xffff, v7  }
0x92: {  	v16 =	vand.u32 $0x7F, v30;
	v7 =	vand.u32 $0x7F, v29;
	v13 =	vshll.u32 v29, $0x2;
	[tilespmem:v8+s15+$0x0] =	vst.idx.add.f32.msk $0xffff, v3  }
0x93: {  	v2 =	vor.u32 v15, v5;
	v3 =	vshll.u32 v28, $0x2;
	v5 =	vand.u32 $0xFFFFFE00, v13;
	[tilespmem:v12+s15+$0x0] =	vst.idx.add.f32.msk $0xffff, v6  }
0x94: {  	v6 =	vshll.u32 v19, $0x2;
	v8 =	vand.u32 $0xFFFFFE00, v3;
	v3 =	vand.u32 $0xFFFFFE00, v9;
	[tilespmem:v14+s15+$0x0] =	vst.idx.add.f32.msk $0xffff, v11  }
0x95: {  	v9 =	vshll.u32 v21, $0x2;
	v12 =	vand.u32 $0x7F, v28;
	v3 =	vor.u32 v16, v3;
	[tilespmem:v10+s15+$0x0] =	vst.idx.add.f32.msk $0xffff, v4  }
0x96: {  	v13 =	vand.u32 $0x7F, v21;
	v9 =	vand.u32 $0xFFFFFE00, v9;
	v4 =	vshll.u32 v20, $0x2;
	v10 =	vld [tilespmem:s19+$0x20]  }
0x97: {  	v14 =	vshll.u32 v18, $0x2;
	v11 =	vor.u32 v7, v5;
	v4 =	vand.u32 $0xFFFFFE00, v4;
	v15 =	vld [tilespmem:s19+$0x10]  }
0x98: {  	v7 =	vor.u32 v12, v8;
	v5 =	vand.u32 $0xFFFFFE00, v14;
	v14 =	vand.u32 $0x7F, v20;
	v20 =	vld [tilespmem:s19+$0x40]  }
0x99: {  	v8 =	vand.u32 $0x7F, v18;
	v4 =	vor.u32 v14, v4;
	v14 =	vand.u32 $0x7F, v17;
	v12 =	vld [tilespmem:s19+$0x60]  }
0x9a: {  	v6 =	vand.u32 $0xFFFFFE00, v6;
	v5 =	vor.u32 v8, v5;
	v8 =	vand.u32 $0x7F, v19;
	v18 =	vld.idx.msk [tilespmem:v3+s2+$0x0], $0xffff  }
0x9b: {  	v9 =	vor.u32 v13, v9;
	v6 =	vor.u32 v8, v6;
	v16 =	vshll.u32 v10, $0x2;
	v19 =	vld [tilespmem:s19+$0x30]  }
0x9c: {  	v8 =	vshll.u32 v17, $0x2;
	v21 =	vshll.u32 v15, $0x2;
	v13 =	vand.u32 $0xFFFFFE00, v16;
	v22 =	vld.idx.msk [tilespmem:v11+s2+$0x0], $0xffff  }
0x9d: {  	v8 =	vand.u32 $0xFFFFFE00, v8;
	v17 =	vld.idx.msk [tilespmem:v2+s2+$0x0], $0xffff;
	v16 =	vshll.u32 v20, $0x2  }
0x9e: {  	v8 =	vor.u32 v14, v8;
	v23 =	vand.u32 $0xFFFFFE00, v16;
	v24 =	vld [tilespmem:s19+$0x50];
	v16 =	vshll.u32 v12, $0x2  }
0x9f: {  	v12 =	vand.u32 $0x7F, v12;
	v25 =	vld.idx.msk [tilespmem:v5+s2+$0x0], $0xffff;
	v14 =	vand.u32 $0xFFFFFE00, v16  }
0xa0: {  	v26 =	vld.idx.msk [tilespmem:v9+s2+$0x0], $0xffff;
	v27 =	vshll.u32 v19, $0x2;
	v16 =	vor.u32 v12, v14  }
0xa1: {  	v12 =	vand.u32 $0x7F, v19;
	v14 =	vand.u32 $0xFFFFFE00, v27;
	v19 =	vld.idx.msk [tilespmem:v6+s2+$0x0], $0xffff;
	v27 =	vor.u32 $0x80, v11  }
0xa2: {  	v28 =	vld.idx.msk [tilespmem:v4+s2+$0x0], $0xffff;
	v14 =	vor.u32 v12, v14  }
0xa3: {  	v29 =	vor.u32 $0x80, v9;
	[tilespmem:v1+s15+$0x0] =	vst.idx.add.f32.msk $0xffff, v17;
	v17 =	vor.u32 $0x80, v4;
	v30 =	vand.u32 $0x7F, v24  }
0xa4: {  	v31 =	vor.u32 $0x80, v3;
	v12 =	vand.u32 $0x7F, v20;
	v24 =	vshll.u32 v24, $0x2;
	v20 =	vld.idx.msk [tilespmem:v7+s2+$0x0], $0xffff  }
0xa5: {  	v10 =	vand.u32 $0x7F, v10;
	v12 =	vor.u32 v12, v23;
	v23 =	vand.u32 $0xFFFFFE00, v24;
	[tilespmem:v16+s15+$0x0] =	vst.idx.add.f32.msk $0xffff, v22  }
0xa6: {  	v10 =	vor.u32 v10, v13;
	v13 =	vor.u32 v30, v23;
	v23 =	vld.idx.msk [tilespmem:v27+s2+$0x0], $0xffff  }
0xa7: {  	v24 =	vor.u32 $0x80, v16;
	[tilespmem:v14+s15+$0x0] =	vst.idx.add.f32.msk $0xffff, v26  }
0xa8: {  	v26 =	vld.idx.msk [tilespmem:v29+s2+$0x0], $0xffff  }
0xa9: {  	v15 =	vand.u32 $0x7F, v15;
	v21 =	vand.u32 $0xFFFFFE00, v21;
	v27 =	vor.u32 $0x80, v6;
	[tilespmem:v8+s15+$0x0] =	vst.idx.add.f32.msk $0xffff, v18  }
0xaa: {  	v15 =	vor.u32 v15, v21;
	v18 =	vld.idx.msk [tilespmem:v31+s2+$0x0], $0xffff  }
0xab: {  	[tilespmem:v13+s15+$0x0] =	vst.idx.add.f32.msk $0xffff, v20  }
0xac: {  	v20 =	vor.u32 $0x80, v7;
	[tilespmem:v10+s15+$0x0] =	vst.idx.add.f32.msk $0xffff, v28  }
0xad: {  	v21 =	vor.u32 $0x80, v5;
	v22 =	vld.idx.msk [tilespmem:v17+s2+$0x0], $0xffff  }
0xae: {  	[tilespmem:v24+s15+$0x0] =	vst.idx.add.f32.msk $0xffff, v23;
	v23 =	vor.u32 $0x80, v8  }
0xaf: {  	v24 =	vor.u32 $0x100, v3;
	[tilespmem:v15+s15+$0x0] =	vst.idx.add.f32.msk $0xffff, v25  }
0xb0: {  	v28 =	vor.u32 $0x80, v14;
	[tilespmem:v12+s15+$0x0] =	vst.idx.add.f32.msk $0xffff, v19  }
0xb1: {  	v25 =	vor.u32 $0x80, v12;
	v19 =	vld.idx.msk [tilespmem:v20+s2+$0x0], $0xffff  }
0xb2: {  	v20 =	vor.u32 $0x100, v11;
	v17 =	vld.idx.msk [tilespmem:v21+s2+$0x0], $0xffff  }
0xb3: {  	v21 =	vor.u32 $0x80, v13;
	[tilespmem:v23+s15+$0x0] =	vst.idx.add.f32.msk $0xffff, v18  }
.Ltmp1:
0xb4: {  	v18 =	vor.u32 $0x80, v15;
	v23 =	vld.idx.msk [tilespmem:v24+s2+$0x0], $0xffff;
	(pc) =	sbr.rel @p0 .LBB2_5-.Ltmp1, $4  }
0xb5: {  	[tilespmem:v28+s15+$0x0] =	vst.idx.add.f32.msk $0xffff, v26  }
0xb6: {  	v26 =	vld.idx.msk [tilespmem:v27+s2+$0x0], $0xffff  }
0xb7: {  	v24 =	vld.idx.msk [tilespmem:v20+s2+$0x0], $0xffff  }
0xb8: {  	[tilespmem:v21+s15+$0x0] =	vst.idx.add.f32.msk $0xffff, v19  }
0xb9: {  	_ = 	snop  }
0xba: {  	v19 =	vor.u32 $0x100, v5  }
0xbb: {  	v20 =	vor.u32 $0x100, v8  }
0xbc: {  	v21 =	vor.u32 $0x100, v16  }
0xbd: {  	[tilespmem:v18+s15+$0x0] =	vst.idx.add.f32.msk $0xffff, v17;
	v17 =	vor.u32 $0x100, v9  }
0xbe: {  	v18 =	vor.u32 $0x80, v2;
	[tilespmem:v25+s15+$0x0] =	vst.idx.add.f32.msk $0xffff, v26  }
0xbf: {  	v11 =	vor.u32 $0x180, v11;
	v19 =	vld.idx.msk [tilespmem:v19+s2+$0x0], $0xffff  }
0xc0: {  	v3 =	vor.u32 $0x180, v3;
	[tilespmem:v20+s15+$0x0] =	vst.idx.add.f32.msk $0xffff, v23  }
0xc1: {  	v25 =	vor.u32 $0x80, v10;
	[tilespmem:v21+s15+$0x0] =	vst.idx.add.f32.msk $0xffff, v24  }
0xc2: {  	v20 =	vor.u32 $0x100, v7;
	v17 =	vld.idx.msk [tilespmem:v17+s2+$0x0], $0xffff  }
0xc3: {  	v21 =	vor.u32 $0x100, v4;
	v18 =	vld.idx.msk [tilespmem:v18+s2+$0x0], $0xffff  }
0xc4: {  	v23 =	vor.u32 $0x100, v6;
	v11 =	vld.idx.msk [tilespmem:v11+s2+$0x0], $0xffff  }
0xc5: {  	v24 =	vor.u32 $0x100, v15;
	v3 =	vld.idx.msk [tilespmem:v3+s2+$0x0], $0xffff  }
0xc6: {  	v16 =	vor.u32 $0x180, v16;
	[tilespmem:v25+s15+$0x0] =	vst.idx.add.f32.msk $0xffff, v22  }
0xc7: {  	v5 =	vor.u32 $0x180, v5;
	v20 =	vld.idx.msk [tilespmem:v20+s2+$0x0], $0xffff  }
0xc8: {  	v8 =	vor.u32 $0x180, v8;
	v21 =	vld.idx.msk [tilespmem:v21+s2+$0x0], $0xffff  }
0xc9: {  	v22 =	vor.u32 $0x80, v1;
	v23 =	vld.idx.msk [tilespmem:v23+s2+$0x0], $0xffff  }
0xca: {  	v25 =	vor.u32 $0x100, v14;
	[tilespmem:v24+s15+$0x0] =	vst.idx.add.f32.msk $0xffff, v19  }
0xcb: {  	v9 =	vor.u32 $0x180, v9;
	[tilespmem:v16+s15+$0x0] =	vst.idx.add.f32.msk $0xffff, v11  }
0xcc: {  	v11 =	vor.u32 $0x100, v13;
	v5 =	vld.idx.msk [tilespmem:v5+s2+$0x0], $0xffff  }
0xcd: {  	v16 =	vor.u32 $0x100, v2;
	[tilespmem:v8+s15+$0x0] =	vst.idx.add.f32.msk $0xffff, v3  }
0xce: {  	v19 =	vor.u32 $0x100, v12;
	[tilespmem:v22+s15+$0x0] =	vst.idx.add.f32.msk $0xffff, v18  }
0xcf: {  	v6 =	vor.u32 $0x180, v6;
	[tilespmem:v25+s15+$0x0] =	vst.idx.add.f32.msk $0xffff, v17  }
0xd0: {  	v7 =	vor.u32 $0x180, v7;
	v9 =	vld.idx.msk [tilespmem:v9+s2+$0x0], $0xffff  }
0xd1: {  	v14 =	vor.u32 $0x180, v14;
	[tilespmem:v11+s15+$0x0] =	vst.idx.add.f32.msk $0xffff, v20  }
0xd2: {  	v11 =	vld.idx.msk [tilespmem:v16+s2+$0x0], $0xffff;
	v16 =	vor.u32 $0x100, v10  }
0xd3: {  	v17 =	vor.u32 $0x100, v1;
	[tilespmem:v19+s15+$0x0] =	vst.idx.add.f32.msk $0xffff, v23  }
0xd4: {  	v2 =	vor.u32 $0x180, v2;
	v6 =	vld.idx.msk [tilespmem:v6+s2+$0x0], $0xffff  }
0xd5: {  	v4 =	vor.u32 $0x180, v4;
	v7 =	vld.idx.msk [tilespmem:v7+s2+$0x0], $0xffff  }
0xd6: {  	v13 =	vor.u32 $0x180, v13;
	[tilespmem:v14+s15+$0x0] =	vst.idx.add.f32.msk $0xffff, v9  }
0xd7: {  	v9 =	vor.u32 $0x180, v15;
	[tilespmem:v16+s15+$0x0] =	vst.idx.add.f32.msk $0xffff, v21  }
0xd8: {  	[tilespmem:v17+s15+$0x0] =	vst.idx.add.f32.msk $0xffff, v11;
	v11 =	vor.u32 $0x180, v12  }
0xd9: {  	v1 =	vor.u32 $0x180, v1;
	v2 =	vld.idx.msk [tilespmem:v2+s2+$0x0], $0xffff  }
0xda: {  	v10 =	vor.u32 $0x180, v10;
	v4 =	vld.idx.msk [tilespmem:v4+s2+$0x0], $0xffff  }
0xdb: {  	[tilespmem:v13+s15+$0x0] =	vst.idx.add.f32.msk $0xffff, v7  }
0xdc: {  	s19 =	sshll.u32 s18, $0x1;
	[tilespmem:v9+s15+$0x0] =	vst.idx.add.f32.msk $0xffff, v5  }
0xdd: {  	s19 =	smin.u32 s19, $0x9B;
	[tilespmem:v11+s15+$0x0] =	vst.idx.add.f32.msk $0xffff, v6  }
0xde: {  	s19 =	sshll.u32 s19, $0x9;
	[tilespmem:v1+s15+$0x0] =	vst.idx.add.f32.msk $0xffff, v2  }
0xdf: {  	s19 =	sadd.s32 s19, s6;
	[tilespmem:v10+s15+$0x0] =	vst.idx.add.f32.msk $0xffff, v4  }
0xe0: {  	[tilespmem:s13], [sflag:$0x1] =	stream.linear.gather [hbm4b:s19+s2], $0x1000, $0x38;
	[tilespmem:$0x16000] =	vst v63  }
0xe1: {  	_ =	swait.ge [sflag:s16], $0x1000  }
0xe2: {  	[sflag:s16] =	ssyncset.done $0x0  }
0xe3: {  	s19 =	simm.s32 $0x150F0;
	[sflag:s16] =	ssyncadd.s32 $0xFFFFF000  }
0xe4: {  	v1 =	vld [tilespmem:s19+$0xFFFFFF80]  }
0xe5: {  	v2 =	vld [tilespmem:s19+$0xFFFFFF90]  }
0xe6: {  	v3 =	vld [tilespmem:s19+$0xFFFFFF10]  }
0xe7: {  	v4 =	vld [tilespmem:s19+$0xFFFFFF70]  }
0xe8: {  	v12 =	vld [tilespmem:s19+$0xFFFFFF30]  }
0xe9: {  	v5 =	vld [tilespmem:s19+$0xFFFFFF20]  }
0xea: {  	v7 =	vld [tilespmem:s19+$0xFFFFFF50];
	v10 =	vand.u32 $0x7F, v2;
	v2 =	vshll.u32 v2, $0x2;
	v9 =	vshll.u32 v1, $0x2  }
0xeb: {  	v6 =	vld [tilespmem:s19+$0xFFFFFF40];
	v11 =	vand.u32 $0x7F, v3;
	v1 =	vand.u32 $0x7F, v1;
	v14 =	vshll.u32 v3, $0x2  }
0xec: {  	v15 =	vshll.u32 v4, $0x2;
	v4 =	vand.u32 $0x7F, v4;
	v9 =	vand.u32 $0xFFFFFE00, v9  }
0xed: {  	v8 =	vld [tilespmem:s19+$0x0];
	v16 =	vshll.u32 v12, $0x2;
	v12 =	vand.u32 $0x7F, v12;
	v3 =	vor.u32 v1, v9  }
0xee: {  	v13 =	vld [tilespmem:s19+$0xFFFFFF60];
	v1 =	vand.u32 $0xFFFFFE00, v14;
	v9 =	vand.u32 $0xFFFFFE00, v15;
	v14 =	vand.u32 $0xFFFFFE00, v2  }
0xef: {  	v17 =	vld [tilespmem:s19+$0xFFFFFFA0];
	v2 =	vor.u32 v11, v1;
	v11 =	vor.u32 v4, v9;
	v1 =	vshll.u32 v7, $0x2  }
0xf0: {  	v18 =	vld [tilespmem:s19+$0xFFFFFFD0];
	v4 =	vshll.u32 v6, $0x2;
	v9 =	vshll.u32 v5, $0x2;
	v5 =	vand.u32 $0x7F, v5  }
0xf1: {  	v19 =	vld [tilespmem:s19+$0xFFFFFFF0];
	v6 =	vand.u32 $0x7F, v6;
	v7 =	vand.u32 $0x7F, v7;
	v9 =	vand.u32 $0xFFFFFE00, v9  }
0xf2: {  	v21 =	vld [tilespmem:s19+$0xFFFFFFC0];
	v4 =	vand.u32 $0xFFFFFE00, v4;
	v1 =	vand.u32 $0xFFFFFE00, v1;
	v5 =	vor.u32 v5, v9  }
0xf3: {  	v15 =	vld [tilespmem:s19+$0xFFFFFFB0];
	v9 =	vor.u32 v6, v4;
	v4 =	vand.u32 $0xFFFFFE00, v16;
	v6 =	vor.u32 v7, v1  }
0xf4: {  	v7 =	vshll.u32 v13, $0x2;
	v4 =	vor.u32 v12, v4;
	v12 =	vand.u32 $0x7F, v13;
	v13 =	vld [tilespmem:s19+$0xFFFFFFE0]  }
0xf5: {  	v20 =	vld.idx.msk [tilespmem:v3+s2+$0x0], $0xffff  }
0xf6: {  	v7 =	vand.u32 $0xFFFFFE00, v7;
	v22 =	vld.idx.msk [tilespmem:v11+s2+$0x0], $0xffff  }
0xf7: {  	v1 =	vor.u32 v10, v14;
	v14 =	vshll.u32 v19, $0x2;
	v7 =	vor.u32 v12, v7;
	v10 =	vld.idx.msk [tilespmem:v2+s2+$0x0], $0xffff  }
0xf8: {  	v14 =	vand.u32 $0xFFFFFE00, v14;
	v12 =	vand.u32 $0x7F, v19;
	v23 =	vld.idx.msk [tilespmem:v5+s2+$0x0], $0xffff  }
0xf9: {  	v24 =	vshll.u32 v21, $0x2;
	v25 =	vshll.u32 v8, $0x2;
	v16 =	vor.u32 v12, v14;
	v19 =	vld.idx.msk [tilespmem:v9+s2+$0x0], $0xffff  }
0xfa: {  	v12 =	vand.u32 $0x7F, v21;
	v14 =	vand.u32 $0xFFFFFE00, v24;
	v24 =	vor.u32 $0x80, v11;
	v21 =	vld.idx.msk [tilespmem:v6+s2+$0x0], $0xffff  }
0xfb: {  	v8 =	vand.u32 $0x7F, v8;
	v14 =	vor.u32 v12, v14;
	v12 =	vand.u32 $0xFFFFFE00, v25;
	v26 =	vld.idx.msk [tilespmem:v4+s2+$0x0], $0xffff  }
0xfc: {  	v8 =	vor.u32 v8, v12;
	v27 =	vld.idx.msk [tilespmem:v7+s2+$0x0], $0xffff  }
0xfd: {  	v28 =	vor.u32 $0x80, v3;
	v25 =	vor.u32 $0x80, v9;
	v12 =	vshll.u32 v13, $0x2;
	[tilespmem:v1+s15+$0x0] =	vst.idx.add.f32.msk $0xffff, v10  }
0xfe: {  	v29 =	vor.u32 $0x80, v16;
	v13 =	vand.u32 $0x7F, v13;
	v12 =	vand.u32 $0xFFFFFE00, v12;
	[tilespmem:v16+s15+$0x0] =	vst.idx.add.f32.msk $0xffff, v22  }
0xff: {  	v10 =	vshll.u32 v15, $0x2;
	v15 =	vand.u32 $0x7F, v15;
	v13 =	vor.u32 v13, v12;
	v24 =	vld.idx.msk [tilespmem:v24+s2+$0x0], $0xffff  }
0x100: {  	v12 =	vshll.u32 v17, $0x2;
	v17 =	vand.u32 $0x7F, v17;
	v10 =	vand.u32 $0xFFFFFE00, v10;
	[tilespmem:v14+s15+$0x0] =	vst.idx.add.f32.msk $0xffff, v19  }
0x101: {  	v12 =	vand.u32 $0xFFFFFE00, v12;
	v10 =	vor.u32 v15, v10;
	v15 =	vshll.u32 v18, $0x2;
	[tilespmem:v8+s15+$0x0] =	vst.idx.add.f32.msk $0xffff, v20  }
0x102: {  	v25 =	vld.idx.msk [tilespmem:v25+s2+$0x0], $0xffff;
	v20 =	vand.u32 $0xFFFFFE00, v15;
	v15 =	vor.u32 v17, v12  }
0x103: {  	v18 =	vand.u32 $0x7F, v18;
	v28 =	vld.idx.msk [tilespmem:v28+s2+$0x0], $0xffff;
	v17 =	vor.u32 $0x80, v7  }
0x104: {  	v12 =	vor.u32 v18, v20;
	v18 =	vor.u32 $0x80, v5;
	[tilespmem:v13+s15+$0x0] =	vst.idx.add.f32.msk $0xffff, v27  }
0x105: {  	v19 =	vor.u32 $0x80, v4;
	[tilespmem:v29+s15+$0x0] =	vst.idx.add.f32.msk $0xffff, v24  }
0x106: {  	[tilespmem:v10+s15+$0x0] =	vst.idx.add.f32.msk $0xffff, v26  }
0x107: {  	[tilespmem:v15+s15+$0x0] =	vst.idx.add.f32.msk $0xffff, v23  }
0x108: {  	v24 =	vor.u32 $0x80, v14;
	v27 =	vld.idx.msk [tilespmem:v17+s2+$0x0], $0xffff  }
0x109: {  	v17 =	vld.idx.msk [tilespmem:v18+s2+$0x0], $0xffff;
	v18 =	vor.u32 $0x100, v11  }
0x10a: {  	v22 =	vld.idx.msk [tilespmem:v19+s2+$0x0], $0xffff;
	v19 =	vor.u32 $0x80, v8  }
0x10b: {  	v63 =	vor.u32 $0x80, v13  }
0x10c: {  	v20 =	vor.u32 $0x100, v3;
	[tilespmem:v12+s15+$0x0] =	vst.idx.add.f32.msk $0xffff, v21  }
0x10d: {  	v21 =	vor.u32 $0x80, v6;
	[tilespmem:v24+s15+$0x0] =	vst.idx.add.f32.msk $0xffff, v25  }
0x10e: {  	v24 =	vld.idx.msk [tilespmem:v18+s2+$0x0], $0xffff;
	v18 =	vor.u32 $0x80, v15  }
0x10f: {  	[tilespmem:v19+s15+$0x0] =	vst.idx.add.f32.msk $0xffff, v28  }
0x110: {  	[tilespmem:v63+s15+$0x0] =	vst.idx.add.f32.msk $0xffff, v27  }
0x111: {  	v23 =	vld.idx.msk [tilespmem:v20+s2+$0x0], $0xffff  }
0x112: {  	s20 =	simm.s32 $0x0;
	v25 =	vor.u32 $0x80, v12;
	v26 =	vld.idx.msk [tilespmem:v21+s2+$0x0], $0xffff  }
.LBB2_7:
0x113: {  	s20 =	sadd.s32 $0x8, s20;
	[tilespmem:v18+s15+$0x0] =	vst.idx.add.f32.msk $0xffff, v17;
	s19 =	sadd.s32 $0x100, s19  }
0x114: {  	v17 =	vld [tilespmem:s19+$0x0];
	p0 =	slt.u32 s20, $0x78  }
0x115: {  	v18 =	vld [tilespmem:s19+$0xFFFFFF20]  }
0x116: {  	v20 =	vld [tilespmem:s19+$0xFFFFFF30]  }
0x117: {  	v27 =	vor.u32 $0x100, v5;
	v21 =	vld [tilespmem:s19+$0xFFFFFF40]  }
0x118: {  	v19 =	vld [tilespmem:s19+$0xFFFFFF50]  }
0x119: {  	v28 =	vld [tilespmem:s19+$0xFFFFFF60]  }
0x11a: {  	v29 =	vld [tilespmem:s19+$0xFFFFFF70]  }
0x11b: {  	[tilespmem:v25+s15+$0x0] =	vst.idx.add.f32.msk $0xffff, v26;
	v25 =	vor.u32 $0x100, v8  }
0x11c: {  	v26 =	vld.idx.msk [tilespmem:v27+s2+$0x0], $0xffff;
	v27 =	vor.u32 $0x100, v16  }
0x11d: {  	v31 =	vor.u32 $0x100, v9;
	v30 =	vld [tilespmem:s19+$0xFFFFFF80]  }
0x11e: {  	v33 =	vor.u32 $0x80, v2;
	v32 =	vld [tilespmem:s19+$0xFFFFFF10]  }
0x11f: {  	v11 =	vor.u32 $0x180, v11;
	v34 =	vld [tilespmem:s19+$0xFFFFFF90]  }
0x120: {  	v35 =	vor.u32 $0x80, v10;
	[tilespmem:v25+s15+$0x0] =	vst.idx.add.f32.msk $0xffff, v23  }
0x121: {  	v23 =	vor.u32 $0x100, v7;
	[tilespmem:v27+s15+$0x0] =	vst.idx.add.f32.msk $0xffff, v24  }
0x122: {  	v24 =	vor.u32 $0x100, v4;
	v25 =	vld.idx.msk [tilespmem:v31+s2+$0x0], $0xffff  }
0x123: {  	v31 =	vor.u32 $0x100, v6;
	v27 =	vld.idx.msk [tilespmem:v33+s2+$0x0], $0xffff  }
0x124: {  	v33 =	vor.u32 $0x100, v15;
	v11 =	vld.idx.msk [tilespmem:v11+s2+$0x0], $0xffff  }
0x125: {  	v16 =	vor.u32 $0x180, v16;
	[tilespmem:v35+s15+$0x0] =	vst.idx.add.f32.msk $0xffff, v22  }
0x126: {  	v22 =	vor.u32 $0x80, v1;
	v23 =	vld.idx.msk [tilespmem:v23+s2+$0x0], $0xffff  }
0x127: {  	v35 =	vor.u32 $0x100, v14;
	v24 =	vld.idx.msk [tilespmem:v24+s2+$0x0], $0xffff  }
0x128: {  	v9 =	vor.u32 $0x180, v9;
	v31 =	vld.idx.msk [tilespmem:v31+s2+$0x0], $0xffff  }
0x129: {  	[tilespmem:v33+s15+$0x0] =	vst.idx.add.f32.msk $0xffff, v26;
	v26 =	vor.u32 $0x100, v12  }
0x12a: {  	v3 =	vor.u32 $0x180, v3;
	[tilespmem:v16+s15+$0x0] =	vst.idx.add.f32.msk $0xffff, v11  }
0x12b: {  	v11 =	vor.u32 $0x100, v13;
	[tilespmem:v22+s15+$0x0] =	vst.idx.add.f32.msk $0xffff, v27  }
0x12c: {  	v16 =	vor.u32 $0x100, v2;
	[tilespmem:v35+s15+$0x0] =	vst.idx.add.f32.msk $0xffff, v25  }
0x12d: {  	v5 =	vor.u32 $0x180, v5;
	v9 =	vld.idx.msk [tilespmem:v9+s2+$0x0], $0xffff  }
0x12e: {  	v7 =	vor.u32 $0x180, v7;
	[tilespmem:v26+s15+$0x0] =	vst.idx.add.f32.msk $0xffff, v31  }
0x12f: {  	v14 =	vor.u32 $0x180, v14;
	v3 =	vld.idx.msk [tilespmem:v3+s2+$0x0], $0xffff  }
0x130: {  	v6 =	vor.u32 $0x180, v6;
	[tilespmem:v11+s15+$0x0] =	vst.idx.add.f32.msk $0xffff, v23  }
0x131: {  	v11 =	vld.idx.msk [tilespmem:v16+s2+$0x0], $0xffff;
	v16 =	vor.u32 $0x100, v10  }
0x132: {  	v22 =	vor.u32 $0x100, v1;
	v5 =	vld.idx.msk [tilespmem:v5+s2+$0x0], $0xffff  }
0x133: {  	v4 =	vor.u32 $0x180, v4;
	v2 =	vor.u32 $0x180, v2;
	v7 =	vld.idx.msk [tilespmem:v7+s2+$0x0], $0xffff  }
0x134: {  	[tilespmem:v14+s15+$0x0] =	vst.idx.add.f32.msk $0xffff, v9  }
0x135: {  	v9 =	vor.u32 $0x180, v15;
	v6 =	vld.idx.msk [tilespmem:v6+s2+$0x0], $0xffff  }
0x136: {  	v13 =	vor.u32 $0x180, v13;
	[tilespmem:v16+s15+$0x0] =	vst.idx.add.f32.msk $0xffff, v24  }
0x137: {  	v8 =	vor.u32 $0x180, v8;
	[tilespmem:v22+s15+$0x0] =	vst.idx.add.f32.msk $0xffff, v11  }
0x138: {  	v12 =	vor.u32 $0x180, v12;
	v14 =	vor.u32 $0x180, v1;
	v11 =	vld.idx.msk [tilespmem:v2+s2+$0x0], $0xffff  }
0x139: {  	v10 =	vor.u32 $0x180, v10;
	v1 =	vand.u32 $0x7F, v34;
	v2 =	vshll.u32 v34, $0x2;
	v4 =	vld.idx.msk [tilespmem:v4+s2+$0x0], $0xffff  }
0x13a: {  	v15 =	vand.u32 $0x7F, v32;
	v16 =	vshll.u32 v32, $0x2;
	v2 =	vand.u32 $0xFFFFFE00, v2;
	[tilespmem:v9+s15+$0x0] =	vst.idx.add.f32.msk $0xffff, v5  }
0x13b: {  	v5 =	vand.u32 $0xFFFFFE00, v16;
	v1 =	vor.u32 v1, v2;
	v9 =	vshll.u32 v30, $0x2;
	[tilespmem:v13+s15+$0x0] =	vst.idx.add.f32.msk $0xffff, v7  }
0x13c: {  	v16 =	vand.u32 $0x7F, v30;
	v7 =	vand.u32 $0x7F, v29;
	v13 =	vshll.u32 v29, $0x2;
	[tilespmem:v8+s15+$0x0] =	vst.idx.add.f32.msk $0xffff, v3  }
0x13d: {  	v2 =	vor.u32 v15, v5;
	v3 =	vshll.u32 v28, $0x2;
	v5 =	vand.u32 $0xFFFFFE00, v13;
	[tilespmem:v12+s15+$0x0] =	vst.idx.add.f32.msk $0xffff, v6  }
0x13e: {  	v6 =	vshll.u32 v19, $0x2;
	v8 =	vand.u32 $0xFFFFFE00, v3;
	v3 =	vand.u32 $0xFFFFFE00, v9;
	[tilespmem:v14+s15+$0x0] =	vst.idx.add.f32.msk $0xffff, v11  }
0x13f: {  	v9 =	vshll.u32 v21, $0x2;
	v12 =	vand.u32 $0x7F, v28;
	v3 =	vor.u32 v16, v3;
	[tilespmem:v10+s15+$0x0] =	vst.idx.add.f32.msk $0xffff, v4  }
0x140: {  	v13 =	vand.u32 $0x7F, v21;
	v9 =	vand.u32 $0xFFFFFE00, v9;
	v4 =	vshll.u32 v20, $0x2;
	v10 =	vld [tilespmem:s19+$0xFFFFFFB0]  }
0x141: {  	v14 =	vshll.u32 v18, $0x2;
	v11 =	vor.u32 v7, v5;
	v4 =	vand.u32 $0xFFFFFE00, v4;
	v15 =	vld [tilespmem:s19+$0xFFFFFFA0]  }
0x142: {  	v7 =	vor.u32 v12, v8;
	v5 =	vand.u32 $0xFFFFFE00, v14;
	v14 =	vand.u32 $0x7F, v20;
	v20 =	vld [tilespmem:s19+$0xFFFFFFD0]  }
0x143: {  	v8 =	vand.u32 $0x7F, v18;
	v4 =	vor.u32 v14, v4;
	v14 =	vand.u32 $0x7F, v17;
	v12 =	vld [tilespmem:s19+$0xFFFFFFF0]  }
0x144: {  	v6 =	vand.u32 $0xFFFFFE00, v6;
	v5 =	vor.u32 v8, v5;
	v8 =	vand.u32 $0x7F, v19;
	v18 =	vld.idx.msk [tilespmem:v3+s2+$0x0], $0xffff  }
0x145: {  	v9 =	vor.u32 v13, v9;
	v6 =	vor.u32 v8, v6;
	v16 =	vshll.u32 v10, $0x2;
	v19 =	vld [tilespmem:s19+$0xFFFFFFC0]  }
0x146: {  	v8 =	vshll.u32 v17, $0x2;
	v21 =	vshll.u32 v15, $0x2;
	v13 =	vand.u32 $0xFFFFFE00, v16;
	v22 =	vld.idx.msk [tilespmem:v11+s2+$0x0], $0xffff  }
0x147: {  	v8 =	vand.u32 $0xFFFFFE00, v8;
	v17 =	vld.idx.msk [tilespmem:v2+s2+$0x0], $0xffff;
	v16 =	vshll.u32 v20, $0x2  }
0x148: {  	v8 =	vor.u32 v14, v8;
	v23 =	vand.u32 $0xFFFFFE00, v16;
	v24 =	vld [tilespmem:s19+$0xFFFFFFE0];
	v16 =	vshll.u32 v12, $0x2  }
0x149: {  	v12 =	vand.u32 $0x7F, v12;
	v25 =	vld.idx.msk [tilespmem:v5+s2+$0x0], $0xffff;
	v14 =	vand.u32 $0xFFFFFE00, v16  }
0x14a: {  	v26 =	vld.idx.msk [tilespmem:v9+s2+$0x0], $0xffff;
	v27 =	vshll.u32 v19, $0x2;
	v16 =	vor.u32 v12, v14  }
0x14b: {  	v12 =	vand.u32 $0x7F, v19;
	v14 =	vand.u32 $0xFFFFFE00, v27;
	v19 =	vld.idx.msk [tilespmem:v6+s2+$0x0], $0xffff;
	v27 =	vor.u32 $0x80, v11  }
0x14c: {  	v28 =	vld.idx.msk [tilespmem:v4+s2+$0x0], $0xffff;
	v14 =	vor.u32 v12, v14  }
0x14d: {  	v29 =	vor.u32 $0x80, v9;
	[tilespmem:v1+s15+$0x0] =	vst.idx.add.f32.msk $0xffff, v17;
	v17 =	vor.u32 $0x80, v4;
	v30 =	vand.u32 $0x7F, v24  }
0x14e: {  	v31 =	vor.u32 $0x80, v3;
	v12 =	vand.u32 $0x7F, v20;
	v24 =	vshll.u32 v24, $0x2;
	v20 =	vld.idx.msk [tilespmem:v7+s2+$0x0], $0xffff  }
0x14f: {  	v10 =	vand.u32 $0x7F, v10;
	v12 =	vor.u32 v12, v23;
	v23 =	vand.u32 $0xFFFFFE00, v24;
	[tilespmem:v16+s15+$0x0] =	vst.idx.add.f32.msk $0xffff, v22  }
0x150: {  	v10 =	vor.u32 v10, v13;
	v13 =	vor.u32 v30, v23;
	v23 =	vld.idx.msk [tilespmem:v27+s2+$0x0], $0xffff  }
0x151: {  	v24 =	vor.u32 $0x80, v16;
	[tilespmem:v14+s15+$0x0] =	vst.idx.add.f32.msk $0xffff, v26  }
0x152: {  	v26 =	vld.idx.msk [tilespmem:v29+s2+$0x0], $0xffff  }
0x153: {  	v15 =	vand.u32 $0x7F, v15;
	v21 =	vand.u32 $0xFFFFFE00, v21;
	v27 =	vor.u32 $0x80, v6;
	[tilespmem:v8+s15+$0x0] =	vst.idx.add.f32.msk $0xffff, v18  }
0x154: {  	v15 =	vor.u32 v15, v21;
	v18 =	vld.idx.msk [tilespmem:v31+s2+$0x0], $0xffff  }
0x155: {  	[tilespmem:v13+s15+$0x0] =	vst.idx.add.f32.msk $0xffff, v20  }
0x156: {  	v20 =	vor.u32 $0x80, v7;
	[tilespmem:v10+s15+$0x0] =	vst.idx.add.f32.msk $0xffff, v28  }
0x157: {  	v21 =	vor.u32 $0x80, v5;
	v22 =	vld.idx.msk [tilespmem:v17+s2+$0x0], $0xffff  }
0x158: {  	[tilespmem:v24+s15+$0x0] =	vst.idx.add.f32.msk $0xffff, v23;
	v23 =	vor.u32 $0x80, v8  }
0x159: {  	v24 =	vor.u32 $0x100, v3;
	[tilespmem:v15+s15+$0x0] =	vst.idx.add.f32.msk $0xffff, v25  }
0x15a: {  	v28 =	vor.u32 $0x80, v14;
	[tilespmem:v12+s15+$0x0] =	vst.idx.add.f32.msk $0xffff, v19  }
0x15b: {  	v25 =	vor.u32 $0x80, v12;
	v19 =	vld.idx.msk [tilespmem:v20+s2+$0x0], $0xffff  }
0x15c: {  	v20 =	vor.u32 $0x100, v11;
	v17 =	vld.idx.msk [tilespmem:v21+s2+$0x0], $0xffff  }
0x15d: {  	v21 =	vor.u32 $0x80, v13;
	[tilespmem:v23+s15+$0x0] =	vst.idx.add.f32.msk $0xffff, v18  }
.Ltmp2:
0x15e: {  	v18 =	vor.u32 $0x80, v15;
	v23 =	vld.idx.msk [tilespmem:v24+s2+$0x0], $0xffff;
	(pc) =	sbr.rel @p0 .LBB2_7-.Ltmp2, $4  }
0x15f: {  	[tilespmem:v28+s15+$0x0] =	vst.idx.add.f32.msk $0xffff, v26  }
0x160: {  	v26 =	vld.idx.msk [tilespmem:v27+s2+$0x0], $0xffff  }
0x161: {  	v24 =	vld.idx.msk [tilespmem:v20+s2+$0x0], $0xffff  }
0x162: {  	[tilespmem:v21+s15+$0x0] =	vst.idx.add.f32.msk $0xffff, v19  }
0x163: {  	_ = 	snop  }
0x164: {  	v19 =	vor.u32 $0x100, v5  }
0x165: {  	v20 =	vor.u32 $0x100, v8  }
0x166: {  	v21 =	vor.u32 $0x100, v16  }
0x167: {  	[tilespmem:v18+s15+$0x0] =	vst.idx.add.f32.msk $0xffff, v17;
	v37 =	vor.u32 $0x100, v9  }
0x168: {  	v38 =	vor.u32 $0x80, v2;
	[tilespmem:v25+s15+$0x0] =	vst.idx.add.f32.msk $0xffff, v26  }
0x169: {  	v39 =	vor.u32 $0x80, v10;
	v19 =	vld.idx.msk [tilespmem:v19+s2+$0x0], $0xffff  }
0x16a: {  	v40 =	vor.u32 $0x100, v7;
	[tilespmem:v20+s15+$0x0] =	vst.idx.add.f32.msk $0xffff, v23  }
0x16b: {  	v42 =	vor.u32 $0x100, v6;
	[tilespmem:v21+s15+$0x0] =	vst.idx.add.f32.msk $0xffff, v24  }
0x16c: {  	v11 =	vor.u32 $0x180, v11;
	v17 =	vld.idx.msk [tilespmem:v37+s2+$0x0], $0xffff  }
0x16d: {  	v41 =	vor.u32 $0x100, v4;
	v18 =	vld.idx.msk [tilespmem:v38+s2+$0x0], $0xffff  }
0x16e: {  	v3 =	vor.u32 $0x180, v3;
	[tilespmem:v39+s15+$0x0] =	vst.idx.add.f32.msk $0xffff, v22  }
0x16f: {  	v43 =	vor.u32 $0x100, v15;
	v20 =	vld.idx.msk [tilespmem:v40+s2+$0x0], $0xffff  }
0x170: {  	v45 =	vor.u32 $0x80, v1;
	v23 =	vld.idx.msk [tilespmem:v42+s2+$0x0], $0xffff  }
0x171: {  	v46 =	vor.u32 $0x100, v14;
	v11 =	vld.idx.msk [tilespmem:v11+s2+$0x0], $0xffff  }
0x172: {  	v48 =	vor.u32 $0x100, v12;
	v21 =	vld.idx.msk [tilespmem:v41+s2+$0x0], $0xffff  }
0x173: {  	v49 =	vor.u32 $0x100, v13;
	v3 =	vld.idx.msk [tilespmem:v3+s2+$0x0], $0xffff  }
0x174: {  	v44 =	vor.u32 $0x180, v16;
	[tilespmem:v43+s15+$0x0] =	vst.idx.add.f32.msk $0xffff, v19  }
0x175: {  	v47 =	vor.u32 $0x180, v9;
	[tilespmem:v45+s15+$0x0] =	vst.idx.add.f32.msk $0xffff, v18  }
0x176: {  	v50 =	vor.u32 $0x100, v2;
	[tilespmem:v46+s15+$0x0] =	vst.idx.add.f32.msk $0xffff, v17  }
0x177: {  	v51 =	vor.u32 $0x180, v5;
	[tilespmem:v48+s15+$0x0] =	vst.idx.add.f32.msk $0xffff, v23  }
0x178: {  	v52 =	vor.u32 $0x180, v7;
	[tilespmem:v49+s15+$0x0] =	vst.idx.add.f32.msk $0xffff, v20  }
0x179: {  	v54 =	vor.u32 $0x180, v6;
	[tilespmem:v44+s15+$0x0] =	vst.idx.add.f32.msk $0xffff, v11  }
0x17a: {  	v56 =	vor.u32 $0x100, v10;
	v9 =	vld.idx.msk [tilespmem:v47+s2+$0x0], $0xffff  }
0x17b: {  	v61 =	vor.u32 $0x180, v8;
	v55 =	vld.idx.msk [tilespmem:v50+s2+$0x0], $0xffff  }
0x17c: {  	v58 =	vor.u32 $0x180, v4;
	v5 =	vld.idx.msk [tilespmem:v51+s2+$0x0], $0xffff  }
0x17d: {  	v53 =	vor.u32 $0x180, v14;
	v7 =	vld.idx.msk [tilespmem:v52+s2+$0x0], $0xffff  }
0x17e: {  	v57 =	vor.u32 $0x100, v1;
	v6 =	vld.idx.msk [tilespmem:v54+s2+$0x0], $0xffff  }
0x17f: {  	v2 =	vor.u32 $0x180, v2;
	[tilespmem:v56+s15+$0x0] =	vst.idx.add.f32.msk $0xffff, v21  }
0x180: {  	v59 =	vor.u32 $0x180, v15;
	[tilespmem:v61+s15+$0x0] =	vst.idx.add.f32.msk $0xffff, v3  }
0x181: {  	v60 =	vor.u32 $0x180, v13;
	v4 =	vld.idx.msk [tilespmem:v58+s2+$0x0], $0xffff  }
0x182: {  	v62 =	vor.u32 $0x180, v12;
	[tilespmem:v53+s15+$0x0] =	vst.idx.add.f32.msk $0xffff, v9  }
0x183: {  	v63 =	vor.u32 $0x180, v10;
	s18 =	sadd.s32 $0x1, s18;
	[tilespmem:v57+s15+$0x0] =	vst.idx.add.f32.msk $0xffff, v55  }
0x184: {  	v1 =	vor.u32 $0x180, v1;
	p0 =	sne.s32 s18, $0x4F;
	v2 =	vld.idx.msk [tilespmem:v2+s2+$0x0], $0xffff  }
.Ltmp3:
0x185: {  	[tilespmem:v59+s15+$0x0] =	vst.idx.add.f32.msk $0xffff, v5;
	(pc) =	sbr.rel @p0 .LBB2_4-.Ltmp3, $4  }
0x186: {  	[tilespmem:v60+s15+$0x0] =	vst.idx.add.f32.msk $0xffff, v7  }
0x187: {  	[tilespmem:v62+s15+$0x0] =	vst.idx.add.f32.msk $0xffff, v6  }
0x188: {  	[tilespmem:v63+s15+$0x0] =	vst.idx.add.f32.msk $0xffff, v4  }
0x189: {  	[tilespmem:v1+s15+$0x0] =	vst.idx.add.f32.msk $0xffff, v2  }
0x18a: {  	_ =	swait.ge [sflag:s12], $0x1000;
	s17 =	sadd.s32 $0x1, s17  }
0x18b: {  	[sflag:s12] =	ssyncset.done $0x0;
	p0 =	sne.s32 s17, s8  }
.Ltmp4:
0x18c: {  	[sflag:s12] =	ssyncadd.s32 $0xFFFFF000;
	(pc) =	sbr.rel @p0 .LBB2_1-.Ltmp4, $4  }
0x18d: {  	[hbm4b:s7+s9] =	stream.strided.scatter [tilespmem:s15], [sflag:$0x3], $0xA000, s10, s9, $0x38;
	[tilespmem:$0x16000] =	vst v63  }
0x18e: {  	_ =	swait.ge [sflag:s11], $0xA000  }
0x18f: {  	[sflag:s11] =	ssyncset.done $0x0  }
0x190: {  	[sflag:s11] =	ssyncadd.s32 $0xFFFF6000  }
0x191: {  	_ =	sfence.sel $0x180000  }
0x192: {  	[bflag:$0x0] =	sbarrier.arrive $0xFFFF  }
0x193: {  	p0 =	sne.s32 s0, $0x0;
	_ =	strace $0x90000050  }
0x194: {  	s0 =	sadd.s32 @!p0 $0x100000, s1;
	[bflag:$0x2] =	sbarrier.arrive $0xFFFF  }
0x195: {  	[sflag:s0] =	ssyncadd.tile.s32 @!p0 $0x1;
	_ =	shalt  }
.Lfunc_end2:
_tile_overlayer_lowered:
.L_overlay_start_2:
0x196: {  	(tag) =	ssettag $0x2  }
0x197: {  	s0 =	rddreg [dreg:$0x0];
	s2 =	stileid.u32  }
0x198: {  	s1 =	rddreg [dreg:$0x1];
	p0 =	sne.s32 s2, $0x0  }
0x199: {  	s3 =	rddreg [dreg:$0x2];
	[bflag:$0x3] =	sbarrier.arrive $0xFFFF;
	s2 =	simm.s32 @!p0 $0x1C03  }
0x19a: {  	[timem:s3], [sflag:s2] =	dma.local @!p0 [hbm:s0], s1  }
0x19b: {  	s0 =	simm.s32 @!p0 $0x3  }
0x19c: {  	_ =	swait.ge @!p0 [sflag:s0], s1  }
0x19d: {  	s1 =	ssub.s32 @!p0 $0x0, s1;
	[sflag:s0] =	ssyncset.done @!p0 $0x0  }
0x19e: {  	[sflag:s0] =	ssyncadd.s32 @!p0 s1  }
0x19f: {  	[bflag:$0x3] =	sbarrier.arrive $0xFFFF  }
0x1a0: {  	_ =	shalt  }

</sc_bundles>
